<compile_context>
chip_gen: v7x
topology: tpu7x:2x2x1
jax: 0.10.2.dev20260603
libtpu: 0.0.44.dev20260713+nightly
codegen_flags: <defaults>
</compile_context>

<pallas_src>
import functools

import jax
import jax.numpy as jnp
from jax import lax
from jax.experimental import pallas as pl
from jax.experimental.pallas import tpu as pltpu
from jax.experimental.pallas import tpu_sc as plsc

N_PAD = 10240
D = 128
NC = 2
NS = 16
NW = NC * NS
CL = 128
CH_TOT = 2560
E_PAD = CH_TOT * CL
CH_EXTRA = 40
HALF = 40
CNT0 = 144
CNT1 = 16
MAXST = 4
RPT = N_PAD // NS
BLK = 1024
GRID = N_PAD // BLK


def _sc_mesh():
    return plsc.VectorSubcoreMesh(core_axis_name="c", subcore_axis_name="s",
                                  num_cores=NC, num_subcores=NS)


CH_W = CH_TOT // NW


def _deg_body(dst_hbm, zeros1_hbm, out_hbm, acc, idx_v, ones_v):
    c = lax.axis_index("c")
    s = lax.axis_index("s")
    wid = c * NS + s
    pltpu.sync_copy(dst_hbm.at[pl.ds(wid * CH_W, CH_W)], idx_v)
    for i in range(CL // 16):
        ones_v[pl.ds(i * 16, 16)] = jnp.ones((16,), jnp.float32)
    pltpu.sync_copy(zeros1_hbm.at[pl.ds(s * RPT, RPT)], acc.at[pl.ds(s * RPT, RPT)])
    plsc.subcore_barrier()

    def body(j, carry):
        pltpu.sync_copy(ones_v, acc.at[idx_v.at[j]], add=True)
        return carry

    lax.fori_loop(0, CH_W, body, 0)
    plsc.subcore_barrier()
    pltpu.sync_copy(acc.at[pl.ds(s * RPT, RPT)], out_hbm.at[c, pl.ds(s * RPT, RPT)])


def _deg_call(dst, zeros1):
    f = pl.kernel(
        _deg_body,
        out_type=jax.ShapeDtypeStruct((NC, N_PAD), jnp.float32),
        mesh=_sc_mesh(),
        scratch_types=[
            pltpu.VMEM_SHARED((N_PAD,), jnp.float32),
            pltpu.VMEM((CH_W, CL), jnp.int32),
            pltpu.VMEM((CL,), jnp.float32),
        ],
    )
    return f(dst, zeros1)


NBUF = 2


def _spmm_body(y_hbm, src_hbm, dst_hbm, out_hbm,
               acc, si_v, di_v, r0, r1, gsem, ssem):
    rows = [r0, r1]
    c = lax.axis_index("c")
    s = lax.axis_index("s")
    cnt = jnp.where(c == 0, CNT0, CNT1)
    base_w = c * (NS * CNT0) + s * cnt

    def zbody(i, carry):
        for k in range(D // 16):
            r0[i, pl.ds(k * 16, 16)] = jnp.zeros((16,), jnp.float32)
        return carry

    lax.fori_loop(0, CL, zbody, 0)
    for k in range(RPT // CL):
        pltpu.sync_copy(r0, acc.at[pl.ds(s * RPT + k * CL, CL)])
    plsc.subcore_barrier()

    for st in range(MAXST):
        done = st * HALF

        @pl.when(done < cnt)
        def _stage():
            pcount = jnp.minimum(HALF, cnt - done)
            off = pl.multiple_of(base_w + done, 8)
            pltpu.sync_copy(src_hbm.at[pl.ds(off, HALF)], si_v)
            pltpu.sync_copy(dst_hbm.at[pl.ds(off, HALF)], di_v)
            for b in range(NBUF):
                pltpu.async_copy(y_hbm.at[si_v.at[b]], rows[b], gsem.at[b])

            def body(i, carry):
                for b in range(NBUF):
                    j = i * NBUF + b
                    pltpu.make_async_copy(y_hbm.at[si_v.at[j]], rows[b],
                                          gsem.at[b]).wait()
                    pltpu.async_copy(rows[b], acc.at[di_v.at[j]], ssem.at[b],
                                     add=True)
                    bp = (b - 1) % NBUF
                    jp = j - 1
                    tgt = jp + NBUF

                    @pl.when((jp >= 0) & (tgt < pcount))
                    def _():
                        pltpu.make_async_copy(rows[bp], acc.at[di_v.at[jp]],
                                              ssem.at[bp]).wait()
                        pltpu.async_copy(y_hbm.at[si_v.at[tgt]], rows[bp],
                                         gsem.at[bp])
                return carry

            lax.fori_loop(0, pcount // NBUF, body, 0)
            for b in range(NBUF):
                jp = pcount - NBUF + b
                pltpu.make_async_copy(rows[b], acc.at[di_v.at[jp]],
                                      ssem.at[b]).wait()
    plsc.subcore_barrier()
    pltpu.sync_copy(acc.at[pl.ds(s * RPT, RPT)], out_hbm.at[c, pl.ds(s * RPT, RPT)])


def _spmm_call(y, src, dst):
    f = pl.kernel(
        _spmm_body,
        out_type=jax.ShapeDtypeStruct((NC, N_PAD, D), jnp.float32),
        mesh=_sc_mesh(),
        scratch_types=[
            pltpu.VMEM_SHARED((N_PAD, D), jnp.float32),
            pltpu.VMEM((HALF, CL), jnp.int32),
            pltpu.VMEM((HALF, CL), jnp.int32),
            pltpu.VMEM((CL, D), jnp.float32),
            pltpu.VMEM((CL, D), jnp.float32),
            pltpu.SemaphoreType.DMA((NBUF,)),
            pltpu.SemaphoreType.DMA((NBUF,)),
        ],
    )
    return f(y, src, dst)


def _prep_body(deg_ref, x_ref, dinv_ref, y1_ref):
    d = deg_ref[0] + deg_ref[1] + 1.0
    dinv = lax.rsqrt(d)
    dinv_ref[...] = dinv
    y1_ref[...] = x_ref[...] * dinv


def _prep_call(deg2, xp):
    return pl.pallas_call(
        _prep_body,
        grid=(GRID,),
        in_specs=[
            pl.BlockSpec((NC, BLK, 1), lambda i: (0, i, 0)),
            pl.BlockSpec((BLK, D), lambda i: (i, 0)),
        ],
        out_specs=[
            pl.BlockSpec((BLK, 1), lambda i: (i, 0)),
            pl.BlockSpec((BLK, D), lambda i: (i, 0)),
        ],
        out_shape=[
            jax.ShapeDtypeStruct((N_PAD, 1), jnp.float32),
            jax.ShapeDtypeStruct((N_PAD, D), jnp.float32),
        ],
    )(deg2, xp)


def _mid_body(z_ref, y1_ref, dinv_ref, w1_ref, b1_ref, w2_ref, y2_ref):
    s1 = (z_ref[0] + z_ref[1] + y1_ref[...]) * dinv_ref[...]
    h = jnp.dot(s1, w1_ref[...], preferred_element_type=jnp.float32) + b1_ref[...]
    h = jnp.maximum(h, 0.0)
    y2_ref[...] = jnp.dot(h, w2_ref[...],
                          preferred_element_type=jnp.float32) * dinv_ref[...]


def _mid_call(z1, y1, dinv, W1, b1, W2):
    c2 = W1.shape[1]
    return pl.pallas_call(
        _mid_body,
        grid=(GRID,),
        in_specs=[
            pl.BlockSpec((NC, BLK, D), lambda i: (0, i, 0)),
            pl.BlockSpec((BLK, D), lambda i: (i, 0)),
            pl.BlockSpec((BLK, 1), lambda i: (i, 0)),
            pl.BlockSpec((D, c2), lambda i: (0, 0)),
            pl.BlockSpec((1, c2), lambda i: (0, 0)),
            pl.BlockSpec((c2, D), lambda i: (0, 0)),
        ],
        out_specs=pl.BlockSpec((BLK, D), lambda i: (i, 0)),
        out_shape=jax.ShapeDtypeStruct((N_PAD, D), jnp.float32),
    )(z1, y1, dinv, W1, b1, W2)


def _fin_body(z_ref, y2_ref, dinv_ref, b2_ref, o_ref):
    o_ref[...] = (z_ref[0] + z_ref[1] + y2_ref[...]) * dinv_ref[...] + b2_ref[...]


def _fin_call(z2, y2, dinv, b2, n):
    fblk = n // GRID
    return pl.pallas_call(
        _fin_body,
        grid=(GRID,),
        in_specs=[
            pl.BlockSpec((NC, fblk, D), lambda i: (0, i, 0)),
            pl.BlockSpec((fblk, D), lambda i: (i, 0)),
            pl.BlockSpec((fblk, 1), lambda i: (i, 0)),
            pl.BlockSpec((1, D), lambda i: (0, 0)),
        ],
        out_specs=pl.BlockSpec((fblk, D), lambda i: (i, 0)),
        out_shape=jax.ShapeDtypeStruct((n, D), jnp.float32),
    )(z2, y2, dinv, b2)


def kernel(x, edge_index, W1, b1, W2, b2):
    n = x.shape[0]
    e = edge_index.shape[1]
    src = edge_index[0].astype(jnp.int32)
    dst = edge_index[1].astype(jnp.int32)
    tot = (CH_TOT + CH_EXTRA) * CL
    src = jnp.pad(src, (0, tot - e), constant_values=N_PAD - 1).reshape(-1, CL)
    dst = jnp.pad(dst, (0, tot - e), constant_values=N_PAD - 1).reshape(-1, CL)
    xp = jnp.pad(x, ((0, N_PAD - n), (0, 0)))
    zeros1 = jnp.zeros((N_PAD,), jnp.float32)

    deg2 = _deg_call(dst, zeros1)
    dinv, y1 = _prep_call(deg2.reshape(NC, N_PAD, 1), xp)
    z1 = _spmm_call(y1, src, dst)
    y2 = _mid_call(z1, y1, dinv, W1, b1.reshape(1, -1), W2)
    z2 = _spmm_call(y2, src, dst)
    return _fin_call(z2, y2, dinv, b2.reshape(1, -1), n)

# --- scband reference (transcript-rebuilt; emitter-appended) ---
"""Pipeline reference for scband-gaencoder-43516608643616 (READ-ONLY COPY).

The authoritative reference and input builder live on the scoring server;
editing this copy changes nothing except your own understanding.
"""

import jax, jax.numpy as jnp
import numpy as np

N_NODES = 10000
N_EDGES = 320000
IN_CH = 128
OUT_CH = 128


def setup_inputs(seed: int = 0) -> dict:
    key = jax.random.key(seed)
    k1, k2, k3, k4, k5, k6 = jax.random.split(key, 6)
    x = jax.random.normal(k1, (N_NODES, IN_CH), dtype=jnp.float32)
    edge_index = jax.random.randint(k2, (2, N_EDGES), 0, N_NODES, dtype=jnp.int64)
    # GCNConv layer 1: in_channels -> 2*out_channels
    W1 = jax.random.normal(k3, (IN_CH, 2 * OUT_CH), dtype=jnp.float32) / np.sqrt(IN_CH)
    b1 = jnp.zeros((2 * OUT_CH,), dtype=jnp.float32)
    # GCNConv layer 2: 2*out_channels -> out_channels
    W2 = jax.random.normal(k4, (2 * OUT_CH, OUT_CH), dtype=jnp.float32) / np.sqrt(2 * OUT_CH)
    b2 = jnp.zeros((OUT_CH,), dtype=jnp.float32)
    return {"x": x, "edge_index": edge_index, "W1": W1, "b1": b1, "W2": W2, "b2": b2}


def gcn_conv(x, edge_index, W, b):
    # Faithful PyG GCNConv: add self-loops, symmetric degree normalization,
    # linear transform, scatter-add aggregation from src into dst, add bias.
    n = x.shape[0]
    loop = jnp.arange(n, dtype=edge_index.dtype)
    src = jnp.concatenate([edge_index[0], loop])
    dst = jnp.concatenate([edge_index[1], loop])
    xw = x @ W
    ones = jnp.ones(dst.shape[0], dtype=x.dtype)
    deg = jax.ops.segment_sum(ones, dst, num_segments=n)
    deg_inv_sqrt = jnp.where(deg > 0, 1.0 / jnp.sqrt(deg), 0.0)
    norm = deg_inv_sqrt[src] * deg_inv_sqrt[dst]
    msg = xw[src] * norm[:, None]
    out = jax.ops.segment_sum(msg, dst, num_segments=n)
    return out + b


def reference(x, edge_index, W1, b1, W2, b2):
    h = jax.nn.relu(gcn_conv(x, edge_index, W1, b1))
    return gcn_conv(h, edge_index, W2, b2)

if __name__ == "__main__":
    import jax
    _d = setup_inputs()
    print(jax.jit(kernel)(*tuple(_d.values())))

</pallas_src>

<mosaic_0001>
#map = affine_map<(d0, d1) -> (0, 0)>
#map1 = affine_map<(d0, d1) -> (0, 0, 0)>
module attributes {stable_mosaic.version = 14 : i64} {
  func.func @_spmm_body(%arg0: i32, %arg1: i32, %arg2: memref<10240x128xf32, #tpu.memory_space<hbm>>, %arg3: memref<2600x128xi32, #tpu.memory_space<hbm>>, %arg4: memref<2600x128xi32, #tpu.memory_space<hbm>>, %arg5: memref<2x10240x128xf32, #tpu.memory_space<hbm>>, %arg6: memref<10240x128xf32, #tpu.memory_space<vmem_shared>>, %arg7: memref<40x128xi32, #tpu.memory_space<vmem>>, %arg8: memref<40x128xi32, #tpu.memory_space<vmem>>, %arg9: memref<128x128xf32, #tpu.memory_space<vmem>>, %arg10: memref<128x128xf32, #tpu.memory_space<vmem>>, %arg11: memref<2x!tpu.dma_semaphore, #tpu.memory_space<semaphore_mem>>, %arg12: memref<2x!tpu.dma_semaphore, #tpu.memory_space<semaphore_mem>>) attributes {dimension_semantics = [#tpu.dimension_semantics<core_parallel>, #tpu.dimension_semantics<subcore_parallel>], iteration_bounds = array<i64: 2, 16>, scalar_prefetch = 0 : i64, scratch_operands = 7 : i64, tpu.core_type = #tpu.core_type<sc_vector_subcore>, window_params = [{transform_indices = #map}, {transform_indices = #map}, {transform_indices = #map}, {transform_indices = #map1}]} {
    %eq3A = arith.constant 0 : i32
    %eq3A_0 = arith.cmpi eq, %arg0, %eq3A : i32
    %jit3A = arith.constant 144 : i32
    %jit3A_1 = arith.constant 16 : i32
    %select_n3A = arith.select %eq3A_0, %jit3A, %jit3A_1 : i32
    %mul3A = arith.constant 2304 : i32
    %mul3A_2 = arith.muli %arg0, %mul3A : i32
    %mul3A_3 = arith.muli %arg1, %select_n3A : i32
    %add3A = arith.addi %mul3A_2, %mul3A_3 : i32
    %scan3A = arith.constant 0 : i32
    %scan3A_4 = arith.constant 0 : i32
    %scan3A_5 = arith.constant 128 : i32
    %scan3A_6 = arith.addi %scan3A_4, %scan3A_5 : i32
    %scan3A_7 = arith.constant 1 : i32
    scf.for %scan3A_51 = %scan3A_4 to %scan3A_6 step %scan3A_7  : i32 {
      %broadcast_in_dim3A = arith.constant 0.000000e+00 : f32
      %broadcast_in_dim3A_52 = vector.broadcast %broadcast_in_dim3A : f32 to vector<16xf32>
      %swap3A = arith.index_cast %scan3A_51 : i32 to index
      %swap3A_53 = arith.constant 0 : index
      %swap3A_54 = tpu.vector_load %arg9[%swap3A, %swap3A_53] {strides = array<i32>} : memref<128x128xf32, #tpu.memory_space<vmem>>, vector<1x16xf32>,
      %swap3A_55 = vector.shape_cast %swap3A_54 : vector<1x16xf32> to vector<16xf32>
      %swap3A_56 = vector.shape_cast %broadcast_in_dim3A_52 : vector<16xf32> to vector<1x16xf32>
      tpu.vector_store %arg9[%swap3A, %swap3A_53], %swap3A_56 {strides = array<i32>} : memref<128x128xf32, #tpu.memory_space<vmem>>, vector<1x16xf32>,
      %broadcast_in_dim3A_57 = arith.constant 0.000000e+00 : f32
      %broadcast_in_dim3A_58 = vector.broadcast %broadcast_in_dim3A_57 : f32 to vector<16xf32>
      %swap3A_59 = arith.index_cast %scan3A_51 : i32 to index
      %swap3A_60 = arith.constant 16 : index
      %swap3A_61 = tpu.vector_load %arg9[%swap3A_59, %swap3A_60] {strides = array<i32>} : memref<128x128xf32, #tpu.memory_space<vmem>>, vector<1x16xf32>,
      %swap3A_62 = vector.shape_cast %swap3A_61 : vector<1x16xf32> to vector<16xf32>
      %swap3A_63 = vector.shape_cast %broadcast_in_dim3A_58 : vector<16xf32> to vector<1x16xf32>
      tpu.vector_store %arg9[%swap3A_59, %swap3A_60], %swap3A_63 {strides = array<i32>} : memref<128x128xf32, #tpu.memory_space<vmem>>, vector<1x16xf32>,
      %broadcast_in_dim3A_64 = arith.constant 0.000000e+00 : f32
      %broadcast_in_dim3A_65 = vector.broadcast %broadcast_in_dim3A_64 : f32 to vector<16xf32>
      %swap3A_66 = arith.index_cast %scan3A_51 : i32 to index
      %swap3A_67 = arith.constant 32 : index
      %swap3A_68 = tpu.vector_load %arg9[%swap3A_66, %swap3A_67] {strides = array<i32>} : memref<128x128xf32, #tpu.memory_space<vmem>>, vector<1x16xf32>,
      %swap3A_69 = vector.shape_cast %swap3A_68 : vector<1x16xf32> to vector<16xf32>
      %swap3A_70 = vector.shape_cast %broadcast_in_dim3A_65 : vector<16xf32> to vector<1x16xf32>
      tpu.vector_store %arg9[%swap3A_66, %swap3A_67], %swap3A_70 {strides = array<i32>} : memref<128x128xf32, #tpu.memory_space<vmem>>, vector<1x16xf32>,
      %broadcast_in_dim3A_71 = arith.constant 0.000000e+00 : f32
      %broadcast_in_dim3A_72 = vector.broadcast %broadcast_in_dim3A_71 : f32 to vector<16xf32>
      %swap3A_73 = arith.index_cast %scan3A_51 : i32 to index
      %swap3A_74 = arith.constant 48 : index
      %swap3A_75 = tpu.vector_load %arg9[%swap3A_73, %swap3A_74] {strides = array<i32>} : memref<128x128xf32, #tpu.memory_space<vmem>>, vector<1x16xf32>,
      %swap3A_76 = vector.shape_cast %swap3A_75 : vector<1x16xf32> to vector<16xf32>
      %swap3A_77 = vector.shape_cast %broadcast_in_dim3A_72 : vector<16xf32> to vector<1x16xf32>
      tpu.vector_store %arg9[%swap3A_73, %swap3A_74], %swap3A_77 {strides = array<i32>} : memref<128x128xf32, #tpu.memory_space<vmem>>, vector<1x16xf32>,
      %broadcast_in_dim3A_78 = arith.constant 0.000000e+00 : f32
      %broadcast_in_dim3A_79 = vector.broadcast %broadcast_in_dim3A_78 : f32 to vector<16xf32>
      %swap3A_80 = arith.index_cast %scan3A_51 : i32 to index
      %swap3A_81 = arith.constant 64 : index
      %swap3A_82 = tpu.vector_load %arg9[%swap3A_80, %swap3A_81] {strides = array<i32>} : memref<128x128xf32, #tpu.memory_space<vmem>>, vector<1x16xf32>,
      %swap3A_83 = vector.shape_cast %swap3A_82 : vector<1x16xf32> to vector<16xf32>
      %swap3A_84 = vector.shape_cast %broadcast_in_dim3A_79 : vector<16xf32> to vector<1x16xf32>
      tpu.vector_store %arg9[%swap3A_80, %swap3A_81], %swap3A_84 {strides = array<i32>} : memref<128x128xf32, #tpu.memory_space<vmem>>, vector<1x16xf32>,
      %broadcast_in_dim3A_85 = arith.constant 0.000000e+00 : f32
      %broadcast_in_dim3A_86 = vector.broadcast %broadcast_in_dim3A_85 : f32 to vector<16xf32>
      %swap3A_87 = arith.index_cast %scan3A_51 : i32 to index
      %swap3A_88 = arith.constant 80 : index
      %swap3A_89 = tpu.vector_load %arg9[%swap3A_87, %swap3A_88] {strides = array<i32>} : memref<128x128xf32, #tpu.memory_space<vmem>>, vector<1x16xf32>,
      %swap3A_90 = vector.shape_cast %swap3A_89 : vector<1x16xf32> to vector<16xf32>
      %swap3A_91 = vector.shape_cast %broadcast_in_dim3A_86 : vector<16xf32> to vector<1x16xf32>
      tpu.vector_store %arg9[%swap3A_87, %swap3A_88], %swap3A_91 {strides = array<i32>} : memref<128x128xf32, #tpu.memory_space<vmem>>, vector<1x16xf32>,
      %broadcast_in_dim3A_92 = arith.constant 0.000000e+00 : f32
      %broadcast_in_dim3A_93 = vector.broadcast %broadcast_in_dim3A_92 : f32 to vector<16xf32>
      %swap3A_94 = arith.index_cast %scan3A_51 : i32 to index
      %swap3A_95 = arith.constant 96 : index
      %swap3A_96 = tpu.vector_load %arg9[%swap3A_94, %swap3A_95] {strides = array<i32>} : memref<128x128xf32, #tpu.memory_space<vmem>>, vector<1x16xf32>,
      %swap3A_97 = vector.shape_cast %swap3A_96 : vector<1x16xf32> to vector<16xf32>
      %swap3A_98 = vector.shape_cast %broadcast_in_dim3A_93 : vector<16xf32> to vector<1x16xf32>
      tpu.vector_store %arg9[%swap3A_94, %swap3A_95], %swap3A_98 {strides = array<i32>} : memref<128x128xf32, #tpu.memory_space<vmem>>, vector<1x16xf32>,
      %broadcast_in_dim3A_99 = arith.constant 0.000000e+00 : f32
      %broadcast_in_dim3A_100 = vector.broadcast %broadcast_in_dim3A_99 : f32 to vector<16xf32>
      %swap3A_101 = arith.index_cast %scan3A_51 : i32 to index
      %swap3A_102 = arith.constant 112 : index
      %swap3A_103 = tpu.vector_load %arg9[%swap3A_101, %swap3A_102] {strides = array<i32>} : memref<128x128xf32, #tpu.memory_space<vmem>>, vector<1x16xf32>,
      %swap3A_104 = vector.shape_cast %swap3A_103 : vector<1x16xf32> to vector<16xf32>
      %swap3A_105 = vector.shape_cast %broadcast_in_dim3A_100 : vector<16xf32> to vector<1x16xf32>
      tpu.vector_store %arg9[%swap3A_101, %swap3A_102], %swap3A_105 {strides = array<i32>} : memref<128x128xf32, #tpu.memory_space<vmem>>, vector<1x16xf32>,
    }
    %scan3A_8 = arith.constant 128 : i32
    %mul3A_9 = arith.constant 640 : i32
    %mul3A_10 = arith.muli %arg1, %mul3A_9 : i32
    %add3A_11 = arith.constant 0 : i32
    %add3A_12 = arith.addi %mul3A_10, %add3A_11 : i32
    "tpu.region"() ({
      %run_scoped3A = tpu.sem_alloc : memref<!tpu.dma_semaphore, #tpu.memory_space<semaphore_mem>>
      %dma_start3A = arith.constant 0 : i32
      %dma_start3A_51 = tpu.memref_slice %arg6[%add3A_12, %dma_start3A] : memref<10240x128xf32, #tpu.memory_space<vmem_shared>> -> memref<128x128xf32, #tpu.memory_space<vmem_shared>>
      %dma_start3A_52 = arith.constant 0 : i32
      %dma_start3A_53 = tpu.memref_slice %arg6[%add3A_12, %dma_start3A_52] : memref<10240x128xf32, #tpu.memory_space<vmem_shared>> -> memref<128x128xf32, #tpu.memory_space<vmem_shared>>
      tpu.enqueue_dma source(%arg9 : memref<128x128xf32, #tpu.memory_space<vmem>>) target(%dma_start3A_53 : memref<128x128xf32, #tpu.memory_space<vmem_shared>>) target_semaphore(%run_scoped3A : memref<!tpu.dma_semaphore, #tpu.memory_space<semaphore_mem>>)
      %dma_wait3A = arith.constant 0 : i32
      %dma_wait3A_54 = tpu.memref_slice %arg6[%add3A_12, %dma_wait3A] : memref<10240x128xf32, #tpu.memory_space<vmem_shared>> -> memref<128x128xf32, #tpu.memory_space<vmem_shared>>
      %dma_wait3A_55 = arith.constant 0 : i32
      %dma_wait3A_56 = tpu.memref_slice %arg6[%add3A_12, %dma_wait3A_55] : memref<10240x128xf32, #tpu.memory_space<vmem_shared>> -> memref<128x128xf32, #tpu.memory_space<vmem_shared>>
      tpu.wait_dma2 semaphore(%run_scoped3A : memref<!tpu.dma_semaphore, #tpu.memory_space<semaphore_mem>>) src(%arg9 : memref<128x128xf32, #tpu.memory_space<vmem>>) dst(%dma_wait3A_56 : memref<128x128xf32, #tpu.memory_space<vmem_shared>>)
      tpu.yield
    }) : () -> ()
    %mul3A_13 = arith.constant 640 : i32
    %mul3A_14 = arith.muli %arg1, %mul3A_13 : i32
    %add3A_15 = arith.constant 128 : i32
    %add3A_16 = arith.addi %mul3A_14, %add3A_15 : i32
    "tpu.region"() ({
      %run_scoped3A = tpu.sem_alloc : memref<!tpu.dma_semaphore, #tpu.memory_space<semaphore_mem>>
      %dma_start3A = arith.constant 0 : i32
      %dma_start3A_51 = tpu.memref_slice %arg6[%add3A_16, %dma_start3A] : memref<10240x128xf32, #tpu.memory_space<vmem_shared>> -> memref<128x128xf32, #tpu.memory_space<vmem_shared>>
      %dma_start3A_52 = arith.constant 0 : i32
      %dma_start3A_53 = tpu.memref_slice %arg6[%add3A_16, %dma_start3A_52] : memref<10240x128xf32, #tpu.memory_space<vmem_shared>> -> memref<128x128xf32, #tpu.memory_space<vmem_shared>>
      tpu.enqueue_dma source(%arg9 : memref<128x128xf32, #tpu.memory_space<vmem>>) target(%dma_start3A_53 : memref<128x128xf32, #tpu.memory_space<vmem_shared>>) target_semaphore(%run_scoped3A : memref<!tpu.dma_semaphore, #tpu.memory_space<semaphore_mem>>)
      %dma_wait3A = arith.constant 0 : i32
      %dma_wait3A_54 = tpu.memref_slice %arg6[%add3A_16, %dma_wait3A] : memref<10240x128xf32, #tpu.memory_space<vmem_shared>> -> memref<128x128xf32, #tpu.memory_space<vmem_shared>>
      %dma_wait3A_55 = arith.constant 0 : i32
      %dma_wait3A_56 = tpu.memref_slice %arg6[%add3A_16, %dma_wait3A_55] : memref<10240x128xf32, #tpu.memory_space<vmem_shared>> -> memref<128x128xf32, #tpu.memory_space<vmem_shared>>
      tpu.wait_dma2 semaphore(%run_scoped3A : memref<!tpu.dma_semaphore, #tpu.memory_space<semaphore_mem>>) src(%arg9 : memref<128x128xf32, #tpu.memory_space<vmem>>) dst(%dma_wait3A_56 : memref<128x128xf32, #tpu.memory_space<vmem_shared>>)
      tpu.yield
    }) : () -> ()
    %mul3A_17 = arith.constant 640 : i32
    %mul3A_18 = arith.muli %arg1, %mul3A_17 : i32
    %add3A_19 = arith.constant 256 : i32
    %add3A_20 = arith.addi %mul3A_18, %add3A_19 : i32
    "tpu.region"() ({
      %run_scoped3A = tpu.sem_alloc : memref<!tpu.dma_semaphore, #tpu.memory_space<semaphore_mem>>
      %dma_start3A = arith.constant 0 : i32
      %dma_start3A_51 = tpu.memref_slice %arg6[%add3A_20, %dma_start3A] : memref<10240x128xf32, #tpu.memory_space<vmem_shared>> -> memref<128x128xf32, #tpu.memory_space<vmem_shared>>
      %dma_start3A_52 = arith.constant 0 : i32
      %dma_start3A_53 = tpu.memref_slice %arg6[%add3A_20, %dma_start3A_52] : memref<10240x128xf32, #tpu.memory_space<vmem_shared>> -> memref<128x128xf32, #tpu.memory_space<vmem_shared>>
      tpu.enqueue_dma source(%arg9 : memref<128x128xf32, #tpu.memory_space<vmem>>) target(%dma_start3A_53 : memref<128x128xf32, #tpu.memory_space<vmem_shared>>) target_semaphore(%run_scoped3A : memref<!tpu.dma_semaphore, #tpu.memory_space<semaphore_mem>>)
      %dma_wait3A = arith.constant 0 : i32
      %dma_wait3A_54 = tpu.memref_slice %arg6[%add3A_20, %dma_wait3A] : memref<10240x128xf32, #tpu.memory_space<vmem_shared>> -> memref<128x128xf32, #tpu.memory_space<vmem_shared>>
      %dma_wait3A_55 = arith.constant 0 : i32
      %dma_wait3A_56 = tpu.memref_slice %arg6[%add3A_20, %dma_wait3A_55] : memref<10240x128xf32, #tpu.memory_space<vmem_shared>> -> memref<128x128xf32, #tpu.memory_space<vmem_shared>>
      tpu.wait_dma2 semaphore(%run_scoped3A : memref<!tpu.dma_semaphore, #tpu.memory_space<semaphore_mem>>) src(%arg9 : memref<128x128xf32, #tpu.memory_space<vmem>>) dst(%dma_wait3A_56 : memref<128x128xf32, #tpu.memory_space<vmem_shared>>)
      tpu.yield
    }) : () -> ()
    %mul3A_21 = arith.constant 640 : i32
    %mul3A_22 = arith.muli %arg1, %mul3A_21 : i32
    %add3A_23 = arith.constant 384 : i32
    %add3A_24 = arith.addi %mul3A_22, %add3A_23 : i32
    "tpu.region"() ({
      %run_scoped3A = tpu.sem_alloc : memref<!tpu.dma_semaphore, #tpu.memory_space<semaphore_mem>>
      %dma_start3A = arith.constant 0 : i32
      %dma_start3A_51 = tpu.memref_slice %arg6[%add3A_24, %dma_start3A] : memref<10240x128xf32, #tpu.memory_space<vmem_shared>> -> memref<128x128xf32, #tpu.memory_space<vmem_shared>>
      %dma_start3A_52 = arith.constant 0 : i32
      %dma_start3A_53 = tpu.memref_slice %arg6[%add3A_24, %dma_start3A_52] : memref<10240x128xf32, #tpu.memory_space<vmem_shared>> -> memref<128x128xf32, #tpu.memory_space<vmem_shared>>
      tpu.enqueue_dma source(%arg9 : memref<128x128xf32, #tpu.memory_space<vmem>>) target(%dma_start3A_53 : memref<128x128xf32, #tpu.memory_space<vmem_shared>>) target_semaphore(%run_scoped3A : memref<!tpu.dma_semaphore, #tpu.memory_space<semaphore_mem>>)
      %dma_wait3A = arith.constant 0 : i32
      %dma_wait3A_54 = tpu.memref_slice %arg6[%add3A_24, %dma_wait3A] : memref<10240x128xf32, #tpu.memory_space<vmem_shared>> -> memref<128x128xf32, #tpu.memory_space<vmem_shared>>
      %dma_wait3A_55 = arith.constant 0 : i32
      %dma_wait3A_56 = tpu.memref_slice %arg6[%add3A_24, %dma_wait3A_55] : memref<10240x128xf32, #tpu.memory_space<vmem_shared>> -> memref<128x128xf32, #tpu.memory_space<vmem_shared>>
      tpu.wait_dma2 semaphore(%run_scoped3A : memref<!tpu.dma_semaphore, #tpu.memory_space<semaphore_mem>>) src(%arg9 : memref<128x128xf32, #tpu.memory_space<vmem>>) dst(%dma_wait3A_56 : memref<128x128xf32, #tpu.memory_space<vmem_shared>>)
      tpu.yield
    }) : () -> ()
    %mul3A_25 = arith.constant 640 : i32
    %mul3A_26 = arith.muli %arg1, %mul3A_25 : i32
    %add3A_27 = arith.constant 512 : i32
    %add3A_28 = arith.addi %mul3A_26, %add3A_27 : i32
    "tpu.region"() ({
      %run_scoped3A = tpu.sem_alloc : memref<!tpu.dma_semaphore, #tpu.memory_space<semaphore_mem>>
      %dma_start3A = arith.constant 0 : i32
      %dma_start3A_51 = tpu.memref_slice %arg6[%add3A_28, %dma_start3A] : memref<10240x128xf32, #tpu.memory_space<vmem_shared>> -> memref<128x128xf32, #tpu.memory_space<vmem_shared>>
      %dma_start3A_52 = arith.constant 0 : i32
      %dma_start3A_53 = tpu.memref_slice %arg6[%add3A_28, %dma_start3A_52] : memref<10240x128xf32, #tpu.memory_space<vmem_shared>> -> memref<128x128xf32, #tpu.memory_space<vmem_shared>>
      tpu.enqueue_dma source(%arg9 : memref<128x128xf32, #tpu.memory_space<vmem>>) target(%dma_start3A_53 : memref<128x128xf32, #tpu.memory_space<vmem_shared>>) target_semaphore(%run_scoped3A : memref<!tpu.dma_semaphore, #tpu.memory_space<semaphore_mem>>)
      %dma_wait3A = arith.constant 0 : i32
      %dma_wait3A_54 = tpu.memref_slice %arg6[%add3A_28, %dma_wait3A] : memref<10240x128xf32, #tpu.memory_space<vmem_shared>> -> memref<128x128xf32, #tpu.memory_space<vmem_shared>>
      %dma_wait3A_55 = arith.constant 0 : i32
      %dma_wait3A_56 = tpu.memref_slice %arg6[%add3A_28, %dma_wait3A_55] : memref<10240x128xf32, #tpu.memory_space<vmem_shared>> -> memref<128x128xf32, #tpu.memory_space<vmem_shared>>
      tpu.wait_dma2 semaphore(%run_scoped3A : memref<!tpu.dma_semaphore, #tpu.memory_space<semaphore_mem>>) src(%arg9 : memref<128x128xf32, #tpu.memory_space<vmem>>) dst(%dma_wait3A_56 : memref<128x128xf32, #tpu.memory_space<vmem_shared>>)
      tpu.yield
    }) : () -> ()
    %barrier3A = arith.constant 0 : index
    tpu.barrier barrier_id(%barrier3A)
    %gt3A = arith.constant 0 : i32
    %gt3A_29 = arith.cmpi sgt, %select_n3A, %gt3A : i32
    %convert_element_type3A = arith.extui %gt3A_29 : i1 to i32
    %cond3A = arith.constant 0 : i32
    %cond3A_30 = arith.cmpi ne, %convert_element_type3A, %cond3A : i32
    scf.if %cond3A_30 {
      %sub3A = arith.constant 0 : i32
      %sub3A_51 = arith.subi %select_n3A, %sub3A : i32
      %min3A = arith.constant 40 : i32
      %min3A_52 = arith.minsi %min3A, %sub3A_51 : i32
      %add3A_53 = arith.constant 0 : i32
      %add3A_54 = arith.addi %add3A, %add3A_53 : i32
      %multiple_of3A = tpu.assume_multiple %add3A_54, 8 : i32
      "tpu.region"() ({
        %run_scoped3A = tpu.sem_alloc : memref<!tpu.dma_semaphore, #tpu.memory_space<semaphore_mem>>
        %dma_start3A_127 = arith.constant 0 : i32
        %dma_start3A_128 = tpu.memref_slice %arg3[%multiple_of3A, %dma_start3A_127] : memref<2600x128xi32, #tpu.memory_space<hbm>> -> memref<40x128xi32, #tpu.memory_space<hbm>>
        %dma_start3A_129 = arith.constant 0 : i32
        %dma_start3A_130 = tpu.memref_slice %arg3[%multiple_of3A, %dma_start3A_129] : memref<2600x128xi32, #tpu.memory_space<hbm>> -> memref<40x128xi32, #tpu.memory_space<hbm>>
        tpu.enqueue_dma source(%dma_start3A_130 : memref<40x128xi32, #tpu.memory_space<hbm>>) target(%arg7 : memref<40x128xi32, #tpu.memory_space<vmem>>) target_semaphore(%run_scoped3A : memref<!tpu.dma_semaphore, #tpu.memory_space<semaphore_mem>>)
        %dma_wait3A_131 = arith.constant 0 : i32
        %dma_wait3A_132 = tpu.memref_slice %arg3[%multiple_of3A, %dma_wait3A_131] : memref<2600x128xi32, #tpu.memory_space<hbm>> -> memref<40x128xi32, #tpu.memory_space<hbm>>
        %dma_wait3A_133 = arith.constant 0 : i32
        %dma_wait3A_134 = tpu.memref_slice %arg3[%multiple_of3A, %dma_wait3A_133] : memref<2600x128xi32, #tpu.memory_space<hbm>> -> memref<40x128xi32, #tpu.memory_space<hbm>>
        tpu.wait_dma2 semaphore(%run_scoped3A : memref<!tpu.dma_semaphore, #tpu.memory_space<semaphore_mem>>) src(%dma_wait3A_134 : memref<40x128xi32, #tpu.memory_space<hbm>>) dst(%arg7 : memref<40x128xi32, #tpu.memory_space<vmem>>)
        tpu.yield
      }) : () -> ()
      "tpu.region"() ({
        %run_scoped3A = tpu.sem_alloc : memref<!tpu.dma_semaphore, #tpu.memory_space<semaphore_mem>>
        %dma_start3A_127 = arith.constant 0 : i32
        %dma_start3A_128 = tpu.memref_slice %arg4[%multiple_of3A, %dma_start3A_127] : memref<2600x128xi32, #tpu.memory_space<hbm>> -> memref<40x128xi32, #tpu.memory_space<hbm>>
        %dma_start3A_129 = arith.constant 0 : i32
        %dma_start3A_130 = tpu.memref_slice %arg4[%multiple_of3A, %dma_start3A_129] : memref<2600x128xi32, #tpu.memory_space<hbm>> -> memref<40x128xi32, #tpu.memory_space<hbm>>
        tpu.enqueue_dma source(%dma_start3A_130 : memref<40x128xi32, #tpu.memory_space<hbm>>) target(%arg8 : memref<40x128xi32, #tpu.memory_space<vmem>>) target_semaphore(%run_scoped3A : memref<!tpu.dma_semaphore, #tpu.memory_space<semaphore_mem>>)
        %dma_wait3A_131 = arith.constant 0 : i32
        %dma_wait3A_132 = tpu.memref_slice %arg4[%multiple_of3A, %dma_wait3A_131] : memref<2600x128xi32, #tpu.memory_space<hbm>> -> memref<40x128xi32, #tpu.memory_space<hbm>>
        %dma_wait3A_133 = arith.constant 0 : i32
        %dma_wait3A_134 = tpu.memref_slice %arg4[%multiple_of3A, %dma_wait3A_133] : memref<2600x128xi32, #tpu.memory_space<hbm>> -> memref<40x128xi32, #tpu.memory_space<hbm>>
        tpu.wait_dma2 semaphore(%run_scoped3A : memref<!tpu.dma_semaphore, #tpu.memory_space<semaphore_mem>>) src(%dma_wait3A_134 : memref<40x128xi32, #tpu.memory_space<hbm>>) dst(%arg8 : memref<40x128xi32, #tpu.memory_space<vmem>>)
        tpu.yield
      }) : () -> ()
      %dma_start3A = arith.constant 0 : i32
      %dma_start3A_55 = arith.constant 0 : i32
      %dma_start3A_56 = arith.constant 0 : i32
      %dma_start3A_57 = tpu.memref_slice %arg7[%dma_start3A, %dma_start3A_56] : memref<40x128xi32, #tpu.memory_space<vmem>> -> memref<1x128xi32, #tpu.memory_space<vmem>>
      %dma_start3A_58 = tpu.memref_squeeze %dma_start3A_57 : memref<1x128xi32, #tpu.memory_space<vmem>> -> memref<128xi32, #tpu.memory_space<vmem>>
      %dma_start3A_59 = arith.constant 0 : i32
      %dma_start3A_60 = arith.constant 0 : i32
      %dma_start3A_61 = tpu.memref_slice %arg2[%dma_start3A_59, %dma_start3A_60] : memref<10240x128xf32, #tpu.memory_space<hbm>> -> memref<10240x128xf32, #tpu.memory_space<hbm>>
      %dma_start3A_62 = tpu.memref_slice %arg11[%dma_start3A_55] : memref<2x!tpu.dma_semaphore, #tpu.memory_space<semaphore_mem>> -> memref<1x!tpu.dma_semaphore, #tpu.memory_space<semaphore_mem>>
      %dma_start3A_63 = tpu.memref_squeeze %dma_start3A_62 : memref<1x!tpu.dma_semaphore, #tpu.memory_space<semaphore_mem>> -> memref<!tpu.dma_semaphore, #tpu.memory_space<semaphore_mem>>
      tpu.enqueue_indirect_dma source(%dma_start3A_61 : memref<10240x128xf32, #tpu.memory_space<hbm>>) target(%arg9 : memref<128x128xf32, #tpu.memory_space<vmem>>) offsets(%dma_start3A_58 : memref<128xi32, #tpu.memory_space<vmem>>) semaphore(%dma_start3A_63 : memref<!tpu.dma_semaphore, #tpu.memory_space<semaphore_mem>>)
      %dma_start3A_64 = arith.constant 1 : i32
      %dma_start3A_65 = arith.constant 1 : i32
      %dma_start3A_66 = arith.constant 0 : i32
      %dma_start3A_67 = tpu.memref_slice %arg7[%dma_start3A_64, %dma_start3A_66] : memref<40x128xi32, #tpu.memory_space<vmem>> -> memref<1x128xi32, #tpu.memory_space<vmem>>
      %dma_start3A_68 = tpu.memref_squeeze %dma_start3A_67 : memref<1x128xi32, #tpu.memory_space<vmem>> -> memref<128xi32, #tpu.memory_space<vmem>>
      %dma_start3A_69 = arith.constant 0 : i32
      %dma_start3A_70 = arith.constant 0 : i32
      %dma_start3A_71 = tpu.memref_slice %arg2[%dma_start3A_69, %dma_start3A_70] : memref<10240x128xf32, #tpu.memory_space<hbm>> -> memref<10240x128xf32, #tpu.memory_space<hbm>>
      %dma_start3A_72 = tpu.memref_slice %arg11[%dma_start3A_65] : memref<2x!tpu.dma_semaphore, #tpu.memory_space<semaphore_mem>> -> memref<1x!tpu.dma_semaphore, #tpu.memory_space<semaphore_mem>>
      %dma_start3A_73 = tpu.memref_squeeze %dma_start3A_72 : memref<1x!tpu.dma_semaphore, #tpu.memory_space<semaphore_mem>> -> memref<!tpu.dma_semaphore, #tpu.memory_space<semaphore_mem>>
      tpu.enqueue_indirect_dma source(%dma_start3A_71 : memref<10240x128xf32, #tpu.memory_space<hbm>>) target(%arg10 : memref<128x128xf32, #tpu.memory_space<vmem>>) offsets(%dma_start3A_68 : memref<128xi32, #tpu.memory_space<vmem>>) semaphore(%dma_start3A_73 : memref<!tpu.dma_semaphore, #tpu.memory_space<semaphore_mem>>)
      %jit3A_74 = arith.constant 2 : i32
      %div3A = arith.divsi %min3A_52, %jit3A_74 : i32
      %sign3A = arith.constant 0 : i32
      %sign3A_75 = arith.cmpi sgt, %min3A_52, %sign3A : i32
      %sign3A_76 = arith.extui %sign3A_75 : i1 to i32
      %sign3A_77 = arith.constant 0 : i32
      %sign3A_78 = arith.cmpi slt, %min3A_52, %sign3A_77 : i32
      %sign3A_79 = arith.extui %sign3A_78 : i1 to i32
      %sign3A_80 = arith.subi %sign3A_76, %sign3A_79 : i32
      %sign3A_81 = arith.constant 0 : i32
      %sign3A_82 = arith.cmpi sgt, %jit3A_74, %sign3A_81 : i32
      %sign3A_83 = arith.extui %sign3A_82 : i1 to i32
      %sign3A_84 = arith.constant 0 : i32
      %sign3A_85 = arith.cmpi slt, %jit3A_74, %sign3A_84 : i32
      %sign3A_86 = arith.extui %sign3A_85 : i1 to i32
      %sign3A_87 = arith.subi %sign3A_83, %sign3A_86 : i32
      %ne3A = arith.cmpi ne, %sign3A_80, %sign3A_87 : i32
      %rem3A = arith.remsi %min3A_52, %jit3A_74 : i32
      %ne3A_88 = arith.constant 0 : i32
      %ne3A_89 = arith.cmpi ne, %rem3A, %ne3A_88 : i32
      %and3A = arith.andi %ne3A, %ne3A_89 : i1
      %sub3A_90 = arith.constant 1 : i32
      %sub3A_91 = arith.subi %div3A, %sub3A_90 : i32
      %select_n3A_92 = arith.select %and3A, %sub3A_91, %div3A : i32
      %while3A = arith.constant 0 : i32
      %while3A_93 = arith.constant 0 : i32
      %while3A_94 = arith.subi %select_n3A_92, %while3A_93 : i32
      %while3A_95 = arith.addi %while3A_93, %while3A_94 : i32
      %while3A_96 = arith.constant 1 : i32
      %while3A_97 = arith.divsi %while3A_94, %while3A_96 : i32
      %while3A_98 = arith.muli %while3A_97, %while3A_96 : i32
      %while3A_99 = arith.addi %while3A_93, %while3A_98 : i32
      %while3A_100 = arith.constant 1 : i32
      scf.for %while3A_127 = %while3A_93 to %while3A_99 step %while3A_100  : i32 {
        %mul3A_128 = arith.constant 2 : i32
        %mul3A_129 = arith.muli %while3A_127, %mul3A_128 : i32
        %add3A_130 = arith.constant 0 : i32
        %add3A_131 = arith.addi %mul3A_129, %add3A_130 : i32
        %dma_wait3A_132 = arith.constant 0 : i32
        %dma_wait3A_133 = arith.constant 0 : i32
        %dma_wait3A_134 = tpu.memref_slice %arg7[%add3A_131, %dma_wait3A_133] : memref<40x128xi32, #tpu.memory_space<vmem>> -> memref<1x128xi32, #tpu.memory_space<vmem>>
        %dma_wait3A_135 = tpu.memref_squeeze %dma_wait3A_134 : memref<1x128xi32, #tpu.memory_space<vmem>> -> memref<128xi32, #tpu.memory_space<vmem>>
        %dma_wait3A_136 = arith.constant 0 : i32
        %dma_wait3A_137 = arith.constant 0 : i32
        %dma_wait3A_138 = tpu.memref_slice %arg2[%dma_wait3A_136, %dma_wait3A_137] : memref<10240x128xf32, #tpu.memory_space<hbm>> -> memref<10240x128xf32, #tpu.memory_space<hbm>>
        %dma_wait3A_139 = tpu.memref_slice %arg11[%dma_wait3A_132] : memref<2x!tpu.dma_semaphore, #tpu.memory_space<semaphore_mem>> -> memref<1x!tpu.dma_semaphore, #tpu.memory_space<semaphore_mem>>
        %dma_wait3A_140 = tpu.memref_squeeze %dma_wait3A_139 : memref<1x!tpu.dma_semaphore, #tpu.memory_space<semaphore_mem>> -> memref<!tpu.dma_semaphore, #tpu.memory_space<semaphore_mem>>
        tpu.wait_indirect_dma semaphore(%dma_wait3A_140 : memref<!tpu.dma_semaphore, #tpu.memory_space<semaphore_mem>>) src(%dma_wait3A_138 : memref<10240x128xf32, #tpu.memory_space<hbm>>) dst(%arg9 : memref<128x128xf32, #tpu.memory_space<vmem>>)
        %dma_start3A_141 = arith.constant 0 : i32
        %dma_start3A_142 = arith.constant 0 : i32
        %dma_start3A_143 = tpu.memref_slice %arg8[%add3A_131, %dma_start3A_142] : memref<40x128xi32, #tpu.memory_space<vmem>> -> memref<1x128xi32, #tpu.memory_space<vmem>>
        %dma_start3A_144 = tpu.memref_squeeze %dma_start3A_143 : memref<1x128xi32, #tpu.memory_space<vmem>> -> memref<128xi32, #tpu.memory_space<vmem>>
        %dma_start3A_145 = arith.constant 0 : i32
        %dma_start3A_146 = arith.constant 0 : i32
        %dma_start3A_147 = tpu.memref_slice %arg6[%dma_start3A_145, %dma_start3A_146] : memref<10240x128xf32, #tpu.memory_space<vmem_shared>> -> memref<10240x128xf32, #tpu.memory_space<vmem_shared>>
        %dma_start3A_148 = tpu.memref_slice %arg12[%dma_start3A_141] : memref<2x!tpu.dma_semaphore, #tpu.memory_space<semaphore_mem>> -> memref<1x!tpu.dma_semaphore, #tpu.memory_space<semaphore_mem>>
        %dma_start3A_149 = tpu.memref_squeeze %dma_start3A_148 : memref<1x!tpu.dma_semaphore, #tpu.memory_space<semaphore_mem>> -> memref<!tpu.dma_semaphore, #tpu.memory_space<semaphore_mem>>
        tpu.enqueue_indirect_dma source(%arg9 : memref<128x128xf32, #tpu.memory_space<vmem>>) target(%dma_start3A_147 : memref<10240x128xf32, #tpu.memory_space<vmem_shared>>) offsets(%dma_start3A_144 : memref<128xi32, #tpu.memory_space<vmem>>) semaphore(%dma_start3A_149 : memref<!tpu.dma_semaphore, #tpu.memory_space<semaphore_mem>>) {add = true}
        %sub3A_150 = arith.constant 1 : i32
        %sub3A_151 = arith.subi %add3A_131, %sub3A_150 : i32
        %add3A_152 = arith.constant 2 : i32
        %add3A_153 = arith.addi %sub3A_151, %add3A_152 : i32
        %ge3A = arith.constant 0 : i32
        %ge3A_154 = arith.cmpi sge, %sub3A_151, %ge3A : i32
        %lt3A = arith.cmpi slt, %add3A_153, %min3A_52 : i32
        %and3A_155 = arith.andi %ge3A_154, %lt3A : i1
        %convert_element_type3A_156 = arith.extui %and3A_155 : i1 to i32
        %cond3A_157 = arith.constant 0 : i32
        %cond3A_158 = arith.cmpi ne, %convert_element_type3A_156, %cond3A_157 : i32
        scf.if %cond3A_158 {
          %dma_wait3A_192 = arith.constant 1 : i32
          %dma_wait3A_193 = arith.constant 0 : i32
          %dma_wait3A_194 = tpu.memref_slice %arg8[%sub3A_151, %dma_wait3A_193] : memref<40x128xi32, #tpu.memory_space<vmem>> -> memref<1x128xi32, #tpu.memory_space<vmem>>
          %dma_wait3A_195 = tpu.memref_squeeze %dma_wait3A_194 : memref<1x128xi32, #tpu.memory_space<vmem>> -> memref<128xi32, #tpu.memory_space<vmem>>
          %dma_wait3A_196 = arith.constant 0 : i32
          %dma_wait3A_197 = arith.constant 0 : i32
          %dma_wait3A_198 = tpu.memref_slice %arg6[%dma_wait3A_196, %dma_wait3A_197] : memref<10240x128xf32, #tpu.memory_space<vmem_shared>> -> memref<10240x128xf32, #tpu.memory_space<vmem_shared>>
          %dma_wait3A_199 = tpu.memref_slice %arg12[%dma_wait3A_192] : memref<2x!tpu.dma_semaphore, #tpu.memory_space<semaphore_mem>> -> memref<1x!tpu.dma_semaphore, #tpu.memory_space<semaphore_mem>>
          %dma_wait3A_200 = tpu.memref_squeeze %dma_wait3A_199 : memref<1x!tpu.dma_semaphore, #tpu.memory_space<semaphore_mem>> -> memref<!tpu.dma_semaphore, #tpu.memory_space<semaphore_mem>>
          tpu.wait_indirect_dma semaphore(%dma_wait3A_200 : memref<!tpu.dma_semaphore, #tpu.memory_space<semaphore_mem>>) src(%arg10 : memref<128x128xf32, #tpu.memory_space<vmem>>) dst(%dma_wait3A_198 : memref<10240x128xf32, #tpu.memory_space<vmem_shared>>)
          %dma_start3A_201 = arith.constant 1 : i32
          %dma_start3A_202 = arith.constant 0 : i32
          %dma_start3A_203 = tpu.memref_slice %arg7[%add3A_153, %dma_start3A_202] : memref<40x128xi32, #tpu.memory_space<vmem>> -> memref<1x128xi32, #tpu.memory_space<vmem>>
          %dma_start3A_204 = tpu.memref_squeeze %dma_start3A_203 : memref<1x128xi32, #tpu.memory_space<vmem>> -> memref<128xi32, #tpu.memory_space<vmem>>
          %dma_start3A_205 = arith.constant 0 : i32
          %dma_start3A_206 = arith.constant 0 : i32
          %dma_start3A_207 = tpu.memref_slice %arg2[%dma_start3A_205, %dma_start3A_206] : memref<10240x128xf32, #tpu.memory_space<hbm>> -> memref<10240x128xf32, #tpu.memory_space<hbm>>
          %dma_start3A_208 = tpu.memref_slice %arg11[%dma_start3A_201] : memref<2x!tpu.dma_semaphore, #tpu.memory_space<semaphore_mem>> -> memref<1x!tpu.dma_semaphore, #tpu.memory_space<semaphore_mem>>
          %dma_start3A_209 = tpu.memref_squeeze %dma_start3A_208 : memref<1x!tpu.dma_semaphore, #tpu.memory_space<semaphore_mem>> -> memref<!tpu.dma_semaphore, #tpu.memory_space<semaphore_mem>>
          tpu.enqueue_indirect_dma source(%dma_start3A_207 : memref<10240x128xf32, #tpu.memory_space<hbm>>) target(%arg10 : memref<128x128xf32, #tpu.memory_space<vmem>>) offsets(%dma_start3A_204 : memref<128xi32, #tpu.memory_space<vmem>>) semaphore(%dma_start3A_209 : memref<!tpu.dma_semaphore, #tpu.memory_space<semaphore_mem>>)
        } else {
        }
        %mul3A_159 = arith.constant 2 : i32
        %mul3A_160 = arith.muli %while3A_127, %mul3A_159 : i32
        %add3A_161 = arith.constant 1 : i32
        %add3A_162 = arith.addi %mul3A_160, %add3A_161 : i32
        %dma_wait3A_163 = arith.constant 1 : i32
        %dma_wait3A_164 = arith.constant 0 : i32
        %dma_wait3A_165 = tpu.memref_slice %arg7[%add3A_162, %dma_wait3A_164] : memref<40x128xi32, #tpu.memory_space<vmem>> -> memref<1x128xi32, #tpu.memory_space<vmem>>
        %dma_wait3A_166 = tpu.memref_squeeze %dma_wait3A_165 : memref<1x128xi32, #tpu.memory_space<vmem>> -> memref<128xi32, #tpu.memory_space<vmem>>
        %dma_wait3A_167 = arith.constant 0 : i32
        %dma_wait3A_168 = arith.constant 0 : i32
        %dma_wait3A_169 = tpu.memref_slice %arg2[%dma_wait3A_167, %dma_wait3A_168] : memref<10240x128xf32, #tpu.memory_space<hbm>> -> memref<10240x128xf32, #tpu.memory_space<hbm>>
        %dma_wait3A_170 = tpu.memref_slice %arg11[%dma_wait3A_163] : memref<2x!tpu.dma_semaphore, #tpu.memory_space<semaphore_mem>> -> memref<1x!tpu.dma_semaphore, #tpu.memory_space<semaphore_mem>>
        %dma_wait3A_171 = tpu.memref_squeeze %dma_wait3A_170 : memref<1x!tpu.dma_semaphore, #tpu.memory_space<semaphore_mem>> -> memref<!tpu.dma_semaphore, #tpu.memory_space<semaphore_mem>>
        tpu.wait_indirect_dma semaphore(%dma_wait3A_171 : memref<!tpu.dma_semaphore, #tpu.memory_space<semaphore_mem>>) src(%dma_wait3A_169 : memref<10240x128xf32, #tpu.memory_space<hbm>>) dst(%arg10 : memref<128x128xf32, #tpu.memory_space<vmem>>)
        %dma_start3A_172 = arith.constant 1 : i32
        %dma_start3A_173 = arith.constant 0 : i32
        %dma_start3A_174 = tpu.memref_slice %arg8[%add3A_162, %dma_start3A_173] : memref<40x128xi32, #tpu.memory_space<vmem>> -> memref<1x128xi32, #tpu.memory_space<vmem>>
        %dma_start3A_175 = tpu.memref_squeeze %dma_start3A_174 : memref<1x128xi32, #tpu.memory_space<vmem>> -> memref<128xi32, #tpu.memory_space<vmem>>
        %dma_start3A_176 = arith.constant 0 : i32
        %dma_start3A_177 = arith.constant 0 : i32
        %dma_start3A_178 = tpu.memref_slice %arg6[%dma_start3A_176, %dma_start3A_177] : memref<10240x128xf32, #tpu.memory_space<vmem_shared>> -> memref<10240x128xf32, #tpu.memory_space<vmem_shared>>
        %dma_start3A_179 = tpu.memref_slice %arg12[%dma_start3A_172] : memref<2x!tpu.dma_semaphore, #tpu.memory_space<semaphore_mem>> -> memref<1x!tpu.dma_semaphore, #tpu.memory_space<semaphore_mem>>
        %dma_start3A_180 = tpu.memref_squeeze %dma_start3A_179 : memref<1x!tpu.dma_semaphore, #tpu.memory_space<semaphore_mem>> -> memref<!tpu.dma_semaphore, #tpu.memory_space<semaphore_mem>>
        tpu.enqueue_indirect_dma source(%arg10 : memref<128x128xf32, #tpu.memory_space<vmem>>) target(%dma_start3A_178 : memref<10240x128xf32, #tpu.memory_space<vmem_shared>>) offsets(%dma_start3A_175 : memref<128xi32, #tpu.memory_space<vmem>>) semaphore(%dma_start3A_180 : memref<!tpu.dma_semaphore, #tpu.memory_space<semaphore_mem>>) {add = true}
        %sub3A_181 = arith.constant 1 : i32
        %sub3A_182 = arith.subi %add3A_162, %sub3A_181 : i32
        %add3A_183 = arith.constant 2 : i32
        %add3A_184 = arith.addi %sub3A_182, %add3A_183 : i32
        %ge3A_185 = arith.constant 0 : i32
        %ge3A_186 = arith.cmpi sge, %sub3A_182, %ge3A_185 : i32
        %lt3A_187 = arith.cmpi slt, %add3A_184, %min3A_52 : i32
        %and3A_188 = arith.andi %ge3A_186, %lt3A_187 : i1
        %convert_element_type3A_189 = arith.extui %and3A_188 : i1 to i32
        %cond3A_190 = arith.constant 0 : i32
        %cond3A_191 = arith.cmpi ne, %convert_element_type3A_189, %cond3A_190 : i32
        scf.if %cond3A_191 {
          %dma_wait3A_192 = arith.constant 0 : i32
          %dma_wait3A_193 = arith.constant 0 : i32
          %dma_wait3A_194 = tpu.memref_slice %arg8[%sub3A_182, %dma_wait3A_193] : memref<40x128xi32, #tpu.memory_space<vmem>> -> memref<1x128xi32, #tpu.memory_space<vmem>>
          %dma_wait3A_195 = tpu.memref_squeeze %dma_wait3A_194 : memref<1x128xi32, #tpu.memory_space<vmem>> -> memref<128xi32, #tpu.memory_space<vmem>>
          %dma_wait3A_196 = arith.constant 0 : i32
          %dma_wait3A_197 = arith.constant 0 : i32
          %dma_wait3A_198 = tpu.memref_slice %arg6[%dma_wait3A_196, %dma_wait3A_197] : memref<10240x128xf32, #tpu.memory_space<vmem_shared>> -> memref<10240x128xf32, #tpu.memory_space<vmem_shared>>
          %dma_wait3A_199 = tpu.memref_slice %arg12[%dma_wait3A_192] : memref<2x!tpu.dma_semaphore, #tpu.memory_space<semaphore_mem>> -> memref<1x!tpu.dma_semaphore, #tpu.memory_space<semaphore_mem>>
          %dma_wait3A_200 = tpu.memref_squeeze %dma_wait3A_199 : memref<1x!tpu.dma_semaphore, #tpu.memory_space<semaphore_mem>> -> memref<!tpu.dma_semaphore, #tpu.memory_space<semaphore_mem>>
          tpu.wait_indirect_dma semaphore(%dma_wait3A_200 : memref<!tpu.dma_semaphore, #tpu.memory_space<semaphore_mem>>) src(%arg9 : memref<128x128xf32, #tpu.memory_space<vmem>>) dst(%dma_wait3A_198 : memref<10240x128xf32, #tpu.memory_space<vmem_shared>>)
          %dma_start3A_201 = arith.constant 0 : i32
          %dma_start3A_202 = arith.constant 0 : i32
          %dma_start3A_203 = tpu.memref_slice %arg7[%add3A_184, %dma_start3A_202] : memref<40x128xi32, #tpu.memory_space<vmem>> -> memref<1x128xi32, #tpu.memory_space<vmem>>
          %dma_start3A_204 = tpu.memref_squeeze %dma_start3A_203 : memref<1x128xi32, #tpu.memory_space<vmem>> -> memref<128xi32, #tpu.memory_space<vmem>>
          %dma_start3A_205 = arith.constant 0 : i32
          %dma_start3A_206 = arith.constant 0 : i32
          %dma_start3A_207 = tpu.memref_slice %arg2[%dma_start3A_205, %dma_start3A_206] : memref<10240x128xf32, #tpu.memory_space<hbm>> -> memref<10240x128xf32, #tpu.memory_space<hbm>>
          %dma_start3A_208 = tpu.memref_slice %arg11[%dma_start3A_201] : memref<2x!tpu.dma_semaphore, #tpu.memory_space<semaphore_mem>> -> memref<1x!tpu.dma_semaphore, #tpu.memory_space<semaphore_mem>>
          %dma_start3A_209 = tpu.memref_squeeze %dma_start3A_208 : memref<1x!tpu.dma_semaphore, #tpu.memory_space<semaphore_mem>> -> memref<!tpu.dma_semaphore, #tpu.memory_space<semaphore_mem>>
          tpu.enqueue_indirect_dma source(%dma_start3A_207 : memref<10240x128xf32, #tpu.memory_space<hbm>>) target(%arg9 : memref<128x128xf32, #tpu.memory_space<vmem>>) offsets(%dma_start3A_204 : memref<128xi32, #tpu.memory_space<vmem>>) semaphore(%dma_start3A_209 : memref<!tpu.dma_semaphore, #tpu.memory_space<semaphore_mem>>)
        } else {
        }
      }
      %while3A_101 = arith.constant 1 : i32
      scf.for %while3A_127 = %while3A_99 to %while3A_95 step %while3A_101  : i32 {
        %mul3A_128 = arith.constant 2 : i32
        %mul3A_129 = arith.muli %while3A_127, %mul3A_128 : i32
        %add3A_130 = arith.constant 0 : i32
        %add3A_131 = arith.addi %mul3A_129, %add3A_130 : i32
        %dma_wait3A_132 = arith.constant 0 : i32
        %dma_wait3A_133 = arith.constant 0 : i32
        %dma_wait3A_134 = tpu.memref_slice %arg7[%add3A_131, %dma_wait3A_133] : memref<40x128xi32, #tpu.memory_space<vmem>> -> memref<1x128xi32, #tpu.memory_space<vmem>>
        %dma_wait3A_135 = tpu.memref_squeeze %dma_wait3A_134 : memref<1x128xi32, #tpu.memory_space<vmem>> -> memref<128xi32, #tpu.memory_space<vmem>>
        %dma_wait3A_136 = arith.constant 0 : i32
        %dma_wait3A_137 = arith.constant 0 : i32
        %dma_wait3A_138 = tpu.memref_slice %arg2[%dma_wait3A_136, %dma_wait3A_137] : memref<10240x128xf32, #tpu.memory_space<hbm>> -> memref<10240x128xf32, #tpu.memory_space<hbm>>
        %dma_wait3A_139 = tpu.memref_slice %arg11[%dma_wait3A_132] : memref<2x!tpu.dma_semaphore, #tpu.memory_space<semaphore_mem>> -> memref<1x!tpu.dma_semaphore, #tpu.memory_space<semaphore_mem>>
        %dma_wait3A_140 = tpu.memref_squeeze %dma_wait3A_139 : memref<1x!tpu.dma_semaphore, #tpu.memory_space<semaphore_mem>> -> memref<!tpu.dma_semaphore, #tpu.memory_space<semaphore_mem>>
        tpu.wait_indirect_dma semaphore(%dma_wait3A_140 : memref<!tpu.dma_semaphore, #tpu.memory_space<semaphore_mem>>) src(%dma_wait3A_138 : memref<10240x128xf32, #tpu.memory_space<hbm>>) dst(%arg9 : memref<128x128xf32, #tpu.memory_space<vmem>>)
        %dma_start3A_141 = arith.constant 0 : i32
        %dma_start3A_142 = arith.constant 0 : i32
        %dma_start3A_143 = tpu.memref_slice %arg8[%add3A_131, %dma_start3A_142] : memref<40x128xi32, #tpu.memory_space<vmem>> -> memref<1x128xi32, #tpu.memory_space<vmem>>
        %dma_start3A_144 = tpu.memref_squeeze %dma_start3A_143 : memref<1x128xi32, #tpu.memory_space<vmem>> -> memref<128xi32, #tpu.memory_space<vmem>>
        %dma_start3A_145 = arith.constant 0 : i32
        %dma_start3A_146 = arith.constant 0 : i32
        %dma_start3A_147 = tpu.memref_slice %arg6[%dma_start3A_145, %dma_start3A_146] : memref<10240x128xf32, #tpu.memory_space<vmem_shared>> -> memref<10240x128xf32, #tpu.memory_space<vmem_shared>>
        %dma_start3A_148 = tpu.memref_slice %arg12[%dma_start3A_141] : memref<2x!tpu.dma_semaphore, #tpu.memory_space<semaphore_mem>> -> memref<1x!tpu.dma_semaphore, #tpu.memory_space<semaphore_mem>>
        %dma_start3A_149 = tpu.memref_squeeze %dma_start3A_148 : memref<1x!tpu.dma_semaphore, #tpu.memory_space<semaphore_mem>> -> memref<!tpu.dma_semaphore, #tpu.memory_space<semaphore_mem>>
        tpu.enqueue_indirect_dma source(%arg9 : memref<128x128xf32, #tpu.memory_space<vmem>>) target(%dma_start3A_147 : memref<10240x128xf32, #tpu.memory_space<vmem_shared>>) offsets(%dma_start3A_144 : memref<128xi32, #tpu.memory_space<vmem>>) semaphore(%dma_start3A_149 : memref<!tpu.dma_semaphore, #tpu.memory_space<semaphore_mem>>) {add = true}
        %sub3A_150 = arith.constant 1 : i32
        %sub3A_151 = arith.subi %add3A_131, %sub3A_150 : i32
        %add3A_152 = arith.constant 2 : i32
        %add3A_153 = arith.addi %sub3A_151, %add3A_152 : i32
        %ge3A = arith.constant 0 : i32
        %ge3A_154 = arith.cmpi sge, %sub3A_151, %ge3A : i32
        %lt3A = arith.cmpi slt, %add3A_153, %min3A_52 : i32
        %and3A_155 = arith.andi %ge3A_154, %lt3A : i1
        %convert_element_type3A_156 = arith.extui %and3A_155 : i1 to i32
        %cond3A_157 = arith.constant 0 : i32
        %cond3A_158 = arith.cmpi ne, %convert_element_type3A_156, %cond3A_157 : i32
        scf.if %cond3A_158 {
          %dma_wait3A_192 = arith.constant 1 : i32
          %dma_wait3A_193 = arith.constant 0 : i32
          %dma_wait3A_194 = tpu.memref_slice %arg8[%sub3A_151, %dma_wait3A_193] : memref<40x128xi32, #tpu.memory_space<vmem>> -> memref<1x128xi32, #tpu.memory_space<vmem>>
          %dma_wait3A_195 = tpu.memref_squeeze %dma_wait3A_194 : memref<1x128xi32, #tpu.memory_space<vmem>> -> memref<128xi32, #tpu.memory_space<vmem>>
          %dma_wait3A_196 = arith.constant 0 : i32
          %dma_wait3A_197 = arith.constant 0 : i32
          %dma_wait3A_198 = tpu.memref_slice %arg6[%dma_wait3A_196, %dma_wait3A_197] : memref<10240x128xf32, #tpu.memory_space<vmem_shared>> -> memref<10240x128xf32, #tpu.memory_space<vmem_shared>>
          %dma_wait3A_199 = tpu.memref_slice %arg12[%dma_wait3A_192] : memref<2x!tpu.dma_semaphore, #tpu.memory_space<semaphore_mem>> -> memref<1x!tpu.dma_semaphore, #tpu.memory_space<semaphore_mem>>
          %dma_wait3A_200 = tpu.memref_squeeze %dma_wait3A_199 : memref<1x!tpu.dma_semaphore, #tpu.memory_space<semaphore_mem>> -> memref<!tpu.dma_semaphore, #tpu.memory_space<semaphore_mem>>
          tpu.wait_indirect_dma semaphore(%dma_wait3A_200 : memref<!tpu.dma_semaphore, #tpu.memory_space<semaphore_mem>>) src(%arg10 : memref<128x128xf32, #tpu.memory_space<vmem>>) dst(%dma_wait3A_198 : memref<10240x128xf32, #tpu.memory_space<vmem_shared>>)
          %dma_start3A_201 = arith.constant 1 : i32
          %dma_start3A_202 = arith.constant 0 : i32
          %dma_start3A_203 = tpu.memref_slice %arg7[%add3A_153, %dma_start3A_202] : memref<40x128xi32, #tpu.memory_space<vmem>> -> memref<1x128xi32, #tpu.memory_space<vmem>>
          %dma_start3A_204 = tpu.memref_squeeze %dma_start3A_203 : memref<1x128xi32, #tpu.memory_space<vmem>> -> memref<128xi32, #tpu.memory_space<vmem>>
          %dma_start3A_205 = arith.constant 0 : i32
          %dma_start3A_206 = arith.constant 0 : i32
          %dma_start3A_207 = tpu.memref_slice %arg2[%dma_start3A_205, %dma_start3A_206] : memref<10240x128xf32, #tpu.memory_space<hbm>> -> memref<10240x128xf32, #tpu.memory_space<hbm>>
          %dma_start3A_208 = tpu.memref_slice %arg11[%dma_start3A_201] : memref<2x!tpu.dma_semaphore, #tpu.memory_space<semaphore_mem>> -> memref<1x!tpu.dma_semaphore, #tpu.memory_space<semaphore_mem>>
          %dma_start3A_209 = tpu.memref_squeeze %dma_start3A_208 : memref<1x!tpu.dma_semaphore, #tpu.memory_space<semaphore_mem>> -> memref<!tpu.dma_semaphore, #tpu.memory_space<semaphore_mem>>
          tpu.enqueue_indirect_dma source(%dma_start3A_207 : memref<10240x128xf32, #tpu.memory_space<hbm>>) target(%arg10 : memref<128x128xf32, #tpu.memory_space<vmem>>) offsets(%dma_start3A_204 : memref<128xi32, #tpu.memory_space<vmem>>) semaphore(%dma_start3A_209 : memref<!tpu.dma_semaphore, #tpu.memory_space<semaphore_mem>>)
        } else {
        }
        %mul3A_159 = arith.constant 2 : i32
        %mul3A_160 = arith.muli %while3A_127, %mul3A_159 : i32
        %add3A_161 = arith.constant 1 : i32
        %add3A_162 = arith.addi %mul3A_160, %add3A_161 : i32
        %dma_wait3A_163 = arith.constant 1 : i32
        %dma_wait3A_164 = arith.constant 0 : i32
        %dma_wait3A_165 = tpu.memref_slice %arg7[%add3A_162, %dma_wait3A_164] : memref<40x128xi32, #tpu.memory_space<vmem>> -> memref<1x128xi32, #tpu.memory_space<vmem>>
        %dma_wait3A_166 = tpu.memref_squeeze %dma_wait3A_165 : memref<1x128xi32, #tpu.memory_space<vmem>> -> memref<128xi32, #tpu.memory_space<vmem>>
        %dma_wait3A_167 = arith.constant 0 : i32
        %dma_wait3A_168 = arith.constant 0 : i32
        %dma_wait3A_169 = tpu.memref_slice %arg2[%dma_wait3A_167, %dma_wait3A_168] : memref<10240x128xf32, #tpu.memory_space<hbm>> -> memref<10240x128xf32, #tpu.memory_space<hbm>>
        %dma_wait3A_170 = tpu.memref_slice %arg11[%dma_wait3A_163] : memref<2x!tpu.dma_semaphore, #tpu.memory_space<semaphore_mem>> -> memref<1x!tpu.dma_semaphore, #tpu.memory_space<semaphore_mem>>
        %dma_wait3A_171 = tpu.memref_squeeze %dma_wait3A_170 : memref<1x!tpu.dma_semaphore, #tpu.memory_space<semaphore_mem>> -> memref<!tpu.dma_semaphore, #tpu.memory_space<semaphore_mem>>
        tpu.wait_indirect_dma semaphore(%dma_wait3A_171 : memref<!tpu.dma_semaphore, #tpu.memory_space<semaphore_mem>>) src(%dma_wait3A_169 : memref<10240x128xf32, #tpu.memory_space<hbm>>) dst(%arg10 : memref<128x128xf32, #tpu.memory_space<vmem>>)
        %dma_start3A_172 = arith.constant 1 : i32
        %dma_start3A_173 = arith.constant 0 : i32
        %dma_start3A_174 = tpu.memref_slice %arg8[%add3A_162, %dma_start3A_173] : memref<40x128xi32, #tpu.memory_space<vmem>> -> memref<1x128xi32, #tpu.memory_space<vmem>>
        %dma_start3A_175 = tpu.memref_squeeze %dma_start3A_174 : memref<1x128xi32, #tpu.memory_space<vmem>> -> memref<128xi32, #tpu.memory_space<vmem>>
        %dma_start3A_176 = arith.constant 0 : i32
        %dma_start3A_177 = arith.constant 0 : i32
        %dma_start3A_178 = tpu.memref_slice %arg6[%dma_start3A_176, %dma_start3A_177] : memref<10240x128xf32, #tpu.memory_space<vmem_shared>> -> memref<10240x128xf32, #tpu.memory_space<vmem_shared>>
        %dma_start3A_179 = tpu.memref_slice %arg12[%dma_start3A_172] : memref<2x!tpu.dma_semaphore, #tpu.memory_space<semaphore_mem>> -> memref<1x!tpu.dma_semaphore, #tpu.memory_space<semaphore_mem>>
        %dma_start3A_180 = tpu.memref_squeeze %dma_start3A_179 : memref<1x!tpu.dma_semaphore, #tpu.memory_space<semaphore_mem>> -> memref<!tpu.dma_semaphore, #tpu.memory_space<semaphore_mem>>
        tpu.enqueue_indirect_dma source(%arg10 : memref<128x128xf32, #tpu.memory_space<vmem>>) target(%dma_start3A_178 : memref<10240x128xf32, #tpu.memory_space<vmem_shared>>) offsets(%dma_start3A_175 : memref<128xi32, #tpu.memory_space<vmem>>) semaphore(%dma_start3A_180 : memref<!tpu.dma_semaphore, #tpu.memory_space<semaphore_mem>>) {add = true}
        %sub3A_181 = arith.constant 1 : i32
        %sub3A_182 = arith.subi %add3A_162, %sub3A_181 : i32
        %add3A_183 = arith.constant 2 : i32
        %add3A_184 = arith.addi %sub3A_182, %add3A_183 : i32
        %ge3A_185 = arith.constant 0 : i32
        %ge3A_186 = arith.cmpi sge, %sub3A_182, %ge3A_185 : i32
        %lt3A_187 = arith.cmpi slt, %add3A_184, %min3A_52 : i32
        %and3A_188 = arith.andi %ge3A_186, %lt3A_187 : i1
        %convert_element_type3A_189 = arith.extui %and3A_188 : i1 to i32
        %cond3A_190 = arith.constant 0 : i32
        %cond3A_191 = arith.cmpi ne, %convert_element_type3A_189, %cond3A_190 : i32
        scf.if %cond3A_191 {
          %dma_wait3A_192 = arith.constant 0 : i32
          %dma_wait3A_193 = arith.constant 0 : i32
          %dma_wait3A_194 = tpu.memref_slice %arg8[%sub3A_182, %dma_wait3A_193] : memref<40x128xi32, #tpu.memory_space<vmem>> -> memref<1x128xi32, #tpu.memory_space<vmem>>
          %dma_wait3A_195 = tpu.memref_squeeze %dma_wait3A_194 : memref<1x128xi32, #tpu.memory_space<vmem>> -> memref<128xi32, #tpu.memory_space<vmem>>
          %dma_wait3A_196 = arith.constant 0 : i32
          %dma_wait3A_197 = arith.constant 0 : i32
          %dma_wait3A_198 = tpu.memref_slice %arg6[%dma_wait3A_196, %dma_wait3A_197] : memref<10240x128xf32, #tpu.memory_space<vmem_shared>> -> memref<10240x128xf32, #tpu.memory_space<vmem_shared>>
          %dma_wait3A_199 = tpu.memref_slice %arg12[%dma_wait3A_192] : memref<2x!tpu.dma_semaphore, #tpu.memory_space<semaphore_mem>> -> memref<1x!tpu.dma_semaphore, #tpu.memory_space<semaphore_mem>>
          %dma_wait3A_200 = tpu.memref_squeeze %dma_wait3A_199 : memref<1x!tpu.dma_semaphore, #tpu.memory_space<semaphore_mem>> -> memref<!tpu.dma_semaphore, #tpu.memory_space<semaphore_mem>>
          tpu.wait_indirect_dma semaphore(%dma_wait3A_200 : memref<!tpu.dma_semaphore, #tpu.memory_space<semaphore_mem>>) src(%arg9 : memref<128x128xf32, #tpu.memory_space<vmem>>) dst(%dma_wait3A_198 : memref<10240x128xf32, #tpu.memory_space<vmem_shared>>)
          %dma_start3A_201 = arith.constant 0 : i32
          %dma_start3A_202 = arith.constant 0 : i32
          %dma_start3A_203 = tpu.memref_slice %arg7[%add3A_184, %dma_start3A_202] : memref<40x128xi32, #tpu.memory_space<vmem>> -> memref<1x128xi32, #tpu.memory_space<vmem>>
          %dma_start3A_204 = tpu.memref_squeeze %dma_start3A_203 : memref<1x128xi32, #tpu.memory_space<vmem>> -> memref<128xi32, #tpu.memory_space<vmem>>
          %dma_start3A_205 = arith.constant 0 : i32
          %dma_start3A_206 = arith.constant 0 : i32
          %dma_start3A_207 = tpu.memref_slice %arg2[%dma_start3A_205, %dma_start3A_206] : memref<10240x128xf32, #tpu.memory_space<hbm>> -> memref<10240x128xf32, #tpu.memory_space<hbm>>
          %dma_start3A_208 = tpu.memref_slice %arg11[%dma_start3A_201] : memref<2x!tpu.dma_semaphore, #tpu.memory_space<semaphore_mem>> -> memref<1x!tpu.dma_semaphore, #tpu.memory_space<semaphore_mem>>
          %dma_start3A_209 = tpu.memref_squeeze %dma_start3A_208 : memref<1x!tpu.dma_semaphore, #tpu.memory_space<semaphore_mem>> -> memref<!tpu.dma_semaphore, #tpu.memory_space<semaphore_mem>>
          tpu.enqueue_indirect_dma source(%dma_start3A_207 : memref<10240x128xf32, #tpu.memory_space<hbm>>) target(%arg9 : memref<128x128xf32, #tpu.memory_space<vmem>>) offsets(%dma_start3A_204 : memref<128xi32, #tpu.memory_space<vmem>>) semaphore(%dma_start3A_209 : memref<!tpu.dma_semaphore, #tpu.memory_space<semaphore_mem>>)
        } else {
        }
      }
      %sub3A_102 = arith.constant 2 : i32
      %sub3A_103 = arith.subi %min3A_52, %sub3A_102 : i32
      %add3A_104 = arith.constant 0 : i32
      %add3A_105 = arith.addi %sub3A_103, %add3A_104 : i32
      %dma_wait3A = arith.constant 0 : i32
      %dma_wait3A_106 = arith.constant 0 : i32
      %dma_wait3A_107 = tpu.memref_slice %arg8[%add3A_105, %dma_wait3A_106] : memref<40x128xi32, #tpu.memory_space<vmem>> -> memref<1x128xi32, #tpu.memory_space<vmem>>
      %dma_wait3A_108 = tpu.memref_squeeze %dma_wait3A_107 : memref<1x128xi32, #tpu.memory_space<vmem>> -> memref<128xi32, #tpu.memory_space<vmem>>
      %dma_wait3A_109 = arith.constant 0 : i32
      %dma_wait3A_110 = arith.constant 0 : i32
      %dma_wait3A_111 = tpu.memref_slice %arg6[%dma_wait3A_109, %dma_wait3A_110] : memref<10240x128xf32, #tpu.memory_space<vmem_shared>> -> memref<10240x128xf32, #tpu.memory_space<vmem_shared>>
      %dma_wait3A_112 = tpu.memref_slice %arg12[%dma_wait3A] : memref<2x!tpu.dma_semaphore, #tpu.memory_space<semaphore_mem>> -> memref<1x!tpu.dma_semaphore, #tpu.memory_space<semaphore_mem>>
      %dma_wait3A_113 = tpu.memref_squeeze %dma_wait3A_112 : memref<1x!tpu.dma_semaphore, #tpu.memory_space<semaphore_mem>> -> memref<!tpu.dma_semaphore, #tpu.memory_space<semaphore_mem>>
      tpu.wait_indirect_dma semaphore(%dma_wait3A_113 : memref<!tpu.dma_semaphore, #tpu.memory_space<semaphore_mem>>) src(%arg9 : memref<128x128xf32, #tpu.memory_space<vmem>>) dst(%dma_wait3A_111 : memref<10240x128xf32, #tpu.memory_space<vmem_shared>>)
      %sub3A_114 = arith.constant 2 : i32
      %sub3A_115 = arith.subi %min3A_52, %sub3A_114 : i32
      %add3A_116 = arith.constant 1 : i32
      %add3A_117 = arith.addi %sub3A_115, %add3A_116 : i32
      %dma_wait3A_118 = arith.constant 1 : i32
      %dma_wait3A_119 = arith.constant 0 : i32
      %dma_wait3A_120 = tpu.memref_slice %arg8[%add3A_117, %dma_wait3A_119] : memref<40x128xi32, #tpu.memory_space<vmem>> -> memref<1x128xi32, #tpu.memory_space<vmem>>
      %dma_wait3A_121 = tpu.memref_squeeze %dma_wait3A_120 : memref<1x128xi32, #tpu.memory_space<vmem>> -> memref<128xi32, #tpu.memory_space<vmem>>
      %dma_wait3A_122 = arith.constant 0 : i32
      %dma_wait3A_123 = arith.constant 0 : i32
      %dma_wait3A_124 = tpu.memref_slice %arg6[%dma_wait3A_122, %dma_wait3A_123] : memref<10240x128xf32, #tpu.memory_space<vmem_shared>> -> memref<10240x128xf32, #tpu.memory_space<vmem_shared>>
      %dma_wait3A_125 = tpu.memref_slice %arg12[%dma_wait3A_118] : memref<2x!tpu.dma_semaphore, #tpu.memory_space<semaphore_mem>> -> memref<1x!tpu.dma_semaphore, #tpu.memory_space<semaphore_mem>>
      %dma_wait3A_126 = tpu.memref_squeeze %dma_wait3A_125 : memref<1x!tpu.dma_semaphore, #tpu.memory_space<semaphore_mem>> -> memref<!tpu.dma_semaphore, #tpu.memory_space<semaphore_mem>>
      tpu.wait_indirect_dma semaphore(%dma_wait3A_126 : memref<!tpu.dma_semaphore, #tpu.memory_space<semaphore_mem>>) src(%arg10 : memref<128x128xf32, #tpu.memory_space<vmem>>) dst(%dma_wait3A_124 : memref<10240x128xf32, #tpu.memory_space<vmem_shared>>)
    } else {
    }
    %gt3A_31 = arith.constant 40 : i32
    %gt3A_32 = arith.cmpi sgt, %select_n3A, %gt3A_31 : i32
    %convert_element_type3A_33 = arith.extui %gt3A_32 : i1 to i32
    %cond3A_34 = arith.constant 0 : i32
    %cond3A_35 = arith.cmpi ne, %convert_element_type3A_33, %cond3A_34 : i32
    scf.if %cond3A_35 {
      %sub3A = arith.constant 40 : i32
      %sub3A_51 = arith.subi %select_n3A, %sub3A : i32
      %min3A = arith.constant 40 : i32
      %min3A_52 = arith.minsi %min3A, %sub3A_51 : i32
      %add3A_53 = arith.constant 40 : i32
      %add3A_54 = arith.addi %add3A, %add3A_53 : i32
      %multiple_of3A = tpu.assume_multiple %add3A_54, 8 : i32
      "tpu.region"() ({
        %run_scoped3A = tpu.sem_alloc : memref<!tpu.dma_semaphore, #tpu.memory_space<semaphore_mem>>
        %dma_start3A_127 = arith.constant 0 : i32
        %dma_start3A_128 = tpu.memref_slice %arg3[%multiple_of3A, %dma_start3A_127] : memref<2600x128xi32, #tpu.memory_space<hbm>> -> memref<40x128xi32, #tpu.memory_space<hbm>>
        %dma_start3A_129 = arith.constant 0 : i32
        %dma_start3A_130 = tpu.memref_slice %arg3[%multiple_of3A, %dma_start3A_129] : memref<2600x128xi32, #tpu.memory_space<hbm>> -> memref<40x128xi32, #tpu.memory_space<hbm>>
        tpu.enqueue_dma source(%dma_start3A_130 : memref<40x128xi32, #tpu.memory_space<hbm>>) target(%arg7 : memref<40x128xi32, #tpu.memory_space<vmem>>) target_semaphore(%run_scoped3A : memref<!tpu.dma_semaphore, #tpu.memory_space<semaphore_mem>>)
        %dma_wait3A_131 = arith.constant 0 : i32
        %dma_wait3A_132 = tpu.memref_slice %arg3[%multiple_of3A, %dma_wait3A_131] : memref<2600x128xi32, #tpu.memory_space<hbm>> -> memref<40x128xi32, #tpu.memory_space<hbm>>
        %dma_wait3A_133 = arith.constant 0 : i32
        %dma_wait3A_134 = tpu.memref_slice %arg3[%multiple_of3A, %dma_wait3A_133] : memref<2600x128xi32, #tpu.memory_space<hbm>> -> memref<40x128xi32, #tpu.memory_space<hbm>>
        tpu.wait_dma2 semaphore(%run_scoped3A : memref<!tpu.dma_semaphore, #tpu.memory_space<semaphore_mem>>) src(%dma_wait3A_134 : memref<40x128xi32, #tpu.memory_space<hbm>>) dst(%arg7 : memref<40x128xi32, #tpu.memory_space<vmem>>)
        tpu.yield
      }) : () -> ()
      "tpu.region"() ({
        %run_scoped3A = tpu.sem_alloc : memref<!tpu.dma_semaphore, #tpu.memory_space<semaphore_mem>>
        %dma_start3A_127 = arith.constant 0 : i32
        %dma_start3A_128 = tpu.memref_slice %arg4[%multiple_of3A, %dma_start3A_127] : memref<2600x128xi32, #tpu.memory_space<hbm>> -> memref<40x128xi32, #tpu.memory_space<hbm>>
        %dma_start3A_129 = arith.constant 0 : i32
        %dma_start3A_130 = tpu.memref_slice %arg4[%multiple_of3A, %dma_start3A_129] : memref<2600x128xi32, #tpu.memory_space<hbm>> -> memref<40x128xi32, #tpu.memory_space<hbm>>
        tpu.enqueue_dma source(%dma_start3A_130 : memref<40x128xi32, #tpu.memory_space<hbm>>) target(%arg8 : memref<40x128xi32, #tpu.memory_space<vmem>>) target_semaphore(%run_scoped3A : memref<!tpu.dma_semaphore, #tpu.memory_space<semaphore_mem>>)
        %dma_wait3A_131 = arith.constant 0 : i32
        %dma_wait3A_132 = tpu.memref_slice %arg4[%multiple_of3A, %dma_wait3A_131] : memref<2600x128xi32, #tpu.memory_space<hbm>> -> memref<40x128xi32, #tpu.memory_space<hbm>>
        %dma_wait3A_133 = arith.constant 0 : i32
        %dma_wait3A_134 = tpu.memref_slice %arg4[%multiple_of3A, %dma_wait3A_133] : memref<2600x128xi32, #tpu.memory_space<hbm>> -> memref<40x128xi32, #tpu.memory_space<hbm>>
        tpu.wait_dma2 semaphore(%run_scoped3A : memref<!tpu.dma_semaphore, #tpu.memory_space<semaphore_mem>>) src(%dma_wait3A_134 : memref<40x128xi32, #tpu.memory_space<hbm>>) dst(%arg8 : memref<40x128xi32, #tpu.memory_space<vmem>>)
        tpu.yield
      }) : () -> ()
      %dma_start3A = arith.constant 0 : i32
      %dma_start3A_55 = arith.constant 0 : i32
      %dma_start3A_56 = arith.constant 0 : i32
      %dma_start3A_57 = tpu.memref_slice %arg7[%dma_start3A, %dma_start3A_56] : memref<40x128xi32, #tpu.memory_space<vmem>> -> memref<1x128xi32, #tpu.memory_space<vmem>>
      %dma_start3A_58 = tpu.memref_squeeze %dma_start3A_57 : memref<1x128xi32, #tpu.memory_space<vmem>> -> memref<128xi32, #tpu.memory_space<vmem>>
      %dma_start3A_59 = arith.constant 0 : i32
      %dma_start3A_60 = arith.constant 0 : i32
      %dma_start3A_61 = tpu.memref_slice %arg2[%dma_start3A_59, %dma_start3A_60] : memref<10240x128xf32, #tpu.memory_space<hbm>> -> memref<10240x128xf32, #tpu.memory_space<hbm>>
      %dma_start3A_62 = tpu.memref_slice %arg11[%dma_start3A_55] : memref<2x!tpu.dma_semaphore, #tpu.memory_space<semaphore_mem>> -> memref<1x!tpu.dma_semaphore, #tpu.memory_space<semaphore_mem>>
      %dma_start3A_63 = tpu.memref_squeeze %dma_start3A_62 : memref<1x!tpu.dma_semaphore, #tpu.memory_space<semaphore_mem>> -> memref<!tpu.dma_semaphore, #tpu.memory_space<semaphore_mem>>
      tpu.enqueue_indirect_dma source(%dma_start3A_61 : memref<10240x128xf32, #tpu.memory_space<hbm>>) target(%arg9 : memref<128x128xf32, #tpu.memory_space<vmem>>) offsets(%dma_start3A_58 : memref<128xi32, #tpu.memory_space<vmem>>) semaphore(%dma_start3A_63 : memref<!tpu.dma_semaphore, #tpu.memory_space<semaphore_mem>>)
      %dma_start3A_64 = arith.constant 1 : i32
      %dma_start3A_65 = arith.constant 1 : i32
      %dma_start3A_66 = arith.constant 0 : i32
      %dma_start3A_67 = tpu.memref_slice %arg7[%dma_start3A_64, %dma_start3A_66] : memref<40x128xi32, #tpu.memory_space<vmem>> -> memref<1x128xi32, #tpu.memory_space<vmem>>
      %dma_start3A_68 = tpu.memref_squeeze %dma_start3A_67 : memref<1x128xi32, #tpu.memory_space<vmem>> -> memref<128xi32, #tpu.memory_space<vmem>>
      %dma_start3A_69 = arith.constant 0 : i32
      %dma_start3A_70 = arith.constant 0 : i32
      %dma_start3A_71 = tpu.memref_slice %arg2[%dma_start3A_69, %dma_start3A_70] : memref<10240x128xf32, #tpu.memory_space<hbm>> -> memref<10240x128xf32, #tpu.memory_space<hbm>>
      %dma_start3A_72 = tpu.memref_slice %arg11[%dma_start3A_65] : memref<2x!tpu.dma_semaphore, #tpu.memory_space<semaphore_mem>> -> memref<1x!tpu.dma_semaphore, #tpu.memory_space<semaphore_mem>>
      %dma_start3A_73 = tpu.memref_squeeze %dma_start3A_72 : memref<1x!tpu.dma_semaphore, #tpu.memory_space<semaphore_mem>> -> memref<!tpu.dma_semaphore, #tpu.memory_space<semaphore_mem>>
      tpu.enqueue_indirect_dma source(%dma_start3A_71 : memref<10240x128xf32, #tpu.memory_space<hbm>>) target(%arg10 : memref<128x128xf32, #tpu.memory_space<vmem>>) offsets(%dma_start3A_68 : memref<128xi32, #tpu.memory_space<vmem>>) semaphore(%dma_start3A_73 : memref<!tpu.dma_semaphore, #tpu.memory_space<semaphore_mem>>)
      %jit3A_74 = arith.constant 2 : i32
      %div3A = arith.divsi %min3A_52, %jit3A_74 : i32
      %sign3A = arith.constant 0 : i32
      %sign3A_75 = arith.cmpi sgt, %min3A_52, %sign3A : i32
      %sign3A_76 = arith.extui %sign3A_75 : i1 to i32
      %sign3A_77 = arith.constant 0 : i32
      %sign3A_78 = arith.cmpi slt, %min3A_52, %sign3A_77 : i32
      %sign3A_79 = arith.extui %sign3A_78 : i1 to i32
      %sign3A_80 = arith.subi %sign3A_76, %sign3A_79 : i32
      %sign3A_81 = arith.constant 0 : i32
      %sign3A_82 = arith.cmpi sgt, %jit3A_74, %sign3A_81 : i32
      %sign3A_83 = arith.extui %sign3A_82 : i1 to i32
      %sign3A_84 = arith.constant 0 : i32
      %sign3A_85 = arith.cmpi slt, %jit3A_74, %sign3A_84 : i32
      %sign3A_86 = arith.extui %sign3A_85 : i1 to i32
      %sign3A_87 = arith.subi %sign3A_83, %sign3A_86 : i32
      %ne3A = arith.cmpi ne, %sign3A_80, %sign3A_87 : i32
      %rem3A = arith.remsi %min3A_52, %jit3A_74 : i32
      %ne3A_88 = arith.constant 0 : i32
      %ne3A_89 = arith.cmpi ne, %rem3A, %ne3A_88 : i32
      %and3A = arith.andi %ne3A, %ne3A_89 : i1
      %sub3A_90 = arith.constant 1 : i32
      %sub3A_91 = arith.subi %div3A, %sub3A_90 : i32
      %select_n3A_92 = arith.select %and3A, %sub3A_91, %div3A : i32
      %while3A = arith.constant 0 : i32
      %while3A_93 = arith.constant 0 : i32
      %while3A_94 = arith.subi %select_n3A_92, %while3A_93 : i32
      %while3A_95 = arith.addi %while3A_93, %while3A_94 : i32
      %while3A_96 = arith.constant 1 : i32
      %while3A_97 = arith.divsi %while3A_94, %while3A_96 : i32
      %while3A_98 = arith.muli %while3A_97, %while3A_96 : i32
      %while3A_99 = arith.addi %while3A_93, %while3A_98 : i32
      %while3A_100 = arith.constant 1 : i32
      scf.for %while3A_127 = %while3A_93 to %while3A_99 step %while3A_100  : i32 {
        %mul3A_128 = arith.constant 2 : i32
        %mul3A_129 = arith.muli %while3A_127, %mul3A_128 : i32
        %add3A_130 = arith.constant 0 : i32
        %add3A_131 = arith.addi %mul3A_129, %add3A_130 : i32
        %dma_wait3A_132 = arith.constant 0 : i32
        %dma_wait3A_133 = arith.constant 0 : i32
        %dma_wait3A_134 = tpu.memref_slice %arg7[%add3A_131, %dma_wait3A_133] : memref<40x128xi32, #tpu.memory_space<vmem>> -> memref<1x128xi32, #tpu.memory_space<vmem>>
        %dma_wait3A_135 = tpu.memref_squeeze %dma_wait3A_134 : memref<1x128xi32, #tpu.memory_space<vmem>> -> memref<128xi32, #tpu.memory_space<vmem>>
        %dma_wait3A_136 = arith.constant 0 : i32
        %dma_wait3A_137 = arith.constant 0 : i32
        %dma_wait3A_138 = tpu.memref_slice %arg2[%dma_wait3A_136, %dma_wait3A_137] : memref<10240x128xf32, #tpu.memory_space<hbm>> -> memref<10240x128xf32, #tpu.memory_space<hbm>>
        %dma_wait3A_139 = tpu.memref_slice %arg11[%dma_wait3A_132] : memref<2x!tpu.dma_semaphore, #tpu.memory_space<semaphore_mem>> -> memref<1x!tpu.dma_semaphore, #tpu.memory_space<semaphore_mem>>
        %dma_wait3A_140 = tpu.memref_squeeze %dma_wait3A_139 : memref<1x!tpu.dma_semaphore, #tpu.memory_space<semaphore_mem>> -> memref<!tpu.dma_semaphore, #tpu.memory_space<semaphore_mem>>
        tpu.wait_indirect_dma semaphore(%dma_wait3A_140 : memref<!tpu.dma_semaphore, #tpu.memory_space<semaphore_mem>>) src(%dma_wait3A_138 : memref<10240x128xf32, #tpu.memory_space<hbm>>) dst(%arg9 : memref<128x128xf32, #tpu.memory_space<vmem>>)
        %dma_start3A_141 = arith.constant 0 : i32
        %dma_start3A_142 = arith.constant 0 : i32
        %dma_start3A_143 = tpu.memref_slice %arg8[%add3A_131, %dma_start3A_142] : memref<40x128xi32, #tpu.memory_space<vmem>> -> memref<1x128xi32, #tpu.memory_space<vmem>>
        %dma_start3A_144 = tpu.memref_squeeze %dma_start3A_143 : memref<1x128xi32, #tpu.memory_space<vmem>> -> memref<128xi32, #tpu.memory_space<vmem>>
        %dma_start3A_145 = arith.constant 0 : i32
        %dma_start3A_146 = arith.constant 0 : i32
        %dma_start3A_147 = tpu.memref_slice %arg6[%dma_start3A_145, %dma_start3A_146] : memref<10240x128xf32, #tpu.memory_space<vmem_shared>> -> memref<10240x128xf32, #tpu.memory_space<vmem_shared>>
        %dma_start3A_148 = tpu.memref_slice %arg12[%dma_start3A_141] : memref<2x!tpu.dma_semaphore, #tpu.memory_space<semaphore_mem>> -> memref<1x!tpu.dma_semaphore, #tpu.memory_space<semaphore_mem>>
        %dma_start3A_149 = tpu.memref_squeeze %dma_start3A_148 : memref<1x!tpu.dma_semaphore, #tpu.memory_space<semaphore_mem>> -> memref<!tpu.dma_semaphore, #tpu.memory_space<semaphore_mem>>
        tpu.enqueue_indirect_dma source(%arg9 : memref<128x128xf32, #tpu.memory_space<vmem>>) target(%dma_start3A_147 : memref<10240x128xf32, #tpu.memory_space<vmem_shared>>) offsets(%dma_start3A_144 : memref<128xi32, #tpu.memory_space<vmem>>) semaphore(%dma_start3A_149 : memref<!tpu.dma_semaphore, #tpu.memory_space<semaphore_mem>>) {add = true}
        %sub3A_150 = arith.constant 1 : i32
        %sub3A_151 = arith.subi %add3A_131, %sub3A_150 : i32
        %add3A_152 = arith.constant 2 : i32
        %add3A_153 = arith.addi %sub3A_151, %add3A_152 : i32
        %ge3A = arith.constant 0 : i32
        %ge3A_154 = arith.cmpi sge, %sub3A_151, %ge3A : i32
        %lt3A = arith.cmpi slt, %add3A_153, %min3A_52 : i32
        %and3A_155 = arith.andi %ge3A_154, %lt3A : i1
        %convert_element_type3A_156 = arith.extui %and3A_155 : i1 to i32
        %cond3A_157 = arith.constant 0 : i32
        %cond3A_158 = arith.cmpi ne, %convert_element_type3A_156, %cond3A_157 : i32
        scf.if %cond3A_158 {
          %dma_wait3A_192 = arith.constant 1 : i32
          %dma_wait3A_193 = arith.constant 0 : i32
          %dma_wait3A_194 = tpu.memref_slice %arg8[%sub3A_151, %dma_wait3A_193] : memref<40x128xi32, #tpu.memory_space<vmem>> -> memref<1x128xi32, #tpu.memory_space<vmem>>
          %dma_wait3A_195 = tpu.memref_squeeze %dma_wait3A_194 : memref<1x128xi32, #tpu.memory_space<vmem>> -> memref<128xi32, #tpu.memory_space<vmem>>
          %dma_wait3A_196 = arith.constant 0 : i32
          %dma_wait3A_197 = arith.constant 0 : i32
          %dma_wait3A_198 = tpu.memref_slice %arg6[%dma_wait3A_196, %dma_wait3A_197] : memref<10240x128xf32, #tpu.memory_space<vmem_shared>> -> memref<10240x128xf32, #tpu.memory_space<vmem_shared>>
          %dma_wait3A_199 = tpu.memref_slice %arg12[%dma_wait3A_192] : memref<2x!tpu.dma_semaphore, #tpu.memory_space<semaphore_mem>> -> memref<1x!tpu.dma_semaphore, #tpu.memory_space<semaphore_mem>>
          %dma_wait3A_200 = tpu.memref_squeeze %dma_wait3A_199 : memref<1x!tpu.dma_semaphore, #tpu.memory_space<semaphore_mem>> -> memref<!tpu.dma_semaphore, #tpu.memory_space<semaphore_mem>>
          tpu.wait_indirect_dma semaphore(%dma_wait3A_200 : memref<!tpu.dma_semaphore, #tpu.memory_space<semaphore_mem>>) src(%arg10 : memref<128x128xf32, #tpu.memory_space<vmem>>) dst(%dma_wait3A_198 : memref<10240x128xf32, #tpu.memory_space<vmem_shared>>)
          %dma_start3A_201 = arith.constant 1 : i32
          %dma_start3A_202 = arith.constant 0 : i32
          %dma_start3A_203 = tpu.memref_slice %arg7[%add3A_153, %dma_start3A_202] : memref<40x128xi32, #tpu.memory_space<vmem>> -> memref<1x128xi32, #tpu.memory_space<vmem>>
          %dma_start3A_204 = tpu.memref_squeeze %dma_start3A_203 : memref<1x128xi32, #tpu.memory_space<vmem>> -> memref<128xi32, #tpu.memory_space<vmem>>
          %dma_start3A_205 = arith.constant 0 : i32
          %dma_start3A_206 = arith.constant 0 : i32
          %dma_start3A_207 = tpu.memref_slice %arg2[%dma_start3A_205, %dma_start3A_206] : memref<10240x128xf32, #tpu.memory_space<hbm>> -> memref<10240x128xf32, #tpu.memory_space<hbm>>
          %dma_start3A_208 = tpu.memref_slice %arg11[%dma_start3A_201] : memref<2x!tpu.dma_semaphore, #tpu.memory_space<semaphore_mem>> -> memref<1x!tpu.dma_semaphore, #tpu.memory_space<semaphore_mem>>
          %dma_start3A_209 = tpu.memref_squeeze %dma_start3A_208 : memref<1x!tpu.dma_semaphore, #tpu.memory_space<semaphore_mem>> -> memref<!tpu.dma_semaphore, #tpu.memory_space<semaphore_mem>>
          tpu.enqueue_indirect_dma source(%dma_start3A_207 : memref<10240x128xf32, #tpu.memory_space<hbm>>) target(%arg10 : memref<128x128xf32, #tpu.memory_space<vmem>>) offsets(%dma_start3A_204 : memref<128xi32, #tpu.memory_space<vmem>>) semaphore(%dma_start3A_209 : memref<!tpu.dma_semaphore, #tpu.memory_space<semaphore_mem>>)
        } else {
        }
        %mul3A_159 = arith.constant 2 : i32
        %mul3A_160 = arith.muli %while3A_127, %mul3A_159 : i32
        %add3A_161 = arith.constant 1 : i32
        %add3A_162 = arith.addi %mul3A_160, %add3A_161 : i32
        %dma_wait3A_163 = arith.constant 1 : i32
        %dma_wait3A_164 = arith.constant 0 : i32
        %dma_wait3A_165 = tpu.memref_slice %arg7[%add3A_162, %dma_wait3A_164] : memref<40x128xi32, #tpu.memory_space<vmem>> -> memref<1x128xi32, #tpu.memory_space<vmem>>
        %dma_wait3A_166 = tpu.memref_squeeze %dma_wait3A_165 : memref<1x128xi32, #tpu.memory_space<vmem>> -> memref<128xi32, #tpu.memory_space<vmem>>
        %dma_wait3A_167 = arith.constant 0 : i32
        %dma_wait3A_168 = arith.constant 0 : i32
        %dma_wait3A_169 = tpu.memref_slice %arg2[%dma_wait3A_167, %dma_wait3A_168] : memref<10240x128xf32, #tpu.memory_space<hbm>> -> memref<10240x128xf32, #tpu.memory_space<hbm>>
        %dma_wait3A_170 = tpu.memref_slice %arg11[%dma_wait3A_163] : memref<2x!tpu.dma_semaphore, #tpu.memory_space<semaphore_mem>> -> memref<1x!tpu.dma_semaphore, #tpu.memory_space<semaphore_mem>>
        %dma_wait3A_171 = tpu.memref_squeeze %dma_wait3A_170 : memref<1x!tpu.dma_semaphore, #tpu.memory_space<semaphore_mem>> -> memref<!tpu.dma_semaphore, #tpu.memory_space<semaphore_mem>>
        tpu.wait_indirect_dma semaphore(%dma_wait3A_171 : memref<!tpu.dma_semaphore, #tpu.memory_space<semaphore_mem>>) src(%dma_wait3A_169 : memref<10240x128xf32, #tpu.memory_space<hbm>>) dst(%arg10 : memref<128x128xf32, #tpu.memory_space<vmem>>)
        %dma_start3A_172 = arith.constant 1 : i32
        %dma_start3A_173 = arith.constant 0 : i32
        %dma_start3A_174 = tpu.memref_slice %arg8[%add3A_162, %dma_start3A_173] : memref<40x128xi32, #tpu.memory_space<vmem>> -> memref<1x128xi32, #tpu.memory_space<vmem>>
        %dma_start3A_175 = tpu.memref_squeeze %dma_start3A_174 : memref<1x128xi32, #tpu.memory_space<vmem>> -> memref<128xi32, #tpu.memory_space<vmem>>
        %dma_start3A_176 = arith.constant 0 : i32
        %dma_start3A_177 = arith.constant 0 : i32
        %dma_start3A_178 = tpu.memref_slice %arg6[%dma_start3A_176, %dma_start3A_177] : memref<10240x128xf32, #tpu.memory_space<vmem_shared>> -> memref<10240x128xf32, #tpu.memory_space<vmem_shared>>
        %dma_start3A_179 = tpu.memref_slice %arg12[%dma_start3A_172] : memref<2x!tpu.dma_semaphore, #tpu.memory_space<semaphore_mem>> -> memref<1x!tpu.dma_semaphore, #tpu.memory_space<semaphore_mem>>
        %dma_start3A_180 = tpu.memref_squeeze %dma_start3A_179 : memref<1x!tpu.dma_semaphore, #tpu.memory_space<semaphore_mem>> -> memref<!tpu.dma_semaphore, #tpu.memory_space<semaphore_mem>>
        tpu.enqueue_indirect_dma source(%arg10 : memref<128x128xf32, #tpu.memory_space<vmem>>) target(%dma_start3A_178 : memref<10240x128xf32, #tpu.memory_space<vmem_shared>>) offsets(%dma_start3A_175 : memref<128xi32, #tpu.memory_space<vmem>>) semaphore(%dma_start3A_180 : memref<!tpu.dma_semaphore, #tpu.memory_space<semaphore_mem>>) {add = true}
        %sub3A_181 = arith.constant 1 : i32
        %sub3A_182 = arith.subi %add3A_162, %sub3A_181 : i32
        %add3A_183 = arith.constant 2 : i32
        %add3A_184 = arith.addi %sub3A_182, %add3A_183 : i32
        %ge3A_185 = arith.constant 0 : i32
        %ge3A_186 = arith.cmpi sge, %sub3A_182, %ge3A_185 : i32
        %lt3A_187 = arith.cmpi slt, %add3A_184, %min3A_52 : i32
        %and3A_188 = arith.andi %ge3A_186, %lt3A_187 : i1
        %convert_element_type3A_189 = arith.extui %and3A_188 : i1 to i32
        %cond3A_190 = arith.constant 0 : i32
        %cond3A_191 = arith.cmpi ne, %convert_element_type3A_189, %cond3A_190 : i32
        scf.if %cond3A_191 {
          %dma_wait3A_192 = arith.constant 0 : i32
          %dma_wait3A_193 = arith.constant 0 : i32
          %dma_wait3A_194 = tpu.memref_slice %arg8[%sub3A_182, %dma_wait3A_193] : memref<40x128xi32, #tpu.memory_space<vmem>> -> memref<1x128xi32, #tpu.memory_space<vmem>>
          %dma_wait3A_195 = tpu.memref_squeeze %dma_wait3A_194 : memref<1x128xi32, #tpu.memory_space<vmem>> -> memref<128xi32, #tpu.memory_space<vmem>>
          %dma_wait3A_196 = arith.constant 0 : i32
          %dma_wait3A_197 = arith.constant 0 : i32
          %dma_wait3A_198 = tpu.memref_slice %arg6[%dma_wait3A_196, %dma_wait3A_197] : memref<10240x128xf32, #tpu.memory_space<vmem_shared>> -> memref<10240x128xf32, #tpu.memory_space<vmem_shared>>
          %dma_wait3A_199 = tpu.memref_slice %arg12[%dma_wait3A_192] : memref<2x!tpu.dma_semaphore, #tpu.memory_space<semaphore_mem>> -> memref<1x!tpu.dma_semaphore, #tpu.memory_space<semaphore_mem>>
          %dma_wait3A_200 = tpu.memref_squeeze %dma_wait3A_199 : memref<1x!tpu.dma_semaphore, #tpu.memory_space<semaphore_mem>> -> memref<!tpu.dma_semaphore, #tpu.memory_space<semaphore_mem>>
          tpu.wait_indirect_dma semaphore(%dma_wait3A_200 : memref<!tpu.dma_semaphore, #tpu.memory_space<semaphore_mem>>) src(%arg9 : memref<128x128xf32, #tpu.memory_space<vmem>>) dst(%dma_wait3A_198 : memref<10240x128xf32, #tpu.memory_space<vmem_shared>>)
          %dma_start3A_201 = arith.constant 0 : i32
          %dma_start3A_202 = arith.constant 0 : i32
          %dma_start3A_203 = tpu.memref_slice %arg7[%add3A_184, %dma_start3A_202] : memref<40x128xi32, #tpu.memory_space<vmem>> -> memref<1x128xi32, #tpu.memory_space<vmem>>
          %dma_start3A_204 = tpu.memref_squeeze %dma_start3A_203 : memref<1x128xi32, #tpu.memory_space<vmem>> -> memref<128xi32, #tpu.memory_space<vmem>>
          %dma_start3A_205 = arith.constant 0 : i32
          %dma_start3A_206 = arith.constant 0 : i32
          %dma_start3A_207 = tpu.memref_slice %arg2[%dma_start3A_205, %dma_start3A_206] : memref<10240x128xf32, #tpu.memory_space<hbm>> -> memref<10240x128xf32, #tpu.memory_space<hbm>>
          %dma_start3A_208 = tpu.memref_slice %arg11[%dma_start3A_201] : memref<2x!tpu.dma_semaphore, #tpu.memory_space<semaphore_mem>> -> memref<1x!tpu.dma_semaphore, #tpu.memory_space<semaphore_mem>>
          %dma_start3A_209 = tpu.memref_squeeze %dma_start3A_208 : memref<1x!tpu.dma_semaphore, #tpu.memory_space<semaphore_mem>> -> memref<!tpu.dma_semaphore, #tpu.memory_space<semaphore_mem>>
          tpu.enqueue_indirect_dma source(%dma_start3A_207 : memref<10240x128xf32, #tpu.memory_space<hbm>>) target(%arg9 : memref<128x128xf32, #tpu.memory_space<vmem>>) offsets(%dma_start3A_204 : memref<128xi32, #tpu.memory_space<vmem>>) semaphore(%dma_start3A_209 : memref<!tpu.dma_semaphore, #tpu.memory_space<semaphore_mem>>)
        } else {
        }
      }
      %while3A_101 = arith.constant 1 : i32
      scf.for %while3A_127 = %while3A_99 to %while3A_95 step %while3A_101  : i32 {
        %mul3A_128 = arith.constant 2 : i32
        %mul3A_129 = arith.muli %while3A_127, %mul3A_128 : i32
        %add3A_130 = arith.constant 0 : i32
        %add3A_131 = arith.addi %mul3A_129, %add3A_130 : i32
        %dma_wait3A_132 = arith.constant 0 : i32
        %dma_wait3A_133 = arith.constant 0 : i32
        %dma_wait3A_134 = tpu.memref_slice %arg7[%add3A_131, %dma_wait3A_133] : memref<40x128xi32, #tpu.memory_space<vmem>> -> memref<1x128xi32, #tpu.memory_space<vmem>>
        %dma_wait3A_135 = tpu.memref_squeeze %dma_wait3A_134 : memref<1x128xi32, #tpu.memory_space<vmem>> -> memref<128xi32, #tpu.memory_space<vmem>>
        %dma_wait3A_136 = arith.constant 0 : i32
        %dma_wait3A_137 = arith.constant 0 : i32
        %dma_wait3A_138 = tpu.memref_slice %arg2[%dma_wait3A_136, %dma_wait3A_137] : memref<10240x128xf32, #tpu.memory_space<hbm>> -> memref<10240x128xf32, #tpu.memory_space<hbm>>
        %dma_wait3A_139 = tpu.memref_slice %arg11[%dma_wait3A_132] : memref<2x!tpu.dma_semaphore, #tpu.memory_space<semaphore_mem>> -> memref<1x!tpu.dma_semaphore, #tpu.memory_space<semaphore_mem>>
        %dma_wait3A_140 = tpu.memref_squeeze %dma_wait3A_139 : memref<1x!tpu.dma_semaphore, #tpu.memory_space<semaphore_mem>> -> memref<!tpu.dma_semaphore, #tpu.memory_space<semaphore_mem>>
        tpu.wait_indirect_dma semaphore(%dma_wait3A_140 : memref<!tpu.dma_semaphore, #tpu.memory_space<semaphore_mem>>) src(%dma_wait3A_138 : memref<10240x128xf32, #tpu.memory_space<hbm>>) dst(%arg9 : memref<128x128xf32, #tpu.memory_space<vmem>>)
        %dma_start3A_141 = arith.constant 0 : i32
        %dma_start3A_142 = arith.constant 0 : i32
        %dma_start3A_143 = tpu.memref_slice %arg8[%add3A_131, %dma_start3A_142] : memref<40x128xi32, #tpu.memory_space<vmem>> -> memref<1x128xi32, #tpu.memory_space<vmem>>
        %dma_start3A_144 = tpu.memref_squeeze %dma_start3A_143 : memref<1x128xi32, #tpu.memory_space<vmem>> -> memref<128xi32, #tpu.memory_space<vmem>>
        %dma_start3A_145 = arith.constant 0 : i32
        %dma_start3A_146 = arith.constant 0 : i32
        %dma_start3A_147 = tpu.memref_slice %arg6[%dma_start3A_145, %dma_start3A_146] : memref<10240x128xf32, #tpu.memory_space<vmem_shared>> -> memref<10240x128xf32, #tpu.memory_space<vmem_shared>>
        %dma_start3A_148 = tpu.memref_slice %arg12[%dma_start3A_141] : memref<2x!tpu.dma_semaphore, #tpu.memory_space<semaphore_mem>> -> memref<1x!tpu.dma_semaphore, #tpu.memory_space<semaphore_mem>>
        %dma_start3A_149 = tpu.memref_squeeze %dma_start3A_148 : memref<1x!tpu.dma_semaphore, #tpu.memory_space<semaphore_mem>> -> memref<!tpu.dma_semaphore, #tpu.memory_space<semaphore_mem>>
        tpu.enqueue_indirect_dma source(%arg9 : memref<128x128xf32, #tpu.memory_space<vmem>>) target(%dma_start3A_147 : memref<10240x128xf32, #tpu.memory_space<vmem_shared>>) offsets(%dma_start3A_144 : memref<128xi32, #tpu.memory_space<vmem>>) semaphore(%dma_start3A_149 : memref<!tpu.dma_semaphore, #tpu.memory_space<semaphore_mem>>) {add = true}
        %sub3A_150 = arith.constant 1 : i32
        %sub3A_151 = arith.subi %add3A_131, %sub3A_150 : i32
        %add3A_152 = arith.constant 2 : i32
        %add3A_153 = arith.addi %sub3A_151, %add3A_152 : i32
        %ge3A = arith.constant 0 : i32
        %ge3A_154 = arith.cmpi sge, %sub3A_151, %ge3A : i32
        %lt3A = arith.cmpi slt, %add3A_153, %min3A_52 : i32
        %and3A_155 = arith.andi %ge3A_154, %lt3A : i1
        %convert_element_type3A_156 = arith.extui %and3A_155 : i1 to i32
        %cond3A_157 = arith.constant 0 : i32
        %cond3A_158 = arith.cmpi ne, %convert_element_type3A_156, %cond3A_157 : i32
        scf.if %cond3A_158 {
          %dma_wait3A_192 = arith.constant 1 : i32
          %dma_wait3A_193 = arith.constant 0 : i32
          %dma_wait3A_194 = tpu.memref_slice %arg8[%sub3A_151, %dma_wait3A_193] : memref<40x128xi32, #tpu.memory_space<vmem>> -> memref<1x128xi32, #tpu.memory_space<vmem>>
          %dma_wait3A_195 = tpu.memref_squeeze %dma_wait3A_194 : memref<1x128xi32, #tpu.memory_space<vmem>> -> memref<128xi32, #tpu.memory_space<vmem>>
          %dma_wait3A_196 = arith.constant 0 : i32
          %dma_wait3A_197 = arith.constant 0 : i32
          %dma_wait3A_198 = tpu.memref_slice %arg6[%dma_wait3A_196, %dma_wait3A_197] : memref<10240x128xf32, #tpu.memory_space<vmem_shared>> -> memref<10240x128xf32, #tpu.memory_space<vmem_shared>>
          %dma_wait3A_199 = tpu.memref_slice %arg12[%dma_wait3A_192] : memref<2x!tpu.dma_semaphore, #tpu.memory_space<semaphore_mem>> -> memref<1x!tpu.dma_semaphore, #tpu.memory_space<semaphore_mem>>
          %dma_wait3A_200 = tpu.memref_squeeze %dma_wait3A_199 : memref<1x!tpu.dma_semaphore, #tpu.memory_space<semaphore_mem>> -> memref<!tpu.dma_semaphore, #tpu.memory_space<semaphore_mem>>
          tpu.wait_indirect_dma semaphore(%dma_wait3A_200 : memref<!tpu.dma_semaphore, #tpu.memory_space<semaphore_mem>>) src(%arg10 : memref<128x128xf32, #tpu.memory_space<vmem>>) dst(%dma_wait3A_198 : memref<10240x128xf32, #tpu.memory_space<vmem_shared>>)
          %dma_start3A_201 = arith.constant 1 : i32
          %dma_start3A_202 = arith.constant 0 : i32
          %dma_start3A_203 = tpu.memref_slice %arg7[%add3A_153, %dma_start3A_202] : memref<40x128xi32, #tpu.memory_space<vmem>> -> memref<1x128xi32, #tpu.memory_space<vmem>>
          %dma_start3A_204 = tpu.memref_squeeze %dma_start3A_203 : memref<1x128xi32, #tpu.memory_space<vmem>> -> memref<128xi32, #tpu.memory_space<vmem>>
          %dma_start3A_205 = arith.constant 0 : i32
          %dma_start3A_206 = arith.constant 0 : i32
          %dma_start3A_207 = tpu.memref_slice %arg2[%dma_start3A_205, %dma_start3A_206] : memref<10240x128xf32, #tpu.memory_space<hbm>> -> memref<10240x128xf32, #tpu.memory_space<hbm>>
          %dma_start3A_208 = tpu.memref_slice %arg11[%dma_start3A_201] : memref<2x!tpu.dma_semaphore, #tpu.memory_space<semaphore_mem>> -> memref<1x!tpu.dma_semaphore, #tpu.memory_space<semaphore_mem>>
          %dma_start3A_209 = tpu.memref_squeeze %dma_start3A_208 : memref<1x!tpu.dma_semaphore, #tpu.memory_space<semaphore_mem>> -> memref<!tpu.dma_semaphore, #tpu.memory_space<semaphore_mem>>
          tpu.enqueue_indirect_dma source(%dma_start3A_207 : memref<10240x128xf32, #tpu.memory_space<hbm>>) target(%arg10 : memref<128x128xf32, #tpu.memory_space<vmem>>) offsets(%dma_start3A_204 : memref<128xi32, #tpu.memory_space<vmem>>) semaphore(%dma_start3A_209 : memref<!tpu.dma_semaphore, #tpu.memory_space<semaphore_mem>>)
        } else {
        }
        %mul3A_159 = arith.constant 2 : i32
        %mul3A_160 = arith.muli %while3A_127, %mul3A_159 : i32
        %add3A_161 = arith.constant 1 : i32
        %add3A_162 = arith.addi %mul3A_160, %add3A_161 : i32
        %dma_wait3A_163 = arith.constant 1 : i32
        %dma_wait3A_164 = arith.constant 0 : i32
        %dma_wait3A_165 = tpu.memref_slice %arg7[%add3A_162, %dma_wait3A_164] : memref<40x128xi32, #tpu.memory_space<vmem>> -> memref<1x128xi32, #tpu.memory_space<vmem>>
        %dma_wait3A_166 = tpu.memref_squeeze %dma_wait3A_165 : memref<1x128xi32, #tpu.memory_space<vmem>> -> memref<128xi32, #tpu.memory_space<vmem>>
        %dma_wait3A_167 = arith.constant 0 : i32
        %dma_wait3A_168 = arith.constant 0 : i32
        %dma_wait3A_169 = tpu.memref_slice %arg2[%dma_wait3A_167, %dma_wait3A_168] : memref<10240x128xf32, #tpu.memory_space<hbm>> -> memref<10240x128xf32, #tpu.memory_space<hbm>>
        %dma_wait3A_170 = tpu.memref_slice %arg11[%dma_wait3A_163] : memref<2x!tpu.dma_semaphore, #tpu.memory_space<semaphore_mem>> -> memref<1x!tpu.dma_semaphore, #tpu.memory_space<semaphore_mem>>
        %dma_wait3A_171 = tpu.memref_squeeze %dma_wait3A_170 : memref<1x!tpu.dma_semaphore, #tpu.memory_space<semaphore_mem>> -> memref<!tpu.dma_semaphore, #tpu.memory_space<semaphore_mem>>
        tpu.wait_indirect_dma semaphore(%dma_wait3A_171 : memref<!tpu.dma_semaphore, #tpu.memory_space<semaphore_mem>>) src(%dma_wait3A_169 : memref<10240x128xf32, #tpu.memory_space<hbm>>) dst(%arg10 : memref<128x128xf32, #tpu.memory_space<vmem>>)
        %dma_start3A_172 = arith.constant 1 : i32
        %dma_start3A_173 = arith.constant 0 : i32
        %dma_start3A_174 = tpu.memref_slice %arg8[%add3A_162, %dma_start3A_173] : memref<40x128xi32, #tpu.memory_space<vmem>> -> memref<1x128xi32, #tpu.memory_space<vmem>>
        %dma_start3A_175 = tpu.memref_squeeze %dma_start3A_174 : memref<1x128xi32, #tpu.memory_space<vmem>> -> memref<128xi32, #tpu.memory_space<vmem>>
        %dma_start3A_176 = arith.constant 0 : i32
        %dma_start3A_177 = arith.constant 0 : i32
        %dma_start3A_178 = tpu.memref_slice %arg6[%dma_start3A_176, %dma_start3A_177] : memref<10240x128xf32, #tpu.memory_space<vmem_shared>> -> memref<10240x128xf32, #tpu.memory_space<vmem_shared>>
        %dma_start3A_179 = tpu.memref_slice %arg12[%dma_start3A_172] : memref<2x!tpu.dma_semaphore, #tpu.memory_space<semaphore_mem>> -> memref<1x!tpu.dma_semaphore, #tpu.memory_space<semaphore_mem>>
        %dma_start3A_180 = tpu.memref_squeeze %dma_start3A_179 : memref<1x!tpu.dma_semaphore, #tpu.memory_space<semaphore_mem>> -> memref<!tpu.dma_semaphore, #tpu.memory_space<semaphore_mem>>
        tpu.enqueue_indirect_dma source(%arg10 : memref<128x128xf32, #tpu.memory_space<vmem>>) target(%dma_start3A_178 : memref<10240x128xf32, #tpu.memory_space<vmem_shared>>) offsets(%dma_start3A_175 : memref<128xi32, #tpu.memory_space<vmem>>) semaphore(%dma_start3A_180 : memref<!tpu.dma_semaphore, #tpu.memory_space<semaphore_mem>>) {add = true}
        %sub3A_181 = arith.constant 1 : i32
        %sub3A_182 = arith.subi %add3A_162, %sub3A_181 : i32
        %add3A_183 = arith.constant 2 : i32
        %add3A_184 = arith.addi %sub3A_182, %add3A_183 : i32
        %ge3A_185 = arith.constant 0 : i32
        %ge3A_186 = arith.cmpi sge, %sub3A_182, %ge3A_185 : i32
        %lt3A_187 = arith.cmpi slt, %add3A_184, %min3A_52 : i32
        %and3A_188 = arith.andi %ge3A_186, %lt3A_187 : i1
        %convert_element_type3A_189 = arith.extui %and3A_188 : i1 to i32
        %cond3A_190 = arith.constant 0 : i32
        %cond3A_191 = arith.cmpi ne, %convert_element_type3A_189, %cond3A_190 : i32
        scf.if %cond3A_191 {
          %dma_wait3A_192 = arith.constant 0 : i32
          %dma_wait3A_193 = arith.constant 0 : i32
          %dma_wait3A_194 = tpu.memref_slice %arg8[%sub3A_182, %dma_wait3A_193] : memref<40x128xi32, #tpu.memory_space<vmem>> -> memref<1x128xi32, #tpu.memory_space<vmem>>
          %dma_wait3A_195 = tpu.memref_squeeze %dma_wait3A_194 : memref<1x128xi32, #tpu.memory_space<vmem>> -> memref<128xi32, #tpu.memory_space<vmem>>
          %dma_wait3A_196 = arith.constant 0 : i32
          %dma_wait3A_197 = arith.constant 0 : i32
          %dma_wait3A_198 = tpu.memref_slice %arg6[%dma_wait3A_196, %dma_wait3A_197] : memref<10240x128xf32, #tpu.memory_space<vmem_shared>> -> memref<10240x128xf32, #tpu.memory_space<vmem_shared>>
          %dma_wait3A_199 = tpu.memref_slice %arg12[%dma_wait3A_192] : memref<2x!tpu.dma_semaphore, #tpu.memory_space<semaphore_mem>> -> memref<1x!tpu.dma_semaphore, #tpu.memory_space<semaphore_mem>>
          %dma_wait3A_200 = tpu.memref_squeeze %dma_wait3A_199 : memref<1x!tpu.dma_semaphore, #tpu.memory_space<semaphore_mem>> -> memref<!tpu.dma_semaphore, #tpu.memory_space<semaphore_mem>>
          tpu.wait_indirect_dma semaphore(%dma_wait3A_200 : memref<!tpu.dma_semaphore, #tpu.memory_space<semaphore_mem>>) src(%arg9 : memref<128x128xf32, #tpu.memory_space<vmem>>) dst(%dma_wait3A_198 : memref<10240x128xf32, #tpu.memory_space<vmem_shared>>)
          %dma_start3A_201 = arith.constant 0 : i32
          %dma_start3A_202 = arith.constant 0 : i32
          %dma_start3A_203 = tpu.memref_slice %arg7[%add3A_184, %dma_start3A_202] : memref<40x128xi32, #tpu.memory_space<vmem>> -> memref<1x128xi32, #tpu.memory_space<vmem>>
          %dma_start3A_204 = tpu.memref_squeeze %dma_start3A_203 : memref<1x128xi32, #tpu.memory_space<vmem>> -> memref<128xi32, #tpu.memory_space<vmem>>
          %dma_start3A_205 = arith.constant 0 : i32
          %dma_start3A_206 = arith.constant 0 : i32
          %dma_start3A_207 = tpu.memref_slice %arg2[%dma_start3A_205, %dma_start3A_206] : memref<10240x128xf32, #tpu.memory_space<hbm>> -> memref<10240x128xf32, #tpu.memory_space<hbm>>
          %dma_start3A_208 = tpu.memref_slice %arg11[%dma_start3A_201] : memref<2x!tpu.dma_semaphore, #tpu.memory_space<semaphore_mem>> -> memref<1x!tpu.dma_semaphore, #tpu.memory_space<semaphore_mem>>
          %dma_start3A_209 = tpu.memref_squeeze %dma_start3A_208 : memref<1x!tpu.dma_semaphore, #tpu.memory_space<semaphore_mem>> -> memref<!tpu.dma_semaphore, #tpu.memory_space<semaphore_mem>>
          tpu.enqueue_indirect_dma source(%dma_start3A_207 : memref<10240x128xf32, #tpu.memory_space<hbm>>) target(%arg9 : memref<128x128xf32, #tpu.memory_space<vmem>>) offsets(%dma_start3A_204 : memref<128xi32, #tpu.memory_space<vmem>>) semaphore(%dma_start3A_209 : memref<!tpu.dma_semaphore, #tpu.memory_space<semaphore_mem>>)
        } else {
        }
      }
      %sub3A_102 = arith.constant 2 : i32
      %sub3A_103 = arith.subi %min3A_52, %sub3A_102 : i32
      %add3A_104 = arith.constant 0 : i32
      %add3A_105 = arith.addi %sub3A_103, %add3A_104 : i32
      %dma_wait3A = arith.constant 0 : i32
      %dma_wait3A_106 = arith.constant 0 : i32
      %dma_wait3A_107 = tpu.memref_slice %arg8[%add3A_105, %dma_wait3A_106] : memref<40x128xi32, #tpu.memory_space<vmem>> -> memref<1x128xi32, #tpu.memory_space<vmem>>
      %dma_wait3A_108 = tpu.memref_squeeze %dma_wait3A_107 : memref<1x128xi32, #tpu.memory_space<vmem>> -> memref<128xi32, #tpu.memory_space<vmem>>
      %dma_wait3A_109 = arith.constant 0 : i32
      %dma_wait3A_110 = arith.constant 0 : i32
      %dma_wait3A_111 = tpu.memref_slice %arg6[%dma_wait3A_109, %dma_wait3A_110] : memref<10240x128xf32, #tpu.memory_space<vmem_shared>> -> memref<10240x128xf32, #tpu.memory_space<vmem_shared>>
      %dma_wait3A_112 = tpu.memref_slice %arg12[%dma_wait3A] : memref<2x!tpu.dma_semaphore, #tpu.memory_space<semaphore_mem>> -> memref<1x!tpu.dma_semaphore, #tpu.memory_space<semaphore_mem>>
      %dma_wait3A_113 = tpu.memref_squeeze %dma_wait3A_112 : memref<1x!tpu.dma_semaphore, #tpu.memory_space<semaphore_mem>> -> memref<!tpu.dma_semaphore, #tpu.memory_space<semaphore_mem>>
      tpu.wait_indirect_dma semaphore(%dma_wait3A_113 : memref<!tpu.dma_semaphore, #tpu.memory_space<semaphore_mem>>) src(%arg9 : memref<128x128xf32, #tpu.memory_space<vmem>>) dst(%dma_wait3A_111 : memref<10240x128xf32, #tpu.memory_space<vmem_shared>>)
      %sub3A_114 = arith.constant 2 : i32
      %sub3A_115 = arith.subi %min3A_52, %sub3A_114 : i32
      %add3A_116 = arith.constant 1 : i32
      %add3A_117 = arith.addi %sub3A_115, %add3A_116 : i32
      %dma_wait3A_118 = arith.constant 1 : i32
      %dma_wait3A_119 = arith.constant 0 : i32
      %dma_wait3A_120 = tpu.memref_slice %arg8[%add3A_117, %dma_wait3A_119] : memref<40x128xi32, #tpu.memory_space<vmem>> -> memref<1x128xi32, #tpu.memory_space<vmem>>
      %dma_wait3A_121 = tpu.memref_squeeze %dma_wait3A_120 : memref<1x128xi32, #tpu.memory_space<vmem>> -> memref<128xi32, #tpu.memory_space<vmem>>
      %dma_wait3A_122 = arith.constant 0 : i32
      %dma_wait3A_123 = arith.constant 0 : i32
      %dma_wait3A_124 = tpu.memref_slice %arg6[%dma_wait3A_122, %dma_wait3A_123] : memref<10240x128xf32, #tpu.memory_space<vmem_shared>> -> memref<10240x128xf32, #tpu.memory_space<vmem_shared>>
      %dma_wait3A_125 = tpu.memref_slice %arg12[%dma_wait3A_118] : memref<2x!tpu.dma_semaphore, #tpu.memory_space<semaphore_mem>> -> memref<1x!tpu.dma_semaphore, #tpu.memory_space<semaphore_mem>>
      %dma_wait3A_126 = tpu.memref_squeeze %dma_wait3A_125 : memref<1x!tpu.dma_semaphore, #tpu.memory_space<semaphore_mem>> -> memref<!tpu.dma_semaphore, #tpu.memory_space<semaphore_mem>>
      tpu.wait_indirect_dma semaphore(%dma_wait3A_126 : memref<!tpu.dma_semaphore, #tpu.memory_space<semaphore_mem>>) src(%arg10 : memref<128x128xf32, #tpu.memory_space<vmem>>) dst(%dma_wait3A_124 : memref<10240x128xf32, #tpu.memory_space<vmem_shared>>)
    } else {
    }
    %gt3A_36 = arith.constant 80 : i32
    %gt3A_37 = arith.cmpi sgt, %select_n3A, %gt3A_36 : i32
    %convert_element_type3A_38 = arith.extui %gt3A_37 : i1 to i32
    %cond3A_39 = arith.constant 0 : i32
    %cond3A_40 = arith.cmpi ne, %convert_element_type3A_38, %cond3A_39 : i32
    scf.if %cond3A_40 {
      %sub3A = arith.constant 80 : i32
      %sub3A_51 = arith.subi %select_n3A, %sub3A : i32
      %min3A = arith.constant 40 : i32
      %min3A_52 = arith.minsi %min3A, %sub3A_51 : i32
      %add3A_53 = arith.constant 80 : i32
      %add3A_54 = arith.addi %add3A, %add3A_53 : i32
      %multiple_of3A = tpu.assume_multiple %add3A_54, 8 : i32
      "tpu.region"() ({
        %run_scoped3A = tpu.sem_alloc : memref<!tpu.dma_semaphore, #tpu.memory_space<semaphore_mem>>
        %dma_start3A_127 = arith.constant 0 : i32
        %dma_start3A_128 = tpu.memref_slice %arg3[%multiple_of3A, %dma_start3A_127] : memref<2600x128xi32, #tpu.memory_space<hbm>> -> memref<40x128xi32, #tpu.memory_space<hbm>>
        %dma_start3A_129 = arith.constant 0 : i32
        %dma_start3A_130 = tpu.memref_slice %arg3[%multiple_of3A, %dma_start3A_129] : memref<2600x128xi32, #tpu.memory_space<hbm>> -> memref<40x128xi32, #tpu.memory_space<hbm>>
        tpu.enqueue_dma source(%dma_start3A_130 : memref<40x128xi32, #tpu.memory_space<hbm>>) target(%arg7 : memref<40x128xi32, #tpu.memory_space<vmem>>) target_semaphore(%run_scoped3A : memref<!tpu.dma_semaphore, #tpu.memory_space<semaphore_mem>>)
        %dma_wait3A_131 = arith.constant 0 : i32
        %dma_wait3A_132 = tpu.memref_slice %arg3[%multiple_of3A, %dma_wait3A_131] : memref<2600x128xi32, #tpu.memory_space<hbm>> -> memref<40x128xi32, #tpu.memory_space<hbm>>
        %dma_wait3A_133 = arith.constant 0 : i32
        %dma_wait3A_134 = tpu.memref_slice %arg3[%multiple_of3A, %dma_wait3A_133] : memref<2600x128xi32, #tpu.memory_space<hbm>> -> memref<40x128xi32, #tpu.memory_space<hbm>>
        tpu.wait_dma2 semaphore(%run_scoped3A : memref<!tpu.dma_semaphore, #tpu.memory_space<semaphore_mem>>) src(%dma_wait3A_134 : memref<40x128xi32, #tpu.memory_space<hbm>>) dst(%arg7 : memref<40x128xi32, #tpu.memory_space<vmem>>)
        tpu.yield
      }) : () -> ()
      "tpu.region"() ({
        %run_scoped3A = tpu.sem_alloc : memref<!tpu.dma_semaphore, #tpu.memory_space<semaphore_mem>>
        %dma_start3A_127 = arith.constant 0 : i32
        %dma_start3A_128 = tpu.memref_slice %arg4[%multiple_of3A, %dma_start3A_127] : memref<2600x128xi32, #tpu.memory_space<hbm>> -> memref<40x128xi32, #tpu.memory_space<hbm>>
        %dma_start3A_129 = arith.constant 0 : i32
        %dma_start3A_130 = tpu.memref_slice %arg4[%multiple_of3A, %dma_start3A_129] : memref<2600x128xi32, #tpu.memory_space<hbm>> -> memref<40x128xi32, #tpu.memory_space<hbm>>
        tpu.enqueue_dma source(%dma_start3A_130 : memref<40x128xi32, #tpu.memory_space<hbm>>) target(%arg8 : memref<40x128xi32, #tpu.memory_space<vmem>>) target_semaphore(%run_scoped3A : memref<!tpu.dma_semaphore, #tpu.memory_space<semaphore_mem>>)
        %dma_wait3A_131 = arith.constant 0 : i32
        %dma_wait3A_132 = tpu.memref_slice %arg4[%multiple_of3A, %dma_wait3A_131] : memref<2600x128xi32, #tpu.memory_space<hbm>> -> memref<40x128xi32, #tpu.memory_space<hbm>>
        %dma_wait3A_133 = arith.constant 0 : i32
        %dma_wait3A_134 = tpu.memref_slice %arg4[%multiple_of3A, %dma_wait3A_133] : memref<2600x128xi32, #tpu.memory_space<hbm>> -> memref<40x128xi32, #tpu.memory_space<hbm>>
        tpu.wait_dma2 semaphore(%run_scoped3A : memref<!tpu.dma_semaphore, #tpu.memory_space<semaphore_mem>>) src(%dma_wait3A_134 : memref<40x128xi32, #tpu.memory_space<hbm>>) dst(%arg8 : memref<40x128xi32, #tpu.memory_space<vmem>>)
        tpu.yield
      }) : () -> ()
      %dma_start3A = arith.constant 0 : i32
      %dma_start3A_55 = arith.constant 0 : i32
      %dma_start3A_56 = arith.constant 0 : i32
      %dma_start3A_57 = tpu.memref_slice %arg7[%dma_start3A, %dma_start3A_56] : memref<40x128xi32, #tpu.memory_space<vmem>> -> memref<1x128xi32, #tpu.memory_space<vmem>>
      %dma_start3A_58 = tpu.memref_squeeze %dma_start3A_57 : memref<1x128xi32, #tpu.memory_space<vmem>> -> memref<128xi32, #tpu.memory_space<vmem>>
      %dma_start3A_59 = arith.constant 0 : i32
      %dma_start3A_60 = arith.constant 0 : i32
      %dma_start3A_61 = tpu.memref_slice %arg2[%dma_start3A_59, %dma_start3A_60] : memref<10240x128xf32, #tpu.memory_space<hbm>> -> memref<10240x128xf32, #tpu.memory_space<hbm>>
      %dma_start3A_62 = tpu.memref_slice %arg11[%dma_start3A_55] : memref<2x!tpu.dma_semaphore, #tpu.memory_space<semaphore_mem>> -> memref<1x!tpu.dma_semaphore, #tpu.memory_space<semaphore_mem>>
      %dma_start3A_63 = tpu.memref_squeeze %dma_start3A_62 : memref<1x!tpu.dma_semaphore, #tpu.memory_space<semaphore_mem>> -> memref<!tpu.dma_semaphore, #tpu.memory_space<semaphore_mem>>
      tpu.enqueue_indirect_dma source(%dma_start3A_61 : memref<10240x128xf32, #tpu.memory_space<hbm>>) target(%arg9 : memref<128x128xf32, #tpu.memory_space<vmem>>) offsets(%dma_start3A_58 : memref<128xi32, #tpu.memory_space<vmem>>) semaphore(%dma_start3A_63 : memref<!tpu.dma_semaphore, #tpu.memory_space<semaphore_mem>>)
      %dma_start3A_64 = arith.constant 1 : i32
      %dma_start3A_65 = arith.constant 1 : i32
      %dma_start3A_66 = arith.constant 0 : i32
      %dma_start3A_67 = tpu.memref_slice %arg7[%dma_start3A_64, %dma_start3A_66] : memref<40x128xi32, #tpu.memory_space<vmem>> -> memref<1x128xi32, #tpu.memory_space<vmem>>
      %dma_start3A_68 = tpu.memref_squeeze %dma_start3A_67 : memref<1x128xi32, #tpu.memory_space<vmem>> -> memref<128xi32, #tpu.memory_space<vmem>>
      %dma_start3A_69 = arith.constant 0 : i32
      %dma_start3A_70 = arith.constant 0 : i32
      %dma_start3A_71 = tpu.memref_slice %arg2[%dma_start3A_69, %dma_start3A_70] : memref<10240x128xf32, #tpu.memory_space<hbm>> -> memref<10240x128xf32, #tpu.memory_space<hbm>>
      %dma_start3A_72 = tpu.memref_slice %arg11[%dma_start3A_65] : memref<2x!tpu.dma_semaphore, #tpu.memory_space<semaphore_mem>> -> memref<1x!tpu.dma_semaphore, #tpu.memory_space<semaphore_mem>>
      %dma_start3A_73 = tpu.memref_squeeze %dma_start3A_72 : memref<1x!tpu.dma_semaphore, #tpu.memory_space<semaphore_mem>> -> memref<!tpu.dma_semaphore, #tpu.memory_space<semaphore_mem>>
      tpu.enqueue_indirect_dma source(%dma_start3A_71 : memref<10240x128xf32, #tpu.memory_space<hbm>>) target(%arg10 : memref<128x128xf32, #tpu.memory_space<vmem>>) offsets(%dma_start3A_68 : memref<128xi32, #tpu.memory_space<vmem>>) semaphore(%dma_start3A_73 : memref<!tpu.dma_semaphore, #tpu.memory_space<semaphore_mem>>)
      %jit3A_74 = arith.constant 2 : i32
      %div3A = arith.divsi %min3A_52, %jit3A_74 : i32
      %sign3A = arith.constant 0 : i32
      %sign3A_75 = arith.cmpi sgt, %min3A_52, %sign3A : i32
      %sign3A_76 = arith.extui %sign3A_75 : i1 to i32
      %sign3A_77 = arith.constant 0 : i32
      %sign3A_78 = arith.cmpi slt, %min3A_52, %sign3A_77 : i32
      %sign3A_79 = arith.extui %sign3A_78 : i1 to i32
      %sign3A_80 = arith.subi %sign3A_76, %sign3A_79 : i32
      %sign3A_81 = arith.constant 0 : i32
      %sign3A_82 = arith.cmpi sgt, %jit3A_74, %sign3A_81 : i32
      %sign3A_83 = arith.extui %sign3A_82 : i1 to i32
      %sign3A_84 = arith.constant 0 : i32
      %sign3A_85 = arith.cmpi slt, %jit3A_74, %sign3A_84 : i32
      %sign3A_86 = arith.extui %sign3A_85 : i1 to i32
      %sign3A_87 = arith.subi %sign3A_83, %sign3A_86 : i32
      %ne3A = arith.cmpi ne, %sign3A_80, %sign3A_87 : i32
      %rem3A = arith.remsi %min3A_52, %jit3A_74 : i32
      %ne3A_88 = arith.constant 0 : i32
      %ne3A_89 = arith.cmpi ne, %rem3A, %ne3A_88 : i32
      %and3A = arith.andi %ne3A, %ne3A_89 : i1
      %sub3A_90 = arith.constant 1 : i32
      %sub3A_91 = arith.subi %div3A, %sub3A_90 : i32
      %select_n3A_92 = arith.select %and3A, %sub3A_91, %div3A : i32
      %while3A = arith.constant 0 : i32
      %while3A_93 = arith.constant 0 : i32
      %while3A_94 = arith.subi %select_n3A_92, %while3A_93 : i32
      %while3A_95 = arith.addi %while3A_93, %while3A_94 : i32
      %while3A_96 = arith.constant 1 : i32
      %while3A_97 = arith.divsi %while3A_94, %while3A_96 : i32
      %while3A_98 = arith.muli %while3A_97, %while3A_96 : i32
      %while3A_99 = arith.addi %while3A_93, %while3A_98 : i32
      %while3A_100 = arith.constant 1 : i32
      scf.for %while3A_127 = %while3A_93 to %while3A_99 step %while3A_100  : i32 {
        %mul3A_128 = arith.constant 2 : i32
        %mul3A_129 = arith.muli %while3A_127, %mul3A_128 : i32
        %add3A_130 = arith.constant 0 : i32
        %add3A_131 = arith.addi %mul3A_129, %add3A_130 : i32
        %dma_wait3A_132 = arith.constant 0 : i32
        %dma_wait3A_133 = arith.constant 0 : i32
        %dma_wait3A_134 = tpu.memref_slice %arg7[%add3A_131, %dma_wait3A_133] : memref<40x128xi32, #tpu.memory_space<vmem>> -> memref<1x128xi32, #tpu.memory_space<vmem>>
        %dma_wait3A_135 = tpu.memref_squeeze %dma_wait3A_134 : memref<1x128xi32, #tpu.memory_space<vmem>> -> memref<128xi32, #tpu.memory_space<vmem>>
        %dma_wait3A_136 = arith.constant 0 : i32
        %dma_wait3A_137 = arith.constant 0 : i32
        %dma_wait3A_138 = tpu.memref_slice %arg2[%dma_wait3A_136, %dma_wait3A_137] : memref<10240x128xf32, #tpu.memory_space<hbm>> -> memref<10240x128xf32, #tpu.memory_space<hbm>>
        %dma_wait3A_139 = tpu.memref_slice %arg11[%dma_wait3A_132] : memref<2x!tpu.dma_semaphore, #tpu.memory_space<semaphore_mem>> -> memref<1x!tpu.dma_semaphore, #tpu.memory_space<semaphore_mem>>
        %dma_wait3A_140 = tpu.memref_squeeze %dma_wait3A_139 : memref<1x!tpu.dma_semaphore, #tpu.memory_space<semaphore_mem>> -> memref<!tpu.dma_semaphore, #tpu.memory_space<semaphore_mem>>
        tpu.wait_indirect_dma semaphore(%dma_wait3A_140 : memref<!tpu.dma_semaphore, #tpu.memory_space<semaphore_mem>>) src(%dma_wait3A_138 : memref<10240x128xf32, #tpu.memory_space<hbm>>) dst(%arg9 : memref<128x128xf32, #tpu.memory_space<vmem>>)
        %dma_start3A_141 = arith.constant 0 : i32
        %dma_start3A_142 = arith.constant 0 : i32
        %dma_start3A_143 = tpu.memref_slice %arg8[%add3A_131, %dma_start3A_142] : memref<40x128xi32, #tpu.memory_space<vmem>> -> memref<1x128xi32, #tpu.memory_space<vmem>>
        %dma_start3A_144 = tpu.memref_squeeze %dma_start3A_143 : memref<1x128xi32, #tpu.memory_space<vmem>> -> memref<128xi32, #tpu.memory_space<vmem>>
        %dma_start3A_145 = arith.constant 0 : i32
        %dma_start3A_146 = arith.constant 0 : i32
        %dma_start3A_147 = tpu.memref_slice %arg6[%dma_start3A_145, %dma_start3A_146] : memref<10240x128xf32, #tpu.memory_space<vmem_shared>> -> memref<10240x128xf32, #tpu.memory_space<vmem_shared>>
        %dma_start3A_148 = tpu.memref_slice %arg12[%dma_start3A_141] : memref<2x!tpu.dma_semaphore, #tpu.memory_space<semaphore_mem>> -> memref<1x!tpu.dma_semaphore, #tpu.memory_space<semaphore_mem>>
        %dma_start3A_149 = tpu.memref_squeeze %dma_start3A_148 : memref<1x!tpu.dma_semaphore, #tpu.memory_space<semaphore_mem>> -> memref<!tpu.dma_semaphore, #tpu.memory_space<semaphore_mem>>
        tpu.enqueue_indirect_dma source(%arg9 : memref<128x128xf32, #tpu.memory_space<vmem>>) target(%dma_start3A_147 : memref<10240x128xf32, #tpu.memory_space<vmem_shared>>) offsets(%dma_start3A_144 : memref<128xi32, #tpu.memory_space<vmem>>) semaphore(%dma_start3A_149 : memref<!tpu.dma_semaphore, #tpu.memory_space<semaphore_mem>>) {add = true}
        %sub3A_150 = arith.constant 1 : i32
        %sub3A_151 = arith.subi %add3A_131, %sub3A_150 : i32
        %add3A_152 = arith.constant 2 : i32
        %add3A_153 = arith.addi %sub3A_151, %add3A_152 : i32
        %ge3A = arith.constant 0 : i32
        %ge3A_154 = arith.cmpi sge, %sub3A_151, %ge3A : i32
        %lt3A = arith.cmpi slt, %add3A_153, %min3A_52 : i32
        %and3A_155 = arith.andi %ge3A_154, %lt3A : i1
        %convert_element_type3A_156 = arith.extui %and3A_155 : i1 to i32
        %cond3A_157 = arith.constant 0 : i32
        %cond3A_158 = arith.cmpi ne, %convert_element_type3A_156, %cond3A_157 : i32
        scf.if %cond3A_158 {
          %dma_wait3A_192 = arith.constant 1 : i32
          %dma_wait3A_193 = arith.constant 0 : i32
          %dma_wait3A_194 = tpu.memref_slice %arg8[%sub3A_151, %dma_wait3A_193] : memref<40x128xi32, #tpu.memory_space<vmem>> -> memref<1x128xi32, #tpu.memory_space<vmem>>
          %dma_wait3A_195 = tpu.memref_squeeze %dma_wait3A_194 : memref<1x128xi32, #tpu.memory_space<vmem>> -> memref<128xi32, #tpu.memory_space<vmem>>
          %dma_wait3A_196 = arith.constant 0 : i32
          %dma_wait3A_197 = arith.constant 0 : i32
          %dma_wait3A_198 = tpu.memref_slice %arg6[%dma_wait3A_196, %dma_wait3A_197] : memref<10240x128xf32, #tpu.memory_space<vmem_shared>> -> memref<10240x128xf32, #tpu.memory_space<vmem_shared>>
          %dma_wait3A_199 = tpu.memref_slice %arg12[%dma_wait3A_192] : memref<2x!tpu.dma_semaphore, #tpu.memory_space<semaphore_mem>> -> memref<1x!tpu.dma_semaphore, #tpu.memory_space<semaphore_mem>>
          %dma_wait3A_200 = tpu.memref_squeeze %dma_wait3A_199 : memref<1x!tpu.dma_semaphore, #tpu.memory_space<semaphore_mem>> -> memref<!tpu.dma_semaphore, #tpu.memory_space<semaphore_mem>>
          tpu.wait_indirect_dma semaphore(%dma_wait3A_200 : memref<!tpu.dma_semaphore, #tpu.memory_space<semaphore_mem>>) src(%arg10 : memref<128x128xf32, #tpu.memory_space<vmem>>) dst(%dma_wait3A_198 : memref<10240x128xf32, #tpu.memory_space<vmem_shared>>)
          %dma_start3A_201 = arith.constant 1 : i32
          %dma_start3A_202 = arith.constant 0 : i32
          %dma_start3A_203 = tpu.memref_slice %arg7[%add3A_153, %dma_start3A_202] : memref<40x128xi32, #tpu.memory_space<vmem>> -> memref<1x128xi32, #tpu.memory_space<vmem>>
          %dma_start3A_204 = tpu.memref_squeeze %dma_start3A_203 : memref<1x128xi32, #tpu.memory_space<vmem>> -> memref<128xi32, #tpu.memory_space<vmem>>
          %dma_start3A_205 = arith.constant 0 : i32
          %dma_start3A_206 = arith.constant 0 : i32
          %dma_start3A_207 = tpu.memref_slice %arg2[%dma_start3A_205, %dma_start3A_206] : memref<10240x128xf32, #tpu.memory_space<hbm>> -> memref<10240x128xf32, #tpu.memory_space<hbm>>
          %dma_start3A_208 = tpu.memref_slice %arg11[%dma_start3A_201] : memref<2x!tpu.dma_semaphore, #tpu.memory_space<semaphore_mem>> -> memref<1x!tpu.dma_semaphore, #tpu.memory_space<semaphore_mem>>
          %dma_start3A_209 = tpu.memref_squeeze %dma_start3A_208 : memref<1x!tpu.dma_semaphore, #tpu.memory_space<semaphore_mem>> -> memref<!tpu.dma_semaphore, #tpu.memory_space<semaphore_mem>>
          tpu.enqueue_indirect_dma source(%dma_start3A_207 : memref<10240x128xf32, #tpu.memory_space<hbm>>) target(%arg10 : memref<128x128xf32, #tpu.memory_space<vmem>>) offsets(%dma_start3A_204 : memref<128xi32, #tpu.memory_space<vmem>>) semaphore(%dma_start3A_209 : memref<!tpu.dma_semaphore, #tpu.memory_space<semaphore_mem>>)
        } else {
        }
        %mul3A_159 = arith.constant 2 : i32
        %mul3A_160 = arith.muli %while3A_127, %mul3A_159 : i32
        %add3A_161 = arith.constant 1 : i32
        %add3A_162 = arith.addi %mul3A_160, %add3A_161 : i32
        %dma_wait3A_163 = arith.constant 1 : i32
        %dma_wait3A_164 = arith.constant 0 : i32
        %dma_wait3A_165 = tpu.memref_slice %arg7[%add3A_162, %dma_wait3A_164] : memref<40x128xi32, #tpu.memory_space<vmem>> -> memref<1x128xi32, #tpu.memory_space<vmem>>
        %dma_wait3A_166 = tpu.memref_squeeze %dma_wait3A_165 : memref<1x128xi32, #tpu.memory_space<vmem>> -> memref<128xi32, #tpu.memory_space<vmem>>
        %dma_wait3A_167 = arith.constant 0 : i32
        %dma_wait3A_168 = arith.constant 0 : i32
        %dma_wait3A_169 = tpu.memref_slice %arg2[%dma_wait3A_167, %dma_wait3A_168] : memref<10240x128xf32, #tpu.memory_space<hbm>> -> memref<10240x128xf32, #tpu.memory_space<hbm>>
        %dma_wait3A_170 = tpu.memref_slice %arg11[%dma_wait3A_163] : memref<2x!tpu.dma_semaphore, #tpu.memory_space<semaphore_mem>> -> memref<1x!tpu.dma_semaphore, #tpu.memory_space<semaphore_mem>>
        %dma_wait3A_171 = tpu.memref_squeeze %dma_wait3A_170 : memref<1x!tpu.dma_semaphore, #tpu.memory_space<semaphore_mem>> -> memref<!tpu.dma_semaphore, #tpu.memory_space<semaphore_mem>>
        tpu.wait_indirect_dma semaphore(%dma_wait3A_171 : memref<!tpu.dma_semaphore, #tpu.memory_space<semaphore_mem>>) src(%dma_wait3A_169 : memref<10240x128xf32, #tpu.memory_space<hbm>>) dst(%arg10 : memref<128x128xf32, #tpu.memory_space<vmem>>)
        %dma_start3A_172 = arith.constant 1 : i32
        %dma_start3A_173 = arith.constant 0 : i32
        %dma_start3A_174 = tpu.memref_slice %arg8[%add3A_162, %dma_start3A_173] : memref<40x128xi32, #tpu.memory_space<vmem>> -> memref<1x128xi32, #tpu.memory_space<vmem>>
        %dma_start3A_175 = tpu.memref_squeeze %dma_start3A_174 : memref<1x128xi32, #tpu.memory_space<vmem>> -> memref<128xi32, #tpu.memory_space<vmem>>
        %dma_start3A_176 = arith.constant 0 : i32
        %dma_start3A_177 = arith.constant 0 : i32
        %dma_start3A_178 = tpu.memref_slice %arg6[%dma_start3A_176, %dma_start3A_177] : memref<10240x128xf32, #tpu.memory_space<vmem_shared>> -> memref<10240x128xf32, #tpu.memory_space<vmem_shared>>
        %dma_start3A_179 = tpu.memref_slice %arg12[%dma_start3A_172] : memref<2x!tpu.dma_semaphore, #tpu.memory_space<semaphore_mem>> -> memref<1x!tpu.dma_semaphore, #tpu.memory_space<semaphore_mem>>
        %dma_start3A_180 = tpu.memref_squeeze %dma_start3A_179 : memref<1x!tpu.dma_semaphore, #tpu.memory_space<semaphore_mem>> -> memref<!tpu.dma_semaphore, #tpu.memory_space<semaphore_mem>>
        tpu.enqueue_indirect_dma source(%arg10 : memref<128x128xf32, #tpu.memory_space<vmem>>) target(%dma_start3A_178 : memref<10240x128xf32, #tpu.memory_space<vmem_shared>>) offsets(%dma_start3A_175 : memref<128xi32, #tpu.memory_space<vmem>>) semaphore(%dma_start3A_180 : memref<!tpu.dma_semaphore, #tpu.memory_space<semaphore_mem>>) {add = true}
        %sub3A_181 = arith.constant 1 : i32
        %sub3A_182 = arith.subi %add3A_162, %sub3A_181 : i32
        %add3A_183 = arith.constant 2 : i32
        %add3A_184 = arith.addi %sub3A_182, %add3A_183 : i32
        %ge3A_185 = arith.constant 0 : i32
        %ge3A_186 = arith.cmpi sge, %sub3A_182, %ge3A_185 : i32
        %lt3A_187 = arith.cmpi slt, %add3A_184, %min3A_52 : i32
        %and3A_188 = arith.andi %ge3A_186, %lt3A_187 : i1
        %convert_element_type3A_189 = arith.extui %and3A_188 : i1 to i32
        %cond3A_190 = arith.constant 0 : i32
        %cond3A_191 = arith.cmpi ne, %convert_element_type3A_189, %cond3A_190 : i32
        scf.if %cond3A_191 {
          %dma_wait3A_192 = arith.constant 0 : i32
          %dma_wait3A_193 = arith.constant 0 : i32
          %dma_wait3A_194 = tpu.memref_slice %arg8[%sub3A_182, %dma_wait3A_193] : memref<40x128xi32, #tpu.memory_space<vmem>> -> memref<1x128xi32, #tpu.memory_space<vmem>>
          %dma_wait3A_195 = tpu.memref_squeeze %dma_wait3A_194 : memref<1x128xi32, #tpu.memory_space<vmem>> -> memref<128xi32, #tpu.memory_space<vmem>>
          %dma_wait3A_196 = arith.constant 0 : i32
          %dma_wait3A_197 = arith.constant 0 : i32
          %dma_wait3A_198 = tpu.memref_slice %arg6[%dma_wait3A_196, %dma_wait3A_197] : memref<10240x128xf32, #tpu.memory_space<vmem_shared>> -> memref<10240x128xf32, #tpu.memory_space<vmem_shared>>
          %dma_wait3A_199 = tpu.memref_slice %arg12[%dma_wait3A_192] : memref<2x!tpu.dma_semaphore, #tpu.memory_space<semaphore_mem>> -> memref<1x!tpu.dma_semaphore, #tpu.memory_space<semaphore_mem>>
          %dma_wait3A_200 = tpu.memref_squeeze %dma_wait3A_199 : memref<1x!tpu.dma_semaphore, #tpu.memory_space<semaphore_mem>> -> memref<!tpu.dma_semaphore, #tpu.memory_space<semaphore_mem>>
          tpu.wait_indirect_dma semaphore(%dma_wait3A_200 : memref<!tpu.dma_semaphore, #tpu.memory_space<semaphore_mem>>) src(%arg9 : memref<128x128xf32, #tpu.memory_space<vmem>>) dst(%dma_wait3A_198 : memref<10240x128xf32, #tpu.memory_space<vmem_shared>>)
          %dma_start3A_201 = arith.constant 0 : i32
          %dma_start3A_202 = arith.constant 0 : i32
          %dma_start3A_203 = tpu.memref_slice %arg7[%add3A_184, %dma_start3A_202] : memref<40x128xi32, #tpu.memory_space<vmem>> -> memref<1x128xi32, #tpu.memory_space<vmem>>
          %dma_start3A_204 = tpu.memref_squeeze %dma_start3A_203 : memref<1x128xi32, #tpu.memory_space<vmem>> -> memref<128xi32, #tpu.memory_space<vmem>>
          %dma_start3A_205 = arith.constant 0 : i32
          %dma_start3A_206 = arith.constant 0 : i32
          %dma_start3A_207 = tpu.memref_slice %arg2[%dma_start3A_205, %dma_start3A_206] : memref<10240x128xf32, #tpu.memory_space<hbm>> -> memref<10240x128xf32, #tpu.memory_space<hbm>>
          %dma_start3A_208 = tpu.memref_slice %arg11[%dma_start3A_201] : memref<2x!tpu.dma_semaphore, #tpu.memory_space<semaphore_mem>> -> memref<1x!tpu.dma_semaphore, #tpu.memory_space<semaphore_mem>>
          %dma_start3A_209 = tpu.memref_squeeze %dma_start3A_208 : memref<1x!tpu.dma_semaphore, #tpu.memory_space<semaphore_mem>> -> memref<!tpu.dma_semaphore, #tpu.memory_space<semaphore_mem>>
          tpu.enqueue_indirect_dma source(%dma_start3A_207 : memref<10240x128xf32, #tpu.memory_space<hbm>>) target(%arg9 : memref<128x128xf32, #tpu.memory_space<vmem>>) offsets(%dma_start3A_204 : memref<128xi32, #tpu.memory_space<vmem>>) semaphore(%dma_start3A_209 : memref<!tpu.dma_semaphore, #tpu.memory_space<semaphore_mem>>)
        } else {
        }
      }
      %while3A_101 = arith.constant 1 : i32
      scf.for %while3A_127 = %while3A_99 to %while3A_95 step %while3A_101  : i32 {
        %mul3A_128 = arith.constant 2 : i32
        %mul3A_129 = arith.muli %while3A_127, %mul3A_128 : i32
        %add3A_130 = arith.constant 0 : i32
        %add3A_131 = arith.addi %mul3A_129, %add3A_130 : i32
        %dma_wait3A_132 = arith.constant 0 : i32
        %dma_wait3A_133 = arith.constant 0 : i32
        %dma_wait3A_134 = tpu.memref_slice %arg7[%add3A_131, %dma_wait3A_133] : memref<40x128xi32, #tpu.memory_space<vmem>> -> memref<1x128xi32, #tpu.memory_space<vmem>>
        %dma_wait3A_135 = tpu.memref_squeeze %dma_wait3A_134 : memref<1x128xi32, #tpu.memory_space<vmem>> -> memref<128xi32, #tpu.memory_space<vmem>>
        %dma_wait3A_136 = arith.constant 0 : i32
        %dma_wait3A_137 = arith.constant 0 : i32
        %dma_wait3A_138 = tpu.memref_slice %arg2[%dma_wait3A_136, %dma_wait3A_137] : memref<10240x128xf32, #tpu.memory_space<hbm>> -> memref<10240x128xf32, #tpu.memory_space<hbm>>
        %dma_wait3A_139 = tpu.memref_slice %arg11[%dma_wait3A_132] : memref<2x!tpu.dma_semaphore, #tpu.memory_space<semaphore_mem>> -> memref<1x!tpu.dma_semaphore, #tpu.memory_space<semaphore_mem>>
        %dma_wait3A_140 = tpu.memref_squeeze %dma_wait3A_139 : memref<1x!tpu.dma_semaphore, #tpu.memory_space<semaphore_mem>> -> memref<!tpu.dma_semaphore, #tpu.memory_space<semaphore_mem>>
        tpu.wait_indirect_dma semaphore(%dma_wait3A_140 : memref<!tpu.dma_semaphore, #tpu.memory_space<semaphore_mem>>) src(%dma_wait3A_138 : memref<10240x128xf32, #tpu.memory_space<hbm>>) dst(%arg9 : memref<128x128xf32, #tpu.memory_space<vmem>>)
        %dma_start3A_141 = arith.constant 0 : i32
        %dma_start3A_142 = arith.constant 0 : i32
        %dma_start3A_143 = tpu.memref_slice %arg8[%add3A_131, %dma_start3A_142] : memref<40x128xi32, #tpu.memory_space<vmem>> -> memref<1x128xi32, #tpu.memory_space<vmem>>
        %dma_start3A_144 = tpu.memref_squeeze %dma_start3A_143 : memref<1x128xi32, #tpu.memory_space<vmem>> -> memref<128xi32, #tpu.memory_space<vmem>>
        %dma_start3A_145 = arith.constant 0 : i32
        %dma_start3A_146 = arith.constant 0 : i32
        %dma_start3A_147 = tpu.memref_slice %arg6[%dma_start3A_145, %dma_start3A_146] : memref<10240x128xf32, #tpu.memory_space<vmem_shared>> -> memref<10240x128xf32, #tpu.memory_space<vmem_shared>>
        %dma_start3A_148 = tpu.memref_slice %arg12[%dma_start3A_141] : memref<2x!tpu.dma_semaphore, #tpu.memory_space<semaphore_mem>> -> memref<1x!tpu.dma_semaphore, #tpu.memory_space<semaphore_mem>>
        %dma_start3A_149 = tpu.memref_squeeze %dma_start3A_148 : memref<1x!tpu.dma_semaphore, #tpu.memory_space<semaphore_mem>> -> memref<!tpu.dma_semaphore, #tpu.memory_space<semaphore_mem>>
        tpu.enqueue_indirect_dma source(%arg9 : memref<128x128xf32, #tpu.memory_space<vmem>>) target(%dma_start3A_147 : memref<10240x128xf32, #tpu.memory_space<vmem_shared>>) offsets(%dma_start3A_144 : memref<128xi32, #tpu.memory_space<vmem>>) semaphore(%dma_start3A_149 : memref<!tpu.dma_semaphore, #tpu.memory_space<semaphore_mem>>) {add = true}
        %sub3A_150 = arith.constant 1 : i32
        %sub3A_151 = arith.subi %add3A_131, %sub3A_150 : i32
        %add3A_152 = arith.constant 2 : i32
        %add3A_153 = arith.addi %sub3A_151, %add3A_152 : i32
        %ge3A = arith.constant 0 : i32
        %ge3A_154 = arith.cmpi sge, %sub3A_151, %ge3A : i32
        %lt3A = arith.cmpi slt, %add3A_153, %min3A_52 : i32
        %and3A_155 = arith.andi %ge3A_154, %lt3A : i1
        %convert_element_type3A_156 = arith.extui %and3A_155 : i1 to i32
        %cond3A_157 = arith.constant 0 : i32
        %cond3A_158 = arith.cmpi ne, %convert_element_type3A_156, %cond3A_157 : i32
        scf.if %cond3A_158 {
          %dma_wait3A_192 = arith.constant 1 : i32
          %dma_wait3A_193 = arith.constant 0 : i32
          %dma_wait3A_194 = tpu.memref_slice %arg8[%sub3A_151, %dma_wait3A_193] : memref<40x128xi32, #tpu.memory_space<vmem>> -> memref<1x128xi32, #tpu.memory_space<vmem>>
          %dma_wait3A_195 = tpu.memref_squeeze %dma_wait3A_194 : memref<1x128xi32, #tpu.memory_space<vmem>> -> memref<128xi32, #tpu.memory_space<vmem>>
          %dma_wait3A_196 = arith.constant 0 : i32
          %dma_wait3A_197 = arith.constant 0 : i32
          %dma_wait3A_198 = tpu.memref_slice %arg6[%dma_wait3A_196, %dma_wait3A_197] : memref<10240x128xf32, #tpu.memory_space<vmem_shared>> -> memref<10240x128xf32, #tpu.memory_space<vmem_shared>>
          %dma_wait3A_199 = tpu.memref_slice %arg12[%dma_wait3A_192] : memref<2x!tpu.dma_semaphore, #tpu.memory_space<semaphore_mem>> -> memref<1x!tpu.dma_semaphore, #tpu.memory_space<semaphore_mem>>
          %dma_wait3A_200 = tpu.memref_squeeze %dma_wait3A_199 : memref<1x!tpu.dma_semaphore, #tpu.memory_space<semaphore_mem>> -> memref<!tpu.dma_semaphore, #tpu.memory_space<semaphore_mem>>
          tpu.wait_indirect_dma semaphore(%dma_wait3A_200 : memref<!tpu.dma_semaphore, #tpu.memory_space<semaphore_mem>>) src(%arg10 : memref<128x128xf32, #tpu.memory_space<vmem>>) dst(%dma_wait3A_198 : memref<10240x128xf32, #tpu.memory_space<vmem_shared>>)
          %dma_start3A_201 = arith.constant 1 : i32
          %dma_start3A_202 = arith.constant 0 : i32
          %dma_start3A_203 = tpu.memref_slice %arg7[%add3A_153, %dma_start3A_202] : memref<40x128xi32, #tpu.memory_space<vmem>> -> memref<1x128xi32, #tpu.memory_space<vmem>>
          %dma_start3A_204 = tpu.memref_squeeze %dma_start3A_203 : memref<1x128xi32, #tpu.memory_space<vmem>> -> memref<128xi32, #tpu.memory_space<vmem>>
          %dma_start3A_205 = arith.constant 0 : i32
          %dma_start3A_206 = arith.constant 0 : i32
          %dma_start3A_207 = tpu.memref_slice %arg2[%dma_start3A_205, %dma_start3A_206] : memref<10240x128xf32, #tpu.memory_space<hbm>> -> memref<10240x128xf32, #tpu.memory_space<hbm>>
          %dma_start3A_208 = tpu.memref_slice %arg11[%dma_start3A_201] : memref<2x!tpu.dma_semaphore, #tpu.memory_space<semaphore_mem>> -> memref<1x!tpu.dma_semaphore, #tpu.memory_space<semaphore_mem>>
          %dma_start3A_209 = tpu.memref_squeeze %dma_start3A_208 : memref<1x!tpu.dma_semaphore, #tpu.memory_space<semaphore_mem>> -> memref<!tpu.dma_semaphore, #tpu.memory_space<semaphore_mem>>
          tpu.enqueue_indirect_dma source(%dma_start3A_207 : memref<10240x128xf32, #tpu.memory_space<hbm>>) target(%arg10 : memref<128x128xf32, #tpu.memory_space<vmem>>) offsets(%dma_start3A_204 : memref<128xi32, #tpu.memory_space<vmem>>) semaphore(%dma_start3A_209 : memref<!tpu.dma_semaphore, #tpu.memory_space<semaphore_mem>>)
        } else {
        }
        %mul3A_159 = arith.constant 2 : i32
        %mul3A_160 = arith.muli %while3A_127, %mul3A_159 : i32
        %add3A_161 = arith.constant 1 : i32
        %add3A_162 = arith.addi %mul3A_160, %add3A_161 : i32
        %dma_wait3A_163 = arith.constant 1 : i32
        %dma_wait3A_164 = arith.constant 0 : i32
        %dma_wait3A_165 = tpu.memref_slice %arg7[%add3A_162, %dma_wait3A_164] : memref<40x128xi32, #tpu.memory_space<vmem>> -> memref<1x128xi32, #tpu.memory_space<vmem>>
        %dma_wait3A_166 = tpu.memref_squeeze %dma_wait3A_165 : memref<1x128xi32, #tpu.memory_space<vmem>> -> memref<128xi32, #tpu.memory_space<vmem>>
        %dma_wait3A_167 = arith.constant 0 : i32
        %dma_wait3A_168 = arith.constant 0 : i32
        %dma_wait3A_169 = tpu.memref_slice %arg2[%dma_wait3A_167, %dma_wait3A_168] : memref<10240x128xf32, #tpu.memory_space<hbm>> -> memref<10240x128xf32, #tpu.memory_space<hbm>>
        %dma_wait3A_170 = tpu.memref_slice %arg11[%dma_wait3A_163] : memref<2x!tpu.dma_semaphore, #tpu.memory_space<semaphore_mem>> -> memref<1x!tpu.dma_semaphore, #tpu.memory_space<semaphore_mem>>
        %dma_wait3A_171 = tpu.memref_squeeze %dma_wait3A_170 : memref<1x!tpu.dma_semaphore, #tpu.memory_space<semaphore_mem>> -> memref<!tpu.dma_semaphore, #tpu.memory_space<semaphore_mem>>
        tpu.wait_indirect_dma semaphore(%dma_wait3A_171 : memref<!tpu.dma_semaphore, #tpu.memory_space<semaphore_mem>>) src(%dma_wait3A_169 : memref<10240x128xf32, #tpu.memory_space<hbm>>) dst(%arg10 : memref<128x128xf32, #tpu.memory_space<vmem>>)
        %dma_start3A_172 = arith.constant 1 : i32
        %dma_start3A_173 = arith.constant 0 : i32
        %dma_start3A_174 = tpu.memref_slice %arg8[%add3A_162, %dma_start3A_173] : memref<40x128xi32, #tpu.memory_space<vmem>> -> memref<1x128xi32, #tpu.memory_space<vmem>>
        %dma_start3A_175 = tpu.memref_squeeze %dma_start3A_174 : memref<1x128xi32, #tpu.memory_space<vmem>> -> memref<128xi32, #tpu.memory_space<vmem>>
        %dma_start3A_176 = arith.constant 0 : i32
        %dma_start3A_177 = arith.constant 0 : i32
        %dma_start3A_178 = tpu.memref_slice %arg6[%dma_start3A_176, %dma_start3A_177] : memref<10240x128xf32, #tpu.memory_space<vmem_shared>> -> memref<10240x128xf32, #tpu.memory_space<vmem_shared>>
        %dma_start3A_179 = tpu.memref_slice %arg12[%dma_start3A_172] : memref<2x!tpu.dma_semaphore, #tpu.memory_space<semaphore_mem>> -> memref<1x!tpu.dma_semaphore, #tpu.memory_space<semaphore_mem>>
        %dma_start3A_180 = tpu.memref_squeeze %dma_start3A_179 : memref<1x!tpu.dma_semaphore, #tpu.memory_space<semaphore_mem>> -> memref<!tpu.dma_semaphore, #tpu.memory_space<semaphore_mem>>
        tpu.enqueue_indirect_dma source(%arg10 : memref<128x128xf32, #tpu.memory_space<vmem>>) target(%dma_start3A_178 : memref<10240x128xf32, #tpu.memory_space<vmem_shared>>) offsets(%dma_start3A_175 : memref<128xi32, #tpu.memory_space<vmem>>) semaphore(%dma_start3A_180 : memref<!tpu.dma_semaphore, #tpu.memory_space<semaphore_mem>>) {add = true}
        %sub3A_181 = arith.constant 1 : i32
        %sub3A_182 = arith.subi %add3A_162, %sub3A_181 : i32
        %add3A_183 = arith.constant 2 : i32
        %add3A_184 = arith.addi %sub3A_182, %add3A_183 : i32
        %ge3A_185 = arith.constant 0 : i32
        %ge3A_186 = arith.cmpi sge, %sub3A_182, %ge3A_185 : i32
        %lt3A_187 = arith.cmpi slt, %add3A_184, %min3A_52 : i32
        %and3A_188 = arith.andi %ge3A_186, %lt3A_187 : i1
        %convert_element_type3A_189 = arith.extui %and3A_188 : i1 to i32
        %cond3A_190 = arith.constant 0 : i32
        %cond3A_191 = arith.cmpi ne, %convert_element_type3A_189, %cond3A_190 : i32
        scf.if %cond3A_191 {
          %dma_wait3A_192 = arith.constant 0 : i32
          %dma_wait3A_193 = arith.constant 0 : i32
          %dma_wait3A_194 = tpu.memref_slice %arg8[%sub3A_182, %dma_wait3A_193] : memref<40x128xi32, #tpu.memory_space<vmem>> -> memref<1x128xi32, #tpu.memory_space<vmem>>
          %dma_wait3A_195 = tpu.memref_squeeze %dma_wait3A_194 : memref<1x128xi32, #tpu.memory_space<vmem>> -> memref<128xi32, #tpu.memory_space<vmem>>
          %dma_wait3A_196 = arith.constant 0 : i32
          %dma_wait3A_197 = arith.constant 0 : i32
          %dma_wait3A_198 = tpu.memref_slice %arg6[%dma_wait3A_196, %dma_wait3A_197] : memref<10240x128xf32, #tpu.memory_space<vmem_shared>> -> memref<10240x128xf32, #tpu.memory_space<vmem_shared>>
          %dma_wait3A_199 = tpu.memref_slice %arg12[%dma_wait3A_192] : memref<2x!tpu.dma_semaphore, #tpu.memory_space<semaphore_mem>> -> memref<1x!tpu.dma_semaphore, #tpu.memory_space<semaphore_mem>>
          %dma_wait3A_200 = tpu.memref_squeeze %dma_wait3A_199 : memref<1x!tpu.dma_semaphore, #tpu.memory_space<semaphore_mem>> -> memref<!tpu.dma_semaphore, #tpu.memory_space<semaphore_mem>>
          tpu.wait_indirect_dma semaphore(%dma_wait3A_200 : memref<!tpu.dma_semaphore, #tpu.memory_space<semaphore_mem>>) src(%arg9 : memref<128x128xf32, #tpu.memory_space<vmem>>) dst(%dma_wait3A_198 : memref<10240x128xf32, #tpu.memory_space<vmem_shared>>)
          %dma_start3A_201 = arith.constant 0 : i32
          %dma_start3A_202 = arith.constant 0 : i32
          %dma_start3A_203 = tpu.memref_slice %arg7[%add3A_184, %dma_start3A_202] : memref<40x128xi32, #tpu.memory_space<vmem>> -> memref<1x128xi32, #tpu.memory_space<vmem>>
          %dma_start3A_204 = tpu.memref_squeeze %dma_start3A_203 : memref<1x128xi32, #tpu.memory_space<vmem>> -> memref<128xi32, #tpu.memory_space<vmem>>
          %dma_start3A_205 = arith.constant 0 : i32
          %dma_start3A_206 = arith.constant 0 : i32
          %dma_start3A_207 = tpu.memref_slice %arg2[%dma_start3A_205, %dma_start3A_206] : memref<10240x128xf32, #tpu.memory_space<hbm>> -> memref<10240x128xf32, #tpu.memory_space<hbm>>
          %dma_start3A_208 = tpu.memref_slice %arg11[%dma_start3A_201] : memref<2x!tpu.dma_semaphore, #tpu.memory_space<semaphore_mem>> -> memref<1x!tpu.dma_semaphore, #tpu.memory_space<semaphore_mem>>
          %dma_start3A_209 = tpu.memref_squeeze %dma_start3A_208 : memref<1x!tpu.dma_semaphore, #tpu.memory_space<semaphore_mem>> -> memref<!tpu.dma_semaphore, #tpu.memory_space<semaphore_mem>>
          tpu.enqueue_indirect_dma source(%dma_start3A_207 : memref<10240x128xf32, #tpu.memory_space<hbm>>) target(%arg9 : memref<128x128xf32, #tpu.memory_space<vmem>>) offsets(%dma_start3A_204 : memref<128xi32, #tpu.memory_space<vmem>>) semaphore(%dma_start3A_209 : memref<!tpu.dma_semaphore, #tpu.memory_space<semaphore_mem>>)
        } else {
        }
      }
      %sub3A_102 = arith.constant 2 : i32
      %sub3A_103 = arith.subi %min3A_52, %sub3A_102 : i32
      %add3A_104 = arith.constant 0 : i32
      %add3A_105 = arith.addi %sub3A_103, %add3A_104 : i32
      %dma_wait3A = arith.constant 0 : i32
      %dma_wait3A_106 = arith.constant 0 : i32
      %dma_wait3A_107 = tpu.memref_slice %arg8[%add3A_105, %dma_wait3A_106] : memref<40x128xi32, #tpu.memory_space<vmem>> -> memref<1x128xi32, #tpu.memory_space<vmem>>
      %dma_wait3A_108 = tpu.memref_squeeze %dma_wait3A_107 : memref<1x128xi32, #tpu.memory_space<vmem>> -> memref<128xi32, #tpu.memory_space<vmem>>
      %dma_wait3A_109 = arith.constant 0 : i32
      %dma_wait3A_110 = arith.constant 0 : i32
      %dma_wait3A_111 = tpu.memref_slice %arg6[%dma_wait3A_109, %dma_wait3A_110] : memref<10240x128xf32, #tpu.memory_space<vmem_shared>> -> memref<10240x128xf32, #tpu.memory_space<vmem_shared>>
      %dma_wait3A_112 = tpu.memref_slice %arg12[%dma_wait3A] : memref<2x!tpu.dma_semaphore, #tpu.memory_space<semaphore_mem>> -> memref<1x!tpu.dma_semaphore, #tpu.memory_space<semaphore_mem>>
      %dma_wait3A_113 = tpu.memref_squeeze %dma_wait3A_112 : memref<1x!tpu.dma_semaphore, #tpu.memory_space<semaphore_mem>> -> memref<!tpu.dma_semaphore, #tpu.memory_space<semaphore_mem>>
      tpu.wait_indirect_dma semaphore(%dma_wait3A_113 : memref<!tpu.dma_semaphore, #tpu.memory_space<semaphore_mem>>) src(%arg9 : memref<128x128xf32, #tpu.memory_space<vmem>>) dst(%dma_wait3A_111 : memref<10240x128xf32, #tpu.memory_space<vmem_shared>>)
      %sub3A_114 = arith.constant 2 : i32
      %sub3A_115 = arith.subi %min3A_52, %sub3A_114 : i32
      %add3A_116 = arith.constant 1 : i32
      %add3A_117 = arith.addi %sub3A_115, %add3A_116 : i32
      %dma_wait3A_118 = arith.constant 1 : i32
      %dma_wait3A_119 = arith.constant 0 : i32
      %dma_wait3A_120 = tpu.memref_slice %arg8[%add3A_117, %dma_wait3A_119] : memref<40x128xi32, #tpu.memory_space<vmem>> -> memref<1x128xi32, #tpu.memory_space<vmem>>
      %dma_wait3A_121 = tpu.memref_squeeze %dma_wait3A_120 : memref<1x128xi32, #tpu.memory_space<vmem>> -> memref<128xi32, #tpu.memory_space<vmem>>
      %dma_wait3A_122 = arith.constant 0 : i32
      %dma_wait3A_123 = arith.constant 0 : i32
      %dma_wait3A_124 = tpu.memref_slice %arg6[%dma_wait3A_122, %dma_wait3A_123] : memref<10240x128xf32, #tpu.memory_space<vmem_shared>> -> memref<10240x128xf32, #tpu.memory_space<vmem_shared>>
      %dma_wait3A_125 = tpu.memref_slice %arg12[%dma_wait3A_118] : memref<2x!tpu.dma_semaphore, #tpu.memory_space<semaphore_mem>> -> memref<1x!tpu.dma_semaphore, #tpu.memory_space<semaphore_mem>>
      %dma_wait3A_126 = tpu.memref_squeeze %dma_wait3A_125 : memref<1x!tpu.dma_semaphore, #tpu.memory_space<semaphore_mem>> -> memref<!tpu.dma_semaphore, #tpu.memory_space<semaphore_mem>>
      tpu.wait_indirect_dma semaphore(%dma_wait3A_126 : memref<!tpu.dma_semaphore, #tpu.memory_space<semaphore_mem>>) src(%arg10 : memref<128x128xf32, #tpu.memory_space<vmem>>) dst(%dma_wait3A_124 : memref<10240x128xf32, #tpu.memory_space<vmem_shared>>)
    } else {
    }
    %gt3A_41 = arith.constant 120 : i32
    %gt3A_42 = arith.cmpi sgt, %select_n3A, %gt3A_41 : i32
    %convert_element_type3A_43 = arith.extui %gt3A_42 : i1 to i32
    %cond3A_44 = arith.constant 0 : i32
    %cond3A_45 = arith.cmpi ne, %convert_element_type3A_43, %cond3A_44 : i32
    scf.if %cond3A_45 {
      %sub3A = arith.constant 120 : i32
      %sub3A_51 = arith.subi %select_n3A, %sub3A : i32
      %min3A = arith.constant 40 : i32
      %min3A_52 = arith.minsi %min3A, %sub3A_51 : i32
      %add3A_53 = arith.constant 120 : i32
      %add3A_54 = arith.addi %add3A, %add3A_53 : i32
      %multiple_of3A = tpu.assume_multiple %add3A_54, 8 : i32
      "tpu.region"() ({
        %run_scoped3A = tpu.sem_alloc : memref<!tpu.dma_semaphore, #tpu.memory_space<semaphore_mem>>
        %dma_start3A_127 = arith.constant 0 : i32
        %dma_start3A_128 = tpu.memref_slice %arg3[%multiple_of3A, %dma_start3A_127] : memref<2600x128xi32, #tpu.memory_space<hbm>> -> memref<40x128xi32, #tpu.memory_space<hbm>>
        %dma_start3A_129 = arith.constant 0 : i32
        %dma_start3A_130 = tpu.memref_slice %arg3[%multiple_of3A, %dma_start3A_129] : memref<2600x128xi32, #tpu.memory_space<hbm>> -> memref<40x128xi32, #tpu.memory_space<hbm>>
        tpu.enqueue_dma source(%dma_start3A_130 : memref<40x128xi32, #tpu.memory_space<hbm>>) target(%arg7 : memref<40x128xi32, #tpu.memory_space<vmem>>) target_semaphore(%run_scoped3A : memref<!tpu.dma_semaphore, #tpu.memory_space<semaphore_mem>>)
        %dma_wait3A_131 = arith.constant 0 : i32
        %dma_wait3A_132 = tpu.memref_slice %arg3[%multiple_of3A, %dma_wait3A_131] : memref<2600x128xi32, #tpu.memory_space<hbm>> -> memref<40x128xi32, #tpu.memory_space<hbm>>
        %dma_wait3A_133 = arith.constant 0 : i32
        %dma_wait3A_134 = tpu.memref_slice %arg3[%multiple_of3A, %dma_wait3A_133] : memref<2600x128xi32, #tpu.memory_space<hbm>> -> memref<40x128xi32, #tpu.memory_space<hbm>>
        tpu.wait_dma2 semaphore(%run_scoped3A : memref<!tpu.dma_semaphore, #tpu.memory_space<semaphore_mem>>) src(%dma_wait3A_134 : memref<40x128xi32, #tpu.memory_space<hbm>>) dst(%arg7 : memref<40x128xi32, #tpu.memory_space<vmem>>)
        tpu.yield
      }) : () -> ()
      "tpu.region"() ({
        %run_scoped3A = tpu.sem_alloc : memref<!tpu.dma_semaphore, #tpu.memory_space<semaphore_mem>>
        %dma_start3A_127 = arith.constant 0 : i32
        %dma_start3A_128 = tpu.memref_slice %arg4[%multiple_of3A, %dma_start3A_127] : memref<2600x128xi32, #tpu.memory_space<hbm>> -> memref<40x128xi32, #tpu.memory_space<hbm>>
        %dma_start3A_129 = arith.constant 0 : i32
        %dma_start3A_130 = tpu.memref_slice %arg4[%multiple_of3A, %dma_start3A_129] : memref<2600x128xi32, #tpu.memory_space<hbm>> -> memref<40x128xi32, #tpu.memory_space<hbm>>
        tpu.enqueue_dma source(%dma_start3A_130 : memref<40x128xi32, #tpu.memory_space<hbm>>) target(%arg8 : memref<40x128xi32, #tpu.memory_space<vmem>>) target_semaphore(%run_scoped3A : memref<!tpu.dma_semaphore, #tpu.memory_space<semaphore_mem>>)
        %dma_wait3A_131 = arith.constant 0 : i32
        %dma_wait3A_132 = tpu.memref_slice %arg4[%multiple_of3A, %dma_wait3A_131] : memref<2600x128xi32, #tpu.memory_space<hbm>> -> memref<40x128xi32, #tpu.memory_space<hbm>>
        %dma_wait3A_133 = arith.constant 0 : i32
        %dma_wait3A_134 = tpu.memref_slice %arg4[%multiple_of3A, %dma_wait3A_133] : memref<2600x128xi32, #tpu.memory_space<hbm>> -> memref<40x128xi32, #tpu.memory_space<hbm>>
        tpu.wait_dma2 semaphore(%run_scoped3A : memref<!tpu.dma_semaphore, #tpu.memory_space<semaphore_mem>>) src(%dma_wait3A_134 : memref<40x128xi32, #tpu.memory_space<hbm>>) dst(%arg8 : memref<40x128xi32, #tpu.memory_space<vmem>>)
        tpu.yield
      }) : () -> ()
      %dma_start3A = arith.constant 0 : i32
      %dma_start3A_55 = arith.constant 0 : i32
      %dma_start3A_56 = arith.constant 0 : i32
      %dma_start3A_57 = tpu.memref_slice %arg7[%dma_start3A, %dma_start3A_56] : memref<40x128xi32, #tpu.memory_space<vmem>> -> memref<1x128xi32, #tpu.memory_space<vmem>>
      %dma_start3A_58 = tpu.memref_squeeze %dma_start3A_57 : memref<1x128xi32, #tpu.memory_space<vmem>> -> memref<128xi32, #tpu.memory_space<vmem>>
      %dma_start3A_59 = arith.constant 0 : i32
      %dma_start3A_60 = arith.constant 0 : i32
      %dma_start3A_61 = tpu.memref_slice %arg2[%dma_start3A_59, %dma_start3A_60] : memref<10240x128xf32, #tpu.memory_space<hbm>> -> memref<10240x128xf32, #tpu.memory_space<hbm>>
      %dma_start3A_62 = tpu.memref_slice %arg11[%dma_start3A_55] : memref<2x!tpu.dma_semaphore, #tpu.memory_space<semaphore_mem>> -> memref<1x!tpu.dma_semaphore, #tpu.memory_space<semaphore_mem>>
      %dma_start3A_63 = tpu.memref_squeeze %dma_start3A_62 : memref<1x!tpu.dma_semaphore, #tpu.memory_space<semaphore_mem>> -> memref<!tpu.dma_semaphore, #tpu.memory_space<semaphore_mem>>
      tpu.enqueue_indirect_dma source(%dma_start3A_61 : memref<10240x128xf32, #tpu.memory_space<hbm>>) target(%arg9 : memref<128x128xf32, #tpu.memory_space<vmem>>) offsets(%dma_start3A_58 : memref<128xi32, #tpu.memory_space<vmem>>) semaphore(%dma_start3A_63 : memref<!tpu.dma_semaphore, #tpu.memory_space<semaphore_mem>>)
      %dma_start3A_64 = arith.constant 1 : i32
      %dma_start3A_65 = arith.constant 1 : i32
      %dma_start3A_66 = arith.constant 0 : i32
      %dma_start3A_67 = tpu.memref_slice %arg7[%dma_start3A_64, %dma_start3A_66] : memref<40x128xi32, #tpu.memory_space<vmem>> -> memref<1x128xi32, #tpu.memory_space<vmem>>
      %dma_start3A_68 = tpu.memref_squeeze %dma_start3A_67 : memref<1x128xi32, #tpu.memory_space<vmem>> -> memref<128xi32, #tpu.memory_space<vmem>>
      %dma_start3A_69 = arith.constant 0 : i32
      %dma_start3A_70 = arith.constant 0 : i32
      %dma_start3A_71 = tpu.memref_slice %arg2[%dma_start3A_69, %dma_start3A_70] : memref<10240x128xf32, #tpu.memory_space<hbm>> -> memref<10240x128xf32, #tpu.memory_space<hbm>>
      %dma_start3A_72 = tpu.memref_slice %arg11[%dma_start3A_65] : memref<2x!tpu.dma_semaphore, #tpu.memory_space<semaphore_mem>> -> memref<1x!tpu.dma_semaphore, #tpu.memory_space<semaphore_mem>>
      %dma_start3A_73 = tpu.memref_squeeze %dma_start3A_72 : memref<1x!tpu.dma_semaphore, #tpu.memory_space<semaphore_mem>> -> memref<!tpu.dma_semaphore, #tpu.memory_space<semaphore_mem>>
      tpu.enqueue_indirect_dma source(%dma_start3A_71 : memref<10240x128xf32, #tpu.memory_space<hbm>>) target(%arg10 : memref<128x128xf32, #tpu.memory_space<vmem>>) offsets(%dma_start3A_68 : memref<128xi32, #tpu.memory_space<vmem>>) semaphore(%dma_start3A_73 : memref<!tpu.dma_semaphore, #tpu.memory_space<semaphore_mem>>)
      %jit3A_74 = arith.constant 2 : i32
      %div3A = arith.divsi %min3A_52, %jit3A_74 : i32
      %sign3A = arith.constant 0 : i32
      %sign3A_75 = arith.cmpi sgt, %min3A_52, %sign3A : i32
      %sign3A_76 = arith.extui %sign3A_75 : i1 to i32
      %sign3A_77 = arith.constant 0 : i32
      %sign3A_78 = arith.cmpi slt, %min3A_52, %sign3A_77 : i32
      %sign3A_79 = arith.extui %sign3A_78 : i1 to i32
      %sign3A_80 = arith.subi %sign3A_76, %sign3A_79 : i32
      %sign3A_81 = arith.constant 0 : i32
      %sign3A_82 = arith.cmpi sgt, %jit3A_74, %sign3A_81 : i32
      %sign3A_83 = arith.extui %sign3A_82 : i1 to i32
      %sign3A_84 = arith.constant 0 : i32
      %sign3A_85 = arith.cmpi slt, %jit3A_74, %sign3A_84 : i32
      %sign3A_86 = arith.extui %sign3A_85 : i1 to i32
      %sign3A_87 = arith.subi %sign3A_83, %sign3A_86 : i32
      %ne3A = arith.cmpi ne, %sign3A_80, %sign3A_87 : i32
      %rem3A = arith.remsi %min3A_52, %jit3A_74 : i32
      %ne3A_88 = arith.constant 0 : i32
      %ne3A_89 = arith.cmpi ne, %rem3A, %ne3A_88 : i32
      %and3A = arith.andi %ne3A, %ne3A_89 : i1
      %sub3A_90 = arith.constant 1 : i32
      %sub3A_91 = arith.subi %div3A, %sub3A_90 : i32
      %select_n3A_92 = arith.select %and3A, %sub3A_91, %div3A : i32
      %while3A = arith.constant 0 : i32
      %while3A_93 = arith.constant 0 : i32
      %while3A_94 = arith.subi %select_n3A_92, %while3A_93 : i32
      %while3A_95 = arith.addi %while3A_93, %while3A_94 : i32
      %while3A_96 = arith.constant 1 : i32
      %while3A_97 = arith.divsi %while3A_94, %while3A_96 : i32
      %while3A_98 = arith.muli %while3A_97, %while3A_96 : i32
      %while3A_99 = arith.addi %while3A_93, %while3A_98 : i32
      %while3A_100 = arith.constant 1 : i32
      scf.for %while3A_127 = %while3A_93 to %while3A_99 step %while3A_100  : i32 {
        %mul3A_128 = arith.constant 2 : i32
        %mul3A_129 = arith.muli %while3A_127, %mul3A_128 : i32
        %add3A_130 = arith.constant 0 : i32
        %add3A_131 = arith.addi %mul3A_129, %add3A_130 : i32
        %dma_wait3A_132 = arith.constant 0 : i32
        %dma_wait3A_133 = arith.constant 0 : i32
        %dma_wait3A_134 = tpu.memref_slice %arg7[%add3A_131, %dma_wait3A_133] : memref<40x128xi32, #tpu.memory_space<vmem>> -> memref<1x128xi32, #tpu.memory_space<vmem>>
        %dma_wait3A_135 = tpu.memref_squeeze %dma_wait3A_134 : memref<1x128xi32, #tpu.memory_space<vmem>> -> memref<128xi32, #tpu.memory_space<vmem>>
        %dma_wait3A_136 = arith.constant 0 : i32
        %dma_wait3A_137 = arith.constant 0 : i32
        %dma_wait3A_138 = tpu.memref_slice %arg2[%dma_wait3A_136, %dma_wait3A_137] : memref<10240x128xf32, #tpu.memory_space<hbm>> -> memref<10240x128xf32, #tpu.memory_space<hbm>>
        %dma_wait3A_139 = tpu.memref_slice %arg11[%dma_wait3A_132] : memref<2x!tpu.dma_semaphore, #tpu.memory_space<semaphore_mem>> -> memref<1x!tpu.dma_semaphore, #tpu.memory_space<semaphore_mem>>
        %dma_wait3A_140 = tpu.memref_squeeze %dma_wait3A_139 : memref<1x!tpu.dma_semaphore, #tpu.memory_space<semaphore_mem>> -> memref<!tpu.dma_semaphore, #tpu.memory_space<semaphore_mem>>
        tpu.wait_indirect_dma semaphore(%dma_wait3A_140 : memref<!tpu.dma_semaphore, #tpu.memory_space<semaphore_mem>>) src(%dma_wait3A_138 : memref<10240x128xf32, #tpu.memory_space<hbm>>) dst(%arg9 : memref<128x128xf32, #tpu.memory_space<vmem>>)
        %dma_start3A_141 = arith.constant 0 : i32
        %dma_start3A_142 = arith.constant 0 : i32
        %dma_start3A_143 = tpu.memref_slice %arg8[%add3A_131, %dma_start3A_142] : memref<40x128xi32, #tpu.memory_space<vmem>> -> memref<1x128xi32, #tpu.memory_space<vmem>>
        %dma_start3A_144 = tpu.memref_squeeze %dma_start3A_143 : memref<1x128xi32, #tpu.memory_space<vmem>> -> memref<128xi32, #tpu.memory_space<vmem>>
        %dma_start3A_145 = arith.constant 0 : i32
        %dma_start3A_146 = arith.constant 0 : i32
        %dma_start3A_147 = tpu.memref_slice %arg6[%dma_start3A_145, %dma_start3A_146] : memref<10240x128xf32, #tpu.memory_space<vmem_shared>> -> memref<10240x128xf32, #tpu.memory_space<vmem_shared>>
        %dma_start3A_148 = tpu.memref_slice %arg12[%dma_start3A_141] : memref<2x!tpu.dma_semaphore, #tpu.memory_space<semaphore_mem>> -> memref<1x!tpu.dma_semaphore, #tpu.memory_space<semaphore_mem>>
        %dma_start3A_149 = tpu.memref_squeeze %dma_start3A_148 : memref<1x!tpu.dma_semaphore, #tpu.memory_space<semaphore_mem>> -> memref<!tpu.dma_semaphore, #tpu.memory_space<semaphore_mem>>
        tpu.enqueue_indirect_dma source(%arg9 : memref<128x128xf32, #tpu.memory_space<vmem>>) target(%dma_start3A_147 : memref<10240x128xf32, #tpu.memory_space<vmem_shared>>) offsets(%dma_start3A_144 : memref<128xi32, #tpu.memory_space<vmem>>) semaphore(%dma_start3A_149 : memref<!tpu.dma_semaphore, #tpu.memory_space<semaphore_mem>>) {add = true}
        %sub3A_150 = arith.constant 1 : i32
        %sub3A_151 = arith.subi %add3A_131, %sub3A_150 : i32
        %add3A_152 = arith.constant 2 : i32
        %add3A_153 = arith.addi %sub3A_151, %add3A_152 : i32
        %ge3A = arith.constant 0 : i32
        %ge3A_154 = arith.cmpi sge, %sub3A_151, %ge3A : i32
        %lt3A = arith.cmpi slt, %add3A_153, %min3A_52 : i32
        %and3A_155 = arith.andi %ge3A_154, %lt3A : i1
        %convert_element_type3A_156 = arith.extui %and3A_155 : i1 to i32
        %cond3A_157 = arith.constant 0 : i32
        %cond3A_158 = arith.cmpi ne, %convert_element_type3A_156, %cond3A_157 : i32
        scf.if %cond3A_158 {
          %dma_wait3A_192 = arith.constant 1 : i32
          %dma_wait3A_193 = arith.constant 0 : i32
          %dma_wait3A_194 = tpu.memref_slice %arg8[%sub3A_151, %dma_wait3A_193] : memref<40x128xi32, #tpu.memory_space<vmem>> -> memref<1x128xi32, #tpu.memory_space<vmem>>
          %dma_wait3A_195 = tpu.memref_squeeze %dma_wait3A_194 : memref<1x128xi32, #tpu.memory_space<vmem>> -> memref<128xi32, #tpu.memory_space<vmem>>
          %dma_wait3A_196 = arith.constant 0 : i32
          %dma_wait3A_197 = arith.constant 0 : i32
          %dma_wait3A_198 = tpu.memref_slice %arg6[%dma_wait3A_196, %dma_wait3A_197] : memref<10240x128xf32, #tpu.memory_space<vmem_shared>> -> memref<10240x128xf32, #tpu.memory_space<vmem_shared>>
          %dma_wait3A_199 = tpu.memref_slice %arg12[%dma_wait3A_192] : memref<2x!tpu.dma_semaphore, #tpu.memory_space<semaphore_mem>> -> memref<1x!tpu.dma_semaphore, #tpu.memory_space<semaphore_mem>>
          %dma_wait3A_200 = tpu.memref_squeeze %dma_wait3A_199 : memref<1x!tpu.dma_semaphore, #tpu.memory_space<semaphore_mem>> -> memref<!tpu.dma_semaphore, #tpu.memory_space<semaphore_mem>>
          tpu.wait_indirect_dma semaphore(%dma_wait3A_200 : memref<!tpu.dma_semaphore, #tpu.memory_space<semaphore_mem>>) src(%arg10 : memref<128x128xf32, #tpu.memory_space<vmem>>) dst(%dma_wait3A_198 : memref<10240x128xf32, #tpu.memory_space<vmem_shared>>)
          %dma_start3A_201 = arith.constant 1 : i32
          %dma_start3A_202 = arith.constant 0 : i32
          %dma_start3A_203 = tpu.memref_slice %arg7[%add3A_153, %dma_start3A_202] : memref<40x128xi32, #tpu.memory_space<vmem>> -> memref<1x128xi32, #tpu.memory_space<vmem>>
          %dma_start3A_204 = tpu.memref_squeeze %dma_start3A_203 : memref<1x128xi32, #tpu.memory_space<vmem>> -> memref<128xi32, #tpu.memory_space<vmem>>
          %dma_start3A_205 = arith.constant 0 : i32
          %dma_start3A_206 = arith.constant 0 : i32
          %dma_start3A_207 = tpu.memref_slice %arg2[%dma_start3A_205, %dma_start3A_206] : memref<10240x128xf32, #tpu.memory_space<hbm>> -> memref<10240x128xf32, #tpu.memory_space<hbm>>
          %dma_start3A_208 = tpu.memref_slice %arg11[%dma_start3A_201] : memref<2x!tpu.dma_semaphore, #tpu.memory_space<semaphore_mem>> -> memref<1x!tpu.dma_semaphore, #tpu.memory_space<semaphore_mem>>
          %dma_start3A_209 = tpu.memref_squeeze %dma_start3A_208 : memref<1x!tpu.dma_semaphore, #tpu.memory_space<semaphore_mem>> -> memref<!tpu.dma_semaphore, #tpu.memory_space<semaphore_mem>>
          tpu.enqueue_indirect_dma source(%dma_start3A_207 : memref<10240x128xf32, #tpu.memory_space<hbm>>) target(%arg10 : memref<128x128xf32, #tpu.memory_space<vmem>>) offsets(%dma_start3A_204 : memref<128xi32, #tpu.memory_space<vmem>>) semaphore(%dma_start3A_209 : memref<!tpu.dma_semaphore, #tpu.memory_space<semaphore_mem>>)
        } else {
        }
        %mul3A_159 = arith.constant 2 : i32
        %mul3A_160 = arith.muli %while3A_127, %mul3A_159 : i32
        %add3A_161 = arith.constant 1 : i32
        %add3A_162 = arith.addi %mul3A_160, %add3A_161 : i32
        %dma_wait3A_163 = arith.constant 1 : i32
        %dma_wait3A_164 = arith.constant 0 : i32
        %dma_wait3A_165 = tpu.memref_slice %arg7[%add3A_162, %dma_wait3A_164] : memref<40x128xi32, #tpu.memory_space<vmem>> -> memref<1x128xi32, #tpu.memory_space<vmem>>
        %dma_wait3A_166 = tpu.memref_squeeze %dma_wait3A_165 : memref<1x128xi32, #tpu.memory_space<vmem>> -> memref<128xi32, #tpu.memory_space<vmem>>
        %dma_wait3A_167 = arith.constant 0 : i32
        %dma_wait3A_168 = arith.constant 0 : i32
        %dma_wait3A_169 = tpu.memref_slice %arg2[%dma_wait3A_167, %dma_wait3A_168] : memref<10240x128xf32, #tpu.memory_space<hbm>> -> memref<10240x128xf32, #tpu.memory_space<hbm>>
        %dma_wait3A_170 = tpu.memref_slice %arg11[%dma_wait3A_163] : memref<2x!tpu.dma_semaphore, #tpu.memory_space<semaphore_mem>> -> memref<1x!tpu.dma_semaphore, #tpu.memory_space<semaphore_mem>>
        %dma_wait3A_171 = tpu.memref_squeeze %dma_wait3A_170 : memref<1x!tpu.dma_semaphore, #tpu.memory_space<semaphore_mem>> -> memref<!tpu.dma_semaphore, #tpu.memory_space<semaphore_mem>>
        tpu.wait_indirect_dma semaphore(%dma_wait3A_171 : memref<!tpu.dma_semaphore, #tpu.memory_space<semaphore_mem>>) src(%dma_wait3A_169 : memref<10240x128xf32, #tpu.memory_space<hbm>>) dst(%arg10 : memref<128x128xf32, #tpu.memory_space<vmem>>)
        %dma_start3A_172 = arith.constant 1 : i32
        %dma_start3A_173 = arith.constant 0 : i32
        %dma_start3A_174 = tpu.memref_slice %arg8[%add3A_162, %dma_start3A_173] : memref<40x128xi32, #tpu.memory_space<vmem>> -> memref<1x128xi32, #tpu.memory_space<vmem>>
        %dma_start3A_175 = tpu.memref_squeeze %dma_start3A_174 : memref<1x128xi32, #tpu.memory_space<vmem>> -> memref<128xi32, #tpu.memory_space<vmem>>
        %dma_start3A_176 = arith.constant 0 : i32
        %dma_start3A_177 = arith.constant 0 : i32
        %dma_start3A_178 = tpu.memref_slice %arg6[%dma_start3A_176, %dma_start3A_177] : memref<10240x128xf32, #tpu.memory_space<vmem_shared>> -> memref<10240x128xf32, #tpu.memory_space<vmem_shared>>
        %dma_start3A_179 = tpu.memref_slice %arg12[%dma_start3A_172] : memref<2x!tpu.dma_semaphore, #tpu.memory_space<semaphore_mem>> -> memref<1x!tpu.dma_semaphore, #tpu.memory_space<semaphore_mem>>
        %dma_start3A_180 = tpu.memref_squeeze %dma_start3A_179 : memref<1x!tpu.dma_semaphore, #tpu.memory_space<semaphore_mem>> -> memref<!tpu.dma_semaphore, #tpu.memory_space<semaphore_mem>>
        tpu.enqueue_indirect_dma source(%arg10 : memref<128x128xf32, #tpu.memory_space<vmem>>) target(%dma_start3A_178 : memref<10240x128xf32, #tpu.memory_space<vmem_shared>>) offsets(%dma_start3A_175 : memref<128xi32, #tpu.memory_space<vmem>>) semaphore(%dma_start3A_180 : memref<!tpu.dma_semaphore, #tpu.memory_space<semaphore_mem>>) {add = true}
        %sub3A_181 = arith.constant 1 : i32
        %sub3A_182 = arith.subi %add3A_162, %sub3A_181 : i32
        %add3A_183 = arith.constant 2 : i32
        %add3A_184 = arith.addi %sub3A_182, %add3A_183 : i32
        %ge3A_185 = arith.constant 0 : i32
        %ge3A_186 = arith.cmpi sge, %sub3A_182, %ge3A_185 : i32
        %lt3A_187 = arith.cmpi slt, %add3A_184, %min3A_52 : i32
        %and3A_188 = arith.andi %ge3A_186, %lt3A_187 : i1
        %convert_element_type3A_189 = arith.extui %and3A_188 : i1 to i32
        %cond3A_190 = arith.constant 0 : i32
        %cond3A_191 = arith.cmpi ne, %convert_element_type3A_189, %cond3A_190 : i32
        scf.if %cond3A_191 {
          %dma_wait3A_192 = arith.constant 0 : i32
          %dma_wait3A_193 = arith.constant 0 : i32
          %dma_wait3A_194 = tpu.memref_slice %arg8[%sub3A_182, %dma_wait3A_193] : memref<40x128xi32, #tpu.memory_space<vmem>> -> memref<1x128xi32, #tpu.memory_space<vmem>>
          %dma_wait3A_195 = tpu.memref_squeeze %dma_wait3A_194 : memref<1x128xi32, #tpu.memory_space<vmem>> -> memref<128xi32, #tpu.memory_space<vmem>>
          %dma_wait3A_196 = arith.constant 0 : i32
          %dma_wait3A_197 = arith.constant 0 : i32
          %dma_wait3A_198 = tpu.memref_slice %arg6[%dma_wait3A_196, %dma_wait3A_197] : memref<10240x128xf32, #tpu.memory_space<vmem_shared>> -> memref<10240x128xf32, #tpu.memory_space<vmem_shared>>
          %dma_wait3A_199 = tpu.memref_slice %arg12[%dma_wait3A_192] : memref<2x!tpu.dma_semaphore, #tpu.memory_space<semaphore_mem>> -> memref<1x!tpu.dma_semaphore, #tpu.memory_space<semaphore_mem>>
          %dma_wait3A_200 = tpu.memref_squeeze %dma_wait3A_199 : memref<1x!tpu.dma_semaphore, #tpu.memory_space<semaphore_mem>> -> memref<!tpu.dma_semaphore, #tpu.memory_space<semaphore_mem>>
          tpu.wait_indirect_dma semaphore(%dma_wait3A_200 : memref<!tpu.dma_semaphore, #tpu.memory_space<semaphore_mem>>) src(%arg9 : memref<128x128xf32, #tpu.memory_space<vmem>>) dst(%dma_wait3A_198 : memref<10240x128xf32, #tpu.memory_space<vmem_shared>>)
          %dma_start3A_201 = arith.constant 0 : i32
          %dma_start3A_202 = arith.constant 0 : i32
          %dma_start3A_203 = tpu.memref_slice %arg7[%add3A_184, %dma_start3A_202] : memref<40x128xi32, #tpu.memory_space<vmem>> -> memref<1x128xi32, #tpu.memory_space<vmem>>
          %dma_start3A_204 = tpu.memref_squeeze %dma_start3A_203 : memref<1x128xi32, #tpu.memory_space<vmem>> -> memref<128xi32, #tpu.memory_space<vmem>>
          %dma_start3A_205 = arith.constant 0 : i32
          %dma_start3A_206 = arith.constant 0 : i32
          %dma_start3A_207 = tpu.memref_slice %arg2[%dma_start3A_205, %dma_start3A_206] : memref<10240x128xf32, #tpu.memory_space<hbm>> -> memref<10240x128xf32, #tpu.memory_space<hbm>>
          %dma_start3A_208 = tpu.memref_slice %arg11[%dma_start3A_201] : memref<2x!tpu.dma_semaphore, #tpu.memory_space<semaphore_mem>> -> memref<1x!tpu.dma_semaphore, #tpu.memory_space<semaphore_mem>>
          %dma_start3A_209 = tpu.memref_squeeze %dma_start3A_208 : memref<1x!tpu.dma_semaphore, #tpu.memory_space<semaphore_mem>> -> memref<!tpu.dma_semaphore, #tpu.memory_space<semaphore_mem>>
          tpu.enqueue_indirect_dma source(%dma_start3A_207 : memref<10240x128xf32, #tpu.memory_space<hbm>>) target(%arg9 : memref<128x128xf32, #tpu.memory_space<vmem>>) offsets(%dma_start3A_204 : memref<128xi32, #tpu.memory_space<vmem>>) semaphore(%dma_start3A_209 : memref<!tpu.dma_semaphore, #tpu.memory_space<semaphore_mem>>)
        } else {
        }
      }
      %while3A_101 = arith.constant 1 : i32
      scf.for %while3A_127 = %while3A_99 to %while3A_95 step %while3A_101  : i32 {
        %mul3A_128 = arith.constant 2 : i32
        %mul3A_129 = arith.muli %while3A_127, %mul3A_128 : i32
        %add3A_130 = arith.constant 0 : i32
        %add3A_131 = arith.addi %mul3A_129, %add3A_130 : i32
        %dma_wait3A_132 = arith.constant 0 : i32
        %dma_wait3A_133 = arith.constant 0 : i32
        %dma_wait3A_134 = tpu.memref_slice %arg7[%add3A_131, %dma_wait3A_133] : memref<40x128xi32, #tpu.memory_space<vmem>> -> memref<1x128xi32, #tpu.memory_space<vmem>>
        %dma_wait3A_135 = tpu.memref_squeeze %dma_wait3A_134 : memref<1x128xi32, #tpu.memory_space<vmem>> -> memref<128xi32, #tpu.memory_space<vmem>>
        %dma_wait3A_136 = arith.constant 0 : i32
        %dma_wait3A_137 = arith.constant 0 : i32
        %dma_wait3A_138 = tpu.memref_slice %arg2[%dma_wait3A_136, %dma_wait3A_137] : memref<10240x128xf32, #tpu.memory_space<hbm>> -> memref<10240x128xf32, #tpu.memory_space<hbm>>
        %dma_wait3A_139 = tpu.memref_slice %arg11[%dma_wait3A_132] : memref<2x!tpu.dma_semaphore, #tpu.memory_space<semaphore_mem>> -> memref<1x!tpu.dma_semaphore, #tpu.memory_space<semaphore_mem>>
        %dma_wait3A_140 = tpu.memref_squeeze %dma_wait3A_139 : memref<1x!tpu.dma_semaphore, #tpu.memory_space<semaphore_mem>> -> memref<!tpu.dma_semaphore, #tpu.memory_space<semaphore_mem>>
        tpu.wait_indirect_dma semaphore(%dma_wait3A_140 : memref<!tpu.dma_semaphore, #tpu.memory_space<semaphore_mem>>) src(%dma_wait3A_138 : memref<10240x128xf32, #tpu.memory_space<hbm>>) dst(%arg9 : memref<128x128xf32, #tpu.memory_space<vmem>>)
        %dma_start3A_141 = arith.constant 0 : i32
        %dma_start3A_142 = arith.constant 0 : i32
        %dma_start3A_143 = tpu.memref_slice %arg8[%add3A_131, %dma_start3A_142] : memref<40x128xi32, #tpu.memory_space<vmem>> -> memref<1x128xi32, #tpu.memory_space<vmem>>
        %dma_start3A_144 = tpu.memref_squeeze %dma_start3A_143 : memref<1x128xi32, #tpu.memory_space<vmem>> -> memref<128xi32, #tpu.memory_space<vmem>>
        %dma_start3A_145 = arith.constant 0 : i32
        %dma_start3A_146 = arith.constant 0 : i32
        %dma_start3A_147 = tpu.memref_slice %arg6[%dma_start3A_145, %dma_start3A_146] : memref<10240x128xf32, #tpu.memory_space<vmem_shared>> -> memref<10240x128xf32, #tpu.memory_space<vmem_shared>>
        %dma_start3A_148 = tpu.memref_slice %arg12[%dma_start3A_141] : memref<2x!tpu.dma_semaphore, #tpu.memory_space<semaphore_mem>> -> memref<1x!tpu.dma_semaphore, #tpu.memory_space<semaphore_mem>>
        %dma_start3A_149 = tpu.memref_squeeze %dma_start3A_148 : memref<1x!tpu.dma_semaphore, #tpu.memory_space<semaphore_mem>> -> memref<!tpu.dma_semaphore, #tpu.memory_space<semaphore_mem>>
        tpu.enqueue_indirect_dma source(%arg9 : memref<128x128xf32, #tpu.memory_space<vmem>>) target(%dma_start3A_147 : memref<10240x128xf32, #tpu.memory_space<vmem_shared>>) offsets(%dma_start3A_144 : memref<128xi32, #tpu.memory_space<vmem>>) semaphore(%dma_start3A_149 : memref<!tpu.dma_semaphore, #tpu.memory_space<semaphore_mem>>) {add = true}
        %sub3A_150 = arith.constant 1 : i32
        %sub3A_151 = arith.subi %add3A_131, %sub3A_150 : i32
        %add3A_152 = arith.constant 2 : i32
        %add3A_153 = arith.addi %sub3A_151, %add3A_152 : i32
        %ge3A = arith.constant 0 : i32
        %ge3A_154 = arith.cmpi sge, %sub3A_151, %ge3A : i32
        %lt3A = arith.cmpi slt, %add3A_153, %min3A_52 : i32
        %and3A_155 = arith.andi %ge3A_154, %lt3A : i1
        %convert_element_type3A_156 = arith.extui %and3A_155 : i1 to i32
        %cond3A_157 = arith.constant 0 : i32
        %cond3A_158 = arith.cmpi ne, %convert_element_type3A_156, %cond3A_157 : i32
        scf.if %cond3A_158 {
          %dma_wait3A_192 = arith.constant 1 : i32
          %dma_wait3A_193 = arith.constant 0 : i32
          %dma_wait3A_194 = tpu.memref_slice %arg8[%sub3A_151, %dma_wait3A_193] : memref<40x128xi32, #tpu.memory_space<vmem>> -> memref<1x128xi32, #tpu.memory_space<vmem>>
          %dma_wait3A_195 = tpu.memref_squeeze %dma_wait3A_194 : memref<1x128xi32, #tpu.memory_space<vmem>> -> memref<128xi32, #tpu.memory_space<vmem>>
          %dma_wait3A_196 = arith.constant 0 : i32
          %dma_wait3A_197 = arith.constant 0 : i32
          %dma_wait3A_198 = tpu.memref_slice %arg6[%dma_wait3A_196, %dma_wait3A_197] : memref<10240x128xf32, #tpu.memory_space<vmem_shared>> -> memref<10240x128xf32, #tpu.memory_space<vmem_shared>>
          %dma_wait3A_199 = tpu.memref_slice %arg12[%dma_wait3A_192] : memref<2x!tpu.dma_semaphore, #tpu.memory_space<semaphore_mem>> -> memref<1x!tpu.dma_semaphore, #tpu.memory_space<semaphore_mem>>
          %dma_wait3A_200 = tpu.memref_squeeze %dma_wait3A_199 : memref<1x!tpu.dma_semaphore, #tpu.memory_space<semaphore_mem>> -> memref<!tpu.dma_semaphore, #tpu.memory_space<semaphore_mem>>
          tpu.wait_indirect_dma semaphore(%dma_wait3A_200 : memref<!tpu.dma_semaphore, #tpu.memory_space<semaphore_mem>>) src(%arg10 : memref<128x128xf32, #tpu.memory_space<vmem>>) dst(%dma_wait3A_198 : memref<10240x128xf32, #tpu.memory_space<vmem_shared>>)
          %dma_start3A_201 = arith.constant 1 : i32
          %dma_start3A_202 = arith.constant 0 : i32
          %dma_start3A_203 = tpu.memref_slice %arg7[%add3A_153, %dma_start3A_202] : memref<40x128xi32, #tpu.memory_space<vmem>> -> memref<1x128xi32, #tpu.memory_space<vmem>>
          %dma_start3A_204 = tpu.memref_squeeze %dma_start3A_203 : memref<1x128xi32, #tpu.memory_space<vmem>> -> memref<128xi32, #tpu.memory_space<vmem>>
          %dma_start3A_205 = arith.constant 0 : i32
          %dma_start3A_206 = arith.constant 0 : i32
          %dma_start3A_207 = tpu.memref_slice %arg2[%dma_start3A_205, %dma_start3A_206] : memref<10240x128xf32, #tpu.memory_space<hbm>> -> memref<10240x128xf32, #tpu.memory_space<hbm>>
          %dma_start3A_208 = tpu.memref_slice %arg11[%dma_start3A_201] : memref<2x!tpu.dma_semaphore, #tpu.memory_space<semaphore_mem>> -> memref<1x!tpu.dma_semaphore, #tpu.memory_space<semaphore_mem>>
          %dma_start3A_209 = tpu.memref_squeeze %dma_start3A_208 : memref<1x!tpu.dma_semaphore, #tpu.memory_space<semaphore_mem>> -> memref<!tpu.dma_semaphore, #tpu.memory_space<semaphore_mem>>
          tpu.enqueue_indirect_dma source(%dma_start3A_207 : memref<10240x128xf32, #tpu.memory_space<hbm>>) target(%arg10 : memref<128x128xf32, #tpu.memory_space<vmem>>) offsets(%dma_start3A_204 : memref<128xi32, #tpu.memory_space<vmem>>) semaphore(%dma_start3A_209 : memref<!tpu.dma_semaphore, #tpu.memory_space<semaphore_mem>>)
        } else {
        }
        %mul3A_159 = arith.constant 2 : i32
        %mul3A_160 = arith.muli %while3A_127, %mul3A_159 : i32
        %add3A_161 = arith.constant 1 : i32
        %add3A_162 = arith.addi %mul3A_160, %add3A_161 : i32
        %dma_wait3A_163 = arith.constant 1 : i32
        %dma_wait3A_164 = arith.constant 0 : i32
        %dma_wait3A_165 = tpu.memref_slice %arg7[%add3A_162, %dma_wait3A_164] : memref<40x128xi32, #tpu.memory_space<vmem>> -> memref<1x128xi32, #tpu.memory_space<vmem>>
        %dma_wait3A_166 = tpu.memref_squeeze %dma_wait3A_165 : memref<1x128xi32, #tpu.memory_space<vmem>> -> memref<128xi32, #tpu.memory_space<vmem>>
        %dma_wait3A_167 = arith.constant 0 : i32
        %dma_wait3A_168 = arith.constant 0 : i32
        %dma_wait3A_169 = tpu.memref_slice %arg2[%dma_wait3A_167, %dma_wait3A_168] : memref<10240x128xf32, #tpu.memory_space<hbm>> -> memref<10240x128xf32, #tpu.memory_space<hbm>>
        %dma_wait3A_170 = tpu.memref_slice %arg11[%dma_wait3A_163] : memref<2x!tpu.dma_semaphore, #tpu.memory_space<semaphore_mem>> -> memref<1x!tpu.dma_semaphore, #tpu.memory_space<semaphore_mem>>
        %dma_wait3A_171 = tpu.memref_squeeze %dma_wait3A_170 : memref<1x!tpu.dma_semaphore, #tpu.memory_space<semaphore_mem>> -> memref<!tpu.dma_semaphore, #tpu.memory_space<semaphore_mem>>
        tpu.wait_indirect_dma semaphore(%dma_wait3A_171 : memref<!tpu.dma_semaphore, #tpu.memory_space<semaphore_mem>>) src(%dma_wait3A_169 : memref<10240x128xf32, #tpu.memory_space<hbm>>) dst(%arg10 : memref<128x128xf32, #tpu.memory_space<vmem>>)
        %dma_start3A_172 = arith.constant 1 : i32
        %dma_start3A_173 = arith.constant 0 : i32
        %dma_start3A_174 = tpu.memref_slice %arg8[%add3A_162, %dma_start3A_173] : memref<40x128xi32, #tpu.memory_space<vmem>> -> memref<1x128xi32, #tpu.memory_space<vmem>>
        %dma_start3A_175 = tpu.memref_squeeze %dma_start3A_174 : memref<1x128xi32, #tpu.memory_space<vmem>> -> memref<128xi32, #tpu.memory_space<vmem>>
        %dma_start3A_176 = arith.constant 0 : i32
        %dma_start3A_177 = arith.constant 0 : i32
        %dma_start3A_178 = tpu.memref_slice %arg6[%dma_start3A_176, %dma_start3A_177] : memref<10240x128xf32, #tpu.memory_space<vmem_shared>> -> memref<10240x128xf32, #tpu.memory_space<vmem_shared>>
        %dma_start3A_179 = tpu.memref_slice %arg12[%dma_start3A_172] : memref<2x!tpu.dma_semaphore, #tpu.memory_space<semaphore_mem>> -> memref<1x!tpu.dma_semaphore, #tpu.memory_space<semaphore_mem>>
        %dma_start3A_180 = tpu.memref_squeeze %dma_start3A_179 : memref<1x!tpu.dma_semaphore, #tpu.memory_space<semaphore_mem>> -> memref<!tpu.dma_semaphore, #tpu.memory_space<semaphore_mem>>
        tpu.enqueue_indirect_dma source(%arg10 : memref<128x128xf32, #tpu.memory_space<vmem>>) target(%dma_start3A_178 : memref<10240x128xf32, #tpu.memory_space<vmem_shared>>) offsets(%dma_start3A_175 : memref<128xi32, #tpu.memory_space<vmem>>) semaphore(%dma_start3A_180 : memref<!tpu.dma_semaphore, #tpu.memory_space<semaphore_mem>>) {add = true}
        %sub3A_181 = arith.constant 1 : i32
        %sub3A_182 = arith.subi %add3A_162, %sub3A_181 : i32
        %add3A_183 = arith.constant 2 : i32
        %add3A_184 = arith.addi %sub3A_182, %add3A_183 : i32
        %ge3A_185 = arith.constant 0 : i32
        %ge3A_186 = arith.cmpi sge, %sub3A_182, %ge3A_185 : i32
        %lt3A_187 = arith.cmpi slt, %add3A_184, %min3A_52 : i32
        %and3A_188 = arith.andi %ge3A_186, %lt3A_187 : i1
        %convert_element_type3A_189 = arith.extui %and3A_188 : i1 to i32
        %cond3A_190 = arith.constant 0 : i32
        %cond3A_191 = arith.cmpi ne, %convert_element_type3A_189, %cond3A_190 : i32
        scf.if %cond3A_191 {
          %dma_wait3A_192 = arith.constant 0 : i32
          %dma_wait3A_193 = arith.constant 0 : i32
          %dma_wait3A_194 = tpu.memref_slice %arg8[%sub3A_182, %dma_wait3A_193] : memref<40x128xi32, #tpu.memory_space<vmem>> -> memref<1x128xi32, #tpu.memory_space<vmem>>
          %dma_wait3A_195 = tpu.memref_squeeze %dma_wait3A_194 : memref<1x128xi32, #tpu.memory_space<vmem>> -> memref<128xi32, #tpu.memory_space<vmem>>
          %dma_wait3A_196 = arith.constant 0 : i32
          %dma_wait3A_197 = arith.constant 0 : i32
          %dma_wait3A_198 = tpu.memref_slice %arg6[%dma_wait3A_196, %dma_wait3A_197] : memref<10240x128xf32, #tpu.memory_space<vmem_shared>> -> memref<10240x128xf32, #tpu.memory_space<vmem_shared>>
          %dma_wait3A_199 = tpu.memref_slice %arg12[%dma_wait3A_192] : memref<2x!tpu.dma_semaphore, #tpu.memory_space<semaphore_mem>> -> memref<1x!tpu.dma_semaphore, #tpu.memory_space<semaphore_mem>>
          %dma_wait3A_200 = tpu.memref_squeeze %dma_wait3A_199 : memref<1x!tpu.dma_semaphore, #tpu.memory_space<semaphore_mem>> -> memref<!tpu.dma_semaphore, #tpu.memory_space<semaphore_mem>>
          tpu.wait_indirect_dma semaphore(%dma_wait3A_200 : memref<!tpu.dma_semaphore, #tpu.memory_space<semaphore_mem>>) src(%arg9 : memref<128x128xf32, #tpu.memory_space<vmem>>) dst(%dma_wait3A_198 : memref<10240x128xf32, #tpu.memory_space<vmem_shared>>)
          %dma_start3A_201 = arith.constant 0 : i32
          %dma_start3A_202 = arith.constant 0 : i32
          %dma_start3A_203 = tpu.memref_slice %arg7[%add3A_184, %dma_start3A_202] : memref<40x128xi32, #tpu.memory_space<vmem>> -> memref<1x128xi32, #tpu.memory_space<vmem>>
          %dma_start3A_204 = tpu.memref_squeeze %dma_start3A_203 : memref<1x128xi32, #tpu.memory_space<vmem>> -> memref<128xi32, #tpu.memory_space<vmem>>
          %dma_start3A_205 = arith.constant 0 : i32
          %dma_start3A_206 = arith.constant 0 : i32
          %dma_start3A_207 = tpu.memref_slice %arg2[%dma_start3A_205, %dma_start3A_206] : memref<10240x128xf32, #tpu.memory_space<hbm>> -> memref<10240x128xf32, #tpu.memory_space<hbm>>
          %dma_start3A_208 = tpu.memref_slice %arg11[%dma_start3A_201] : memref<2x!tpu.dma_semaphore, #tpu.memory_space<semaphore_mem>> -> memref<1x!tpu.dma_semaphore, #tpu.memory_space<semaphore_mem>>
          %dma_start3A_209 = tpu.memref_squeeze %dma_start3A_208 : memref<1x!tpu.dma_semaphore, #tpu.memory_space<semaphore_mem>> -> memref<!tpu.dma_semaphore, #tpu.memory_space<semaphore_mem>>
          tpu.enqueue_indirect_dma source(%dma_start3A_207 : memref<10240x128xf32, #tpu.memory_space<hbm>>) target(%arg9 : memref<128x128xf32, #tpu.memory_space<vmem>>) offsets(%dma_start3A_204 : memref<128xi32, #tpu.memory_space<vmem>>) semaphore(%dma_start3A_209 : memref<!tpu.dma_semaphore, #tpu.memory_space<semaphore_mem>>)
        } else {
        }
      }
      %sub3A_102 = arith.constant 2 : i32
      %sub3A_103 = arith.subi %min3A_52, %sub3A_102 : i32
      %add3A_104 = arith.constant 0 : i32
      %add3A_105 = arith.addi %sub3A_103, %add3A_104 : i32
      %dma_wait3A = arith.constant 0 : i32
      %dma_wait3A_106 = arith.constant 0 : i32
      %dma_wait3A_107 = tpu.memref_slice %arg8[%add3A_105, %dma_wait3A_106] : memref<40x128xi32, #tpu.memory_space<vmem>> -> memref<1x128xi32, #tpu.memory_space<vmem>>
      %dma_wait3A_108 = tpu.memref_squeeze %dma_wait3A_107 : memref<1x128xi32, #tpu.memory_space<vmem>> -> memref<128xi32, #tpu.memory_space<vmem>>
      %dma_wait3A_109 = arith.constant 0 : i32
      %dma_wait3A_110 = arith.constant 0 : i32
      %dma_wait3A_111 = tpu.memref_slice %arg6[%dma_wait3A_109, %dma_wait3A_110] : memref<10240x128xf32, #tpu.memory_space<vmem_shared>> -> memref<10240x128xf32, #tpu.memory_space<vmem_shared>>
      %dma_wait3A_112 = tpu.memref_slice %arg12[%dma_wait3A] : memref<2x!tpu.dma_semaphore, #tpu.memory_space<semaphore_mem>> -> memref<1x!tpu.dma_semaphore, #tpu.memory_space<semaphore_mem>>
      %dma_wait3A_113 = tpu.memref_squeeze %dma_wait3A_112 : memref<1x!tpu.dma_semaphore, #tpu.memory_space<semaphore_mem>> -> memref<!tpu.dma_semaphore, #tpu.memory_space<semaphore_mem>>
      tpu.wait_indirect_dma semaphore(%dma_wait3A_113 : memref<!tpu.dma_semaphore, #tpu.memory_space<semaphore_mem>>) src(%arg9 : memref<128x128xf32, #tpu.memory_space<vmem>>) dst(%dma_wait3A_111 : memref<10240x128xf32, #tpu.memory_space<vmem_shared>>)
      %sub3A_114 = arith.constant 2 : i32
      %sub3A_115 = arith.subi %min3A_52, %sub3A_114 : i32
      %add3A_116 = arith.constant 1 : i32
      %add3A_117 = arith.addi %sub3A_115, %add3A_116 : i32
      %dma_wait3A_118 = arith.constant 1 : i32
      %dma_wait3A_119 = arith.constant 0 : i32
      %dma_wait3A_120 = tpu.memref_slice %arg8[%add3A_117, %dma_wait3A_119] : memref<40x128xi32, #tpu.memory_space<vmem>> -> memref<1x128xi32, #tpu.memory_space<vmem>>
      %dma_wait3A_121 = tpu.memref_squeeze %dma_wait3A_120 : memref<1x128xi32, #tpu.memory_space<vmem>> -> memref<128xi32, #tpu.memory_space<vmem>>
      %dma_wait3A_122 = arith.constant 0 : i32
      %dma_wait3A_123 = arith.constant 0 : i32
      %dma_wait3A_124 = tpu.memref_slice %arg6[%dma_wait3A_122, %dma_wait3A_123] : memref<10240x128xf32, #tpu.memory_space<vmem_shared>> -> memref<10240x128xf32, #tpu.memory_space<vmem_shared>>
      %dma_wait3A_125 = tpu.memref_slice %arg12[%dma_wait3A_118] : memref<2x!tpu.dma_semaphore, #tpu.memory_space<semaphore_mem>> -> memref<1x!tpu.dma_semaphore, #tpu.memory_space<semaphore_mem>>
      %dma_wait3A_126 = tpu.memref_squeeze %dma_wait3A_125 : memref<1x!tpu.dma_semaphore, #tpu.memory_space<semaphore_mem>> -> memref<!tpu.dma_semaphore, #tpu.memory_space<semaphore_mem>>
      tpu.wait_indirect_dma semaphore(%dma_wait3A_126 : memref<!tpu.dma_semaphore, #tpu.memory_space<semaphore_mem>>) src(%arg10 : memref<128x128xf32, #tpu.memory_space<vmem>>) dst(%dma_wait3A_124 : memref<10240x128xf32, #tpu.memory_space<vmem_shared>>)
    } else {
    }
    %barrier3A_46 = arith.constant 0 : index
    tpu.barrier barrier_id(%barrier3A_46)
    %mul3A_47 = arith.constant 640 : i32
    %mul3A_48 = arith.muli %arg1, %mul3A_47 : i32
    %mul3A_49 = arith.constant 640 : i32
    %mul3A_50 = arith.muli %arg1, %mul3A_49 : i32
    "tpu.region"() ({
      %run_scoped3A = tpu.sem_alloc : memref<!tpu.dma_semaphore, #tpu.memory_space<semaphore_mem>>
      %dma_start3A = arith.constant 0 : i32
      %dma_start3A_51 = tpu.memref_slice %arg5[%arg0, %mul3A_50, %dma_start3A] : memref<2x10240x128xf32, #tpu.memory_space<hbm>> -> memref<1x640x128xf32, #tpu.memory_space<hbm>>
      %dma_start3A_52 = tpu.memref_squeeze %dma_start3A_51 : memref<1x640x128xf32, #tpu.memory_space<hbm>> -> memref<640x128xf32, #tpu.memory_space<hbm>>
      %dma_start3A_53 = arith.constant 0 : i32
      %dma_start3A_54 = tpu.memref_slice %arg6[%mul3A_48, %dma_start3A_53] : memref<10240x128xf32, #tpu.memory_space<vmem_shared>> -> memref<640x128xf32, #tpu.memory_space<vmem_shared>>
      tpu.enqueue_dma source(%dma_start3A_54 : memref<640x128xf32, #tpu.memory_space<vmem_shared>>) target(%dma_start3A_52 : memref<640x128xf32, #tpu.memory_space<hbm>>) target_semaphore(%run_scoped3A : memref<!tpu.dma_semaphore, #tpu.memory_space<semaphore_mem>>)
      %dma_wait3A = arith.constant 0 : i32
      %dma_wait3A_55 = tpu.memref_slice %arg5[%arg0, %mul3A_50, %dma_wait3A] : memref<2x10240x128xf32, #tpu.memory_space<hbm>> -> memref<1x640x128xf32, #tpu.memory_space<hbm>>
      %dma_wait3A_56 = tpu.memref_squeeze %dma_wait3A_55 : memref<1x640x128xf32, #tpu.memory_space<hbm>> -> memref<640x128xf32, #tpu.memory_space<hbm>>
      %dma_wait3A_57 = arith.constant 0 : i32
      %dma_wait3A_58 = tpu.memref_slice %arg6[%mul3A_48, %dma_wait3A_57] : memref<10240x128xf32, #tpu.memory_space<vmem_shared>> -> memref<640x128xf32, #tpu.memory_space<vmem_shared>>
      tpu.wait_dma2 semaphore(%run_scoped3A : memref<!tpu.dma_semaphore, #tpu.memory_space<semaphore_mem>>) src(%dma_wait3A_58 : memref<640x128xf32, #tpu.memory_space<vmem_shared>>) dst(%dma_wait3A_56 : memref<640x128xf32, #tpu.memory_space<hbm>>)
      tpu.yield
    }) : () -> ()
    return
  }
}

#map = affine_map<(d0, d1) -> (0, 0)>
#map1 = affine_map<(d0, d1) -> (0)>
module attributes {stable_mosaic.version = 14 : i64} {
  func.func @_deg_body(%arg0: i32, %arg1: i32, %arg2: memref<2600x128xi32, #tpu.memory_space<hbm>>, %arg3: memref<10240xf32, #tpu.memory_space<hbm>>, %arg4: memref<2x10240xf32, #tpu.memory_space<hbm>>, %arg5: memref<10240xf32, #tpu.memory_space<vmem_shared>>, %arg6: memref<80x128xi32, #tpu.memory_space<vmem>>, %arg7: memref<128xf32, #tpu.memory_space<vmem>>) attributes {dimension_semantics = [#tpu.dimension_semantics<core_parallel>, #tpu.dimension_semantics<subcore_parallel>], iteration_bounds = array<i64: 2, 16>, scalar_prefetch = 0 : i64, scratch_operands = 3 : i64, tpu.core_type = #tpu.core_type<sc_vector_subcore>, window_params = [{transform_indices = #map}, {transform_indices = #map1}, {transform_indices = #map}]} {
    %mul3A = arith.constant 16 : i32
    %mul3A_0 = arith.muli %arg0, %mul3A : i32
    %add3A = arith.addi %mul3A_0, %arg1 : i32
    %mul3A_1 = arith.constant 80 : i32
    %mul3A_2 = arith.muli %add3A, %mul3A_1 : i32
    "tpu.region"() ({
      %run_scoped3A = tpu.sem_alloc : memref<!tpu.dma_semaphore, #tpu.memory_space<semaphore_mem>>
      %dma_start3A = arith.constant 0 : i32
      %dma_start3A_63 = tpu.memref_slice %arg2[%mul3A_2, %dma_start3A] : memref<2600x128xi32, #tpu.memory_space<hbm>> -> memref<80x128xi32, #tpu.memory_space<hbm>>
      %dma_start3A_64 = arith.constant 0 : i32
      %dma_start3A_65 = tpu.memref_slice %arg2[%mul3A_2, %dma_start3A_64] : memref<2600x128xi32, #tpu.memory_space<hbm>> -> memref<80x128xi32, #tpu.memory_space<hbm>>
      tpu.enqueue_dma source(%dma_start3A_65 : memref<80x128xi32, #tpu.memory_space<hbm>>) target(%arg6 : memref<80x128xi32, #tpu.memory_space<vmem>>) target_semaphore(%run_scoped3A : memref<!tpu.dma_semaphore, #tpu.memory_space<semaphore_mem>>)
      %dma_wait3A = arith.constant 0 : i32
      %dma_wait3A_66 = tpu.memref_slice %arg2[%mul3A_2, %dma_wait3A] : memref<2600x128xi32, #tpu.memory_space<hbm>> -> memref<80x128xi32, #tpu.memory_space<hbm>>
      %dma_wait3A_67 = arith.constant 0 : i32
      %dma_wait3A_68 = tpu.memref_slice %arg2[%mul3A_2, %dma_wait3A_67] : memref<2600x128xi32, #tpu.memory_space<hbm>> -> memref<80x128xi32, #tpu.memory_space<hbm>>
      tpu.wait_dma2 semaphore(%run_scoped3A : memref<!tpu.dma_semaphore, #tpu.memory_space<semaphore_mem>>) src(%dma_wait3A_68 : memref<80x128xi32, #tpu.memory_space<hbm>>) dst(%arg6 : memref<80x128xi32, #tpu.memory_space<vmem>>)
      tpu.yield
    }) : () -> ()
    %broadcast_in_dim3A = arith.constant 1.000000e+00 : f32
    %broadcast_in_dim3A_3 = vector.broadcast %broadcast_in_dim3A : f32 to vector<16xf32>
    %swap3A = arith.constant 0 : index
    %swap3A_4 = tpu.vector_load %arg7[%swap3A] {strides = array<i32>} : memref<128xf32, #tpu.memory_space<vmem>>, vector<16xf32>,
    %swap3A_5 = vector.shape_cast %swap3A_4 : vector<16xf32> to vector<16xf32>
    %swap3A_6 = vector.shape_cast %broadcast_in_dim3A_3 : vector<16xf32> to vector<16xf32>
    tpu.vector_store %arg7[%swap3A], %swap3A_6 {strides = array<i32>} : memref<128xf32, #tpu.memory_space<vmem>>, vector<16xf32>,
    %broadcast_in_dim3A_7 = arith.constant 1.000000e+00 : f32
    %broadcast_in_dim3A_8 = vector.broadcast %broadcast_in_dim3A_7 : f32 to vector<16xf32>
    %swap3A_9 = arith.constant 16 : index
    %swap3A_10 = tpu.vector_load %arg7[%swap3A_9] {strides = array<i32>} : memref<128xf32, #tpu.memory_space<vmem>>, vector<16xf32>,
    %swap3A_11 = vector.shape_cast %swap3A_10 : vector<16xf32> to vector<16xf32>
    %swap3A_12 = vector.shape_cast %broadcast_in_dim3A_8 : vector<16xf32> to vector<16xf32>
    tpu.vector_store %arg7[%swap3A_9], %swap3A_12 {strides = array<i32>} : memref<128xf32, #tpu.memory_space<vmem>>, vector<16xf32>,
    %broadcast_in_dim3A_13 = arith.constant 1.000000e+00 : f32
    %broadcast_in_dim3A_14 = vector.broadcast %broadcast_in_dim3A_13 : f32 to vector<16xf32>
    %swap3A_15 = arith.constant 32 : index
    %swap3A_16 = tpu.vector_load %arg7[%swap3A_15] {strides = array<i32>} : memref<128xf32, #tpu.memory_space<vmem>>, vector<16xf32>,
    %swap3A_17 = vector.shape_cast %swap3A_16 : vector<16xf32> to vector<16xf32>
    %swap3A_18 = vector.shape_cast %broadcast_in_dim3A_14 : vector<16xf32> to vector<16xf32>
    tpu.vector_store %arg7[%swap3A_15], %swap3A_18 {strides = array<i32>} : memref<128xf32, #tpu.memory_space<vmem>>, vector<16xf32>,
    %broadcast_in_dim3A_19 = arith.constant 1.000000e+00 : f32
    %broadcast_in_dim3A_20 = vector.broadcast %broadcast_in_dim3A_19 : f32 to vector<16xf32>
    %swap3A_21 = arith.constant 48 : index
    %swap3A_22 = tpu.vector_load %arg7[%swap3A_21] {strides = array<i32>} : memref<128xf32, #tpu.memory_space<vmem>>, vector<16xf32>,
    %swap3A_23 = vector.shape_cast %swap3A_22 : vector<16xf32> to vector<16xf32>
    %swap3A_24 = vector.shape_cast %broadcast_in_dim3A_20 : vector<16xf32> to vector<16xf32>
    tpu.vector_store %arg7[%swap3A_21], %swap3A_24 {strides = array<i32>} : memref<128xf32, #tpu.memory_space<vmem>>, vector<16xf32>,
    %broadcast_in_dim3A_25 = arith.constant 1.000000e+00 : f32
    %broadcast_in_dim3A_26 = vector.broadcast %broadcast_in_dim3A_25 : f32 to vector<16xf32>
    %swap3A_27 = arith.constant 64 : index
    %swap3A_28 = tpu.vector_load %arg7[%swap3A_27] {strides = array<i32>} : memref<128xf32, #tpu.memory_space<vmem>>, vector<16xf32>,
    %swap3A_29 = vector.shape_cast %swap3A_28 : vector<16xf32> to vector<16xf32>
    %swap3A_30 = vector.shape_cast %broadcast_in_dim3A_26 : vector<16xf32> to vector<16xf32>
    tpu.vector_store %arg7[%swap3A_27], %swap3A_30 {strides = array<i32>} : memref<128xf32, #tpu.memory_space<vmem>>, vector<16xf32>,
    %broadcast_in_dim3A_31 = arith.constant 1.000000e+00 : f32
    %broadcast_in_dim3A_32 = vector.broadcast %broadcast_in_dim3A_31 : f32 to vector<16xf32>
    %swap3A_33 = arith.constant 80 : index
    %swap3A_34 = tpu.vector_load %arg7[%swap3A_33] {strides = array<i32>} : memref<128xf32, #tpu.memory_space<vmem>>, vector<16xf32>,
    %swap3A_35 = vector.shape_cast %swap3A_34 : vector<16xf32> to vector<16xf32>
    %swap3A_36 = vector.shape_cast %broadcast_in_dim3A_32 : vector<16xf32> to vector<16xf32>
    tpu.vector_store %arg7[%swap3A_33], %swap3A_36 {strides = array<i32>} : memref<128xf32, #tpu.memory_space<vmem>>, vector<16xf32>,
    %broadcast_in_dim3A_37 = arith.constant 1.000000e+00 : f32
    %broadcast_in_dim3A_38 = vector.broadcast %broadcast_in_dim3A_37 : f32 to vector<16xf32>
    %swap3A_39 = arith.constant 96 : index
    %swap3A_40 = tpu.vector_load %arg7[%swap3A_39] {strides = array<i32>} : memref<128xf32, #tpu.memory_space<vmem>>, vector<16xf32>,
    %swap3A_41 = vector.shape_cast %swap3A_40 : vector<16xf32> to vector<16xf32>
    %swap3A_42 = vector.shape_cast %broadcast_in_dim3A_38 : vector<16xf32> to vector<16xf32>
    tpu.vector_store %arg7[%swap3A_39], %swap3A_42 {strides = array<i32>} : memref<128xf32, #tpu.memory_space<vmem>>, vector<16xf32>,
    %broadcast_in_dim3A_43 = arith.constant 1.000000e+00 : f32
    %broadcast_in_dim3A_44 = vector.broadcast %broadcast_in_dim3A_43 : f32 to vector<16xf32>
    %swap3A_45 = arith.constant 112 : index
    %swap3A_46 = tpu.vector_load %arg7[%swap3A_45] {strides = array<i32>} : memref<128xf32, #tpu.memory_space<vmem>>, vector<16xf32>,
    %swap3A_47 = vector.shape_cast %swap3A_46 : vector<16xf32> to vector<16xf32>
    %swap3A_48 = vector.shape_cast %broadcast_in_dim3A_44 : vector<16xf32> to vector<16xf32>
    tpu.vector_store %arg7[%swap3A_45], %swap3A_48 {strides = array<i32>} : memref<128xf32, #tpu.memory_space<vmem>>, vector<16xf32>,
    %mul3A_49 = arith.constant 640 : i32
    %mul3A_50 = arith.muli %arg1, %mul3A_49 : i32
    %mul3A_51 = arith.constant 640 : i32
    %mul3A_52 = arith.muli %arg1, %mul3A_51 : i32
    "tpu.region"() ({
      %run_scoped3A = tpu.sem_alloc : memref<!tpu.dma_semaphore, #tpu.memory_space<semaphore_mem>>
      %dma_start3A = tpu.memref_slice %arg5[%mul3A_52] : memref<10240xf32, #tpu.memory_space<vmem_shared>> -> memref<640xf32, #tpu.memory_space<vmem_shared>>
      %dma_start3A_63 = tpu.memref_slice %arg3[%mul3A_50] : memref<10240xf32, #tpu.memory_space<hbm>> -> memref<640xf32, #tpu.memory_space<hbm>>
      tpu.enqueue_dma source(%dma_start3A_63 : memref<640xf32, #tpu.memory_space<hbm>>) target(%dma_start3A : memref<640xf32, #tpu.memory_space<vmem_shared>>) target_semaphore(%run_scoped3A : memref<!tpu.dma_semaphore, #tpu.memory_space<semaphore_mem>>)
      %dma_wait3A = tpu.memref_slice %arg5[%mul3A_52] : memref<10240xf32, #tpu.memory_space<vmem_shared>> -> memref<640xf32, #tpu.memory_space<vmem_shared>>
      %dma_wait3A_64 = tpu.memref_slice %arg3[%mul3A_50] : memref<10240xf32, #tpu.memory_space<hbm>> -> memref<640xf32, #tpu.memory_space<hbm>>
      tpu.wait_dma2 semaphore(%run_scoped3A : memref<!tpu.dma_semaphore, #tpu.memory_space<semaphore_mem>>) src(%dma_wait3A_64 : memref<640xf32, #tpu.memory_space<hbm>>) dst(%dma_wait3A : memref<640xf32, #tpu.memory_space<vmem_shared>>)
      tpu.yield
    }) : () -> ()
    %barrier3A = arith.constant 0 : index
    tpu.barrier barrier_id(%barrier3A)
    %scan3A = arith.constant 0 : i32
    %scan3A_53 = arith.constant 0 : i32
    %scan3A_54 = arith.constant 80 : i32
    %scan3A_55 = arith.addi %scan3A_53, %scan3A_54 : i32
    %scan3A_56 = arith.constant 1 : i32
    scf.for %scan3A_63 = %scan3A_53 to %scan3A_55 step %scan3A_56  : i32 {
      "tpu.region"() ({
        %run_scoped3A = tpu.sem_alloc : memref<!tpu.dma_semaphore, #tpu.memory_space<semaphore_mem>>
        %dma_start3A = arith.constant 0 : i32
        %dma_start3A_64 = tpu.memref_slice %arg6[%scan3A_63, %dma_start3A] : memref<80x128xi32, #tpu.memory_space<vmem>> -> memref<1x128xi32, #tpu.memory_space<vmem>>
        %dma_start3A_65 = tpu.memref_squeeze %dma_start3A_64 : memref<1x128xi32, #tpu.memory_space<vmem>> -> memref<128xi32, #tpu.memory_space<vmem>>
        %dma_start3A_66 = arith.constant 0 : i32
        %dma_start3A_67 = tpu.memref_slice %arg5[%dma_start3A_66] : memref<10240xf32, #tpu.memory_space<vmem_shared>> -> memref<10240xf32, #tpu.memory_space<vmem_shared>>
        tpu.enqueue_indirect_dma source(%arg7 : memref<128xf32, #tpu.memory_space<vmem>>) target(%dma_start3A_67 : memref<10240xf32, #tpu.memory_space<vmem_shared>>) offsets(%dma_start3A_65 : memref<128xi32, #tpu.memory_space<vmem>>) semaphore(%run_scoped3A : memref<!tpu.dma_semaphore, #tpu.memory_space<semaphore_mem>>) {add = true}
        %dma_wait3A = arith.constant 0 : i32
        %dma_wait3A_68 = tpu.memref_slice %arg6[%scan3A_63, %dma_wait3A] : memref<80x128xi32, #tpu.memory_space<vmem>> -> memref<1x128xi32, #tpu.memory_space<vmem>>
        %dma_wait3A_69 = tpu.memref_squeeze %dma_wait3A_68 : memref<1x128xi32, #tpu.memory_space<vmem>> -> memref<128xi32, #tpu.memory_space<vmem>>
        %dma_wait3A_70 = arith.constant 0 : i32
        %dma_wait3A_71 = tpu.memref_slice %arg5[%dma_wait3A_70] : memref<10240xf32, #tpu.memory_space<vmem_shared>> -> memref<10240xf32, #tpu.memory_space<vmem_shared>>
        tpu.wait_indirect_dma semaphore(%run_scoped3A : memref<!tpu.dma_semaphore, #tpu.memory_space<semaphore_mem>>) src(%arg7 : memref<128xf32, #tpu.memory_space<vmem>>) dst(%dma_wait3A_71 : memref<10240xf32, #tpu.memory_space<vmem_shared>>)
        tpu.yield
      }) : () -> ()
    }
    %scan3A_57 = arith.constant 80 : i32
    %barrier3A_58 = arith.constant 0 : index
    tpu.barrier barrier_id(%barrier3A_58)
    %mul3A_59 = arith.constant 640 : i32
    %mul3A_60 = arith.muli %arg1, %mul3A_59 : i32
    %mul3A_61 = arith.constant 640 : i32
    %mul3A_62 = arith.muli %arg1, %mul3A_61 : i32
    "tpu.region"() ({
      %run_scoped3A = tpu.sem_alloc : memref<!tpu.dma_semaphore, #tpu.memory_space<semaphore_mem>>
      %dma_start3A = tpu.memref_slice %arg4[%arg0, %mul3A_62] : memref<2x10240xf32, #tpu.memory_space<hbm>> -> memref<1x640xf32, #tpu.memory_space<hbm>>
      %dma_start3A_63 = tpu.memref_squeeze %dma_start3A : memref<1x640xf32, #tpu.memory_space<hbm>> -> memref<640xf32, #tpu.memory_space<hbm>>
      %dma_start3A_64 = tpu.memref_slice %arg5[%mul3A_60] : memref<10240xf32, #tpu.memory_space<vmem_shared>> -> memref<640xf32, #tpu.memory_space<vmem_shared>>
      tpu.enqueue_dma source(%dma_start3A_64 : memref<640xf32, #tpu.memory_space<vmem_shared>>) target(%dma_start3A_63 : memref<640xf32, #tpu.memory_space<hbm>>) target_semaphore(%run_scoped3A : memref<!tpu.dma_semaphore, #tpu.memory_space<semaphore_mem>>)
      %dma_wait3A = tpu.memref_slice %arg4[%arg0, %mul3A_62] : memref<2x10240xf32, #tpu.memory_space<hbm>> -> memref<1x640xf32, #tpu.memory_space<hbm>>
      %dma_wait3A_65 = tpu.memref_squeeze %dma_wait3A : memref<1x640xf32, #tpu.memory_space<hbm>> -> memref<640xf32, #tpu.memory_space<hbm>>
      %dma_wait3A_66 = tpu.memref_slice %arg5[%mul3A_60] : memref<10240xf32, #tpu.memory_space<vmem_shared>> -> memref<640xf32, #tpu.memory_space<vmem_shared>>
      tpu.wait_dma2 semaphore(%run_scoped3A : memref<!tpu.dma_semaphore, #tpu.memory_space<semaphore_mem>>) src(%dma_wait3A_66 : memref<640xf32, #tpu.memory_space<vmem_shared>>) dst(%dma_wait3A_65 : memref<640xf32, #tpu.memory_space<hbm>>)
      tpu.yield
    }) : () -> ()
    return
  }
}

#map = affine_map<(d0, d1) -> (0, 0)>
#map1 = affine_map<(d0, d1) -> (0, 0, 0)>
module attributes {stable_mosaic.version = 14 : i64} {
  func.func @_spmm_body(%arg0: i32, %arg1: i32, %arg2: memref<10240x128xf32, #tpu.memory_space<hbm>>, %arg3: memref<2600x128xi32, #tpu.memory_space<hbm>>, %arg4: memref<2600x128xi32, #tpu.memory_space<hbm>>, %arg5: memref<2x10240x128xf32, #tpu.memory_space<hbm>>, %arg6: memref<10240x128xf32, #tpu.memory_space<vmem_shared>>, %arg7: memref<40x128xi32, #tpu.memory_space<vmem>>, %arg8: memref<40x128xi32, #tpu.memory_space<vmem>>, %arg9: memref<128x128xf32, #tpu.memory_space<vmem>>, %arg10: memref<128x128xf32, #tpu.memory_space<vmem>>, %arg11: memref<2x!tpu.dma_semaphore, #tpu.memory_space<semaphore_mem>>, %arg12: memref<2x!tpu.dma_semaphore, #tpu.memory_space<semaphore_mem>>) attributes {dimension_semantics = [#tpu.dimension_semantics<core_parallel>, #tpu.dimension_semantics<subcore_parallel>], iteration_bounds = array<i64: 2, 16>, scalar_prefetch = 0 : i64, scratch_operands = 7 : i64, tpu.core_type = #tpu.core_type<sc_vector_subcore>, window_params = [{transform_indices = #map}, {transform_indices = #map}, {transform_indices = #map}, {transform_indices = #map1}]} {
    %eq3A = arith.constant 0 : i32
    %eq3A_0 = arith.cmpi eq, %arg0, %eq3A : i32
    %jit3A = arith.constant 144 : i32
    %jit3A_1 = arith.constant 16 : i32
    %select_n3A = arith.select %eq3A_0, %jit3A, %jit3A_1 : i32
    %mul3A = arith.constant 2304 : i32
    %mul3A_2 = arith.muli %arg0, %mul3A : i32
    %mul3A_3 = arith.muli %arg1, %select_n3A : i32
    %add3A = arith.addi %mul3A_2, %mul3A_3 : i32
    %scan3A = arith.constant 0 : i32
    %scan3A_4 = arith.constant 0 : i32
    %scan3A_5 = arith.constant 128 : i32
    %scan3A_6 = arith.addi %scan3A_4, %scan3A_5 : i32
    %scan3A_7 = arith.constant 1 : i32
    scf.for %scan3A_51 = %scan3A_4 to %scan3A_6 step %scan3A_7  : i32 {
      %broadcast_in_dim3A = arith.constant 0.000000e+00 : f32
      %broadcast_in_dim3A_52 = vector.broadcast %broadcast_in_dim3A : f32 to vector<16xf32>
      %swap3A = arith.index_cast %scan3A_51 : i32 to index
      %swap3A_53 = arith.constant 0 : index
      %swap3A_54 = tpu.vector_load %arg9[%swap3A, %swap3A_53] {strides = array<i32>} : memref<128x128xf32, #tpu.memory_space<vmem>>, vector<1x16xf32>,
      %swap3A_55 = vector.shape_cast %swap3A_54 : vector<1x16xf32> to vector<16xf32>
      %swap3A_56 = vector.shape_cast %broadcast_in_dim3A_52 : vector<16xf32> to vector<1x16xf32>
      tpu.vector_store %arg9[%swap3A, %swap3A_53], %swap3A_56 {strides = array<i32>} : memref<128x128xf32, #tpu.memory_space<vmem>>, vector<1x16xf32>,
      %broadcast_in_dim3A_57 = arith.constant 0.000000e+00 : f32
      %broadcast_in_dim3A_58 = vector.broadcast %broadcast_in_dim3A_57 : f32 to vector<16xf32>
      %swap3A_59 = arith.index_cast %scan3A_51 : i32 to index
      %swap3A_60 = arith.constant 16 : index
      %swap3A_61 = tpu.vector_load %arg9[%swap3A_59, %swap3A_60] {strides = array<i32>} : memref<128x128xf32, #tpu.memory_space<vmem>>, vector<1x16xf32>,
      %swap3A_62 = vector.shape_cast %swap3A_61 : vector<1x16xf32> to vector<16xf32>
      %swap3A_63 = vector.shape_cast %broadcast_in_dim3A_58 : vector<16xf32> to vector<1x16xf32>
      tpu.vector_store %arg9[%swap3A_59, %swap3A_60], %swap3A_63 {strides = array<i32>} : memref<128x128xf32, #tpu.memory_space<vmem>>, vector<1x16xf32>,
      %broadcast_in_dim3A_64 = arith.constant 0.000000e+00 : f32
      %broadcast_in_dim3A_65 = vector.broadcast %broadcast_in_dim3A_64 : f32 to vector<16xf32>
      %swap3A_66 = arith.index_cast %scan3A_51 : i32 to index
      %swap3A_67 = arith.constant 32 : index
      %swap3A_68 = tpu.vector_load %arg9[%swap3A_66, %swap3A_67] {strides = array<i32>} : memref<128x128xf32, #tpu.memory_space<vmem>>, vector<1x16xf32>,
      %swap3A_69 = vector.shape_cast %swap3A_68 : vector<1x16xf32> to vector<16xf32>
      %swap3A_70 = vector.shape_cast %broadcast_in_dim3A_65 : vector<16xf32> to vector<1x16xf32>
      tpu.vector_store %arg9[%swap3A_66, %swap3A_67], %swap3A_70 {strides = array<i32>} : memref<128x128xf32, #tpu.memory_space<vmem>>, vector<1x16xf32>,
      %broadcast_in_dim3A_71 = arith.constant 0.000000e+00 : f32
      %broadcast_in_dim3A_72 = vector.broadcast %broadcast_in_dim3A_71 : f32 to vector<16xf32>
      %swap3A_73 = arith.index_cast %scan3A_51 : i32 to index
      %swap3A_74 = arith.constant 48 : index
      %swap3A_75 = tpu.vector_load %arg9[%swap3A_73, %swap3A_74] {strides = array<i32>} : memref<128x128xf32, #tpu.memory_space<vmem>>, vector<1x16xf32>,
      %swap3A_76 = vector.shape_cast %swap3A_75 : vector<1x16xf32> to vector<16xf32>
      %swap3A_77 = vector.shape_cast %broadcast_in_dim3A_72 : vector<16xf32> to vector<1x16xf32>
      tpu.vector_store %arg9[%swap3A_73, %swap3A_74], %swap3A_77 {strides = array<i32>} : memref<128x128xf32, #tpu.memory_space<vmem>>, vector<1x16xf32>,
      %broadcast_in_dim3A_78 = arith.constant 0.000000e+00 : f32
      %broadcast_in_dim3A_79 = vector.broadcast %broadcast_in_dim3A_78 : f32 to vector<16xf32>
      %swap3A_80 = arith.index_cast %scan3A_51 : i32 to index
      %swap3A_81 = arith.constant 64 : index
      %swap3A_82 = tpu.vector_load %arg9[%swap3A_80, %swap3A_81] {strides = array<i32>} : memref<128x128xf32, #tpu.memory_space<vmem>>, vector<1x16xf32>,
      %swap3A_83 = vector.shape_cast %swap3A_82 : vector<1x16xf32> to vector<16xf32>
      %swap3A_84 = vector.shape_cast %broadcast_in_dim3A_79 : vector<16xf32> to vector<1x16xf32>
      tpu.vector_store %arg9[%swap3A_80, %swap3A_81], %swap3A_84 {strides = array<i32>} : memref<128x128xf32, #tpu.memory_space<vmem>>, vector<1x16xf32>,
      %broadcast_in_dim3A_85 = arith.constant 0.000000e+00 : f32
      %broadcast_in_dim3A_86 = vector.broadcast %broadcast_in_dim3A_85 : f32 to vector<16xf32>
      %swap3A_87 = arith.index_cast %scan3A_51 : i32 to index
      %swap3A_88 = arith.constant 80 : index
      %swap3A_89 = tpu.vector_load %arg9[%swap3A_87, %swap3A_88] {strides = array<i32>} : memref<128x128xf32, #tpu.memory_space<vmem>>, vector<1x16xf32>,
      %swap3A_90 = vector.shape_cast %swap3A_89 : vector<1x16xf32> to vector<16xf32>
      %swap3A_91 = vector.shape_cast %broadcast_in_dim3A_86 : vector<16xf32> to vector<1x16xf32>
      tpu.vector_store %arg9[%swap3A_87, %swap3A_88], %swap3A_91 {strides = array<i32>} : memref<128x128xf32, #tpu.memory_space<vmem>>, vector<1x16xf32>,
      %broadcast_in_dim3A_92 = arith.constant 0.000000e+00 : f32
      %broadcast_in_dim3A_93 = vector.broadcast %broadcast_in_dim3A_92 : f32 to vector<16xf32>
      %swap3A_94 = arith.index_cast %scan3A_51 : i32 to index
      %swap3A_95 = arith.constant 96 : index
      %swap3A_96 = tpu.vector_load %arg9[%swap3A_94, %swap3A_95] {strides = array<i32>} : memref<128x128xf32, #tpu.memory_space<vmem>>, vector<1x16xf32>,
      %swap3A_97 = vector.shape_cast %swap3A_96 : vector<1x16xf32> to vector<16xf32>
      %swap3A_98 = vector.shape_cast %broadcast_in_dim3A_93 : vector<16xf32> to vector<1x16xf32>
      tpu.vector_store %arg9[%swap3A_94, %swap3A_95], %swap3A_98 {strides = array<i32>} : memref<128x128xf32, #tpu.memory_space<vmem>>, vector<1x16xf32>,
      %broadcast_in_dim3A_99 = arith.constant 0.000000e+00 : f32
      %broadcast_in_dim3A_100 = vector.broadcast %broadcast_in_dim3A_99 : f32 to vector<16xf32>
      %swap3A_101 = arith.index_cast %scan3A_51 : i32 to index
      %swap3A_102 = arith.constant 112 : index
      %swap3A_103 = tpu.vector_load %arg9[%swap3A_101, %swap3A_102] {strides = array<i32>} : memref<128x128xf32, #tpu.memory_space<vmem>>, vector<1x16xf32>,
      %swap3A_104 = vector.shape_cast %swap3A_103 : vector<1x16xf32> to vector<16xf32>
      %swap3A_105 = vector.shape_cast %broadcast_in_dim3A_100 : vector<16xf32> to vector<1x16xf32>
      tpu.vector_store %arg9[%swap3A_101, %swap3A_102], %swap3A_105 {strides = array<i32>} : memref<128x128xf32, #tpu.memory_space<vmem>>, vector<1x16xf32>,
    }
    %scan3A_8 = arith.constant 128 : i32
    %mul3A_9 = arith.constant 640 : i32
    %mul3A_10 = arith.muli %arg1, %mul3A_9 : i32
    %add3A_11 = arith.constant 0 : i32
    %add3A_12 = arith.addi %mul3A_10, %add3A_11 : i32
    "tpu.region"() ({
      %run_scoped3A = tpu.sem_alloc : memref<!tpu.dma_semaphore, #tpu.memory_space<semaphore_mem>>
      %dma_start3A = arith.constant 0 : i32
      %dma_start3A_51 = tpu.memref_slice %arg6[%add3A_12, %dma_start3A] : memref<10240x128xf32, #tpu.memory_space<vmem_shared>> -> memref<128x128xf32, #tpu.memory_space<vmem_shared>>
      %dma_start3A_52 = arith.constant 0 : i32
      %dma_start3A_53 = tpu.memref_slice %arg6[%add3A_12, %dma_start3A_52] : memref<10240x128xf32, #tpu.memory_space<vmem_shared>> -> memref<128x128xf32, #tpu.memory_space<vmem_shared>>
      tpu.enqueue_dma source(%arg9 : memref<128x128xf32, #tpu.memory_space<vmem>>) target(%dma_start3A_53 : memref<128x128xf32, #tpu.memory_space<vmem_shared>>) target_semaphore(%run_scoped3A : memref<!tpu.dma_semaphore, #tpu.memory_space<semaphore_mem>>)
      %dma_wait3A = arith.constant 0 : i32
      %dma_wait3A_54 = tpu.memref_slice %arg6[%add3A_12, %dma_wait3A] : memref<10240x128xf32, #tpu.memory_space<vmem_shared>> -> memref<128x128xf32, #tpu.memory_space<vmem_shared>>
      %dma_wait3A_55 = arith.constant 0 : i32
      %dma_wait3A_56 = tpu.memref_slice %arg6[%add3A_12, %dma_wait3A_55] : memref<10240x128xf32, #tpu.memory_space<vmem_shared>> -> memref<128x128xf32, #tpu.memory_space<vmem_shared>>
      tpu.wait_dma2 semaphore(%run_scoped3A : memref<!tpu.dma_semaphore, #tpu.memory_space<semaphore_mem>>) src(%arg9 : memref<128x128xf32, #tpu.memory_space<vmem>>) dst(%dma_wait3A_56 : memref<128x128xf32, #tpu.memory_space<vmem_shared>>)
      tpu.yield
    }) : () -> ()
    %mul3A_13 = arith.constant 640 : i32
    %mul3A_14 = arith.muli %arg1, %mul3A_13 : i32
    %add3A_15 = arith.constant 128 : i32
    %add3A_16 = arith.addi %mul3A_14, %add3A_15 : i32
    "tpu.region"() ({
      %run_scoped3A = tpu.sem_alloc : memref<!tpu.dma_semaphore, #tpu.memory_space<semaphore_mem>>
      %dma_start3A = arith.constant 0 : i32
      %dma_start3A_51 = tpu.memref_slice %arg6[%add3A_16, %dma_start3A] : memref<10240x128xf32, #tpu.memory_space<vmem_shared>> -> memref<128x128xf32, #tpu.memory_space<vmem_shared>>
      %dma_start3A_52 = arith.constant 0 : i32
      %dma_start3A_53 = tpu.memref_slice %arg6[%add3A_16, %dma_start3A_52] : memref<10240x128xf32, #tpu.memory_space<vmem_shared>> -> memref<128x128xf32, #tpu.memory_space<vmem_shared>>
      tpu.enqueue_dma source(%arg9 : memref<128x128xf32, #tpu.memory_space<vmem>>) target(%dma_start3A_53 : memref<128x128xf32, #tpu.memory_space<vmem_shared>>) target_semaphore(%run_scoped3A : memref<!tpu.dma_semaphore, #tpu.memory_space<semaphore_mem>>)
      %dma_wait3A = arith.constant 0 : i32
      %dma_wait3A_54 = tpu.memref_slice %arg6[%add3A_16, %dma_wait3A] : memref<10240x128xf32, #tpu.memory_space<vmem_shared>> -> memref<128x128xf32, #tpu.memory_space<vmem_shared>>
      %dma_wait3A_55 = arith.constant 0 : i32
      %dma_wait3A_56 = tpu.memref_slice %arg6[%add3A_16, %dma_wait3A_55] : memref<10240x128xf32, #tpu.memory_space<vmem_shared>> -> memref<128x128xf32, #tpu.memory_space<vmem_shared>>
      tpu.wait_dma2 semaphore(%run_scoped3A : memref<!tpu.dma_semaphore, #tpu.memory_space<semaphore_mem>>) src(%arg9 : memref<128x128xf32, #tpu.memory_space<vmem>>) dst(%dma_wait3A_56 : memref<128x128xf32, #tpu.memory_space<vmem_shared>>)
      tpu.yield
    }) : () -> ()
    %mul3A_17 = arith.constant 640 : i32
    %mul3A_18 = arith.muli %arg1, %mul3A_17 : i32
    %add3A_19 = arith.constant 256 : i32
    %add3A_20 = arith.addi %mul3A_18, %add3A_19 : i32
    "tpu.region"() ({
      %run_scoped3A = tpu.sem_alloc : memref<!tpu.dma_semaphore, #tpu.memory_space<semaphore_mem>>
      %dma_start3A = arith.constant 0 : i32
      %dma_start3A_51 = tpu.memref_slice %arg6[%add3A_20, %dma_start3A] : memref<10240x128xf32, #tpu.memory_space<vmem_shared>> -> memref<128x128xf32, #tpu.memory_space<vmem_shared>>
      %dma_start3A_52 = arith.constant 0 : i32
      %dma_start3A_53 = tpu.memref_slice %arg6[%add3A_20, %dma_start3A_52] : memref<10240x128xf32, #tpu.memory_space<vmem_shared>> -> memref<128x128xf32, #tpu.memory_space<vmem_shared>>
      tpu.enqueue_dma source(%arg9 : memref<128x128xf32, #tpu.memory_space<vmem>>) target(%dma_start3A_53 : memref<128x128xf32, #tpu.memory_space<vmem_shared>>) target_semaphore(%run_scoped3A : memref<!tpu.dma_semaphore, #tpu.memory_space<semaphore_mem>>)
      %dma_wait3A = arith.constant 0 : i32
      %dma_wait3A_54 = tpu.memref_slice %arg6[%add3A_20, %dma_wait3A] : memref<10240x128xf32, #tpu.memory_space<vmem_shared>> -> memref<128x128xf32, #tpu.memory_space<vmem_shared>>
      %dma_wait3A_55 = arith.constant 0 : i32
      %dma_wait3A_56 = tpu.memref_slice %arg6[%add3A_20, %dma_wait3A_55] : memref<10240x128xf32, #tpu.memory_space<vmem_shared>> -> memref<128x128xf32, #tpu.memory_space<vmem_shared>>
      tpu.wait_dma2 semaphore(%run_scoped3A : memref<!tpu.dma_semaphore, #tpu.memory_space<semaphore_mem>>) src(%arg9 : memref<128x128xf32, #tpu.memory_space<vmem>>) dst(%dma_wait3A_56 : memref<128x128xf32, #tpu.memory_space<vmem_shared>>)
      tpu.yield
    }) : () -> ()
    %mul3A_21 = arith.constant 640 : i32
    %mul3A_22 = arith.muli %arg1, %mul3A_21 : i32
    %add3A_23 = arith.constant 384 : i32
    %add3A_24 = arith.addi %mul3A_22, %add3A_23 : i32
    "tpu.region"() ({
      %run_scoped3A = tpu.sem_alloc : memref<!tpu.dma_semaphore, #tpu.memory_space<semaphore_mem>>
      %dma_start3A = arith.constant 0 : i32
      %dma_start3A_51 = tpu.memref_slice %arg6[%add3A_24, %dma_start3A] : memref<10240x128xf32, #tpu.memory_space<vmem_shared>> -> memref<128x128xf32, #tpu.memory_space<vmem_shared>>
      %dma_start3A_52 = arith.constant 0 : i32
      %dma_start3A_53 = tpu.memref_slice %arg6[%add3A_24, %dma_start3A_52] : memref<10240x128xf32, #tpu.memory_space<vmem_shared>> -> memref<128x128xf32, #tpu.memory_space<vmem_shared>>
      tpu.enqueue_dma source(%arg9 : memref<128x128xf32, #tpu.memory_space<vmem>>) target(%dma_start3A_53 : memref<128x128xf32, #tpu.memory_space<vmem_shared>>) target_semaphore(%run_scoped3A : memref<!tpu.dma_semaphore, #tpu.memory_space<semaphore_mem>>)
      %dma_wait3A = arith.constant 0 : i32
      %dma_wait3A_54 = tpu.memref_slice %arg6[%add3A_24, %dma_wait3A] : memref<10240x128xf32, #tpu.memory_space<vmem_shared>> -> memref<128x128xf32, #tpu.memory_space<vmem_shared>>
      %dma_wait3A_55 = arith.constant 0 : i32
      %dma_wait3A_56 = tpu.memref_slice %arg6[%add3A_24, %dma_wait3A_55] : memref<10240x128xf32, #tpu.memory_space<vmem_shared>> -> memref<128x128xf32, #tpu.memory_space<vmem_shared>>
      tpu.wait_dma2 semaphore(%run_scoped3A : memref<!tpu.dma_semaphore, #tpu.memory_space<semaphore_mem>>) src(%arg9 : memref<128x128xf32, #tpu.memory_space<vmem>>) dst(%dma_wait3A_56 : memref<128x128xf32, #tpu.memory_space<vmem_shared>>)
      tpu.yield
    }) : () -> ()
    %mul3A_25 = arith.constant 640 : i32
    %mul3A_26 = arith.muli %arg1, %mul3A_25 : i32
    %add3A_27 = arith.constant 512 : i32
    %add3A_28 = arith.addi %mul3A_26, %add3A_27 : i32
    "tpu.region"() ({
      %run_scoped3A = tpu.sem_alloc : memref<!tpu.dma_semaphore, #tpu.memory_space<semaphore_mem>>
      %dma_start3A = arith.constant 0 : i32
      %dma_start3A_51 = tpu.memref_slice %arg6[%add3A_28, %dma_start3A] : memref<10240x128xf32, #tpu.memory_space<vmem_shared>> -> memref<128x128xf32, #tpu.memory_space<vmem_shared>>
      %dma_start3A_52 = arith.constant 0 : i32
      %dma_start3A_53 = tpu.memref_slice %arg6[%add3A_28, %dma_start3A_52] : memref<10240x128xf32, #tpu.memory_space<vmem_shared>> -> memref<128x128xf32, #tpu.memory_space<vmem_shared>>
      tpu.enqueue_dma source(%arg9 : memref<128x128xf32, #tpu.memory_space<vmem>>) target(%dma_start3A_53 : memref<128x128xf32, #tpu.memory_space<vmem_shared>>) target_semaphore(%run_scoped3A : memref<!tpu.dma_semaphore, #tpu.memory_space<semaphore_mem>>)
      %dma_wait3A = arith.constant 0 : i32
      %dma_wait3A_54 = tpu.memref_slice %arg6[%add3A_28, %dma_wait3A] : memref<10240x128xf32, #tpu.memory_space<vmem_shared>> -> memref<128x128xf32, #tpu.memory_space<vmem_shared>>
      %dma_wait3A_55 = arith.constant 0 : i32
      %dma_wait3A_56 = tpu.memref_slice %arg6[%add3A_28, %dma_wait3A_55] : memref<10240x128xf32, #tpu.memory_space<vmem_shared>> -> memref<128x128xf32, #tpu.memory_space<vmem_shared>>
      tpu.wait_dma2 semaphore(%run_scoped3A : memref<!tpu.dma_semaphore, #tpu.memory_space<semaphore_mem>>) src(%arg9 : memref<128x128xf32, #tpu.memory_space<vmem>>) dst(%dma_wait3A_56 : memref<128x128xf32, #tpu.memory_space<vmem_shared>>)
      tpu.yield
    }) : () -> ()
    %barrier3A = arith.constant 0 : index
    tpu.barrier barrier_id(%barrier3A)
    %gt3A = arith.constant 0 : i32
    %gt3A_29 = arith.cmpi sgt, %select_n3A, %gt3A : i32
    %convert_element_type3A = arith.extui %gt3A_29 : i1 to i32
    %cond3A = arith.constant 0 : i32
    %cond3A_30 = arith.cmpi ne, %convert_element_type3A, %cond3A : i32
    scf.if %cond3A_30 {
      %sub3A = arith.constant 0 : i32
      %sub3A_51 = arith.subi %select_n3A, %sub3A : i32
      %min3A = arith.constant 40 : i32
      %min3A_52 = arith.minsi %min3A, %sub3A_51 : i32
      %add3A_53 = arith.constant 0 : i32
      %add3A_54 = arith.addi %add3A, %add3A_53 : i32
      %multiple_of3A = tpu.assume_multiple %add3A_54, 8 : i32
      "tpu.region"() ({
        %run_scoped3A = tpu.sem_alloc : memref<!tpu.dma_semaphore, #tpu.memory_space<semaphore_mem>>
        %dma_start3A_127 = arith.constant 0 : i32
        %dma_start3A_128 = tpu.memref_slice %arg3[%multiple_of3A, %dma_start3A_127] : memref<2600x128xi32, #tpu.memory_space<hbm>> -> memref<40x128xi32, #tpu.memory_space<hbm>>
        %dma_start3A_129 = arith.constant 0 : i32
        %dma_start3A_130 = tpu.memref_slice %arg3[%multiple_of3A, %dma_start3A_129] : memref<2600x128xi32, #tpu.memory_space<hbm>> -> memref<40x128xi32, #tpu.memory_space<hbm>>
        tpu.enqueue_dma source(%dma_start3A_130 : memref<40x128xi32, #tpu.memory_space<hbm>>) target(%arg7 : memref<40x128xi32, #tpu.memory_space<vmem>>) target_semaphore(%run_scoped3A : memref<!tpu.dma_semaphore, #tpu.memory_space<semaphore_mem>>)
        %dma_wait3A_131 = arith.constant 0 : i32
        %dma_wait3A_132 = tpu.memref_slice %arg3[%multiple_of3A, %dma_wait3A_131] : memref<2600x128xi32, #tpu.memory_space<hbm>> -> memref<40x128xi32, #tpu.memory_space<hbm>>
        %dma_wait3A_133 = arith.constant 0 : i32
        %dma_wait3A_134 = tpu.memref_slice %arg3[%multiple_of3A, %dma_wait3A_133] : memref<2600x128xi32, #tpu.memory_space<hbm>> -> memref<40x128xi32, #tpu.memory_space<hbm>>
        tpu.wait_dma2 semaphore(%run_scoped3A : memref<!tpu.dma_semaphore, #tpu.memory_space<semaphore_mem>>) src(%dma_wait3A_134 : memref<40x128xi32, #tpu.memory_space<hbm>>) dst(%arg7 : memref<40x128xi32, #tpu.memory_space<vmem>>)
        tpu.yield
      }) : () -> ()
      "tpu.region"() ({
        %run_scoped3A = tpu.sem_alloc : memref<!tpu.dma_semaphore, #tpu.memory_space<semaphore_mem>>
        %dma_start3A_127 = arith.constant 0 : i32
        %dma_start3A_128 = tpu.memref_slice %arg4[%multiple_of3A, %dma_start3A_127] : memref<2600x128xi32, #tpu.memory_space<hbm>> -> memref<40x128xi32, #tpu.memory_space<hbm>>
        %dma_start3A_129 = arith.constant 0 : i32
        %dma_start3A_130 = tpu.memref_slice %arg4[%multiple_of3A, %dma_start3A_129] : memref<2600x128xi32, #tpu.memory_space<hbm>> -> memref<40x128xi32, #tpu.memory_space<hbm>>
        tpu.enqueue_dma source(%dma_start3A_130 : memref<40x128xi32, #tpu.memory_space<hbm>>) target(%arg8 : memref<40x128xi32, #tpu.memory_space<vmem>>) target_semaphore(%run_scoped3A : memref<!tpu.dma_semaphore, #tpu.memory_space<semaphore_mem>>)
        %dma_wait3A_131 = arith.constant 0 : i32
        %dma_wait3A_132 = tpu.memref_slice %arg4[%multiple_of3A, %dma_wait3A_131] : memref<2600x128xi32, #tpu.memory_space<hbm>> -> memref<40x128xi32, #tpu.memory_space<hbm>>
        %dma_wait3A_133 = arith.constant 0 : i32
        %dma_wait3A_134 = tpu.memref_slice %arg4[%multiple_of3A, %dma_wait3A_133] : memref<2600x128xi32, #tpu.memory_space<hbm>> -> memref<40x128xi32, #tpu.memory_space<hbm>>
        tpu.wait_dma2 semaphore(%run_scoped3A : memref<!tpu.dma_semaphore, #tpu.memory_space<semaphore_mem>>) src(%dma_wait3A_134 : memref<40x128xi32, #tpu.memory_space<hbm>>) dst(%arg8 : memref<40x128xi32, #tpu.memory_space<vmem>>)
        tpu.yield
      }) : () -> ()
      %dma_start3A = arith.constant 0 : i32
      %dma_start3A_55 = arith.constant 0 : i32
      %dma_start3A_56 = arith.constant 0 : i32
      %dma_start3A_57 = tpu.memref_slice %arg7[%dma_start3A, %dma_start3A_56] : memref<40x128xi32, #tpu.memory_space<vmem>> -> memref<1x128xi32, #tpu.memory_space<vmem>>
      %dma_start3A_58 = tpu.memref_squeeze %dma_start3A_57 : memref<1x128xi32, #tpu.memory_space<vmem>> -> memref<128xi32, #tpu.memory_space<vmem>>
      %dma_start3A_59 = arith.constant 0 : i32
      %dma_start3A_60 = arith.constant 0 : i32
      %dma_start3A_61 = tpu.memref_slice %arg2[%dma_start3A_59, %dma_start3A_60] : memref<10240x128xf32, #tpu.memory_space<hbm>> -> memref<10240x128xf32, #tpu.memory_space<hbm>>
      %dma_start3A_62 = tpu.memref_slice %arg11[%dma_start3A_55] : memref<2x!tpu.dma_semaphore, #tpu.memory_space<semaphore_mem>> -> memref<1x!tpu.dma_semaphore, #tpu.memory_space<semaphore_mem>>
      %dma_start3A_63 = tpu.memref_squeeze %dma_start3A_62 : memref<1x!tpu.dma_semaphore, #tpu.memory_space<semaphore_mem>> -> memref<!tpu.dma_semaphore, #tpu.memory_space<semaphore_mem>>
      tpu.enqueue_indirect_dma source(%dma_start3A_61 : memref<10240x128xf32, #tpu.memory_space<hbm>>) target(%arg9 : memref<128x128xf32, #tpu.memory_space<vmem>>) offsets(%dma_start3A_58 : memref<128xi32, #tpu.memory_space<vmem>>) semaphore(%dma_start3A_63 : memref<!tpu.dma_semaphore, #tpu.memory_space<semaphore_mem>>)
      %dma_start3A_64 = arith.constant 1 : i32
      %dma_start3A_65 = arith.constant 1 : i32
      %dma_start3A_66 = arith.constant 0 : i32
      %dma_start3A_67 = tpu.memref_slice %arg7[%dma_start3A_64, %dma_start3A_66] : memref<40x128xi32, #tpu.memory_space<vmem>> -> memref<1x128xi32, #tpu.memory_space<vmem>>
      %dma_start3A_68 = tpu.memref_squeeze %dma_start3A_67 : memref<1x128xi32, #tpu.memory_space<vmem>> -> memref<128xi32, #tpu.memory_space<vmem>>
      %dma_start3A_69 = arith.constant 0 : i32
      %dma_start3A_70 = arith.constant 0 : i32
      %dma_start3A_71 = tpu.memref_slice %arg2[%dma_start3A_69, %dma_start3A_70] : memref<10240x128xf32, #tpu.memory_space<hbm>> -> memref<10240x128xf32, #tpu.memory_space<hbm>>
      %dma_start3A_72 = tpu.memref_slice %arg11[%dma_start3A_65] : memref<2x!tpu.dma_semaphore, #tpu.memory_space<semaphore_mem>> -> memref<1x!tpu.dma_semaphore, #tpu.memory_space<semaphore_mem>>
      %dma_start3A_73 = tpu.memref_squeeze %dma_start3A_72 : memref<1x!tpu.dma_semaphore, #tpu.memory_space<semaphore_mem>> -> memref<!tpu.dma_semaphore, #tpu.memory_space<semaphore_mem>>
      tpu.enqueue_indirect_dma source(%dma_start3A_71 : memref<10240x128xf32, #tpu.memory_space<hbm>>) target(%arg10 : memref<128x128xf32, #tpu.memory_space<vmem>>) offsets(%dma_start3A_68 : memref<128xi32, #tpu.memory_space<vmem>>) semaphore(%dma_start3A_73 : memref<!tpu.dma_semaphore, #tpu.memory_space<semaphore_mem>>)
      %jit3A_74 = arith.constant 2 : i32
      %div3A = arith.divsi %min3A_52, %jit3A_74 : i32
      %sign3A = arith.constant 0 : i32
      %sign3A_75 = arith.cmpi sgt, %min3A_52, %sign3A : i32
      %sign3A_76 = arith.extui %sign3A_75 : i1 to i32
      %sign3A_77 = arith.constant 0 : i32
      %sign3A_78 = arith.cmpi slt, %min3A_52, %sign3A_77 : i32
      %sign3A_79 = arith.extui %sign3A_78 : i1 to i32
      %sign3A_80 = arith.subi %sign3A_76, %sign3A_79 : i32
      %sign3A_81 = arith.constant 0 : i32
      %sign3A_82 = arith.cmpi sgt, %jit3A_74, %sign3A_81 : i32
      %sign3A_83 = arith.extui %sign3A_82 : i1 to i32
      %sign3A_84 = arith.constant 0 : i32
      %sign3A_85 = arith.cmpi slt, %jit3A_74, %sign3A_84 : i32
      %sign3A_86 = arith.extui %sign3A_85 : i1 to i32
      %sign3A_87 = arith.subi %sign3A_83, %sign3A_86 : i32
      %ne3A = arith.cmpi ne, %sign3A_80, %sign3A_87 : i32
      %rem3A = arith.remsi %min3A_52, %jit3A_74 : i32
      %ne3A_88 = arith.constant 0 : i32
      %ne3A_89 = arith.cmpi ne, %rem3A, %ne3A_88 : i32
      %and3A = arith.andi %ne3A, %ne3A_89 : i1
      %sub3A_90 = arith.constant 1 : i32
      %sub3A_91 = arith.subi %div3A, %sub3A_90 : i32
      %select_n3A_92 = arith.select %and3A, %sub3A_91, %div3A : i32
      %while3A = arith.constant 0 : i32
      %while3A_93 = arith.constant 0 : i32
      %while3A_94 = arith.subi %select_n3A_92, %while3A_93 : i32
      %while3A_95 = arith.addi %while3A_93, %while3A_94 : i32
      %while3A_96 = arith.constant 1 : i32
      %while3A_97 = arith.divsi %while3A_94, %while3A_96 : i32
      %while3A_98 = arith.muli %while3A_97, %while3A_96 : i32
      %while3A_99 = arith.addi %while3A_93, %while3A_98 : i32
      %while3A_100 = arith.constant 1 : i32
      scf.for %while3A_127 = %while3A_93 to %while3A_99 step %while3A_100  : i32 {
        %mul3A_128 = arith.constant 2 : i32
        %mul3A_129 = arith.muli %while3A_127, %mul3A_128 : i32
        %add3A_130 = arith.constant 0 : i32
        %add3A_131 = arith.addi %mul3A_129, %add3A_130 : i32
        %dma_wait3A_132 = arith.constant 0 : i32
        %dma_wait3A_133 = arith.constant 0 : i32
        %dma_wait3A_134 = tpu.memref_slice %arg7[%add3A_131, %dma_wait3A_133] : memref<40x128xi32, #tpu.memory_space<vmem>> -> memref<1x128xi32, #tpu.memory_space<vmem>>
        %dma_wait3A_135 = tpu.memref_squeeze %dma_wait3A_134 : memref<1x128xi32, #tpu.memory_space<vmem>> -> memref<128xi32, #tpu.memory_space<vmem>>
        %dma_wait3A_136 = arith.constant 0 : i32
        %dma_wait3A_137 = arith.constant 0 : i32
        %dma_wait3A_138 = tpu.memref_slice %arg2[%dma_wait3A_136, %dma_wait3A_137] : memref<10240x128xf32, #tpu.memory_space<hbm>> -> memref<10240x128xf32, #tpu.memory_space<hbm>>
        %dma_wait3A_139 = tpu.memref_slice %arg11[%dma_wait3A_132] : memref<2x!tpu.dma_semaphore, #tpu.memory_space<semaphore_mem>> -> memref<1x!tpu.dma_semaphore, #tpu.memory_space<semaphore_mem>>
        %dma_wait3A_140 = tpu.memref_squeeze %dma_wait3A_139 : memref<1x!tpu.dma_semaphore, #tpu.memory_space<semaphore_mem>> -> memref<!tpu.dma_semaphore, #tpu.memory_space<semaphore_mem>>
        tpu.wait_indirect_dma semaphore(%dma_wait3A_140 : memref<!tpu.dma_semaphore, #tpu.memory_space<semaphore_mem>>) src(%dma_wait3A_138 : memref<10240x128xf32, #tpu.memory_space<hbm>>) dst(%arg9 : memref<128x128xf32, #tpu.memory_space<vmem>>)
        %dma_start3A_141 = arith.constant 0 : i32
        %dma_start3A_142 = arith.constant 0 : i32
        %dma_start3A_143 = tpu.memref_slice %arg8[%add3A_131, %dma_start3A_142] : memref<40x128xi32, #tpu.memory_space<vmem>> -> memref<1x128xi32, #tpu.memory_space<vmem>>
        %dma_start3A_144 = tpu.memref_squeeze %dma_start3A_143 : memref<1x128xi32, #tpu.memory_space<vmem>> -> memref<128xi32, #tpu.memory_space<vmem>>
        %dma_start3A_145 = arith.constant 0 : i32
        %dma_start3A_146 = arith.constant 0 : i32
        %dma_start3A_147 = tpu.memref_slice %arg6[%dma_start3A_145, %dma_start3A_146] : memref<10240x128xf32, #tpu.memory_space<vmem_shared>> -> memref<10240x128xf32, #tpu.memory_space<vmem_shared>>
        %dma_start3A_148 = tpu.memref_slice %arg12[%dma_start3A_141] : memref<2x!tpu.dma_semaphore, #tpu.memory_space<semaphore_mem>> -> memref<1x!tpu.dma_semaphore, #tpu.memory_space<semaphore_mem>>
        %dma_start3A_149 = tpu.memref_squeeze %dma_start3A_148 : memref<1x!tpu.dma_semaphore, #tpu.memory_space<semaphore_mem>> -> memref<!tpu.dma_semaphore, #tpu.memory_space<semaphore_mem>>
        tpu.enqueue_indirect_dma source(%arg9 : memref<128x128xf32, #tpu.memory_space<vmem>>) target(%dma_start3A_147 : memref<10240x128xf32, #tpu.memory_space<vmem_shared>>) offsets(%dma_start3A_144 : memref<128xi32, #tpu.memory_space<vmem>>) semaphore(%dma_start3A_149 : memref<!tpu.dma_semaphore, #tpu.memory_space<semaphore_mem>>) {add = true}
        %sub3A_150 = arith.constant 1 : i32
        %sub3A_151 = arith.subi %add3A_131, %sub3A_150 : i32
        %add3A_152 = arith.constant 2 : i32
        %add3A_153 = arith.addi %sub3A_151, %add3A_152 : i32
        %ge3A = arith.constant 0 : i32
        %ge3A_154 = arith.cmpi sge, %sub3A_151, %ge3A : i32
        %lt3A = arith.cmpi slt, %add3A_153, %min3A_52 : i32
        %and3A_155 = arith.andi %ge3A_154, %lt3A : i1
        %convert_element_type3A_156 = arith.extui %and3A_155 : i1 to i32
        %cond3A_157 = arith.constant 0 : i32
        %cond3A_158 = arith.cmpi ne, %convert_element_type3A_156, %cond3A_157 : i32
        scf.if %cond3A_158 {
          %dma_wait3A_192 = arith.constant 1 : i32
          %dma_wait3A_193 = arith.constant 0 : i32
          %dma_wait3A_194 = tpu.memref_slice %arg8[%sub3A_151, %dma_wait3A_193] : memref<40x128xi32, #tpu.memory_space<vmem>> -> memref<1x128xi32, #tpu.memory_space<vmem>>
          %dma_wait3A_195 = tpu.memref_squeeze %dma_wait3A_194 : memref<1x128xi32, #tpu.memory_space<vmem>> -> memref<128xi32, #tpu.memory_space<vmem>>
          %dma_wait3A_196 = arith.constant 0 : i32
          %dma_wait3A_197 = arith.constant 0 : i32
          %dma_wait3A_198 = tpu.memref_slice %arg6[%dma_wait3A_196, %dma_wait3A_197] : memref<10240x128xf32, #tpu.memory_space<vmem_shared>> -> memref<10240x128xf32, #tpu.memory_space<vmem_shared>>
          %dma_wait3A_199 = tpu.memref_slice %arg12[%dma_wait3A_192] : memref<2x!tpu.dma_semaphore, #tpu.memory_space<semaphore_mem>> -> memref<1x!tpu.dma_semaphore, #tpu.memory_space<semaphore_mem>>
          %dma_wait3A_200 = tpu.memref_squeeze %dma_wait3A_199 : memref<1x!tpu.dma_semaphore, #tpu.memory_space<semaphore_mem>> -> memref<!tpu.dma_semaphore, #tpu.memory_space<semaphore_mem>>
          tpu.wait_indirect_dma semaphore(%dma_wait3A_200 : memref<!tpu.dma_semaphore, #tpu.memory_space<semaphore_mem>>) src(%arg10 : memref<128x128xf32, #tpu.memory_space<vmem>>) dst(%dma_wait3A_198 : memref<10240x128xf32, #tpu.memory_space<vmem_shared>>)
          %dma_start3A_201 = arith.constant 1 : i32
          %dma_start3A_202 = arith.constant 0 : i32
          %dma_start3A_203 = tpu.memref_slice %arg7[%add3A_153, %dma_start3A_202] : memref<40x128xi32, #tpu.memory_space<vmem>> -> memref<1x128xi32, #tpu.memory_space<vmem>>
          %dma_start3A_204 = tpu.memref_squeeze %dma_start3A_203 : memref<1x128xi32, #tpu.memory_space<vmem>> -> memref<128xi32, #tpu.memory_space<vmem>>
          %dma_start3A_205 = arith.constant 0 : i32
          %dma_start3A_206 = arith.constant 0 : i32
          %dma_start3A_207 = tpu.memref_slice %arg2[%dma_start3A_205, %dma_start3A_206] : memref<10240x128xf32, #tpu.memory_space<hbm>> -> memref<10240x128xf32, #tpu.memory_space<hbm>>
          %dma_start3A_208 = tpu.memref_slice %arg11[%dma_start3A_201] : memref<2x!tpu.dma_semaphore, #tpu.memory_space<semaphore_mem>> -> memref<1x!tpu.dma_semaphore, #tpu.memory_space<semaphore_mem>>
          %dma_start3A_209 = tpu.memref_squeeze %dma_start3A_208 : memref<1x!tpu.dma_semaphore, #tpu.memory_space<semaphore_mem>> -> memref<!tpu.dma_semaphore, #tpu.memory_space<semaphore_mem>>
          tpu.enqueue_indirect_dma source(%dma_start3A_207 : memref<10240x128xf32, #tpu.memory_space<hbm>>) target(%arg10 : memref<128x128xf32, #tpu.memory_space<vmem>>) offsets(%dma_start3A_204 : memref<128xi32, #tpu.memory_space<vmem>>) semaphore(%dma_start3A_209 : memref<!tpu.dma_semaphore, #tpu.memory_space<semaphore_mem>>)
        } else {
        }
        %mul3A_159 = arith.constant 2 : i32
        %mul3A_160 = arith.muli %while3A_127, %mul3A_159 : i32
        %add3A_161 = arith.constant 1 : i32
        %add3A_162 = arith.addi %mul3A_160, %add3A_161 : i32
        %dma_wait3A_163 = arith.constant 1 : i32
        %dma_wait3A_164 = arith.constant 0 : i32
        %dma_wait3A_165 = tpu.memref_slice %arg7[%add3A_162, %dma_wait3A_164] : memref<40x128xi32, #tpu.memory_space<vmem>> -> memref<1x128xi32, #tpu.memory_space<vmem>>
        %dma_wait3A_166 = tpu.memref_squeeze %dma_wait3A_165 : memref<1x128xi32, #tpu.memory_space<vmem>> -> memref<128xi32, #tpu.memory_space<vmem>>
        %dma_wait3A_167 = arith.constant 0 : i32
        %dma_wait3A_168 = arith.constant 0 : i32
        %dma_wait3A_169 = tpu.memref_slice %arg2[%dma_wait3A_167, %dma_wait3A_168] : memref<10240x128xf32, #tpu.memory_space<hbm>> -> memref<10240x128xf32, #tpu.memory_space<hbm>>
        %dma_wait3A_170 = tpu.memref_slice %arg11[%dma_wait3A_163] : memref<2x!tpu.dma_semaphore, #tpu.memory_space<semaphore_mem>> -> memref<1x!tpu.dma_semaphore, #tpu.memory_space<semaphore_mem>>
        %dma_wait3A_171 = tpu.memref_squeeze %dma_wait3A_170 : memref<1x!tpu.dma_semaphore, #tpu.memory_space<semaphore_mem>> -> memref<!tpu.dma_semaphore, #tpu.memory_space<semaphore_mem>>
        tpu.wait_indirect_dma semaphore(%dma_wait3A_171 : memref<!tpu.dma_semaphore, #tpu.memory_space<semaphore_mem>>) src(%dma_wait3A_169 : memref<10240x128xf32, #tpu.memory_space<hbm>>) dst(%arg10 : memref<128x128xf32, #tpu.memory_space<vmem>>)
        %dma_start3A_172 = arith.constant 1 : i32
        %dma_start3A_173 = arith.constant 0 : i32
        %dma_start3A_174 = tpu.memref_slice %arg8[%add3A_162, %dma_start3A_173] : memref<40x128xi32, #tpu.memory_space<vmem>> -> memref<1x128xi32, #tpu.memory_space<vmem>>
        %dma_start3A_175 = tpu.memref_squeeze %dma_start3A_174 : memref<1x128xi32, #tpu.memory_space<vmem>> -> memref<128xi32, #tpu.memory_space<vmem>>
        %dma_start3A_176 = arith.constant 0 : i32
        %dma_start3A_177 = arith.constant 0 : i32
        %dma_start3A_178 = tpu.memref_slice %arg6[%dma_start3A_176, %dma_start3A_177] : memref<10240x128xf32, #tpu.memory_space<vmem_shared>> -> memref<10240x128xf32, #tpu.memory_space<vmem_shared>>
        %dma_start3A_179 = tpu.memref_slice %arg12[%dma_start3A_172] : memref<2x!tpu.dma_semaphore, #tpu.memory_space<semaphore_mem>> -> memref<1x!tpu.dma_semaphore, #tpu.memory_space<semaphore_mem>>
        %dma_start3A_180 = tpu.memref_squeeze %dma_start3A_179 : memref<1x!tpu.dma_semaphore, #tpu.memory_space<semaphore_mem>> -> memref<!tpu.dma_semaphore, #tpu.memory_space<semaphore_mem>>
        tpu.enqueue_indirect_dma source(%arg10 : memref<128x128xf32, #tpu.memory_space<vmem>>) target(%dma_start3A_178 : memref<10240x128xf32, #tpu.memory_space<vmem_shared>>) offsets(%dma_start3A_175 : memref<128xi32, #tpu.memory_space<vmem>>) semaphore(%dma_start3A_180 : memref<!tpu.dma_semaphore, #tpu.memory_space<semaphore_mem>>) {add = true}
        %sub3A_181 = arith.constant 1 : i32
        %sub3A_182 = arith.subi %add3A_162, %sub3A_181 : i32
        %add3A_183 = arith.constant 2 : i32
        %add3A_184 = arith.addi %sub3A_182, %add3A_183 : i32
        %ge3A_185 = arith.constant 0 : i32
        %ge3A_186 = arith.cmpi sge, %sub3A_182, %ge3A_185 : i32
        %lt3A_187 = arith.cmpi slt, %add3A_184, %min3A_52 : i32
        %and3A_188 = arith.andi %ge3A_186, %lt3A_187 : i1
        %convert_element_type3A_189 = arith.extui %and3A_188 : i1 to i32
        %cond3A_190 = arith.constant 0 : i32
        %cond3A_191 = arith.cmpi ne, %convert_element_type3A_189, %cond3A_190 : i32
        scf.if %cond3A_191 {
          %dma_wait3A_192 = arith.constant 0 : i32
          %dma_wait3A_193 = arith.constant 0 : i32
          %dma_wait3A_194 = tpu.memref_slice %arg8[%sub3A_182, %dma_wait3A_193] : memref<40x128xi32, #tpu.memory_space<vmem>> -> memref<1x128xi32, #tpu.memory_space<vmem>>
          %dma_wait3A_195 = tpu.memref_squeeze %dma_wait3A_194 : memref<1x128xi32, #tpu.memory_space<vmem>> -> memref<128xi32, #tpu.memory_space<vmem>>
          %dma_wait3A_196 = arith.constant 0 : i32
          %dma_wait3A_197 = arith.constant 0 : i32
          %dma_wait3A_198 = tpu.memref_slice %arg6[%dma_wait3A_196, %dma_wait3A_197] : memref<10240x128xf32, #tpu.memory_space<vmem_shared>> -> memref<10240x128xf32, #tpu.memory_space<vmem_shared>>
          %dma_wait3A_199 = tpu.memref_slice %arg12[%dma_wait3A_192] : memref<2x!tpu.dma_semaphore, #tpu.memory_space<semaphore_mem>> -> memref<1x!tpu.dma_semaphore, #tpu.memory_space<semaphore_mem>>
          %dma_wait3A_200 = tpu.memref_squeeze %dma_wait3A_199 : memref<1x!tpu.dma_semaphore, #tpu.memory_space<semaphore_mem>> -> memref<!tpu.dma_semaphore, #tpu.memory_space<semaphore_mem>>
          tpu.wait_indirect_dma semaphore(%dma_wait3A_200 : memref<!tpu.dma_semaphore, #tpu.memory_space<semaphore_mem>>) src(%arg9 : memref<128x128xf32, #tpu.memory_space<vmem>>) dst(%dma_wait3A_198 : memref<10240x128xf32, #tpu.memory_space<vmem_shared>>)
          %dma_start3A_201 = arith.constant 0 : i32
          %dma_start3A_202 = arith.constant 0 : i32
          %dma_start3A_203 = tpu.memref_slice %arg7[%add3A_184, %dma_start3A_202] : memref<40x128xi32, #tpu.memory_space<vmem>> -> memref<1x128xi32, #tpu.memory_space<vmem>>
          %dma_start3A_204 = tpu.memref_squeeze %dma_start3A_203 : memref<1x128xi32, #tpu.memory_space<vmem>> -> memref<128xi32, #tpu.memory_space<vmem>>
          %dma_start3A_205 = arith.constant 0 : i32
          %dma_start3A_206 = arith.constant 0 : i32
          %dma_start3A_207 = tpu.memref_slice %arg2[%dma_start3A_205, %dma_start3A_206] : memref<10240x128xf32, #tpu.memory_space<hbm>> -> memref<10240x128xf32, #tpu.memory_space<hbm>>
          %dma_start3A_208 = tpu.memref_slice %arg11[%dma_start3A_201] : memref<2x!tpu.dma_semaphore, #tpu.memory_space<semaphore_mem>> -> memref<1x!tpu.dma_semaphore, #tpu.memory_space<semaphore_mem>>
          %dma_start3A_209 = tpu.memref_squeeze %dma_start3A_208 : memref<1x!tpu.dma_semaphore, #tpu.memory_space<semaphore_mem>> -> memref<!tpu.dma_semaphore, #tpu.memory_space<semaphore_mem>>
          tpu.enqueue_indirect_dma source(%dma_start3A_207 : memref<10240x128xf32, #tpu.memory_space<hbm>>) target(%arg9 : memref<128x128xf32, #tpu.memory_space<vmem>>) offsets(%dma_start3A_204 : memref<128xi32, #tpu.memory_space<vmem>>) semaphore(%dma_start3A_209 : memref<!tpu.dma_semaphore, #tpu.memory_space<semaphore_mem>>)
        } else {
        }
      }
      %while3A_101 = arith.constant 1 : i32
      scf.for %while3A_127 = %while3A_99 to %while3A_95 step %while3A_101  : i32 {
        %mul3A_128 = arith.constant 2 : i32
        %mul3A_129 = arith.muli %while3A_127, %mul3A_128 : i32
        %add3A_130 = arith.constant 0 : i32
        %add3A_131 = arith.addi %mul3A_129, %add3A_130 : i32
        %dma_wait3A_132 = arith.constant 0 : i32
        %dma_wait3A_133 = arith.constant 0 : i32
        %dma_wait3A_134 = tpu.memref_slice %arg7[%add3A_131, %dma_wait3A_133] : memref<40x128xi32, #tpu.memory_space<vmem>> -> memref<1x128xi32, #tpu.memory_space<vmem>>
        %dma_wait3A_135 = tpu.memref_squeeze %dma_wait3A_134 : memref<1x128xi32, #tpu.memory_space<vmem>> -> memref<128xi32, #tpu.memory_space<vmem>>
        %dma_wait3A_136 = arith.constant 0 : i32
        %dma_wait3A_137 = arith.constant 0 : i32
        %dma_wait3A_138 = tpu.memref_slice %arg2[%dma_wait3A_136, %dma_wait3A_137] : memref<10240x128xf32, #tpu.memory_space<hbm>> -> memref<10240x128xf32, #tpu.memory_space<hbm>>
        %dma_wait3A_139 = tpu.memref_slice %arg11[%dma_wait3A_132] : memref<2x!tpu.dma_semaphore, #tpu.memory_space<semaphore_mem>> -> memref<1x!tpu.dma_semaphore, #tpu.memory_space<semaphore_mem>>
        %dma_wait3A_140 = tpu.memref_squeeze %dma_wait3A_139 : memref<1x!tpu.dma_semaphore, #tpu.memory_space<semaphore_mem>> -> memref<!tpu.dma_semaphore, #tpu.memory_space<semaphore_mem>>
        tpu.wait_indirect_dma semaphore(%dma_wait3A_140 : memref<!tpu.dma_semaphore, #tpu.memory_space<semaphore_mem>>) src(%dma_wait3A_138 : memref<10240x128xf32, #tpu.memory_space<hbm>>) dst(%arg9 : memref<128x128xf32, #tpu.memory_space<vmem>>)
        %dma_start3A_141 = arith.constant 0 : i32
        %dma_start3A_142 = arith.constant 0 : i32
        %dma_start3A_143 = tpu.memref_slice %arg8[%add3A_131, %dma_start3A_142] : memref<40x128xi32, #tpu.memory_space<vmem>> -> memref<1x128xi32, #tpu.memory_space<vmem>>
        %dma_start3A_144 = tpu.memref_squeeze %dma_start3A_143 : memref<1x128xi32, #tpu.memory_space<vmem>> -> memref<128xi32, #tpu.memory_space<vmem>>
        %dma_start3A_145 = arith.constant 0 : i32
        %dma_start3A_146 = arith.constant 0 : i32
        %dma_start3A_147 = tpu.memref_slice %arg6[%dma_start3A_145, %dma_start3A_146] : memref<10240x128xf32, #tpu.memory_space<vmem_shared>> -> memref<10240x128xf32, #tpu.memory_space<vmem_shared>>
        %dma_start3A_148 = tpu.memref_slice %arg12[%dma_start3A_141] : memref<2x!tpu.dma_semaphore, #tpu.memory_space<semaphore_mem>> -> memref<1x!tpu.dma_semaphore, #tpu.memory_space<semaphore_mem>>
        %dma_start3A_149 = tpu.memref_squeeze %dma_start3A_148 : memref<1x!tpu.dma_semaphore, #tpu.memory_space<semaphore_mem>> -> memref<!tpu.dma_semaphore, #tpu.memory_space<semaphore_mem>>
        tpu.enqueue_indirect_dma source(%arg9 : memref<128x128xf32, #tpu.memory_space<vmem>>) target(%dma_start3A_147 : memref<10240x128xf32, #tpu.memory_space<vmem_shared>>) offsets(%dma_start3A_144 : memref<128xi32, #tpu.memory_space<vmem>>) semaphore(%dma_start3A_149 : memref<!tpu.dma_semaphore, #tpu.memory_space<semaphore_mem>>) {add = true}
        %sub3A_150 = arith.constant 1 : i32
        %sub3A_151 = arith.subi %add3A_131, %sub3A_150 : i32
        %add3A_152 = arith.constant 2 : i32
        %add3A_153 = arith.addi %sub3A_151, %add3A_152 : i32
        %ge3A = arith.constant 0 : i32
        %ge3A_154 = arith.cmpi sge, %sub3A_151, %ge3A : i32
        %lt3A = arith.cmpi slt, %add3A_153, %min3A_52 : i32
        %and3A_155 = arith.andi %ge3A_154, %lt3A : i1
        %convert_element_type3A_156 = arith.extui %and3A_155 : i1 to i32
        %cond3A_157 = arith.constant 0 : i32
        %cond3A_158 = arith.cmpi ne, %convert_element_type3A_156, %cond3A_157 : i32
        scf.if %cond3A_158 {
          %dma_wait3A_192 = arith.constant 1 : i32
          %dma_wait3A_193 = arith.constant 0 : i32
          %dma_wait3A_194 = tpu.memref_slice %arg8[%sub3A_151, %dma_wait3A_193] : memref<40x128xi32, #tpu.memory_space<vmem>> -> memref<1x128xi32, #tpu.memory_space<vmem>>
          %dma_wait3A_195 = tpu.memref_squeeze %dma_wait3A_194 : memref<1x128xi32, #tpu.memory_space<vmem>> -> memref<128xi32, #tpu.memory_space<vmem>>
          %dma_wait3A_196 = arith.constant 0 : i32
          %dma_wait3A_197 = arith.constant 0 : i32
          %dma_wait3A_198 = tpu.memref_slice %arg6[%dma_wait3A_196, %dma_wait3A_197] : memref<10240x128xf32, #tpu.memory_space<vmem_shared>> -> memref<10240x128xf32, #tpu.memory_space<vmem_shared>>
          %dma_wait3A_199 = tpu.memref_slice %arg12[%dma_wait3A_192] : memref<2x!tpu.dma_semaphore, #tpu.memory_space<semaphore_mem>> -> memref<1x!tpu.dma_semaphore, #tpu.memory_space<semaphore_mem>>
          %dma_wait3A_200 = tpu.memref_squeeze %dma_wait3A_199 : memref<1x!tpu.dma_semaphore, #tpu.memory_space<semaphore_mem>> -> memref<!tpu.dma_semaphore, #tpu.memory_space<semaphore_mem>>
          tpu.wait_indirect_dma semaphore(%dma_wait3A_200 : memref<!tpu.dma_semaphore, #tpu.memory_space<semaphore_mem>>) src(%arg10 : memref<128x128xf32, #tpu.memory_space<vmem>>) dst(%dma_wait3A_198 : memref<10240x128xf32, #tpu.memory_space<vmem_shared>>)
          %dma_start3A_201 = arith.constant 1 : i32
          %dma_start3A_202 = arith.constant 0 : i32
          %dma_start3A_203 = tpu.memref_slice %arg7[%add3A_153, %dma_start3A_202] : memref<40x128xi32, #tpu.memory_space<vmem>> -> memref<1x128xi32, #tpu.memory_space<vmem>>
          %dma_start3A_204 = tpu.memref_squeeze %dma_start3A_203 : memref<1x128xi32, #tpu.memory_space<vmem>> -> memref<128xi32, #tpu.memory_space<vmem>>
          %dma_start3A_205 = arith.constant 0 : i32
          %dma_start3A_206 = arith.constant 0 : i32
          %dma_start3A_207 = tpu.memref_slice %arg2[%dma_start3A_205, %dma_start3A_206] : memref<10240x128xf32, #tpu.memory_space<hbm>> -> memref<10240x128xf32, #tpu.memory_space<hbm>>
          %dma_start3A_208 = tpu.memref_slice %arg11[%dma_start3A_201] : memref<2x!tpu.dma_semaphore, #tpu.memory_space<semaphore_mem>> -> memref<1x!tpu.dma_semaphore, #tpu.memory_space<semaphore_mem>>
          %dma_start3A_209 = tpu.memref_squeeze %dma_start3A_208 : memref<1x!tpu.dma_semaphore, #tpu.memory_space<semaphore_mem>> -> memref<!tpu.dma_semaphore, #tpu.memory_space<semaphore_mem>>
          tpu.enqueue_indirect_dma source(%dma_start3A_207 : memref<10240x128xf32, #tpu.memory_space<hbm>>) target(%arg10 : memref<128x128xf32, #tpu.memory_space<vmem>>) offsets(%dma_start3A_204 : memref<128xi32, #tpu.memory_space<vmem>>) semaphore(%dma_start3A_209 : memref<!tpu.dma_semaphore, #tpu.memory_space<semaphore_mem>>)
        } else {
        }
        %mul3A_159 = arith.constant 2 : i32
        %mul3A_160 = arith.muli %while3A_127, %mul3A_159 : i32
        %add3A_161 = arith.constant 1 : i32
        %add3A_162 = arith.addi %mul3A_160, %add3A_161 : i32
        %dma_wait3A_163 = arith.constant 1 : i32
        %dma_wait3A_164 = arith.constant 0 : i32
        %dma_wait3A_165 = tpu.memref_slice %arg7[%add3A_162, %dma_wait3A_164] : memref<40x128xi32, #tpu.memory_space<vmem>> -> memref<1x128xi32, #tpu.memory_space<vmem>>
        %dma_wait3A_166 = tpu.memref_squeeze %dma_wait3A_165 : memref<1x128xi32, #tpu.memory_space<vmem>> -> memref<128xi32, #tpu.memory_space<vmem>>
        %dma_wait3A_167 = arith.constant 0 : i32
        %dma_wait3A_168 = arith.constant 0 : i32
        %dma_wait3A_169 = tpu.memref_slice %arg2[%dma_wait3A_167, %dma_wait3A_168] : memref<10240x128xf32, #tpu.memory_space<hbm>> -> memref<10240x128xf32, #tpu.memory_space<hbm>>
        %dma_wait3A_170 = tpu.memref_slice %arg11[%dma_wait3A_163] : memref<2x!tpu.dma_semaphore, #tpu.memory_space<semaphore_mem>> -> memref<1x!tpu.dma_semaphore, #tpu.memory_space<semaphore_mem>>
        %dma_wait3A_171 = tpu.memref_squeeze %dma_wait3A_170 : memref<1x!tpu.dma_semaphore, #tpu.memory_space<semaphore_mem>> -> memref<!tpu.dma_semaphore, #tpu.memory_space<semaphore_mem>>
        tpu.wait_indirect_dma semaphore(%dma_wait3A_171 : memref<!tpu.dma_semaphore, #tpu.memory_space<semaphore_mem>>) src(%dma_wait3A_169 : memref<10240x128xf32, #tpu.memory_space<hbm>>) dst(%arg10 : memref<128x128xf32, #tpu.memory_space<vmem>>)
        %dma_start3A_172 = arith.constant 1 : i32
        %dma_start3A_173 = arith.constant 0 : i32
        %dma_start3A_174 = tpu.memref_slice %arg8[%add3A_162, %dma_start3A_173] : memref<40x128xi32, #tpu.memory_space<vmem>> -> memref<1x128xi32, #tpu.memory_space<vmem>>
        %dma_start3A_175 = tpu.memref_squeeze %dma_start3A_174 : memref<1x128xi32, #tpu.memory_space<vmem>> -> memref<128xi32, #tpu.memory_space<vmem>>
        %dma_start3A_176 = arith.constant 0 : i32
        %dma_start3A_177 = arith.constant 0 : i32
        %dma_start3A_178 = tpu.memref_slice %arg6[%dma_start3A_176, %dma_start3A_177] : memref<10240x128xf32, #tpu.memory_space<vmem_shared>> -> memref<10240x128xf32, #tpu.memory_space<vmem_shared>>
        %dma_start3A_179 = tpu.memref_slice %arg12[%dma_start3A_172] : memref<2x!tpu.dma_semaphore, #tpu.memory_space<semaphore_mem>> -> memref<1x!tpu.dma_semaphore, #tpu.memory_space<semaphore_mem>>
        %dma_start3A_180 = tpu.memref_squeeze %dma_start3A_179 : memref<1x!tpu.dma_semaphore, #tpu.memory_space<semaphore_mem>> -> memref<!tpu.dma_semaphore, #tpu.memory_space<semaphore_mem>>
        tpu.enqueue_indirect_dma source(%arg10 : memref<128x128xf32, #tpu.memory_space<vmem>>) target(%dma_start3A_178 : memref<10240x128xf32, #tpu.memory_space<vmem_shared>>) offsets(%dma_start3A_175 : memref<128xi32, #tpu.memory_space<vmem>>) semaphore(%dma_start3A_180 : memref<!tpu.dma_semaphore, #tpu.memory_space<semaphore_mem>>) {add = true}
        %sub3A_181 = arith.constant 1 : i32
        %sub3A_182 = arith.subi %add3A_162, %sub3A_181 : i32
        %add3A_183 = arith.constant 2 : i32
        %add3A_184 = arith.addi %sub3A_182, %add3A_183 : i32
        %ge3A_185 = arith.constant 0 : i32
        %ge3A_186 = arith.cmpi sge, %sub3A_182, %ge3A_185 : i32
        %lt3A_187 = arith.cmpi slt, %add3A_184, %min3A_52 : i32
        %and3A_188 = arith.andi %ge3A_186, %lt3A_187 : i1
        %convert_element_type3A_189 = arith.extui %and3A_188 : i1 to i32
        %cond3A_190 = arith.constant 0 : i32
        %cond3A_191 = arith.cmpi ne, %convert_element_type3A_189, %cond3A_190 : i32
        scf.if %cond3A_191 {
          %dma_wait3A_192 = arith.constant 0 : i32
          %dma_wait3A_193 = arith.constant 0 : i32
          %dma_wait3A_194 = tpu.memref_slice %arg8[%sub3A_182, %dma_wait3A_193] : memref<40x128xi32, #tpu.memory_space<vmem>> -> memref<1x128xi32, #tpu.memory_space<vmem>>
          %dma_wait3A_195 = tpu.memref_squeeze %dma_wait3A_194 : memref<1x128xi32, #tpu.memory_space<vmem>> -> memref<128xi32, #tpu.memory_space<vmem>>
          %dma_wait3A_196 = arith.constant 0 : i32
          %dma_wait3A_197 = arith.constant 0 : i32
          %dma_wait3A_198 = tpu.memref_slice %arg6[%dma_wait3A_196, %dma_wait3A_197] : memref<10240x128xf32, #tpu.memory_space<vmem_shared>> -> memref<10240x128xf32, #tpu.memory_space<vmem_shared>>
          %dma_wait3A_199 = tpu.memref_slice %arg12[%dma_wait3A_192] : memref<2x!tpu.dma_semaphore, #tpu.memory_space<semaphore_mem>> -> memref<1x!tpu.dma_semaphore, #tpu.memory_space<semaphore_mem>>
          %dma_wait3A_200 = tpu.memref_squeeze %dma_wait3A_199 : memref<1x!tpu.dma_semaphore, #tpu.memory_space<semaphore_mem>> -> memref<!tpu.dma_semaphore, #tpu.memory_space<semaphore_mem>>
          tpu.wait_indirect_dma semaphore(%dma_wait3A_200 : memref<!tpu.dma_semaphore, #tpu.memory_space<semaphore_mem>>) src(%arg9 : memref<128x128xf32, #tpu.memory_space<vmem>>) dst(%dma_wait3A_198 : memref<10240x128xf32, #tpu.memory_space<vmem_shared>>)
          %dma_start3A_201 = arith.constant 0 : i32
          %dma_start3A_202 = arith.constant 0 : i32
          %dma_start3A_203 = tpu.memref_slice %arg7[%add3A_184, %dma_start3A_202] : memref<40x128xi32, #tpu.memory_space<vmem>> -> memref<1x128xi32, #tpu.memory_space<vmem>>
          %dma_start3A_204 = tpu.memref_squeeze %dma_start3A_203 : memref<1x128xi32, #tpu.memory_space<vmem>> -> memref<128xi32, #tpu.memory_space<vmem>>
          %dma_start3A_205 = arith.constant 0 : i32
          %dma_start3A_206 = arith.constant 0 : i32
          %dma_start3A_207 = tpu.memref_slice %arg2[%dma_start3A_205, %dma_start3A_206] : memref<10240x128xf32, #tpu.memory_space<hbm>> -> memref<10240x128xf32, #tpu.memory_space<hbm>>
          %dma_start3A_208 = tpu.memref_slice %arg11[%dma_start3A_201] : memref<2x!tpu.dma_semaphore, #tpu.memory_space<semaphore_mem>> -> memref<1x!tpu.dma_semaphore, #tpu.memory_space<semaphore_mem>>
          %dma_start3A_209 = tpu.memref_squeeze %dma_start3A_208 : memref<1x!tpu.dma_semaphore, #tpu.memory_space<semaphore_mem>> -> memref<!tpu.dma_semaphore, #tpu.memory_space<semaphore_mem>>
          tpu.enqueue_indirect_dma source(%dma_start3A_207 : memref<10240x128xf32, #tpu.memory_space<hbm>>) target(%arg9 : memref<128x128xf32, #tpu.memory_space<vmem>>) offsets(%dma_start3A_204 : memref<128xi32, #tpu.memory_space<vmem>>) semaphore(%dma_start3A_209 : memref<!tpu.dma_semaphore, #tpu.memory_space<semaphore_mem>>)
        } else {
        }
      }
      %sub3A_102 = arith.constant 2 : i32
      %sub3A_103 = arith.subi %min3A_52, %sub3A_102 : i32
      %add3A_104 = arith.constant 0 : i32
      %add3A_105 = arith.addi %sub3A_103, %add3A_104 : i32
      %dma_wait3A = arith.constant 0 : i32
      %dma_wait3A_106 = arith.constant 0 : i32
      %dma_wait3A_107 = tpu.memref_slice %arg8[%add3A_105, %dma_wait3A_106] : memref<40x128xi32, #tpu.memory_space<vmem>> -> memref<1x128xi32, #tpu.memory_space<vmem>>
      %dma_wait3A_108 = tpu.memref_squeeze %dma_wait3A_107 : memref<1x128xi32, #tpu.memory_space<vmem>> -> memref<128xi32, #tpu.memory_space<vmem>>
      %dma_wait3A_109 = arith.constant 0 : i32
      %dma_wait3A_110 = arith.constant 0 : i32
      %dma_wait3A_111 = tpu.memref_slice %arg6[%dma_wait3A_109, %dma_wait3A_110] : memref<10240x128xf32, #tpu.memory_space<vmem_shared>> -> memref<10240x128xf32, #tpu.memory_space<vmem_shared>>
      %dma_wait3A_112 = tpu.memref_slice %arg12[%dma_wait3A] : memref<2x!tpu.dma_semaphore, #tpu.memory_space<semaphore_mem>> -> memref<1x!tpu.dma_semaphore, #tpu.memory_space<semaphore_mem>>
      %dma_wait3A_113 = tpu.memref_squeeze %dma_wait3A_112 : memref<1x!tpu.dma_semaphore, #tpu.memory_space<semaphore_mem>> -> memref<!tpu.dma_semaphore, #tpu.memory_space<semaphore_mem>>
      tpu.wait_indirect_dma semaphore(%dma_wait3A_113 : memref<!tpu.dma_semaphore, #tpu.memory_space<semaphore_mem>>) src(%arg9 : memref<128x128xf32, #tpu.memory_space<vmem>>) dst(%dma_wait3A_111 : memref<10240x128xf32, #tpu.memory_space<vmem_shared>>)
      %sub3A_114 = arith.constant 2 : i32
      %sub3A_115 = arith.subi %min3A_52, %sub3A_114 : i32
      %add3A_116 = arith.constant 1 : i32
      %add3A_117 = arith.addi %sub3A_115, %add3A_116 : i32
      %dma_wait3A_118 = arith.constant 1 : i32
      %dma_wait3A_119 = arith.constant 0 : i32
      %dma_wait3A_120 = tpu.memref_slice %arg8[%add3A_117, %dma_wait3A_119] : memref<40x128xi32, #tpu.memory_space<vmem>> -> memref<1x128xi32, #tpu.memory_space<vmem>>
      %dma_wait3A_121 = tpu.memref_squeeze %dma_wait3A_120 : memref<1x128xi32, #tpu.memory_space<vmem>> -> memref<128xi32, #tpu.memory_space<vmem>>
      %dma_wait3A_122 = arith.constant 0 : i32
      %dma_wait3A_123 = arith.constant 0 : i32
      %dma_wait3A_124 = tpu.memref_slice %arg6[%dma_wait3A_122, %dma_wait3A_123] : memref<10240x128xf32, #tpu.memory_space<vmem_shared>> -> memref<10240x128xf32, #tpu.memory_space<vmem_shared>>
      %dma_wait3A_125 = tpu.memref_slice %arg12[%dma_wait3A_118] : memref<2x!tpu.dma_semaphore, #tpu.memory_space<semaphore_mem>> -> memref<1x!tpu.dma_semaphore, #tpu.memory_space<semaphore_mem>>
      %dma_wait3A_126 = tpu.memref_squeeze %dma_wait3A_125 : memref<1x!tpu.dma_semaphore, #tpu.memory_space<semaphore_mem>> -> memref<!tpu.dma_semaphore, #tpu.memory_space<semaphore_mem>>
      tpu.wait_indirect_dma semaphore(%dma_wait3A_126 : memref<!tpu.dma_semaphore, #tpu.memory_space<semaphore_mem>>) src(%arg10 : memref<128x128xf32, #tpu.memory_space<vmem>>) dst(%dma_wait3A_124 : memref<10240x128xf32, #tpu.memory_space<vmem_shared>>)
    } else {
    }
    %gt3A_31 = arith.constant 40 : i32
    %gt3A_32 = arith.cmpi sgt, %select_n3A, %gt3A_31 : i32
    %convert_element_type3A_33 = arith.extui %gt3A_32 : i1 to i32
    %cond3A_34 = arith.constant 0 : i32
    %cond3A_35 = arith.cmpi ne, %convert_element_type3A_33, %cond3A_34 : i32
    scf.if %cond3A_35 {
      %sub3A = arith.constant 40 : i32
      %sub3A_51 = arith.subi %select_n3A, %sub3A : i32
      %min3A = arith.constant 40 : i32
      %min3A_52 = arith.minsi %min3A, %sub3A_51 : i32
      %add3A_53 = arith.constant 40 : i32
      %add3A_54 = arith.addi %add3A, %add3A_53 : i32
      %multiple_of3A = tpu.assume_multiple %add3A_54, 8 : i32
      "tpu.region"() ({
        %run_scoped3A = tpu.sem_alloc : memref<!tpu.dma_semaphore, #tpu.memory_space<semaphore_mem>>
        %dma_start3A_127 = arith.constant 0 : i32
        %dma_start3A_128 = tpu.memref_slice %arg3[%multiple_of3A, %dma_start3A_127] : memref<2600x128xi32, #tpu.memory_space<hbm>> -> memref<40x128xi32, #tpu.memory_space<hbm>>
        %dma_start3A_129 = arith.constant 0 : i32
        %dma_start3A_130 = tpu.memref_slice %arg3[%multiple_of3A, %dma_start3A_129] : memref<2600x128xi32, #tpu.memory_space<hbm>> -> memref<40x128xi32, #tpu.memory_space<hbm>>
        tpu.enqueue_dma source(%dma_start3A_130 : memref<40x128xi32, #tpu.memory_space<hbm>>) target(%arg7 : memref<40x128xi32, #tpu.memory_space<vmem>>) target_semaphore(%run_scoped3A : memref<!tpu.dma_semaphore, #tpu.memory_space<semaphore_mem>>)
        %dma_wait3A_131 = arith.constant 0 : i32
        %dma_wait3A_132 = tpu.memref_slice %arg3[%multiple_of3A, %dma_wait3A_131] : memref<2600x128xi32, #tpu.memory_space<hbm>> -> memref<40x128xi32, #tpu.memory_space<hbm>>
        %dma_wait3A_133 = arith.constant 0 : i32
        %dma_wait3A_134 = tpu.memref_slice %arg3[%multiple_of3A, %dma_wait3A_133] : memref<2600x128xi32, #tpu.memory_space<hbm>> -> memref<40x128xi32, #tpu.memory_space<hbm>>
        tpu.wait_dma2 semaphore(%run_scoped3A : memref<!tpu.dma_semaphore, #tpu.memory_space<semaphore_mem>>) src(%dma_wait3A_134 : memref<40x128xi32, #tpu.memory_space<hbm>>) dst(%arg7 : memref<40x128xi32, #tpu.memory_space<vmem>>)
        tpu.yield
      }) : () -> ()
      "tpu.region"() ({
        %run_scoped3A = tpu.sem_alloc : memref<!tpu.dma_semaphore, #tpu.memory_space<semaphore_mem>>
        %dma_start3A_127 = arith.constant 0 : i32
        %dma_start3A_128 = tpu.memref_slice %arg4[%multiple_of3A, %dma_start3A_127] : memref<2600x128xi32, #tpu.memory_space<hbm>> -> memref<40x128xi32, #tpu.memory_space<hbm>>
        %dma_start3A_129 = arith.constant 0 : i32
        %dma_start3A_130 = tpu.memref_slice %arg4[%multiple_of3A, %dma_start3A_129] : memref<2600x128xi32, #tpu.memory_space<hbm>> -> memref<40x128xi32, #tpu.memory_space<hbm>>
        tpu.enqueue_dma source(%dma_start3A_130 : memref<40x128xi32, #tpu.memory_space<hbm>>) target(%arg8 : memref<40x128xi32, #tpu.memory_space<vmem>>) target_semaphore(%run_scoped3A : memref<!tpu.dma_semaphore, #tpu.memory_space<semaphore_mem>>)
        %dma_wait3A_131 = arith.constant 0 : i32
        %dma_wait3A_132 = tpu.memref_slice %arg4[%multiple_of3A, %dma_wait3A_131] : memref<2600x128xi32, #tpu.memory_space<hbm>> -> memref<40x128xi32, #tpu.memory_space<hbm>>
        %dma_wait3A_133 = arith.constant 0 : i32
        %dma_wait3A_134 = tpu.memref_slice %arg4[%multiple_of3A, %dma_wait3A_133] : memref<2600x128xi32, #tpu.memory_space<hbm>> -> memref<40x128xi32, #tpu.memory_space<hbm>>
        tpu.wait_dma2 semaphore(%run_scoped3A : memref<!tpu.dma_semaphore, #tpu.memory_space<semaphore_mem>>) src(%dma_wait3A_134 : memref<40x128xi32, #tpu.memory_space<hbm>>) dst(%arg8 : memref<40x128xi32, #tpu.memory_space<vmem>>)
        tpu.yield
      }) : () -> ()
      %dma_start3A = arith.constant 0 : i32
      %dma_start3A_55 = arith.constant 0 : i32
      %dma_start3A_56 = arith.constant 0 : i32
      %dma_start3A_57 = tpu.memref_slice %arg7[%dma_start3A, %dma_start3A_56] : memref<40x128xi32, #tpu.memory_space<vmem>> -> memref<1x128xi32, #tpu.memory_space<vmem>>
      %dma_start3A_58 = tpu.memref_squeeze %dma_start3A_57 : memref<1x128xi32, #tpu.memory_space<vmem>> -> memref<128xi32, #tpu.memory_space<vmem>>
      %dma_start3A_59 = arith.constant 0 : i32
      %dma_start3A_60 = arith.constant 0 : i32
      %dma_start3A_61 = tpu.memref_slice %arg2[%dma_start3A_59, %dma_start3A_60] : memref<10240x128xf32, #tpu.memory_space<hbm>> -> memref<10240x128xf32, #tpu.memory_space<hbm>>
      %dma_start3A_62 = tpu.memref_slice %arg11[%dma_start3A_55] : memref<2x!tpu.dma_semaphore, #tpu.memory_space<semaphore_mem>> -> memref<1x!tpu.dma_semaphore, #tpu.memory_space<semaphore_mem>>
      %dma_start3A_63 = tpu.memref_squeeze %dma_start3A_62 : memref<1x!tpu.dma_semaphore, #tpu.memory_space<semaphore_mem>> -> memref<!tpu.dma_semaphore, #tpu.memory_space<semaphore_mem>>
      tpu.enqueue_indirect_dma source(%dma_start3A_61 : memref<10240x128xf32, #tpu.memory_space<hbm>>) target(%arg9 : memref<128x128xf32, #tpu.memory_space<vmem>>) offsets(%dma_start3A_58 : memref<128xi32, #tpu.memory_space<vmem>>) semaphore(%dma_start3A_63 : memref<!tpu.dma_semaphore, #tpu.memory_space<semaphore_mem>>)
      %dma_start3A_64 = arith.constant 1 : i32
      %dma_start3A_65 = arith.constant 1 : i32
      %dma_start3A_66 = arith.constant 0 : i32
      %dma_start3A_67 = tpu.memref_slice %arg7[%dma_start3A_64, %dma_start3A_66] : memref<40x128xi32, #tpu.memory_space<vmem>> -> memref<1x128xi32, #tpu.memory_space<vmem>>
      %dma_start3A_68 = tpu.memref_squeeze %dma_start3A_67 : memref<1x128xi32, #tpu.memory_space<vmem>> -> memref<128xi32, #tpu.memory_space<vmem>>
      %dma_start3A_69 = arith.constant 0 : i32
      %dma_start3A_70 = arith.constant 0 : i32
      %dma_start3A_71 = tpu.memref_slice %arg2[%dma_start3A_69, %dma_start3A_70] : memref<10240x128xf32, #tpu.memory_space<hbm>> -> memref<10240x128xf32, #tpu.memory_space<hbm>>
      %dma_start3A_72 = tpu.memref_slice %arg11[%dma_start3A_65] : memref<2x!tpu.dma_semaphore, #tpu.memory_space<semaphore_mem>> -> memref<1x!tpu.dma_semaphore, #tpu.memory_space<semaphore_mem>>
      %dma_start3A_73 = tpu.memref_squeeze %dma_start3A_72 : memref<1x!tpu.dma_semaphore, #tpu.memory_space<semaphore_mem>> -> memref<!tpu.dma_semaphore, #tpu.memory_space<semaphore_mem>>
      tpu.enqueue_indirect_dma source(%dma_start3A_71 : memref<10240x128xf32, #tpu.memory_space<hbm>>) target(%arg10 : memref<128x128xf32, #tpu.memory_space<vmem>>) offsets(%dma_start3A_68 : memref<128xi32, #tpu.memory_space<vmem>>) semaphore(%dma_start3A_73 : memref<!tpu.dma_semaphore, #tpu.memory_space<semaphore_mem>>)
      %jit3A_74 = arith.constant 2 : i32
      %div3A = arith.divsi %min3A_52, %jit3A_74 : i32
      %sign3A = arith.constant 0 : i32
      %sign3A_75 = arith.cmpi sgt, %min3A_52, %sign3A : i32
      %sign3A_76 = arith.extui %sign3A_75 : i1 to i32
      %sign3A_77 = arith.constant 0 : i32
      %sign3A_78 = arith.cmpi slt, %min3A_52, %sign3A_77 : i32
      %sign3A_79 = arith.extui %sign3A_78 : i1 to i32
      %sign3A_80 = arith.subi %sign3A_76, %sign3A_79 : i32
      %sign3A_81 = arith.constant 0 : i32
      %sign3A_82 = arith.cmpi sgt, %jit3A_74, %sign3A_81 : i32
      %sign3A_83 = arith.extui %sign3A_82 : i1 to i32
      %sign3A_84 = arith.constant 0 : i32
      %sign3A_85 = arith.cmpi slt, %jit3A_74, %sign3A_84 : i32
      %sign3A_86 = arith.extui %sign3A_85 : i1 to i32
      %sign3A_87 = arith.subi %sign3A_83, %sign3A_86 : i32
      %ne3A = arith.cmpi ne, %sign3A_80, %sign3A_87 : i32
      %rem3A = arith.remsi %min3A_52, %jit3A_74 : i32
      %ne3A_88 = arith.constant 0 : i32
      %ne3A_89 = arith.cmpi ne, %rem3A, %ne3A_88 : i32
      %and3A = arith.andi %ne3A, %ne3A_89 : i1
      %sub3A_90 = arith.constant 1 : i32
      %sub3A_91 = arith.subi %div3A, %sub3A_90 : i32
      %select_n3A_92 = arith.select %and3A, %sub3A_91, %div3A : i32
      %while3A = arith.constant 0 : i32
      %while3A_93 = arith.constant 0 : i32
      %while3A_94 = arith.subi %select_n3A_92, %while3A_93 : i32
      %while3A_95 = arith.addi %while3A_93, %while3A_94 : i32
      %while3A_96 = arith.constant 1 : i32
      %while3A_97 = arith.divsi %while3A_94, %while3A_96 : i32
      %while3A_98 = arith.muli %while3A_97, %while3A_96 : i32
      %while3A_99 = arith.addi %while3A_93, %while3A_98 : i32
      %while3A_100 = arith.constant 1 : i32
      scf.for %while3A_127 = %while3A_93 to %while3A_99 step %while3A_100  : i32 {
        %mul3A_128 = arith.constant 2 : i32
        %mul3A_129 = arith.muli %while3A_127, %mul3A_128 : i32
        %add3A_130 = arith.constant 0 : i32
        %add3A_131 = arith.addi %mul3A_129, %add3A_130 : i32
        %dma_wait3A_132 = arith.constant 0 : i32
        %dma_wait3A_133 = arith.constant 0 : i32
        %dma_wait3A_134 = tpu.memref_slice %arg7[%add3A_131, %dma_wait3A_133] : memref<40x128xi32, #tpu.memory_space<vmem>> -> memref<1x128xi32, #tpu.memory_space<vmem>>
        %dma_wait3A_135 = tpu.memref_squeeze %dma_wait3A_134 : memref<1x128xi32, #tpu.memory_space<vmem>> -> memref<128xi32, #tpu.memory_space<vmem>>
        %dma_wait3A_136 = arith.constant 0 : i32
        %dma_wait3A_137 = arith.constant 0 : i32
        %dma_wait3A_138 = tpu.memref_slice %arg2[%dma_wait3A_136, %dma_wait3A_137] : memref<10240x128xf32, #tpu.memory_space<hbm>> -> memref<10240x128xf32, #tpu.memory_space<hbm>>
        %dma_wait3A_139 = tpu.memref_slice %arg11[%dma_wait3A_132] : memref<2x!tpu.dma_semaphore, #tpu.memory_space<semaphore_mem>> -> memref<1x!tpu.dma_semaphore, #tpu.memory_space<semaphore_mem>>
        %dma_wait3A_140 = tpu.memref_squeeze %dma_wait3A_139 : memref<1x!tpu.dma_semaphore, #tpu.memory_space<semaphore_mem>> -> memref<!tpu.dma_semaphore, #tpu.memory_space<semaphore_mem>>
        tpu.wait_indirect_dma semaphore(%dma_wait3A_140 : memref<!tpu.dma_semaphore, #tpu.memory_space<semaphore_mem>>) src(%dma_wait3A_138 : memref<10240x128xf32, #tpu.memory_space<hbm>>) dst(%arg9 : memref<128x128xf32, #tpu.memory_space<vmem>>)
        %dma_start3A_141 = arith.constant 0 : i32
        %dma_start3A_142 = arith.constant 0 : i32
        %dma_start3A_143 = tpu.memref_slice %arg8[%add3A_131, %dma_start3A_142] : memref<40x128xi32, #tpu.memory_space<vmem>> -> memref<1x128xi32, #tpu.memory_space<vmem>>
        %dma_start3A_144 = tpu.memref_squeeze %dma_start3A_143 : memref<1x128xi32, #tpu.memory_space<vmem>> -> memref<128xi32, #tpu.memory_space<vmem>>
        %dma_start3A_145 = arith.constant 0 : i32
        %dma_start3A_146 = arith.constant 0 : i32
        %dma_start3A_147 = tpu.memref_slice %arg6[%dma_start3A_145, %dma_start3A_146] : memref<10240x128xf32, #tpu.memory_space<vmem_shared>> -> memref<10240x128xf32, #tpu.memory_space<vmem_shared>>
        %dma_start3A_148 = tpu.memref_slice %arg12[%dma_start3A_141] : memref<2x!tpu.dma_semaphore, #tpu.memory_space<semaphore_mem>> -> memref<1x!tpu.dma_semaphore, #tpu.memory_space<semaphore_mem>>
        %dma_start3A_149 = tpu.memref_squeeze %dma_start3A_148 : memref<1x!tpu.dma_semaphore, #tpu.memory_space<semaphore_mem>> -> memref<!tpu.dma_semaphore, #tpu.memory_space<semaphore_mem>>
        tpu.enqueue_indirect_dma source(%arg9 : memref<128x128xf32, #tpu.memory_space<vmem>>) target(%dma_start3A_147 : memref<10240x128xf32, #tpu.memory_space<vmem_shared>>) offsets(%dma_start3A_144 : memref<128xi32, #tpu.memory_space<vmem>>) semaphore(%dma_start3A_149 : memref<!tpu.dma_semaphore, #tpu.memory_space<semaphore_mem>>) {add = true}
        %sub3A_150 = arith.constant 1 : i32
        %sub3A_151 = arith.subi %add3A_131, %sub3A_150 : i32
        %add3A_152 = arith.constant 2 : i32
        %add3A_153 = arith.addi %sub3A_151, %add3A_152 : i32
        %ge3A = arith.constant 0 : i32
        %ge3A_154 = arith.cmpi sge, %sub3A_151, %ge3A : i32
        %lt3A = arith.cmpi slt, %add3A_153, %min3A_52 : i32
        %and3A_155 = arith.andi %ge3A_154, %lt3A : i1
        %convert_element_type3A_156 = arith.extui %and3A_155 : i1 to i32
        %cond3A_157 = arith.constant 0 : i32
        %cond3A_158 = arith.cmpi ne, %convert_element_type3A_156, %cond3A_157 : i32
        scf.if %cond3A_158 {
          %dma_wait3A_192 = arith.constant 1 : i32
          %dma_wait3A_193 = arith.constant 0 : i32
          %dma_wait3A_194 = tpu.memref_slice %arg8[%sub3A_151, %dma_wait3A_193] : memref<40x128xi32, #tpu.memory_space<vmem>> -> memref<1x128xi32, #tpu.memory_space<vmem>>
          %dma_wait3A_195 = tpu.memref_squeeze %dma_wait3A_194 : memref<1x128xi32, #tpu.memory_space<vmem>> -> memref<128xi32, #tpu.memory_space<vmem>>
          %dma_wait3A_196 = arith.constant 0 : i32
          %dma_wait3A_197 = arith.constant 0 : i32
          %dma_wait3A_198 = tpu.memref_slice %arg6[%dma_wait3A_196, %dma_wait3A_197] : memref<10240x128xf32, #tpu.memory_space<vmem_shared>> -> memref<10240x128xf32, #tpu.memory_space<vmem_shared>>
          %dma_wait3A_199 = tpu.memref_slice %arg12[%dma_wait3A_192] : memref<2x!tpu.dma_semaphore, #tpu.memory_space<semaphore_mem>> -> memref<1x!tpu.dma_semaphore, #tpu.memory_space<semaphore_mem>>
          %dma_wait3A_200 = tpu.memref_squeeze %dma_wait3A_199 : memref<1x!tpu.dma_semaphore, #tpu.memory_space<semaphore_mem>> -> memref<!tpu.dma_semaphore, #tpu.memory_space<semaphore_mem>>
          tpu.wait_indirect_dma semaphore(%dma_wait3A_200 : memref<!tpu.dma_semaphore, #tpu.memory_space<semaphore_mem>>) src(%arg10 : memref<128x128xf32, #tpu.memory_space<vmem>>) dst(%dma_wait3A_198 : memref<10240x128xf32, #tpu.memory_space<vmem_shared>>)
          %dma_start3A_201 = arith.constant 1 : i32
          %dma_start3A_202 = arith.constant 0 : i32
          %dma_start3A_203 = tpu.memref_slice %arg7[%add3A_153, %dma_start3A_202] : memref<40x128xi32, #tpu.memory_space<vmem>> -> memref<1x128xi32, #tpu.memory_space<vmem>>
          %dma_start3A_204 = tpu.memref_squeeze %dma_start3A_203 : memref<1x128xi32, #tpu.memory_space<vmem>> -> memref<128xi32, #tpu.memory_space<vmem>>
          %dma_start3A_205 = arith.constant 0 : i32
          %dma_start3A_206 = arith.constant 0 : i32
          %dma_start3A_207 = tpu.memref_slice %arg2[%dma_start3A_205, %dma_start3A_206] : memref<10240x128xf32, #tpu.memory_space<hbm>> -> memref<10240x128xf32, #tpu.memory_space<hbm>>
          %dma_start3A_208 = tpu.memref_slice %arg11[%dma_start3A_201] : memref<2x!tpu.dma_semaphore, #tpu.memory_space<semaphore_mem>> -> memref<1x!tpu.dma_semaphore, #tpu.memory_space<semaphore_mem>>
          %dma_start3A_209 = tpu.memref_squeeze %dma_start3A_208 : memref<1x!tpu.dma_semaphore, #tpu.memory_space<semaphore_mem>> -> memref<!tpu.dma_semaphore, #tpu.memory_space<semaphore_mem>>
          tpu.enqueue_indirect_dma source(%dma_start3A_207 : memref<10240x128xf32, #tpu.memory_space<hbm>>) target(%arg10 : memref<128x128xf32, #tpu.memory_space<vmem>>) offsets(%dma_start3A_204 : memref<128xi32, #tpu.memory_space<vmem>>) semaphore(%dma_start3A_209 : memref<!tpu.dma_semaphore, #tpu.memory_space<semaphore_mem>>)
        } else {
        }
        %mul3A_159 = arith.constant 2 : i32
        %mul3A_160 = arith.muli %while3A_127, %mul3A_159 : i32
        %add3A_161 = arith.constant 1 : i32
        %add3A_162 = arith.addi %mul3A_160, %add3A_161 : i32
        %dma_wait3A_163 = arith.constant 1 : i32
        %dma_wait3A_164 = arith.constant 0 : i32
        %dma_wait3A_165 = tpu.memref_slice %arg7[%add3A_162, %dma_wait3A_164] : memref<40x128xi32, #tpu.memory_space<vmem>> -> memref<1x128xi32, #tpu.memory_space<vmem>>
        %dma_wait3A_166 = tpu.memref_squeeze %dma_wait3A_165 : memref<1x128xi32, #tpu.memory_space<vmem>> -> memref<128xi32, #tpu.memory_space<vmem>>
        %dma_wait3A_167 = arith.constant 0 : i32
        %dma_wait3A_168 = arith.constant 0 : i32
        %dma_wait3A_169 = tpu.memref_slice %arg2[%dma_wait3A_167, %dma_wait3A_168] : memref<10240x128xf32, #tpu.memory_space<hbm>> -> memref<10240x128xf32, #tpu.memory_space<hbm>>
        %dma_wait3A_170 = tpu.memref_slice %arg11[%dma_wait3A_163] : memref<2x!tpu.dma_semaphore, #tpu.memory_space<semaphore_mem>> -> memref<1x!tpu.dma_semaphore, #tpu.memory_space<semaphore_mem>>
        %dma_wait3A_171 = tpu.memref_squeeze %dma_wait3A_170 : memref<1x!tpu.dma_semaphore, #tpu.memory_space<semaphore_mem>> -> memref<!tpu.dma_semaphore, #tpu.memory_space<semaphore_mem>>
        tpu.wait_indirect_dma semaphore(%dma_wait3A_171 : memref<!tpu.dma_semaphore, #tpu.memory_space<semaphore_mem>>) src(%dma_wait3A_169 : memref<10240x128xf32, #tpu.memory_space<hbm>>) dst(%arg10 : memref<128x128xf32, #tpu.memory_space<vmem>>)
        %dma_start3A_172 = arith.constant 1 : i32
        %dma_start3A_173 = arith.constant 0 : i32
        %dma_start3A_174 = tpu.memref_slice %arg8[%add3A_162, %dma_start3A_173] : memref<40x128xi32, #tpu.memory_space<vmem>> -> memref<1x128xi32, #tpu.memory_space<vmem>>
        %dma_start3A_175 = tpu.memref_squeeze %dma_start3A_174 : memref<1x128xi32, #tpu.memory_space<vmem>> -> memref<128xi32, #tpu.memory_space<vmem>>
        %dma_start3A_176 = arith.constant 0 : i32
        %dma_start3A_177 = arith.constant 0 : i32
        %dma_start3A_178 = tpu.memref_slice %arg6[%dma_start3A_176, %dma_start3A_177] : memref<10240x128xf32, #tpu.memory_space<vmem_shared>> -> memref<10240x128xf32, #tpu.memory_space<vmem_shared>>
        %dma_start3A_179 = tpu.memref_slice %arg12[%dma_start3A_172] : memref<2x!tpu.dma_semaphore, #tpu.memory_space<semaphore_mem>> -> memref<1x!tpu.dma_semaphore, #tpu.memory_space<semaphore_mem>>
        %dma_start3A_180 = tpu.memref_squeeze %dma_start3A_179 : memref<1x!tpu.dma_semaphore, #tpu.memory_space<semaphore_mem>> -> memref<!tpu.dma_semaphore, #tpu.memory_space<semaphore_mem>>
        tpu.enqueue_indirect_dma source(%arg10 : memref<128x128xf32, #tpu.memory_space<vmem>>) target(%dma_start3A_178 : memref<10240x128xf32, #tpu.memory_space<vmem_shared>>) offsets(%dma_start3A_175 : memref<128xi32, #tpu.memory_space<vmem>>) semaphore(%dma_start3A_180 : memref<!tpu.dma_semaphore, #tpu.memory_space<semaphore_mem>>) {add = true}
        %sub3A_181 = arith.constant 1 : i32
        %sub3A_182 = arith.subi %add3A_162, %sub3A_181 : i32
        %add3A_183 = arith.constant 2 : i32
        %add3A_184 = arith.addi %sub3A_182, %add3A_183 : i32
        %ge3A_185 = arith.constant 0 : i32
        %ge3A_186 = arith.cmpi sge, %sub3A_182, %ge3A_185 : i32
        %lt3A_187 = arith.cmpi slt, %add3A_184, %min3A_52 : i32
        %and3A_188 = arith.andi %ge3A_186, %lt3A_187 : i1
        %convert_element_type3A_189 = arith.extui %and3A_188 : i1 to i32
        %cond3A_190 = arith.constant 0 : i32
        %cond3A_191 = arith.cmpi ne, %convert_element_type3A_189, %cond3A_190 : i32
        scf.if %cond3A_191 {
          %dma_wait3A_192 = arith.constant 0 : i32
          %dma_wait3A_193 = arith.constant 0 : i32
          %dma_wait3A_194 = tpu.memref_slice %arg8[%sub3A_182, %dma_wait3A_193] : memref<40x128xi32, #tpu.memory_space<vmem>> -> memref<1x128xi32, #tpu.memory_space<vmem>>
          %dma_wait3A_195 = tpu.memref_squeeze %dma_wait3A_194 : memref<1x128xi32, #tpu.memory_space<vmem>> -> memref<128xi32, #tpu.memory_space<vmem>>
          %dma_wait3A_196 = arith.constant 0 : i32
          %dma_wait3A_197 = arith.constant 0 : i32
          %dma_wait3A_198 = tpu.memref_slice %arg6[%dma_wait3A_196, %dma_wait3A_197] : memref<10240x128xf32, #tpu.memory_space<vmem_shared>> -> memref<10240x128xf32, #tpu.memory_space<vmem_shared>>
          %dma_wait3A_199 = tpu.memref_slice %arg12[%dma_wait3A_192] : memref<2x!tpu.dma_semaphore, #tpu.memory_space<semaphore_mem>> -> memref<1x!tpu.dma_semaphore, #tpu.memory_space<semaphore_mem>>
          %dma_wait3A_200 = tpu.memref_squeeze %dma_wait3A_199 : memref<1x!tpu.dma_semaphore, #tpu.memory_space<semaphore_mem>> -> memref<!tpu.dma_semaphore, #tpu.memory_space<semaphore_mem>>
          tpu.wait_indirect_dma semaphore(%dma_wait3A_200 : memref<!tpu.dma_semaphore, #tpu.memory_space<semaphore_mem>>) src(%arg9 : memref<128x128xf32, #tpu.memory_space<vmem>>) dst(%dma_wait3A_198 : memref<10240x128xf32, #tpu.memory_space<vmem_shared>>)
          %dma_start3A_201 = arith.constant 0 : i32
          %dma_start3A_202 = arith.constant 0 : i32
          %dma_start3A_203 = tpu.memref_slice %arg7[%add3A_184, %dma_start3A_202] : memref<40x128xi32, #tpu.memory_space<vmem>> -> memref<1x128xi32, #tpu.memory_space<vmem>>
          %dma_start3A_204 = tpu.memref_squeeze %dma_start3A_203 : memref<1x128xi32, #tpu.memory_space<vmem>> -> memref<128xi32, #tpu.memory_space<vmem>>
          %dma_start3A_205 = arith.constant 0 : i32
          %dma_start3A_206 = arith.constant 0 : i32
          %dma_start3A_207 = tpu.memref_slice %arg2[%dma_start3A_205, %dma_start3A_206] : memref<10240x128xf32, #tpu.memory_space<hbm>> -> memref<10240x128xf32, #tpu.memory_space<hbm>>
          %dma_start3A_208 = tpu.memref_slice %arg11[%dma_start3A_201] : memref<2x!tpu.dma_semaphore, #tpu.memory_space<semaphore_mem>> -> memref<1x!tpu.dma_semaphore, #tpu.memory_space<semaphore_mem>>
          %dma_start3A_209 = tpu.memref_squeeze %dma_start3A_208 : memref<1x!tpu.dma_semaphore, #tpu.memory_space<semaphore_mem>> -> memref<!tpu.dma_semaphore, #tpu.memory_space<semaphore_mem>>
          tpu.enqueue_indirect_dma source(%dma_start3A_207 : memref<10240x128xf32, #tpu.memory_space<hbm>>) target(%arg9 : memref<128x128xf32, #tpu.memory_space<vmem>>) offsets(%dma_start3A_204 : memref<128xi32, #tpu.memory_space<vmem>>) semaphore(%dma_start3A_209 : memref<!tpu.dma_semaphore, #tpu.memory_space<semaphore_mem>>)
        } else {
        }
      }
      %while3A_101 = arith.constant 1 : i32
      scf.for %while3A_127 = %while3A_99 to %while3A_95 step %while3A_101  : i32 {
        %mul3A_128 = arith.constant 2 : i32
        %mul3A_129 = arith.muli %while3A_127, %mul3A_128 : i32
        %add3A_130 = arith.constant 0 : i32
        %add3A_131 = arith.addi %mul3A_129, %add3A_130 : i32
        %dma_wait3A_132 = arith.constant 0 : i32
        %dma_wait3A_133 = arith.constant 0 : i32
        %dma_wait3A_134 = tpu.memref_slice %arg7[%add3A_131, %dma_wait3A_133] : memref<40x128xi32, #tpu.memory_space<vmem>> -> memref<1x128xi32, #tpu.memory_space<vmem>>
        %dma_wait3A_135 = tpu.memref_squeeze %dma_wait3A_134 : memref<1x128xi32, #tpu.memory_space<vmem>> -> memref<128xi32, #tpu.memory_space<vmem>>
        %dma_wait3A_136 = arith.constant 0 : i32
        %dma_wait3A_137 = arith.constant 0 : i32
        %dma_wait3A_138 = tpu.memref_slice %arg2[%dma_wait3A_136, %dma_wait3A_137] : memref<10240x128xf32, #tpu.memory_space<hbm>> -> memref<10240x128xf32, #tpu.memory_space<hbm>>
        %dma_wait3A_139 = tpu.memref_slice %arg11[%dma_wait3A_132] : memref<2x!tpu.dma_semaphore, #tpu.memory_space<semaphore_mem>> -> memref<1x!tpu.dma_semaphore, #tpu.memory_space<semaphore_mem>>
        %dma_wait3A_140 = tpu.memref_squeeze %dma_wait3A_139 : memref<1x!tpu.dma_semaphore, #tpu.memory_space<semaphore_mem>> -> memref<!tpu.dma_semaphore, #tpu.memory_space<semaphore_mem>>
        tpu.wait_indirect_dma semaphore(%dma_wait3A_140 : memref<!tpu.dma_semaphore, #tpu.memory_space<semaphore_mem>>) src(%dma_wait3A_138 : memref<10240x128xf32, #tpu.memory_space<hbm>>) dst(%arg9 : memref<128x128xf32, #tpu.memory_space<vmem>>)
        %dma_start3A_141 = arith.constant 0 : i32
        %dma_start3A_142 = arith.constant 0 : i32
        %dma_start3A_143 = tpu.memref_slice %arg8[%add3A_131, %dma_start3A_142] : memref<40x128xi32, #tpu.memory_space<vmem>> -> memref<1x128xi32, #tpu.memory_space<vmem>>
        %dma_start3A_144 = tpu.memref_squeeze %dma_start3A_143 : memref<1x128xi32, #tpu.memory_space<vmem>> -> memref<128xi32, #tpu.memory_space<vmem>>
        %dma_start3A_145 = arith.constant 0 : i32
        %dma_start3A_146 = arith.constant 0 : i32
        %dma_start3A_147 = tpu.memref_slice %arg6[%dma_start3A_145, %dma_start3A_146] : memref<10240x128xf32, #tpu.memory_space<vmem_shared>> -> memref<10240x128xf32, #tpu.memory_space<vmem_shared>>
        %dma_start3A_148 = tpu.memref_slice %arg12[%dma_start3A_141] : memref<2x!tpu.dma_semaphore, #tpu.memory_space<semaphore_mem>> -> memref<1x!tpu.dma_semaphore, #tpu.memory_space<semaphore_mem>>
        %dma_start3A_149 = tpu.memref_squeeze %dma_start3A_148 : memref<1x!tpu.dma_semaphore, #tpu.memory_space<semaphore_mem>> -> memref<!tpu.dma_semaphore, #tpu.memory_space<semaphore_mem>>
        tpu.enqueue_indirect_dma source(%arg9 : memref<128x128xf32, #tpu.memory_space<vmem>>) target(%dma_start3A_147 : memref<10240x128xf32, #tpu.memory_space<vmem_shared>>) offsets(%dma_start3A_144 : memref<128xi32, #tpu.memory_space<vmem>>) semaphore(%dma_start3A_149 : memref<!tpu.dma_semaphore, #tpu.memory_space<semaphore_mem>>) {add = true}
        %sub3A_150 = arith.constant 1 : i32
        %sub3A_151 = arith.subi %add3A_131, %sub3A_150 : i32
        %add3A_152 = arith.constant 2 : i32
        %add3A_153 = arith.addi %sub3A_151, %add3A_152 : i32
        %ge3A = arith.constant 0 : i32
        %ge3A_154 = arith.cmpi sge, %sub3A_151, %ge3A : i32
        %lt3A = arith.cmpi slt, %add3A_153, %min3A_52 : i32
        %and3A_155 = arith.andi %ge3A_154, %lt3A : i1
        %convert_element_type3A_156 = arith.extui %and3A_155 : i1 to i32
        %cond3A_157 = arith.constant 0 : i32
        %cond3A_158 = arith.cmpi ne, %convert_element_type3A_156, %cond3A_157 : i32
        scf.if %cond3A_158 {
          %dma_wait3A_192 = arith.constant 1 : i32
          %dma_wait3A_193 = arith.constant 0 : i32
          %dma_wait3A_194 = tpu.memref_slice %arg8[%sub3A_151, %dma_wait3A_193] : memref<40x128xi32, #tpu.memory_space<vmem>> -> memref<1x128xi32, #tpu.memory_space<vmem>>
          %dma_wait3A_195 = tpu.memref_squeeze %dma_wait3A_194 : memref<1x128xi32, #tpu.memory_space<vmem>> -> memref<128xi32, #tpu.memory_space<vmem>>
          %dma_wait3A_196 = arith.constant 0 : i32
          %dma_wait3A_197 = arith.constant 0 : i32
          %dma_wait3A_198 = tpu.memref_slice %arg6[%dma_wait3A_196, %dma_wait3A_197] : memref<10240x128xf32, #tpu.memory_space<vmem_shared>> -> memref<10240x128xf32, #tpu.memory_space<vmem_shared>>
          %dma_wait3A_199 = tpu.memref_slice %arg12[%dma_wait3A_192] : memref<2x!tpu.dma_semaphore, #tpu.memory_space<semaphore_mem>> -> memref<1x!tpu.dma_semaphore, #tpu.memory_space<semaphore_mem>>
          %dma_wait3A_200 = tpu.memref_squeeze %dma_wait3A_199 : memref<1x!tpu.dma_semaphore, #tpu.memory_space<semaphore_mem>> -> memref<!tpu.dma_semaphore, #tpu.memory_space<semaphore_mem>>
          tpu.wait_indirect_dma semaphore(%dma_wait3A_200 : memref<!tpu.dma_semaphore, #tpu.memory_space<semaphore_mem>>) src(%arg10 : memref<128x128xf32, #tpu.memory_space<vmem>>) dst(%dma_wait3A_198 : memref<10240x128xf32, #tpu.memory_space<vmem_shared>>)
          %dma_start3A_201 = arith.constant 1 : i32
          %dma_start3A_202 = arith.constant 0 : i32
          %dma_start3A_203 = tpu.memref_slice %arg7[%add3A_153, %dma_start3A_202] : memref<40x128xi32, #tpu.memory_space<vmem>> -> memref<1x128xi32, #tpu.memory_space<vmem>>
          %dma_start3A_204 = tpu.memref_squeeze %dma_start3A_203 : memref<1x128xi32, #tpu.memory_space<vmem>> -> memref<128xi32, #tpu.memory_space<vmem>>
          %dma_start3A_205 = arith.constant 0 : i32
          %dma_start3A_206 = arith.constant 0 : i32
          %dma_start3A_207 = tpu.memref_slice %arg2[%dma_start3A_205, %dma_start3A_206] : memref<10240x128xf32, #tpu.memory_space<hbm>> -> memref<10240x128xf32, #tpu.memory_space<hbm>>
          %dma_start3A_208 = tpu.memref_slice %arg11[%dma_start3A_201] : memref<2x!tpu.dma_semaphore, #tpu.memory_space<semaphore_mem>> -> memref<1x!tpu.dma_semaphore, #tpu.memory_space<semaphore_mem>>
          %dma_start3A_209 = tpu.memref_squeeze %dma_start3A_208 : memref<1x!tpu.dma_semaphore, #tpu.memory_space<semaphore_mem>> -> memref<!tpu.dma_semaphore, #tpu.memory_space<semaphore_mem>>
          tpu.enqueue_indirect_dma source(%dma_start3A_207 : memref<10240x128xf32, #tpu.memory_space<hbm>>) target(%arg10 : memref<128x128xf32, #tpu.memory_space<vmem>>) offsets(%dma_start3A_204 : memref<128xi32, #tpu.memory_space<vmem>>) semaphore(%dma_start3A_209 : memref<!tpu.dma_semaphore, #tpu.memory_space<semaphore_mem>>)
        } else {
        }
        %mul3A_159 = arith.constant 2 : i32
        %mul3A_160 = arith.muli %while3A_127, %mul3A_159 : i32
        %add3A_161 = arith.constant 1 : i32
        %add3A_162 = arith.addi %mul3A_160, %add3A_161 : i32
        %dma_wait3A_163 = arith.constant 1 : i32
        %dma_wait3A_164 = arith.constant 0 : i32
        %dma_wait3A_165 = tpu.memref_slice %arg7[%add3A_162, %dma_wait3A_164] : memref<40x128xi32, #tpu.memory_space<vmem>> -> memref<1x128xi32, #tpu.memory_space<vmem>>
        %dma_wait3A_166 = tpu.memref_squeeze %dma_wait3A_165 : memref<1x128xi32, #tpu.memory_space<vmem>> -> memref<128xi32, #tpu.memory_space<vmem>>
        %dma_wait3A_167 = arith.constant 0 : i32
        %dma_wait3A_168 = arith.constant 0 : i32
        %dma_wait3A_169 = tpu.memref_slice %arg2[%dma_wait3A_167, %dma_wait3A_168] : memref<10240x128xf32, #tpu.memory_space<hbm>> -> memref<10240x128xf32, #tpu.memory_space<hbm>>
        %dma_wait3A_170 = tpu.memref_slice %arg11[%dma_wait3A_163] : memref<2x!tpu.dma_semaphore, #tpu.memory_space<semaphore_mem>> -> memref<1x!tpu.dma_semaphore, #tpu.memory_space<semaphore_mem>>
        %dma_wait3A_171 = tpu.memref_squeeze %dma_wait3A_170 : memref<1x!tpu.dma_semaphore, #tpu.memory_space<semaphore_mem>> -> memref<!tpu.dma_semaphore, #tpu.memory_space<semaphore_mem>>
        tpu.wait_indirect_dma semaphore(%dma_wait3A_171 : memref<!tpu.dma_semaphore, #tpu.memory_space<semaphore_mem>>) src(%dma_wait3A_169 : memref<10240x128xf32, #tpu.memory_space<hbm>>) dst(%arg10 : memref<128x128xf32, #tpu.memory_space<vmem>>)
        %dma_start3A_172 = arith.constant 1 : i32
        %dma_start3A_173 = arith.constant 0 : i32
        %dma_start3A_174 = tpu.memref_slice %arg8[%add3A_162, %dma_start3A_173] : memref<40x128xi32, #tpu.memory_space<vmem>> -> memref<1x128xi32, #tpu.memory_space<vmem>>
        %dma_start3A_175 = tpu.memref_squeeze %dma_start3A_174 : memref<1x128xi32, #tpu.memory_space<vmem>> -> memref<128xi32, #tpu.memory_space<vmem>>
        %dma_start3A_176 = arith.constant 0 : i32
        %dma_start3A_177 = arith.constant 0 : i32
        %dma_start3A_178 = tpu.memref_slice %arg6[%dma_start3A_176, %dma_start3A_177] : memref<10240x128xf32, #tpu.memory_space<vmem_shared>> -> memref<10240x128xf32, #tpu.memory_space<vmem_shared>>
        %dma_start3A_179 = tpu.memref_slice %arg12[%dma_start3A_172] : memref<2x!tpu.dma_semaphore, #tpu.memory_space<semaphore_mem>> -> memref<1x!tpu.dma_semaphore, #tpu.memory_space<semaphore_mem>>
        %dma_start3A_180 = tpu.memref_squeeze %dma_start3A_179 : memref<1x!tpu.dma_semaphore, #tpu.memory_space<semaphore_mem>> -> memref<!tpu.dma_semaphore, #tpu.memory_space<semaphore_mem>>
        tpu.enqueue_indirect_dma source(%arg10 : memref<128x128xf32, #tpu.memory_space<vmem>>) target(%dma_start3A_178 : memref<10240x128xf32, #tpu.memory_space<vmem_shared>>) offsets(%dma_start3A_175 : memref<128xi32, #tpu.memory_space<vmem>>) semaphore(%dma_start3A_180 : memref<!tpu.dma_semaphore, #tpu.memory_space<semaphore_mem>>) {add = true}
        %sub3A_181 = arith.constant 1 : i32
        %sub3A_182 = arith.subi %add3A_162, %sub3A_181 : i32
        %add3A_183 = arith.constant 2 : i32
        %add3A_184 = arith.addi %sub3A_182, %add3A_183 : i32
        %ge3A_185 = arith.constant 0 : i32
        %ge3A_186 = arith.cmpi sge, %sub3A_182, %ge3A_185 : i32
        %lt3A_187 = arith.cmpi slt, %add3A_184, %min3A_52 : i32
        %and3A_188 = arith.andi %ge3A_186, %lt3A_187 : i1
        %convert_element_type3A_189 = arith.extui %and3A_188 : i1 to i32
        %cond3A_190 = arith.constant 0 : i32
        %cond3A_191 = arith.cmpi ne, %convert_element_type3A_189, %cond3A_190 : i32
        scf.if %cond3A_191 {
          %dma_wait3A_192 = arith.constant 0 : i32
          %dma_wait3A_193 = arith.constant 0 : i32
          %dma_wait3A_194 = tpu.memref_slice %arg8[%sub3A_182, %dma_wait3A_193] : memref<40x128xi32, #tpu.memory_space<vmem>> -> memref<1x128xi32, #tpu.memory_space<vmem>>
          %dma_wait3A_195 = tpu.memref_squeeze %dma_wait3A_194 : memref<1x128xi32, #tpu.memory_space<vmem>> -> memref<128xi32, #tpu.memory_space<vmem>>
          %dma_wait3A_196 = arith.constant 0 : i32
          %dma_wait3A_197 = arith.constant 0 : i32
          %dma_wait3A_198 = tpu.memref_slice %arg6[%dma_wait3A_196, %dma_wait3A_197] : memref<10240x128xf32, #tpu.memory_space<vmem_shared>> -> memref<10240x128xf32, #tpu.memory_space<vmem_shared>>
          %dma_wait3A_199 = tpu.memref_slice %arg12[%dma_wait3A_192] : memref<2x!tpu.dma_semaphore, #tpu.memory_space<semaphore_mem>> -> memref<1x!tpu.dma_semaphore, #tpu.memory_space<semaphore_mem>>
          %dma_wait3A_200 = tpu.memref_squeeze %dma_wait3A_199 : memref<1x!tpu.dma_semaphore, #tpu.memory_space<semaphore_mem>> -> memref<!tpu.dma_semaphore, #tpu.memory_space<semaphore_mem>>
          tpu.wait_indirect_dma semaphore(%dma_wait3A_200 : memref<!tpu.dma_semaphore, #tpu.memory_space<semaphore_mem>>) src(%arg9 : memref<128x128xf32, #tpu.memory_space<vmem>>) dst(%dma_wait3A_198 : memref<10240x128xf32, #tpu.memory_space<vmem_shared>>)
          %dma_start3A_201 = arith.constant 0 : i32
          %dma_start3A_202 = arith.constant 0 : i32
          %dma_start3A_203 = tpu.memref_slice %arg7[%add3A_184, %dma_start3A_202] : memref<40x128xi32, #tpu.memory_space<vmem>> -> memref<1x128xi32, #tpu.memory_space<vmem>>
          %dma_start3A_204 = tpu.memref_squeeze %dma_start3A_203 : memref<1x128xi32, #tpu.memory_space<vmem>> -> memref<128xi32, #tpu.memory_space<vmem>>
          %dma_start3A_205 = arith.constant 0 : i32
          %dma_start3A_206 = arith.constant 0 : i32
          %dma_start3A_207 = tpu.memref_slice %arg2[%dma_start3A_205, %dma_start3A_206] : memref<10240x128xf32, #tpu.memory_space<hbm>> -> memref<10240x128xf32, #tpu.memory_space<hbm>>
          %dma_start3A_208 = tpu.memref_slice %arg11[%dma_start3A_201] : memref<2x!tpu.dma_semaphore, #tpu.memory_space<semaphore_mem>> -> memref<1x!tpu.dma_semaphore, #tpu.memory_space<semaphore_mem>>
          %dma_start3A_209 = tpu.memref_squeeze %dma_start3A_208 : memref<1x!tpu.dma_semaphore, #tpu.memory_space<semaphore_mem>> -> memref<!tpu.dma_semaphore, #tpu.memory_space<semaphore_mem>>
          tpu.enqueue_indirect_dma source(%dma_start3A_207 : memref<10240x128xf32, #tpu.memory_space<hbm>>) target(%arg9 : memref<128x128xf32, #tpu.memory_space<vmem>>) offsets(%dma_start3A_204 : memref<128xi32, #tpu.memory_space<vmem>>) semaphore(%dma_start3A_209 : memref<!tpu.dma_semaphore, #tpu.memory_space<semaphore_mem>>)
        } else {
        }
      }
      %sub3A_102 = arith.constant 2 : i32
      %sub3A_103 = arith.subi %min3A_52, %sub3A_102 : i32
      %add3A_104 = arith.constant 0 : i32
      %add3A_105 = arith.addi %sub3A_103, %add3A_104 : i32
      %dma_wait3A = arith.constant 0 : i32
      %dma_wait3A_106 = arith.constant 0 : i32
      %dma_wait3A_107 = tpu.memref_slice %arg8[%add3A_105, %dma_wait3A_106] : memref<40x128xi32, #tpu.memory_space<vmem>> -> memref<1x128xi32, #tpu.memory_space<vmem>>
      %dma_wait3A_108 = tpu.memref_squeeze %dma_wait3A_107 : memref<1x128xi32, #tpu.memory_space<vmem>> -> memref<128xi32, #tpu.memory_space<vmem>>
      %dma_wait3A_109 = arith.constant 0 : i32
      %dma_wait3A_110 = arith.constant 0 : i32
      %dma_wait3A_111 = tpu.memref_slice %arg6[%dma_wait3A_109, %dma_wait3A_110] : memref<10240x128xf32, #tpu.memory_space<vmem_shared>> -> memref<10240x128xf32, #tpu.memory_space<vmem_shared>>
      %dma_wait3A_112 = tpu.memref_slice %arg12[%dma_wait3A] : memref<2x!tpu.dma_semaphore, #tpu.memory_space<semaphore_mem>> -> memref<1x!tpu.dma_semaphore, #tpu.memory_space<semaphore_mem>>
      %dma_wait3A_113 = tpu.memref_squeeze %dma_wait3A_112 : memref<1x!tpu.dma_semaphore, #tpu.memory_space<semaphore_mem>> -> memref<!tpu.dma_semaphore, #tpu.memory_space<semaphore_mem>>
      tpu.wait_indirect_dma semaphore(%dma_wait3A_113 : memref<!tpu.dma_semaphore, #tpu.memory_space<semaphore_mem>>) src(%arg9 : memref<128x128xf32, #tpu.memory_space<vmem>>) dst(%dma_wait3A_111 : memref<10240x128xf32, #tpu.memory_space<vmem_shared>>)
      %sub3A_114 = arith.constant 2 : i32
      %sub3A_115 = arith.subi %min3A_52, %sub3A_114 : i32
      %add3A_116 = arith.constant 1 : i32
      %add3A_117 = arith.addi %sub3A_115, %add3A_116 : i32
      %dma_wait3A_118 = arith.constant 1 : i32
      %dma_wait3A_119 = arith.constant 0 : i32
      %dma_wait3A_120 = tpu.memref_slice %arg8[%add3A_117, %dma_wait3A_119] : memref<40x128xi32, #tpu.memory_space<vmem>> -> memref<1x128xi32, #tpu.memory_space<vmem>>
      %dma_wait3A_121 = tpu.memref_squeeze %dma_wait3A_120 : memref<1x128xi32, #tpu.memory_space<vmem>> -> memref<128xi32, #tpu.memory_space<vmem>>
      %dma_wait3A_122 = arith.constant 0 : i32
      %dma_wait3A_123 = arith.constant 0 : i32
      %dma_wait3A_124 = tpu.memref_slice %arg6[%dma_wait3A_122, %dma_wait3A_123] : memref<10240x128xf32, #tpu.memory_space<vmem_shared>> -> memref<10240x128xf32, #tpu.memory_space<vmem_shared>>
      %dma_wait3A_125 = tpu.memref_slice %arg12[%dma_wait3A_118] : memref<2x!tpu.dma_semaphore, #tpu.memory_space<semaphore_mem>> -> memref<1x!tpu.dma_semaphore, #tpu.memory_space<semaphore_mem>>
      %dma_wait3A_126 = tpu.memref_squeeze %dma_wait3A_125 : memref<1x!tpu.dma_semaphore, #tpu.memory_space<semaphore_mem>> -> memref<!tpu.dma_semaphore, #tpu.memory_space<semaphore_mem>>
      tpu.wait_indirect_dma semaphore(%dma_wait3A_126 : memref<!tpu.dma_semaphore, #tpu.memory_space<semaphore_mem>>) src(%arg10 : memref<128x128xf32, #tpu.memory_space<vmem>>) dst(%dma_wait3A_124 : memref<10240x128xf32, #tpu.memory_space<vmem_shared>>)
    } else {
    }
    %gt3A_36 = arith.constant 80 : i32
    %gt3A_37 = arith.cmpi sgt, %select_n3A, %gt3A_36 : i32
    %convert_element_type3A_38 = arith.extui %gt3A_37 : i1 to i32
    %cond3A_39 = arith.constant 0 : i32
    %cond3A_40 = arith.cmpi ne, %convert_element_type3A_38, %cond3A_39 : i32
    scf.if %cond3A_40 {
      %sub3A = arith.constant 80 : i32
      %sub3A_51 = arith.subi %select_n3A, %sub3A : i32
      %min3A = arith.constant 40 : i32
      %min3A_52 = arith.minsi %min3A, %sub3A_51 : i32
      %add3A_53 = arith.constant 80 : i32
      %add3A_54 = arith.addi %add3A, %add3A_53 : i32
      %multiple_of3A = tpu.assume_multiple %add3A_54, 8 : i32
      "tpu.region"() ({
        %run_scoped3A = tpu.sem_alloc : memref<!tpu.dma_semaphore, #tpu.memory_space<semaphore_mem>>
        %dma_start3A_127 = arith.constant 0 : i32
        %dma_start3A_128 = tpu.memref_slice %arg3[%multiple_of3A, %dma_start3A_127] : memref<2600x128xi32, #tpu.memory_space<hbm>> -> memref<40x128xi32, #tpu.memory_space<hbm>>
        %dma_start3A_129 = arith.constant 0 : i32
        %dma_start3A_130 = tpu.memref_slice %arg3[%multiple_of3A, %dma_start3A_129] : memref<2600x128xi32, #tpu.memory_space<hbm>> -> memref<40x128xi32, #tpu.memory_space<hbm>>
        tpu.enqueue_dma source(%dma_start3A_130 : memref<40x128xi32, #tpu.memory_space<hbm>>) target(%arg7 : memref<40x128xi32, #tpu.memory_space<vmem>>) target_semaphore(%run_scoped3A : memref<!tpu.dma_semaphore, #tpu.memory_space<semaphore_mem>>)
        %dma_wait3A_131 = arith.constant 0 : i32
        %dma_wait3A_132 = tpu.memref_slice %arg3[%multiple_of3A, %dma_wait3A_131] : memref<2600x128xi32, #tpu.memory_space<hbm>> -> memref<40x128xi32, #tpu.memory_space<hbm>>
        %dma_wait3A_133 = arith.constant 0 : i32
        %dma_wait3A_134 = tpu.memref_slice %arg3[%multiple_of3A, %dma_wait3A_133] : memref<2600x128xi32, #tpu.memory_space<hbm>> -> memref<40x128xi32, #tpu.memory_space<hbm>>
        tpu.wait_dma2 semaphore(%run_scoped3A : memref<!tpu.dma_semaphore, #tpu.memory_space<semaphore_mem>>) src(%dma_wait3A_134 : memref<40x128xi32, #tpu.memory_space<hbm>>) dst(%arg7 : memref<40x128xi32, #tpu.memory_space<vmem>>)
        tpu.yield
      }) : () -> ()
      "tpu.region"() ({
        %run_scoped3A = tpu.sem_alloc : memref<!tpu.dma_semaphore, #tpu.memory_space<semaphore_mem>>
        %dma_start3A_127 = arith.constant 0 : i32
        %dma_start3A_128 = tpu.memref_slice %arg4[%multiple_of3A, %dma_start3A_127] : memref<2600x128xi32, #tpu.memory_space<hbm>> -> memref<40x128xi32, #tpu.memory_space<hbm>>
        %dma_start3A_129 = arith.constant 0 : i32
        %dma_start3A_130 = tpu.memref_slice %arg4[%multiple_of3A, %dma_start3A_129] : memref<2600x128xi32, #tpu.memory_space<hbm>> -> memref<40x128xi32, #tpu.memory_space<hbm>>
        tpu.enqueue_dma source(%dma_start3A_130 : memref<40x128xi32, #tpu.memory_space<hbm>>) target(%arg8 : memref<40x128xi32, #tpu.memory_space<vmem>>) target_semaphore(%run_scoped3A : memref<!tpu.dma_semaphore, #tpu.memory_space<semaphore_mem>>)
        %dma_wait3A_131 = arith.constant 0 : i32
        %dma_wait3A_132 = tpu.memref_slice %arg4[%multiple_of3A, %dma_wait3A_131] : memref<2600x128xi32, #tpu.memory_space<hbm>> -> memref<40x128xi32, #tpu.memory_space<hbm>>
        %dma_wait3A_133 = arith.constant 0 : i32
        %dma_wait3A_134 = tpu.memref_slice %arg4[%multiple_of3A, %dma_wait3A_133] : memref<2600x128xi32, #tpu.memory_space<hbm>> -> memref<40x128xi32, #tpu.memory_space<hbm>>
        tpu.wait_dma2 semaphore(%run_scoped3A : memref<!tpu.dma_semaphore, #tpu.memory_space<semaphore_mem>>) src(%dma_wait3A_134 : memref<40x128xi32, #tpu.memory_space<hbm>>) dst(%arg8 : memref<40x128xi32, #tpu.memory_space<vmem>>)
        tpu.yield
      }) : () -> ()
      %dma_start3A = arith.constant 0 : i32
      %dma_start3A_55 = arith.constant 0 : i32
      %dma_start3A_56 = arith.constant 0 : i32
      %dma_start3A_57 = tpu.memref_slice %arg7[%dma_start3A, %dma_start3A_56] : memref<40x128xi32, #tpu.memory_space<vmem>> -> memref<1x128xi32, #tpu.memory_space<vmem>>
      %dma_start3A_58 = tpu.memref_squeeze %dma_start3A_57 : memref<1x128xi32, #tpu.memory_space<vmem>> -> memref<128xi32, #tpu.memory_space<vmem>>
      %dma_start3A_59 = arith.constant 0 : i32
      %dma_start3A_60 = arith.constant 0 : i32
      %dma_start3A_61 = tpu.memref_slice %arg2[%dma_start3A_59, %dma_start3A_60] : memref<10240x128xf32, #tpu.memory_space<hbm>> -> memref<10240x128xf32, #tpu.memory_space<hbm>>
      %dma_start3A_62 = tpu.memref_slice %arg11[%dma_start3A_55] : memref<2x!tpu.dma_semaphore, #tpu.memory_space<semaphore_mem>> -> memref<1x!tpu.dma_semaphore, #tpu.memory_space<semaphore_mem>>
      %dma_start3A_63 = tpu.memref_squeeze %dma_start3A_62 : memref<1x!tpu.dma_semaphore, #tpu.memory_space<semaphore_mem>> -> memref<!tpu.dma_semaphore, #tpu.memory_space<semaphore_mem>>
      tpu.enqueue_indirect_dma source(%dma_start3A_61 : memref<10240x128xf32, #tpu.memory_space<hbm>>) target(%arg9 : memref<128x128xf32, #tpu.memory_space<vmem>>) offsets(%dma_start3A_58 : memref<128xi32, #tpu.memory_space<vmem>>) semaphore(%dma_start3A_63 : memref<!tpu.dma_semaphore, #tpu.memory_space<semaphore_mem>>)
      %dma_start3A_64 = arith.constant 1 : i32
      %dma_start3A_65 = arith.constant 1 : i32
      %dma_start3A_66 = arith.constant 0 : i32
      %dma_start3A_67 = tpu.memref_slice %arg7[%dma_start3A_64, %dma_start3A_66] : memref<40x128xi32, #tpu.memory_space<vmem>> -> memref<1x128xi32, #tpu.memory_space<vmem>>
      %dma_start3A_68 = tpu.memref_squeeze %dma_start3A_67 : memref<1x128xi32, #tpu.memory_space<vmem>> -> memref<128xi32, #tpu.memory_space<vmem>>
      %dma_start3A_69 = arith.constant 0 : i32
      %dma_start3A_70 = arith.constant 0 : i32
      %dma_start3A_71 = tpu.memref_slice %arg2[%dma_start3A_69, %dma_start3A_70] : memref<10240x128xf32, #tpu.memory_space<hbm>> -> memref<10240x128xf32, #tpu.memory_space<hbm>>
      %dma_start3A_72 = tpu.memref_slice %arg11[%dma_start3A_65] : memref<2x!tpu.dma_semaphore, #tpu.memory_space<semaphore_mem>> -> memref<1x!tpu.dma_semaphore, #tpu.memory_space<semaphore_mem>>
      %dma_start3A_73 = tpu.memref_squeeze %dma_start3A_72 : memref<1x!tpu.dma_semaphore, #tpu.memory_space<semaphore_mem>> -> memref<!tpu.dma_semaphore, #tpu.memory_space<semaphore_mem>>
      tpu.enqueue_indirect_dma source(%dma_start3A_71 : memref<10240x128xf32, #tpu.memory_space<hbm>>) target(%arg10 : memref<128x128xf32, #tpu.memory_space<vmem>>) offsets(%dma_start3A_68 : memref<128xi32, #tpu.memory_space<vmem>>) semaphore(%dma_start3A_73 : memref<!tpu.dma_semaphore, #tpu.memory_space<semaphore_mem>>)
      %jit3A_74 = arith.constant 2 : i32
      %div3A = arith.divsi %min3A_52, %jit3A_74 : i32
      %sign3A = arith.constant 0 : i32
      %sign3A_75 = arith.cmpi sgt, %min3A_52, %sign3A : i32
      %sign3A_76 = arith.extui %sign3A_75 : i1 to i32
      %sign3A_77 = arith.constant 0 : i32
      %sign3A_78 = arith.cmpi slt, %min3A_52, %sign3A_77 : i32
      %sign3A_79 = arith.extui %sign3A_78 : i1 to i32
      %sign3A_80 = arith.subi %sign3A_76, %sign3A_79 : i32
      %sign3A_81 = arith.constant 0 : i32
      %sign3A_82 = arith.cmpi sgt, %jit3A_74, %sign3A_81 : i32
      %sign3A_83 = arith.extui %sign3A_82 : i1 to i32
      %sign3A_84 = arith.constant 0 : i32
      %sign3A_85 = arith.cmpi slt, %jit3A_74, %sign3A_84 : i32
      %sign3A_86 = arith.extui %sign3A_85 : i1 to i32
      %sign3A_87 = arith.subi %sign3A_83, %sign3A_86 : i32
      %ne3A = arith.cmpi ne, %sign3A_80, %sign3A_87 : i32
      %rem3A = arith.remsi %min3A_52, %jit3A_74 : i32
      %ne3A_88 = arith.constant 0 : i32
      %ne3A_89 = arith.cmpi ne, %rem3A, %ne3A_88 : i32
      %and3A = arith.andi %ne3A, %ne3A_89 : i1
      %sub3A_90 = arith.constant 1 : i32
      %sub3A_91 = arith.subi %div3A, %sub3A_90 : i32
      %select_n3A_92 = arith.select %and3A, %sub3A_91, %div3A : i32
      %while3A = arith.constant 0 : i32
      %while3A_93 = arith.constant 0 : i32
      %while3A_94 = arith.subi %select_n3A_92, %while3A_93 : i32
      %while3A_95 = arith.addi %while3A_93, %while3A_94 : i32
      %while3A_96 = arith.constant 1 : i32
      %while3A_97 = arith.divsi %while3A_94, %while3A_96 : i32
      %while3A_98 = arith.muli %while3A_97, %while3A_96 : i32
      %while3A_99 = arith.addi %while3A_93, %while3A_98 : i32
      %while3A_100 = arith.constant 1 : i32
      scf.for %while3A_127 = %while3A_93 to %while3A_99 step %while3A_100  : i32 {
        %mul3A_128 = arith.constant 2 : i32
        %mul3A_129 = arith.muli %while3A_127, %mul3A_128 : i32
        %add3A_130 = arith.constant 0 : i32
        %add3A_131 = arith.addi %mul3A_129, %add3A_130 : i32
        %dma_wait3A_132 = arith.constant 0 : i32
        %dma_wait3A_133 = arith.constant 0 : i32
        %dma_wait3A_134 = tpu.memref_slice %arg7[%add3A_131, %dma_wait3A_133] : memref<40x128xi32, #tpu.memory_space<vmem>> -> memref<1x128xi32, #tpu.memory_space<vmem>>
        %dma_wait3A_135 = tpu.memref_squeeze %dma_wait3A_134 : memref<1x128xi32, #tpu.memory_space<vmem>> -> memref<128xi32, #tpu.memory_space<vmem>>
        %dma_wait3A_136 = arith.constant 0 : i32
        %dma_wait3A_137 = arith.constant 0 : i32
        %dma_wait3A_138 = tpu.memref_slice %arg2[%dma_wait3A_136, %dma_wait3A_137] : memref<10240x128xf32, #tpu.memory_space<hbm>> -> memref<10240x128xf32, #tpu.memory_space<hbm>>
        %dma_wait3A_139 = tpu.memref_slice %arg11[%dma_wait3A_132] : memref<2x!tpu.dma_semaphore, #tpu.memory_space<semaphore_mem>> -> memref<1x!tpu.dma_semaphore, #tpu.memory_space<semaphore_mem>>
        %dma_wait3A_140 = tpu.memref_squeeze %dma_wait3A_139 : memref<1x!tpu.dma_semaphore, #tpu.memory_space<semaphore_mem>> -> memref<!tpu.dma_semaphore, #tpu.memory_space<semaphore_mem>>
        tpu.wait_indirect_dma semaphore(%dma_wait3A_140 : memref<!tpu.dma_semaphore, #tpu.memory_space<semaphore_mem>>) src(%dma_wait3A_138 : memref<10240x128xf32, #tpu.memory_space<hbm>>) dst(%arg9 : memref<128x128xf32, #tpu.memory_space<vmem>>)
        %dma_start3A_141 = arith.constant 0 : i32
        %dma_start3A_142 = arith.constant 0 : i32
        %dma_start3A_143 = tpu.memref_slice %arg8[%add3A_131, %dma_start3A_142] : memref<40x128xi32, #tpu.memory_space<vmem>> -> memref<1x128xi32, #tpu.memory_space<vmem>>
        %dma_start3A_144 = tpu.memref_squeeze %dma_start3A_143 : memref<1x128xi32, #tpu.memory_space<vmem>> -> memref<128xi32, #tpu.memory_space<vmem>>
        %dma_start3A_145 = arith.constant 0 : i32
        %dma_start3A_146 = arith.constant 0 : i32
        %dma_start3A_147 = tpu.memref_slice %arg6[%dma_start3A_145, %dma_start3A_146] : memref<10240x128xf32, #tpu.memory_space<vmem_shared>> -> memref<10240x128xf32, #tpu.memory_space<vmem_shared>>
        %dma_start3A_148 = tpu.memref_slice %arg12[%dma_start3A_141] : memref<2x!tpu.dma_semaphore, #tpu.memory_space<semaphore_mem>> -> memref<1x!tpu.dma_semaphore, #tpu.memory_space<semaphore_mem>>
        %dma_start3A_149 = tpu.memref_squeeze %dma_start3A_148 : memref<1x!tpu.dma_semaphore, #tpu.memory_space<semaphore_mem>> -> memref<!tpu.dma_semaphore, #tpu.memory_space<semaphore_mem>>
        tpu.enqueue_indirect_dma source(%arg9 : memref<128x128xf32, #tpu.memory_space<vmem>>) target(%dma_start3A_147 : memref<10240x128xf32, #tpu.memory_space<vmem_shared>>) offsets(%dma_start3A_144 : memref<128xi32, #tpu.memory_space<vmem>>) semaphore(%dma_start3A_149 : memref<!tpu.dma_semaphore, #tpu.memory_space<semaphore_mem>>) {add = true}
        %sub3A_150 = arith.constant 1 : i32
        %sub3A_151 = arith.subi %add3A_131, %sub3A_150 : i32
        %add3A_152 = arith.constant 2 : i32
        %add3A_153 = arith.addi %sub3A_151, %add3A_152 : i32
        %ge3A = arith.constant 0 : i32
        %ge3A_154 = arith.cmpi sge, %sub3A_151, %ge3A : i32
        %lt3A = arith.cmpi slt, %add3A_153, %min3A_52 : i32
        %and3A_155 = arith.andi %ge3A_154, %lt3A : i1
        %convert_element_type3A_156 = arith.extui %and3A_155 : i1 to i32
        %cond3A_157 = arith.constant 0 : i32
        %cond3A_158 = arith.cmpi ne, %convert_element_type3A_156, %cond3A_157 : i32
        scf.if %cond3A_158 {
          %dma_wait3A_192 = arith.constant 1 : i32
          %dma_wait3A_193 = arith.constant 0 : i32
          %dma_wait3A_194 = tpu.memref_slice %arg8[%sub3A_151, %dma_wait3A_193] : memref<40x128xi32, #tpu.memory_space<vmem>> -> memref<1x128xi32, #tpu.memory_space<vmem>>
          %dma_wait3A_195 = tpu.memref_squeeze %dma_wait3A_194 : memref<1x128xi32, #tpu.memory_space<vmem>> -> memref<128xi32, #tpu.memory_space<vmem>>
          %dma_wait3A_196 = arith.constant 0 : i32
          %dma_wait3A_197 = arith.constant 0 : i32
          %dma_wait3A_198 = tpu.memref_slice %arg6[%dma_wait3A_196, %dma_wait3A_197] : memref<10240x128xf32, #tpu.memory_space<vmem_shared>> -> memref<10240x128xf32, #tpu.memory_space<vmem_shared>>
          %dma_wait3A_199 = tpu.memref_slice %arg12[%dma_wait3A_192] : memref<2x!tpu.dma_semaphore, #tpu.memory_space<semaphore_mem>> -> memref<1x!tpu.dma_semaphore, #tpu.memory_space<semaphore_mem>>
          %dma_wait3A_200 = tpu.memref_squeeze %dma_wait3A_199 : memref<1x!tpu.dma_semaphore, #tpu.memory_space<semaphore_mem>> -> memref<!tpu.dma_semaphore, #tpu.memory_space<semaphore_mem>>
          tpu.wait_indirect_dma semaphore(%dma_wait3A_200 : memref<!tpu.dma_semaphore, #tpu.memory_space<semaphore_mem>>) src(%arg10 : memref<128x128xf32, #tpu.memory_space<vmem>>) dst(%dma_wait3A_198 : memref<10240x128xf32, #tpu.memory_space<vmem_shared>>)
          %dma_start3A_201 = arith.constant 1 : i32
          %dma_start3A_202 = arith.constant 0 : i32
          %dma_start3A_203 = tpu.memref_slice %arg7[%add3A_153, %dma_start3A_202] : memref<40x128xi32, #tpu.memory_space<vmem>> -> memref<1x128xi32, #tpu.memory_space<vmem>>
          %dma_start3A_204 = tpu.memref_squeeze %dma_start3A_203 : memref<1x128xi32, #tpu.memory_space<vmem>> -> memref<128xi32, #tpu.memory_space<vmem>>
          %dma_start3A_205 = arith.constant 0 : i32
          %dma_start3A_206 = arith.constant 0 : i32
          %dma_start3A_207 = tpu.memref_slice %arg2[%dma_start3A_205, %dma_start3A_206] : memref<10240x128xf32, #tpu.memory_space<hbm>> -> memref<10240x128xf32, #tpu.memory_space<hbm>>
          %dma_start3A_208 = tpu.memref_slice %arg11[%dma_start3A_201] : memref<2x!tpu.dma_semaphore, #tpu.memory_space<semaphore_mem>> -> memref<1x!tpu.dma_semaphore, #tpu.memory_space<semaphore_mem>>
          %dma_start3A_209 = tpu.memref_squeeze %dma_start3A_208 : memref<1x!tpu.dma_semaphore, #tpu.memory_space<semaphore_mem>> -> memref<!tpu.dma_semaphore, #tpu.memory_space<semaphore_mem>>
          tpu.enqueue_indirect_dma source(%dma_start3A_207 : memref<10240x128xf32, #tpu.memory_space<hbm>>) target(%arg10 : memref<128x128xf32, #tpu.memory_space<vmem>>) offsets(%dma_start3A_204 : memref<128xi32, #tpu.memory_space<vmem>>) semaphore(%dma_start3A_209 : memref<!tpu.dma_semaphore, #tpu.memory_space<semaphore_mem>>)
        } else {
        }
        %mul3A_159 = arith.constant 2 : i32
        %mul3A_160 = arith.muli %while3A_127, %mul3A_159 : i32
        %add3A_161 = arith.constant 1 : i32
        %add3A_162 = arith.addi %mul3A_160, %add3A_161 : i32
        %dma_wait3A_163 = arith.constant 1 : i32
        %dma_wait3A_164 = arith.constant 0 : i32
        %dma_wait3A_165 = tpu.memref_slice %arg7[%add3A_162, %dma_wait3A_164] : memref<40x128xi32, #tpu.memory_space<vmem>> -> memref<1x128xi32, #tpu.memory_space<vmem>>
        %dma_wait3A_166 = tpu.memref_squeeze %dma_wait3A_165 : memref<1x128xi32, #tpu.memory_space<vmem>> -> memref<128xi32, #tpu.memory_space<vmem>>
        %dma_wait3A_167 = arith.constant 0 : i32
        %dma_wait3A_168 = arith.constant 0 : i32
        %dma_wait3A_169 = tpu.memref_slice %arg2[%dma_wait3A_167, %dma_wait3A_168] : memref<10240x128xf32, #tpu.memory_space<hbm>> -> memref<10240x128xf32, #tpu.memory_space<hbm>>
        %dma_wait3A_170 = tpu.memref_slice %arg11[%dma_wait3A_163] : memref<2x!tpu.dma_semaphore, #tpu.memory_space<semaphore_mem>> -> memref<1x!tpu.dma_semaphore, #tpu.memory_space<semaphore_mem>>
        %dma_wait3A_171 = tpu.memref_squeeze %dma_wait3A_170 : memref<1x!tpu.dma_semaphore, #tpu.memory_space<semaphore_mem>> -> memref<!tpu.dma_semaphore, #tpu.memory_space<semaphore_mem>>
        tpu.wait_indirect_dma semaphore(%dma_wait3A_171 : memref<!tpu.dma_semaphore, #tpu.memory_space<semaphore_mem>>) src(%dma_wait3A_169 : memref<10240x128xf32, #tpu.memory_space<hbm>>) dst(%arg10 : memref<128x128xf32, #tpu.memory_space<vmem>>)
        %dma_start3A_172 = arith.constant 1 : i32
        %dma_start3A_173 = arith.constant 0 : i32
        %dma_start3A_174 = tpu.memref_slice %arg8[%add3A_162, %dma_start3A_173] : memref<40x128xi32, #tpu.memory_space<vmem>> -> memref<1x128xi32, #tpu.memory_space<vmem>>
        %dma_start3A_175 = tpu.memref_squeeze %dma_start3A_174 : memref<1x128xi32, #tpu.memory_space<vmem>> -> memref<128xi32, #tpu.memory_space<vmem>>
        %dma_start3A_176 = arith.constant 0 : i32
        %dma_start3A_177 = arith.constant 0 : i32
        %dma_start3A_178 = tpu.memref_slice %arg6[%dma_start3A_176, %dma_start3A_177] : memref<10240x128xf32, #tpu.memory_space<vmem_shared>> -> memref<10240x128xf32, #tpu.memory_space<vmem_shared>>
        %dma_start3A_179 = tpu.memref_slice %arg12[%dma_start3A_172] : memref<2x!tpu.dma_semaphore, #tpu.memory_space<semaphore_mem>> -> memref<1x!tpu.dma_semaphore, #tpu.memory_space<semaphore_mem>>
        %dma_start3A_180 = tpu.memref_squeeze %dma_start3A_179 : memref<1x!tpu.dma_semaphore, #tpu.memory_space<semaphore_mem>> -> memref<!tpu.dma_semaphore, #tpu.memory_space<semaphore_mem>>
        tpu.enqueue_indirect_dma source(%arg10 : memref<128x128xf32, #tpu.memory_space<vmem>>) target(%dma_start3A_178 : memref<10240x128xf32, #tpu.memory_space<vmem_shared>>) offsets(%dma_start3A_175 : memref<128xi32, #tpu.memory_space<vmem>>) semaphore(%dma_start3A_180 : memref<!tpu.dma_semaphore, #tpu.memory_space<semaphore_mem>>) {add = true}
        %sub3A_181 = arith.constant 1 : i32
        %sub3A_182 = arith.subi %add3A_162, %sub3A_181 : i32
        %add3A_183 = arith.constant 2 : i32
        %add3A_184 = arith.addi %sub3A_182, %add3A_183 : i32
        %ge3A_185 = arith.constant 0 : i32
        %ge3A_186 = arith.cmpi sge, %sub3A_182, %ge3A_185 : i32
        %lt3A_187 = arith.cmpi slt, %add3A_184, %min3A_52 : i32
        %and3A_188 = arith.andi %ge3A_186, %lt3A_187 : i1
        %convert_element_type3A_189 = arith.extui %and3A_188 : i1 to i32
        %cond3A_190 = arith.constant 0 : i32
        %cond3A_191 = arith.cmpi ne, %convert_element_type3A_189, %cond3A_190 : i32
        scf.if %cond3A_191 {
          %dma_wait3A_192 = arith.constant 0 : i32
          %dma_wait3A_193 = arith.constant 0 : i32
          %dma_wait3A_194 = tpu.memref_slice %arg8[%sub3A_182, %dma_wait3A_193] : memref<40x128xi32, #tpu.memory_space<vmem>> -> memref<1x128xi32, #tpu.memory_space<vmem>>
          %dma_wait3A_195 = tpu.memref_squeeze %dma_wait3A_194 : memref<1x128xi32, #tpu.memory_space<vmem>> -> memref<128xi32, #tpu.memory_space<vmem>>
          %dma_wait3A_196 = arith.constant 0 : i32
          %dma_wait3A_197 = arith.constant 0 : i32
          %dma_wait3A_198 = tpu.memref_slice %arg6[%dma_wait3A_196, %dma_wait3A_197] : memref<10240x128xf32, #tpu.memory_space<vmem_shared>> -> memref<10240x128xf32, #tpu.memory_space<vmem_shared>>
          %dma_wait3A_199 = tpu.memref_slice %arg12[%dma_wait3A_192] : memref<2x!tpu.dma_semaphore, #tpu.memory_space<semaphore_mem>> -> memref<1x!tpu.dma_semaphore, #tpu.memory_space<semaphore_mem>>
          %dma_wait3A_200 = tpu.memref_squeeze %dma_wait3A_199 : memref<1x!tpu.dma_semaphore, #tpu.memory_space<semaphore_mem>> -> memref<!tpu.dma_semaphore, #tpu.memory_space<semaphore_mem>>
          tpu.wait_indirect_dma semaphore(%dma_wait3A_200 : memref<!tpu.dma_semaphore, #tpu.memory_space<semaphore_mem>>) src(%arg9 : memref<128x128xf32, #tpu.memory_space<vmem>>) dst(%dma_wait3A_198 : memref<10240x128xf32, #tpu.memory_space<vmem_shared>>)
          %dma_start3A_201 = arith.constant 0 : i32
          %dma_start3A_202 = arith.constant 0 : i32
          %dma_start3A_203 = tpu.memref_slice %arg7[%add3A_184, %dma_start3A_202] : memref<40x128xi32, #tpu.memory_space<vmem>> -> memref<1x128xi32, #tpu.memory_space<vmem>>
          %dma_start3A_204 = tpu.memref_squeeze %dma_start3A_203 : memref<1x128xi32, #tpu.memory_space<vmem>> -> memref<128xi32, #tpu.memory_space<vmem>>
          %dma_start3A_205 = arith.constant 0 : i32
          %dma_start3A_206 = arith.constant 0 : i32
          %dma_start3A_207 = tpu.memref_slice %arg2[%dma_start3A_205, %dma_start3A_206] : memref<10240x128xf32, #tpu.memory_space<hbm>> -> memref<10240x128xf32, #tpu.memory_space<hbm>>
          %dma_start3A_208 = tpu.memref_slice %arg11[%dma_start3A_201] : memref<2x!tpu.dma_semaphore, #tpu.memory_space<semaphore_mem>> -> memref<1x!tpu.dma_semaphore, #tpu.memory_space<semaphore_mem>>
          %dma_start3A_209 = tpu.memref_squeeze %dma_start3A_208 : memref<1x!tpu.dma_semaphore, #tpu.memory_space<semaphore_mem>> -> memref<!tpu.dma_semaphore, #tpu.memory_space<semaphore_mem>>
          tpu.enqueue_indirect_dma source(%dma_start3A_207 : memref<10240x128xf32, #tpu.memory_space<hbm>>) target(%arg9 : memref<128x128xf32, #tpu.memory_space<vmem>>) offsets(%dma_start3A_204 : memref<128xi32, #tpu.memory_space<vmem>>) semaphore(%dma_start3A_209 : memref<!tpu.dma_semaphore, #tpu.memory_space<semaphore_mem>>)
        } else {
        }
      }
      %while3A_101 = arith.constant 1 : i32
      scf.for %while3A_127 = %while3A_99 to %while3A_95 step %while3A_101  : i32 {
        %mul3A_128 = arith.constant 2 : i32
        %mul3A_129 = arith.muli %while3A_127, %mul3A_128 : i32
        %add3A_130 = arith.constant 0 : i32
        %add3A_131 = arith.addi %mul3A_129, %add3A_130 : i32
        %dma_wait3A_132 = arith.constant 0 : i32
        %dma_wait3A_133 = arith.constant 0 : i32
        %dma_wait3A_134 = tpu.memref_slice %arg7[%add3A_131, %dma_wait3A_133] : memref<40x128xi32, #tpu.memory_space<vmem>> -> memref<1x128xi32, #tpu.memory_space<vmem>>
        %dma_wait3A_135 = tpu.memref_squeeze %dma_wait3A_134 : memref<1x128xi32, #tpu.memory_space<vmem>> -> memref<128xi32, #tpu.memory_space<vmem>>
        %dma_wait3A_136 = arith.constant 0 : i32
        %dma_wait3A_137 = arith.constant 0 : i32
        %dma_wait3A_138 = tpu.memref_slice %arg2[%dma_wait3A_136, %dma_wait3A_137] : memref<10240x128xf32, #tpu.memory_space<hbm>> -> memref<10240x128xf32, #tpu.memory_space<hbm>>
        %dma_wait3A_139 = tpu.memref_slice %arg11[%dma_wait3A_132] : memref<2x!tpu.dma_semaphore, #tpu.memory_space<semaphore_mem>> -> memref<1x!tpu.dma_semaphore, #tpu.memory_space<semaphore_mem>>
        %dma_wait3A_140 = tpu.memref_squeeze %dma_wait3A_139 : memref<1x!tpu.dma_semaphore, #tpu.memory_space<semaphore_mem>> -> memref<!tpu.dma_semaphore, #tpu.memory_space<semaphore_mem>>
        tpu.wait_indirect_dma semaphore(%dma_wait3A_140 : memref<!tpu.dma_semaphore, #tpu.memory_space<semaphore_mem>>) src(%dma_wait3A_138 : memref<10240x128xf32, #tpu.memory_space<hbm>>) dst(%arg9 : memref<128x128xf32, #tpu.memory_space<vmem>>)
        %dma_start3A_141 = arith.constant 0 : i32
        %dma_start3A_142 = arith.constant 0 : i32
        %dma_start3A_143 = tpu.memref_slice %arg8[%add3A_131, %dma_start3A_142] : memref<40x128xi32, #tpu.memory_space<vmem>> -> memref<1x128xi32, #tpu.memory_space<vmem>>
        %dma_start3A_144 = tpu.memref_squeeze %dma_start3A_143 : memref<1x128xi32, #tpu.memory_space<vmem>> -> memref<128xi32, #tpu.memory_space<vmem>>
        %dma_start3A_145 = arith.constant 0 : i32
        %dma_start3A_146 = arith.constant 0 : i32
        %dma_start3A_147 = tpu.memref_slice %arg6[%dma_start3A_145, %dma_start3A_146] : memref<10240x128xf32, #tpu.memory_space<vmem_shared>> -> memref<10240x128xf32, #tpu.memory_space<vmem_shared>>
        %dma_start3A_148 = tpu.memref_slice %arg12[%dma_start3A_141] : memref<2x!tpu.dma_semaphore, #tpu.memory_space<semaphore_mem>> -> memref<1x!tpu.dma_semaphore, #tpu.memory_space<semaphore_mem>>
        %dma_start3A_149 = tpu.memref_squeeze %dma_start3A_148 : memref<1x!tpu.dma_semaphore, #tpu.memory_space<semaphore_mem>> -> memref<!tpu.dma_semaphore, #tpu.memory_space<semaphore_mem>>
        tpu.enqueue_indirect_dma source(%arg9 : memref<128x128xf32, #tpu.memory_space<vmem>>) target(%dma_start3A_147 : memref<10240x128xf32, #tpu.memory_space<vmem_shared>>) offsets(%dma_start3A_144 : memref<128xi32, #tpu.memory_space<vmem>>) semaphore(%dma_start3A_149 : memref<!tpu.dma_semaphore, #tpu.memory_space<semaphore_mem>>) {add = true}
        %sub3A_150 = arith.constant 1 : i32
        %sub3A_151 = arith.subi %add3A_131, %sub3A_150 : i32
        %add3A_152 = arith.constant 2 : i32
        %add3A_153 = arith.addi %sub3A_151, %add3A_152 : i32
        %ge3A = arith.constant 0 : i32
        %ge3A_154 = arith.cmpi sge, %sub3A_151, %ge3A : i32
        %lt3A = arith.cmpi slt, %add3A_153, %min3A_52 : i32
        %and3A_155 = arith.andi %ge3A_154, %lt3A : i1
        %convert_element_type3A_156 = arith.extui %and3A_155 : i1 to i32
        %cond3A_157 = arith.constant 0 : i32
        %cond3A_158 = arith.cmpi ne, %convert_element_type3A_156, %cond3A_157 : i32
        scf.if %cond3A_158 {
          %dma_wait3A_192 = arith.constant 1 : i32
          %dma_wait3A_193 = arith.constant 0 : i32
          %dma_wait3A_194 = tpu.memref_slice %arg8[%sub3A_151, %dma_wait3A_193] : memref<40x128xi32, #tpu.memory_space<vmem>> -> memref<1x128xi32, #tpu.memory_space<vmem>>
          %dma_wait3A_195 = tpu.memref_squeeze %dma_wait3A_194 : memref<1x128xi32, #tpu.memory_space<vmem>> -> memref<128xi32, #tpu.memory_space<vmem>>
          %dma_wait3A_196 = arith.constant 0 : i32
          %dma_wait3A_197 = arith.constant 0 : i32
          %dma_wait3A_198 = tpu.memref_slice %arg6[%dma_wait3A_196, %dma_wait3A_197] : memref<10240x128xf32, #tpu.memory_space<vmem_shared>> -> memref<10240x128xf32, #tpu.memory_space<vmem_shared>>
          %dma_wait3A_199 = tpu.memref_slice %arg12[%dma_wait3A_192] : memref<2x!tpu.dma_semaphore, #tpu.memory_space<semaphore_mem>> -> memref<1x!tpu.dma_semaphore, #tpu.memory_space<semaphore_mem>>
          %dma_wait3A_200 = tpu.memref_squeeze %dma_wait3A_199 : memref<1x!tpu.dma_semaphore, #tpu.memory_space<semaphore_mem>> -> memref<!tpu.dma_semaphore, #tpu.memory_space<semaphore_mem>>
          tpu.wait_indirect_dma semaphore(%dma_wait3A_200 : memref<!tpu.dma_semaphore, #tpu.memory_space<semaphore_mem>>) src(%arg10 : memref<128x128xf32, #tpu.memory_space<vmem>>) dst(%dma_wait3A_198 : memref<10240x128xf32, #tpu.memory_space<vmem_shared>>)
          %dma_start3A_201 = arith.constant 1 : i32
          %dma_start3A_202 = arith.constant 0 : i32
          %dma_start3A_203 = tpu.memref_slice %arg7[%add3A_153, %dma_start3A_202] : memref<40x128xi32, #tpu.memory_space<vmem>> -> memref<1x128xi32, #tpu.memory_space<vmem>>
          %dma_start3A_204 = tpu.memref_squeeze %dma_start3A_203 : memref<1x128xi32, #tpu.memory_space<vmem>> -> memref<128xi32, #tpu.memory_space<vmem>>
          %dma_start3A_205 = arith.constant 0 : i32
          %dma_start3A_206 = arith.constant 0 : i32
          %dma_start3A_207 = tpu.memref_slice %arg2[%dma_start3A_205, %dma_start3A_206] : memref<10240x128xf32, #tpu.memory_space<hbm>> -> memref<10240x128xf32, #tpu.memory_space<hbm>>
          %dma_start3A_208 = tpu.memref_slice %arg11[%dma_start3A_201] : memref<2x!tpu.dma_semaphore, #tpu.memory_space<semaphore_mem>> -> memref<1x!tpu.dma_semaphore, #tpu.memory_space<semaphore_mem>>
          %dma_start3A_209 = tpu.memref_squeeze %dma_start3A_208 : memref<1x!tpu.dma_semaphore, #tpu.memory_space<semaphore_mem>> -> memref<!tpu.dma_semaphore, #tpu.memory_space<semaphore_mem>>
          tpu.enqueue_indirect_dma source(%dma_start3A_207 : memref<10240x128xf32, #tpu.memory_space<hbm>>) target(%arg10 : memref<128x128xf32, #tpu.memory_space<vmem>>) offsets(%dma_start3A_204 : memref<128xi32, #tpu.memory_space<vmem>>) semaphore(%dma_start3A_209 : memref<!tpu.dma_semaphore, #tpu.memory_space<semaphore_mem>>)
        } else {
        }
        %mul3A_159 = arith.constant 2 : i32
        %mul3A_160 = arith.muli %while3A_127, %mul3A_159 : i32
        %add3A_161 = arith.constant 1 : i32
        %add3A_162 = arith.addi %mul3A_160, %add3A_161 : i32
        %dma_wait3A_163 = arith.constant 1 : i32
        %dma_wait3A_164 = arith.constant 0 : i32
        %dma_wait3A_165 = tpu.memref_slice %arg7[%add3A_162, %dma_wait3A_164] : memref<40x128xi32, #tpu.memory_space<vmem>> -> memref<1x128xi32, #tpu.memory_space<vmem>>
        %dma_wait3A_166 = tpu.memref_squeeze %dma_wait3A_165 : memref<1x128xi32, #tpu.memory_space<vmem>> -> memref<128xi32, #tpu.memory_space<vmem>>
        %dma_wait3A_167 = arith.constant 0 : i32
        %dma_wait3A_168 = arith.constant 0 : i32
        %dma_wait3A_169 = tpu.memref_slice %arg2[%dma_wait3A_167, %dma_wait3A_168] : memref<10240x128xf32, #tpu.memory_space<hbm>> -> memref<10240x128xf32, #tpu.memory_space<hbm>>
        %dma_wait3A_170 = tpu.memref_slice %arg11[%dma_wait3A_163] : memref<2x!tpu.dma_semaphore, #tpu.memory_space<semaphore_mem>> -> memref<1x!tpu.dma_semaphore, #tpu.memory_space<semaphore_mem>>
        %dma_wait3A_171 = tpu.memref_squeeze %dma_wait3A_170 : memref<1x!tpu.dma_semaphore, #tpu.memory_space<semaphore_mem>> -> memref<!tpu.dma_semaphore, #tpu.memory_space<semaphore_mem>>
        tpu.wait_indirect_dma semaphore(%dma_wait3A_171 : memref<!tpu.dma_semaphore, #tpu.memory_space<semaphore_mem>>) src(%dma_wait3A_169 : memref<10240x128xf32, #tpu.memory_space<hbm>>) dst(%arg10 : memref<128x128xf32, #tpu.memory_space<vmem>>)
        %dma_start3A_172 = arith.constant 1 : i32
        %dma_start3A_173 = arith.constant 0 : i32
        %dma_start3A_174 = tpu.memref_slice %arg8[%add3A_162, %dma_start3A_173] : memref<40x128xi32, #tpu.memory_space<vmem>> -> memref<1x128xi32, #tpu.memory_space<vmem>>
        %dma_start3A_175 = tpu.memref_squeeze %dma_start3A_174 : memref<1x128xi32, #tpu.memory_space<vmem>> -> memref<128xi32, #tpu.memory_space<vmem>>
        %dma_start3A_176 = arith.constant 0 : i32
        %dma_start3A_177 = arith.constant 0 : i32
        %dma_start3A_178 = tpu.memref_slice %arg6[%dma_start3A_176, %dma_start3A_177] : memref<10240x128xf32, #tpu.memory_space<vmem_shared>> -> memref<10240x128xf32, #tpu.memory_space<vmem_shared>>
        %dma_start3A_179 = tpu.memref_slice %arg12[%dma_start3A_172] : memref<2x!tpu.dma_semaphore, #tpu.memory_space<semaphore_mem>> -> memref<1x!tpu.dma_semaphore, #tpu.memory_space<semaphore_mem>>
        %dma_start3A_180 = tpu.memref_squeeze %dma_start3A_179 : memref<1x!tpu.dma_semaphore, #tpu.memory_space<semaphore_mem>> -> memref<!tpu.dma_semaphore, #tpu.memory_space<semaphore_mem>>
        tpu.enqueue_indirect_dma source(%arg10 : memref<128x128xf32, #tpu.memory_space<vmem>>) target(%dma_start3A_178 : memref<10240x128xf32, #tpu.memory_space<vmem_shared>>) offsets(%dma_start3A_175 : memref<128xi32, #tpu.memory_space<vmem>>) semaphore(%dma_start3A_180 : memref<!tpu.dma_semaphore, #tpu.memory_space<semaphore_mem>>) {add = true}
        %sub3A_181 = arith.constant 1 : i32
        %sub3A_182 = arith.subi %add3A_162, %sub3A_181 : i32
        %add3A_183 = arith.constant 2 : i32
        %add3A_184 = arith.addi %sub3A_182, %add3A_183 : i32
        %ge3A_185 = arith.constant 0 : i32
        %ge3A_186 = arith.cmpi sge, %sub3A_182, %ge3A_185 : i32
        %lt3A_187 = arith.cmpi slt, %add3A_184, %min3A_52 : i32
        %and3A_188 = arith.andi %ge3A_186, %lt3A_187 : i1
        %convert_element_type3A_189 = arith.extui %and3A_188 : i1 to i32
        %cond3A_190 = arith.constant 0 : i32
        %cond3A_191 = arith.cmpi ne, %convert_element_type3A_189, %cond3A_190 : i32
        scf.if %cond3A_191 {
          %dma_wait3A_192 = arith.constant 0 : i32
          %dma_wait3A_193 = arith.constant 0 : i32
          %dma_wait3A_194 = tpu.memref_slice %arg8[%sub3A_182, %dma_wait3A_193] : memref<40x128xi32, #tpu.memory_space<vmem>> -> memref<1x128xi32, #tpu.memory_space<vmem>>
          %dma_wait3A_195 = tpu.memref_squeeze %dma_wait3A_194 : memref<1x128xi32, #tpu.memory_space<vmem>> -> memref<128xi32, #tpu.memory_space<vmem>>
          %dma_wait3A_196 = arith.constant 0 : i32
          %dma_wait3A_197 = arith.constant 0 : i32
          %dma_wait3A_198 = tpu.memref_slice %arg6[%dma_wait3A_196, %dma_wait3A_197] : memref<10240x128xf32, #tpu.memory_space<vmem_shared>> -> memref<10240x128xf32, #tpu.memory_space<vmem_shared>>
          %dma_wait3A_199 = tpu.memref_slice %arg12[%dma_wait3A_192] : memref<2x!tpu.dma_semaphore, #tpu.memory_space<semaphore_mem>> -> memref<1x!tpu.dma_semaphore, #tpu.memory_space<semaphore_mem>>
          %dma_wait3A_200 = tpu.memref_squeeze %dma_wait3A_199 : memref<1x!tpu.dma_semaphore, #tpu.memory_space<semaphore_mem>> -> memref<!tpu.dma_semaphore, #tpu.memory_space<semaphore_mem>>
          tpu.wait_indirect_dma semaphore(%dma_wait3A_200 : memref<!tpu.dma_semaphore, #tpu.memory_space<semaphore_mem>>) src(%arg9 : memref<128x128xf32, #tpu.memory_space<vmem>>) dst(%dma_wait3A_198 : memref<10240x128xf32, #tpu.memory_space<vmem_shared>>)
          %dma_start3A_201 = arith.constant 0 : i32
          %dma_start3A_202 = arith.constant 0 : i32
          %dma_start3A_203 = tpu.memref_slice %arg7[%add3A_184, %dma_start3A_202] : memref<40x128xi32, #tpu.memory_space<vmem>> -> memref<1x128xi32, #tpu.memory_space<vmem>>
          %dma_start3A_204 = tpu.memref_squeeze %dma_start3A_203 : memref<1x128xi32, #tpu.memory_space<vmem>> -> memref<128xi32, #tpu.memory_space<vmem>>
          %dma_start3A_205 = arith.constant 0 : i32
          %dma_start3A_206 = arith.constant 0 : i32
          %dma_start3A_207 = tpu.memref_slice %arg2[%dma_start3A_205, %dma_start3A_206] : memref<10240x128xf32, #tpu.memory_space<hbm>> -> memref<10240x128xf32, #tpu.memory_space<hbm>>
          %dma_start3A_208 = tpu.memref_slice %arg11[%dma_start3A_201] : memref<2x!tpu.dma_semaphore, #tpu.memory_space<semaphore_mem>> -> memref<1x!tpu.dma_semaphore, #tpu.memory_space<semaphore_mem>>
          %dma_start3A_209 = tpu.memref_squeeze %dma_start3A_208 : memref<1x!tpu.dma_semaphore, #tpu.memory_space<semaphore_mem>> -> memref<!tpu.dma_semaphore, #tpu.memory_space<semaphore_mem>>
          tpu.enqueue_indirect_dma source(%dma_start3A_207 : memref<10240x128xf32, #tpu.memory_space<hbm>>) target(%arg9 : memref<128x128xf32, #tpu.memory_space<vmem>>) offsets(%dma_start3A_204 : memref<128xi32, #tpu.memory_space<vmem>>) semaphore(%dma_start3A_209 : memref<!tpu.dma_semaphore, #tpu.memory_space<semaphore_mem>>)
        } else {
        }
      }
      %sub3A_102 = arith.constant 2 : i32
      %sub3A_103 = arith.subi %min3A_52, %sub3A_102 : i32
      %add3A_104 = arith.constant 0 : i32
      %add3A_105 = arith.addi %sub3A_103, %add3A_104 : i32
      %dma_wait3A = arith.constant 0 : i32
      %dma_wait3A_106 = arith.constant 0 : i32
      %dma_wait3A_107 = tpu.memref_slice %arg8[%add3A_105, %dma_wait3A_106] : memref<40x128xi32, #tpu.memory_space<vmem>> -> memref<1x128xi32, #tpu.memory_space<vmem>>
      %dma_wait3A_108 = tpu.memref_squeeze %dma_wait3A_107 : memref<1x128xi32, #tpu.memory_space<vmem>> -> memref<128xi32, #tpu.memory_space<vmem>>
      %dma_wait3A_109 = arith.constant 0 : i32
      %dma_wait3A_110 = arith.constant 0 : i32
      %dma_wait3A_111 = tpu.memref_slice %arg6[%dma_wait3A_109, %dma_wait3A_110] : memref<10240x128xf32, #tpu.memory_space<vmem_shared>> -> memref<10240x128xf32, #tpu.memory_space<vmem_shared>>
      %dma_wait3A_112 = tpu.memref_slice %arg12[%dma_wait3A] : memref<2x!tpu.dma_semaphore, #tpu.memory_space<semaphore_mem>> -> memref<1x!tpu.dma_semaphore, #tpu.memory_space<semaphore_mem>>
      %dma_wait3A_113 = tpu.memref_squeeze %dma_wait3A_112 : memref<1x!tpu.dma_semaphore, #tpu.memory_space<semaphore_mem>> -> memref<!tpu.dma_semaphore, #tpu.memory_space<semaphore_mem>>
      tpu.wait_indirect_dma semaphore(%dma_wait3A_113 : memref<!tpu.dma_semaphore, #tpu.memory_space<semaphore_mem>>) src(%arg9 : memref<128x128xf32, #tpu.memory_space<vmem>>) dst(%dma_wait3A_111 : memref<10240x128xf32, #tpu.memory_space<vmem_shared>>)
      %sub3A_114 = arith.constant 2 : i32
      %sub3A_115 = arith.subi %min3A_52, %sub3A_114 : i32
      %add3A_116 = arith.constant 1 : i32
      %add3A_117 = arith.addi %sub3A_115, %add3A_116 : i32
      %dma_wait3A_118 = arith.constant 1 : i32
      %dma_wait3A_119 = arith.constant 0 : i32
      %dma_wait3A_120 = tpu.memref_slice %arg8[%add3A_117, %dma_wait3A_119] : memref<40x128xi32, #tpu.memory_space<vmem>> -> memref<1x128xi32, #tpu.memory_space<vmem>>
      %dma_wait3A_121 = tpu.memref_squeeze %dma_wait3A_120 : memref<1x128xi32, #tpu.memory_space<vmem>> -> memref<128xi32, #tpu.memory_space<vmem>>
      %dma_wait3A_122 = arith.constant 0 : i32
      %dma_wait3A_123 = arith.constant 0 : i32
      %dma_wait3A_124 = tpu.memref_slice %arg6[%dma_wait3A_122, %dma_wait3A_123] : memref<10240x128xf32, #tpu.memory_space<vmem_shared>> -> memref<10240x128xf32, #tpu.memory_space<vmem_shared>>
      %dma_wait3A_125 = tpu.memref_slice %arg12[%dma_wait3A_118] : memref<2x!tpu.dma_semaphore, #tpu.memory_space<semaphore_mem>> -> memref<1x!tpu.dma_semaphore, #tpu.memory_space<semaphore_mem>>
      %dma_wait3A_126 = tpu.memref_squeeze %dma_wait3A_125 : memref<1x!tpu.dma_semaphore, #tpu.memory_space<semaphore_mem>> -> memref<!tpu.dma_semaphore, #tpu.memory_space<semaphore_mem>>
      tpu.wait_indirect_dma semaphore(%dma_wait3A_126 : memref<!tpu.dma_semaphore, #tpu.memory_space<semaphore_mem>>) src(%arg10 : memref<128x128xf32, #tpu.memory_space<vmem>>) dst(%dma_wait3A_124 : memref<10240x128xf32, #tpu.memory_space<vmem_shared>>)
    } else {
    }
    %gt3A_41 = arith.constant 120 : i32
    %gt3A_42 = arith.cmpi sgt, %select_n3A, %gt3A_41 : i32
    %convert_element_type3A_43 = arith.extui %gt3A_42 : i1 to i32
    %cond3A_44 = arith.constant 0 : i32
    %cond3A_45 = arith.cmpi ne, %convert_element_type3A_43, %cond3A_44 : i32
    scf.if %cond3A_45 {
      %sub3A = arith.constant 120 : i32
      %sub3A_51 = arith.subi %select_n3A, %sub3A : i32
      %min3A = arith.constant 40 : i32
      %min3A_52 = arith.minsi %min3A, %sub3A_51 : i32
      %add3A_53 = arith.constant 120 : i32
      %add3A_54 = arith.addi %add3A, %add3A_53 : i32
      %multiple_of3A = tpu.assume_multiple %add3A_54, 8 : i32
      "tpu.region"() ({
        %run_scoped3A = tpu.sem_alloc : memref<!tpu.dma_semaphore, #tpu.memory_space<semaphore_mem>>
        %dma_start3A_127 = arith.constant 0 : i32
        %dma_start3A_128 = tpu.memref_slice %arg3[%multiple_of3A, %dma_start3A_127] : memref<2600x128xi32, #tpu.memory_space<hbm>> -> memref<40x128xi32, #tpu.memory_space<hbm>>
        %dma_start3A_129 = arith.constant 0 : i32
        %dma_start3A_130 = tpu.memref_slice %arg3[%multiple_of3A, %dma_start3A_129] : memref<2600x128xi32, #tpu.memory_space<hbm>> -> memref<40x128xi32, #tpu.memory_space<hbm>>
        tpu.enqueue_dma source(%dma_start3A_130 : memref<40x128xi32, #tpu.memory_space<hbm>>) target(%arg7 : memref<40x128xi32, #tpu.memory_space<vmem>>) target_semaphore(%run_scoped3A : memref<!tpu.dma_semaphore, #tpu.memory_space<semaphore_mem>>)
        %dma_wait3A_131 = arith.constant 0 : i32
        %dma_wait3A_132 = tpu.memref_slice %arg3[%multiple_of3A, %dma_wait3A_131] : memref<2600x128xi32, #tpu.memory_space<hbm>> -> memref<40x128xi32, #tpu.memory_space<hbm>>
        %dma_wait3A_133 = arith.constant 0 : i32
        %dma_wait3A_134 = tpu.memref_slice %arg3[%multiple_of3A, %dma_wait3A_133] : memref<2600x128xi32, #tpu.memory_space<hbm>> -> memref<40x128xi32, #tpu.memory_space<hbm>>
        tpu.wait_dma2 semaphore(%run_scoped3A : memref<!tpu.dma_semaphore, #tpu.memory_space<semaphore_mem>>) src(%dma_wait3A_134 : memref<40x128xi32, #tpu.memory_space<hbm>>) dst(%arg7 : memref<40x128xi32, #tpu.memory_space<vmem>>)
        tpu.yield
      }) : () -> ()
      "tpu.region"() ({
        %run_scoped3A = tpu.sem_alloc : memref<!tpu.dma_semaphore, #tpu.memory_space<semaphore_mem>>
        %dma_start3A_127 = arith.constant 0 : i32
        %dma_start3A_128 = tpu.memref_slice %arg4[%multiple_of3A, %dma_start3A_127] : memref<2600x128xi32, #tpu.memory_space<hbm>> -> memref<40x128xi32, #tpu.memory_space<hbm>>
        %dma_start3A_129 = arith.constant 0 : i32
        %dma_start3A_130 = tpu.memref_slice %arg4[%multiple_of3A, %dma_start3A_129] : memref<2600x128xi32, #tpu.memory_space<hbm>> -> memref<40x128xi32, #tpu.memory_space<hbm>>
        tpu.enqueue_dma source(%dma_start3A_130 : memref<40x128xi32, #tpu.memory_space<hbm>>) target(%arg8 : memref<40x128xi32, #tpu.memory_space<vmem>>) target_semaphore(%run_scoped3A : memref<!tpu.dma_semaphore, #tpu.memory_space<semaphore_mem>>)
        %dma_wait3A_131 = arith.constant 0 : i32
        %dma_wait3A_132 = tpu.memref_slice %arg4[%multiple_of3A, %dma_wait3A_131] : memref<2600x128xi32, #tpu.memory_space<hbm>> -> memref<40x128xi32, #tpu.memory_space<hbm>>
        %dma_wait3A_133 = arith.constant 0 : i32
        %dma_wait3A_134 = tpu.memref_slice %arg4[%multiple_of3A, %dma_wait3A_133] : memref<2600x128xi32, #tpu.memory_space<hbm>> -> memref<40x128xi32, #tpu.memory_space<hbm>>
        tpu.wait_dma2 semaphore(%run_scoped3A : memref<!tpu.dma_semaphore, #tpu.memory_space<semaphore_mem>>) src(%dma_wait3A_134 : memref<40x128xi32, #tpu.memory_space<hbm>>) dst(%arg8 : memref<40x128xi32, #tpu.memory_space<vmem>>)
        tpu.yield
      }) : () -> ()
      %dma_start3A = arith.constant 0 : i32
      %dma_start3A_55 = arith.constant 0 : i32
      %dma_start3A_56 = arith.constant 0 : i32
      %dma_start3A_57 = tpu.memref_slice %arg7[%dma_start3A, %dma_start3A_56] : memref<40x128xi32, #tpu.memory_space<vmem>> -> memref<1x128xi32, #tpu.memory_space<vmem>>
      %dma_start3A_58 = tpu.memref_squeeze %dma_start3A_57 : memref<1x128xi32, #tpu.memory_space<vmem>> -> memref<128xi32, #tpu.memory_space<vmem>>
      %dma_start3A_59 = arith.constant 0 : i32
      %dma_start3A_60 = arith.constant 0 : i32
      %dma_start3A_61 = tpu.memref_slice %arg2[%dma_start3A_59, %dma_start3A_60] : memref<10240x128xf32, #tpu.memory_space<hbm>> -> memref<10240x128xf32, #tpu.memory_space<hbm>>
      %dma_start3A_62 = tpu.memref_slice %arg11[%dma_start3A_55] : memref<2x!tpu.dma_semaphore, #tpu.memory_space<semaphore_mem>> -> memref<1x!tpu.dma_semaphore, #tpu.memory_space<semaphore_mem>>
      %dma_start3A_63 = tpu.memref_squeeze %dma_start3A_62 : memref<1x!tpu.dma_semaphore, #tpu.memory_space<semaphore_mem>> -> memref<!tpu.dma_semaphore, #tpu.memory_space<semaphore_mem>>
      tpu.enqueue_indirect_dma source(%dma_start3A_61 : memref<10240x128xf32, #tpu.memory_space<hbm>>) target(%arg9 : memref<128x128xf32, #tpu.memory_space<vmem>>) offsets(%dma_start3A_58 : memref<128xi32, #tpu.memory_space<vmem>>) semaphore(%dma_start3A_63 : memref<!tpu.dma_semaphore, #tpu.memory_space<semaphore_mem>>)
      %dma_start3A_64 = arith.constant 1 : i32
      %dma_start3A_65 = arith.constant 1 : i32
      %dma_start3A_66 = arith.constant 0 : i32
      %dma_start3A_67 = tpu.memref_slice %arg7[%dma_start3A_64, %dma_start3A_66] : memref<40x128xi32, #tpu.memory_space<vmem>> -> memref<1x128xi32, #tpu.memory_space<vmem>>
      %dma_start3A_68 = tpu.memref_squeeze %dma_start3A_67 : memref<1x128xi32, #tpu.memory_space<vmem>> -> memref<128xi32, #tpu.memory_space<vmem>>
      %dma_start3A_69 = arith.constant 0 : i32
      %dma_start3A_70 = arith.constant 0 : i32
      %dma_start3A_71 = tpu.memref_slice %arg2[%dma_start3A_69, %dma_start3A_70] : memref<10240x128xf32, #tpu.memory_space<hbm>> -> memref<10240x128xf32, #tpu.memory_space<hbm>>
      %dma_start3A_72 = tpu.memref_slice %arg11[%dma_start3A_65] : memref<2x!tpu.dma_semaphore, #tpu.memory_space<semaphore_mem>> -> memref<1x!tpu.dma_semaphore, #tpu.memory_space<semaphore_mem>>
      %dma_start3A_73 = tpu.memref_squeeze %dma_start3A_72 : memref<1x!tpu.dma_semaphore, #tpu.memory_space<semaphore_mem>> -> memref<!tpu.dma_semaphore, #tpu.memory_space<semaphore_mem>>
      tpu.enqueue_indirect_dma source(%dma_start3A_71 : memref<10240x128xf32, #tpu.memory_space<hbm>>) target(%arg10 : memref<128x128xf32, #tpu.memory_space<vmem>>) offsets(%dma_start3A_68 : memref<128xi32, #tpu.memory_space<vmem>>) semaphore(%dma_start3A_73 : memref<!tpu.dma_semaphore, #tpu.memory_space<semaphore_mem>>)
      %jit3A_74 = arith.constant 2 : i32
      %div3A = arith.divsi %min3A_52, %jit3A_74 : i32
      %sign3A = arith.constant 0 : i32
      %sign3A_75 = arith.cmpi sgt, %min3A_52, %sign3A : i32
      %sign3A_76 = arith.extui %sign3A_75 : i1 to i32
      %sign3A_77 = arith.constant 0 : i32
      %sign3A_78 = arith.cmpi slt, %min3A_52, %sign3A_77 : i32
      %sign3A_79 = arith.extui %sign3A_78 : i1 to i32
      %sign3A_80 = arith.subi %sign3A_76, %sign3A_79 : i32
      %sign3A_81 = arith.constant 0 : i32
      %sign3A_82 = arith.cmpi sgt, %jit3A_74, %sign3A_81 : i32
      %sign3A_83 = arith.extui %sign3A_82 : i1 to i32
      %sign3A_84 = arith.constant 0 : i32
      %sign3A_85 = arith.cmpi slt, %jit3A_74, %sign3A_84 : i32
      %sign3A_86 = arith.extui %sign3A_85 : i1 to i32
      %sign3A_87 = arith.subi %sign3A_83, %sign3A_86 : i32
      %ne3A = arith.cmpi ne, %sign3A_80, %sign3A_87 : i32
      %rem3A = arith.remsi %min3A_52, %jit3A_74 : i32
      %ne3A_88 = arith.constant 0 : i32
      %ne3A_89 = arith.cmpi ne, %rem3A, %ne3A_88 : i32
      %and3A = arith.andi %ne3A, %ne3A_89 : i1
      %sub3A_90 = arith.constant 1 : i32
      %sub3A_91 = arith.subi %div3A, %sub3A_90 : i32
      %select_n3A_92 = arith.select %and3A, %sub3A_91, %div3A : i32
      %while3A = arith.constant 0 : i32
      %while3A_93 = arith.constant 0 : i32
      %while3A_94 = arith.subi %select_n3A_92, %while3A_93 : i32
      %while3A_95 = arith.addi %while3A_93, %while3A_94 : i32
      %while3A_96 = arith.constant 1 : i32
      %while3A_97 = arith.divsi %while3A_94, %while3A_96 : i32
      %while3A_98 = arith.muli %while3A_97, %while3A_96 : i32
      %while3A_99 = arith.addi %while3A_93, %while3A_98 : i32
      %while3A_100 = arith.constant 1 : i32
      scf.for %while3A_127 = %while3A_93 to %while3A_99 step %while3A_100  : i32 {
        %mul3A_128 = arith.constant 2 : i32
        %mul3A_129 = arith.muli %while3A_127, %mul3A_128 : i32
        %add3A_130 = arith.constant 0 : i32
        %add3A_131 = arith.addi %mul3A_129, %add3A_130 : i32
        %dma_wait3A_132 = arith.constant 0 : i32
        %dma_wait3A_133 = arith.constant 0 : i32
        %dma_wait3A_134 = tpu.memref_slice %arg7[%add3A_131, %dma_wait3A_133] : memref<40x128xi32, #tpu.memory_space<vmem>> -> memref<1x128xi32, #tpu.memory_space<vmem>>
        %dma_wait3A_135 = tpu.memref_squeeze %dma_wait3A_134 : memref<1x128xi32, #tpu.memory_space<vmem>> -> memref<128xi32, #tpu.memory_space<vmem>>
        %dma_wait3A_136 = arith.constant 0 : i32
        %dma_wait3A_137 = arith.constant 0 : i32
        %dma_wait3A_138 = tpu.memref_slice %arg2[%dma_wait3A_136, %dma_wait3A_137] : memref<10240x128xf32, #tpu.memory_space<hbm>> -> memref<10240x128xf32, #tpu.memory_space<hbm>>
        %dma_wait3A_139 = tpu.memref_slice %arg11[%dma_wait3A_132] : memref<2x!tpu.dma_semaphore, #tpu.memory_space<semaphore_mem>> -> memref<1x!tpu.dma_semaphore, #tpu.memory_space<semaphore_mem>>
        %dma_wait3A_140 = tpu.memref_squeeze %dma_wait3A_139 : memref<1x!tpu.dma_semaphore, #tpu.memory_space<semaphore_mem>> -> memref<!tpu.dma_semaphore, #tpu.memory_space<semaphore_mem>>
        tpu.wait_indirect_dma semaphore(%dma_wait3A_140 : memref<!tpu.dma_semaphore, #tpu.memory_space<semaphore_mem>>) src(%dma_wait3A_138 : memref<10240x128xf32, #tpu.memory_space<hbm>>) dst(%arg9 : memref<128x128xf32, #tpu.memory_space<vmem>>)
        %dma_start3A_141 = arith.constant 0 : i32
        %dma_start3A_142 = arith.constant 0 : i32
        %dma_start3A_143 = tpu.memref_slice %arg8[%add3A_131, %dma_start3A_142] : memref<40x128xi32, #tpu.memory_space<vmem>> -> memref<1x128xi32, #tpu.memory_space<vmem>>
        %dma_start3A_144 = tpu.memref_squeeze %dma_start3A_143 : memref<1x128xi32, #tpu.memory_space<vmem>> -> memref<128xi32, #tpu.memory_space<vmem>>
        %dma_start3A_145 = arith.constant 0 : i32
        %dma_start3A_146 = arith.constant 0 : i32
        %dma_start3A_147 = tpu.memref_slice %arg6[%dma_start3A_145, %dma_start3A_146] : memref<10240x128xf32, #tpu.memory_space<vmem_shared>> -> memref<10240x128xf32, #tpu.memory_space<vmem_shared>>
        %dma_start3A_148 = tpu.memref_slice %arg12[%dma_start3A_141] : memref<2x!tpu.dma_semaphore, #tpu.memory_space<semaphore_mem>> -> memref<1x!tpu.dma_semaphore, #tpu.memory_space<semaphore_mem>>
        %dma_start3A_149 = tpu.memref_squeeze %dma_start3A_148 : memref<1x!tpu.dma_semaphore, #tpu.memory_space<semaphore_mem>> -> memref<!tpu.dma_semaphore, #tpu.memory_space<semaphore_mem>>
        tpu.enqueue_indirect_dma source(%arg9 : memref<128x128xf32, #tpu.memory_space<vmem>>) target(%dma_start3A_147 : memref<10240x128xf32, #tpu.memory_space<vmem_shared>>) offsets(%dma_start3A_144 : memref<128xi32, #tpu.memory_space<vmem>>) semaphore(%dma_start3A_149 : memref<!tpu.dma_semaphore, #tpu.memory_space<semaphore_mem>>) {add = true}
        %sub3A_150 = arith.constant 1 : i32
        %sub3A_151 = arith.subi %add3A_131, %sub3A_150 : i32
        %add3A_152 = arith.constant 2 : i32
        %add3A_153 = arith.addi %sub3A_151, %add3A_152 : i32
        %ge3A = arith.constant 0 : i32
        %ge3A_154 = arith.cmpi sge, %sub3A_151, %ge3A : i32
        %lt3A = arith.cmpi slt, %add3A_153, %min3A_52 : i32
        %and3A_155 = arith.andi %ge3A_154, %lt3A : i1
        %convert_element_type3A_156 = arith.extui %and3A_155 : i1 to i32
        %cond3A_157 = arith.constant 0 : i32
        %cond3A_158 = arith.cmpi ne, %convert_element_type3A_156, %cond3A_157 : i32
        scf.if %cond3A_158 {
          %dma_wait3A_192 = arith.constant 1 : i32
          %dma_wait3A_193 = arith.constant 0 : i32
          %dma_wait3A_194 = tpu.memref_slice %arg8[%sub3A_151, %dma_wait3A_193] : memref<40x128xi32, #tpu.memory_space<vmem>> -> memref<1x128xi32, #tpu.memory_space<vmem>>
          %dma_wait3A_195 = tpu.memref_squeeze %dma_wait3A_194 : memref<1x128xi32, #tpu.memory_space<vmem>> -> memref<128xi32, #tpu.memory_space<vmem>>
          %dma_wait3A_196 = arith.constant 0 : i32
          %dma_wait3A_197 = arith.constant 0 : i32
          %dma_wait3A_198 = tpu.memref_slice %arg6[%dma_wait3A_196, %dma_wait3A_197] : memref<10240x128xf32, #tpu.memory_space<vmem_shared>> -> memref<10240x128xf32, #tpu.memory_space<vmem_shared>>
          %dma_wait3A_199 = tpu.memref_slice %arg12[%dma_wait3A_192] : memref<2x!tpu.dma_semaphore, #tpu.memory_space<semaphore_mem>> -> memref<1x!tpu.dma_semaphore, #tpu.memory_space<semaphore_mem>>
          %dma_wait3A_200 = tpu.memref_squeeze %dma_wait3A_199 : memref<1x!tpu.dma_semaphore, #tpu.memory_space<semaphore_mem>> -> memref<!tpu.dma_semaphore, #tpu.memory_space<semaphore_mem>>
          tpu.wait_indirect_dma semaphore(%dma_wait3A_200 : memref<!tpu.dma_semaphore, #tpu.memory_space<semaphore_mem>>) src(%arg10 : memref<128x128xf32, #tpu.memory_space<vmem>>) dst(%dma_wait3A_198 : memref<10240x128xf32, #tpu.memory_space<vmem_shared>>)
          %dma_start3A_201 = arith.constant 1 : i32
          %dma_start3A_202 = arith.constant 0 : i32
          %dma_start3A_203 = tpu.memref_slice %arg7[%add3A_153, %dma_start3A_202] : memref<40x128xi32, #tpu.memory_space<vmem>> -> memref<1x128xi32, #tpu.memory_space<vmem>>
          %dma_start3A_204 = tpu.memref_squeeze %dma_start3A_203 : memref<1x128xi32, #tpu.memory_space<vmem>> -> memref<128xi32, #tpu.memory_space<vmem>>
          %dma_start3A_205 = arith.constant 0 : i32
          %dma_start3A_206 = arith.constant 0 : i32
          %dma_start3A_207 = tpu.memref_slice %arg2[%dma_start3A_205, %dma_start3A_206] : memref<10240x128xf32, #tpu.memory_space<hbm>> -> memref<10240x128xf32, #tpu.memory_space<hbm>>
          %dma_start3A_208 = tpu.memref_slice %arg11[%dma_start3A_201] : memref<2x!tpu.dma_semaphore, #tpu.memory_space<semaphore_mem>> -> memref<1x!tpu.dma_semaphore, #tpu.memory_space<semaphore_mem>>
          %dma_start3A_209 = tpu.memref_squeeze %dma_start3A_208 : memref<1x!tpu.dma_semaphore, #tpu.memory_space<semaphore_mem>> -> memref<!tpu.dma_semaphore, #tpu.memory_space<semaphore_mem>>
          tpu.enqueue_indirect_dma source(%dma_start3A_207 : memref<10240x128xf32, #tpu.memory_space<hbm>>) target(%arg10 : memref<128x128xf32, #tpu.memory_space<vmem>>) offsets(%dma_start3A_204 : memref<128xi32, #tpu.memory_space<vmem>>) semaphore(%dma_start3A_209 : memref<!tpu.dma_semaphore, #tpu.memory_space<semaphore_mem>>)
        } else {
        }
        %mul3A_159 = arith.constant 2 : i32
        %mul3A_160 = arith.muli %while3A_127, %mul3A_159 : i32
        %add3A_161 = arith.constant 1 : i32
        %add3A_162 = arith.addi %mul3A_160, %add3A_161 : i32
        %dma_wait3A_163 = arith.constant 1 : i32
        %dma_wait3A_164 = arith.constant 0 : i32
        %dma_wait3A_165 = tpu.memref_slice %arg7[%add3A_162, %dma_wait3A_164] : memref<40x128xi32, #tpu.memory_space<vmem>> -> memref<1x128xi32, #tpu.memory_space<vmem>>
        %dma_wait3A_166 = tpu.memref_squeeze %dma_wait3A_165 : memref<1x128xi32, #tpu.memory_space<vmem>> -> memref<128xi32, #tpu.memory_space<vmem>>
        %dma_wait3A_167 = arith.constant 0 : i32
        %dma_wait3A_168 = arith.constant 0 : i32
        %dma_wait3A_169 = tpu.memref_slice %arg2[%dma_wait3A_167, %dma_wait3A_168] : memref<10240x128xf32, #tpu.memory_space<hbm>> -> memref<10240x128xf32, #tpu.memory_space<hbm>>
        %dma_wait3A_170 = tpu.memref_slice %arg11[%dma_wait3A_163] : memref<2x!tpu.dma_semaphore, #tpu.memory_space<semaphore_mem>> -> memref<1x!tpu.dma_semaphore, #tpu.memory_space<semaphore_mem>>
        %dma_wait3A_171 = tpu.memref_squeeze %dma_wait3A_170 : memref<1x!tpu.dma_semaphore, #tpu.memory_space<semaphore_mem>> -> memref<!tpu.dma_semaphore, #tpu.memory_space<semaphore_mem>>
        tpu.wait_indirect_dma semaphore(%dma_wait3A_171 : memref<!tpu.dma_semaphore, #tpu.memory_space<semaphore_mem>>) src(%dma_wait3A_169 : memref<10240x128xf32, #tpu.memory_space<hbm>>) dst(%arg10 : memref<128x128xf32, #tpu.memory_space<vmem>>)
        %dma_start3A_172 = arith.constant 1 : i32
        %dma_start3A_173 = arith.constant 0 : i32
        %dma_start3A_174 = tpu.memref_slice %arg8[%add3A_162, %dma_start3A_173] : memref<40x128xi32, #tpu.memory_space<vmem>> -> memref<1x128xi32, #tpu.memory_space<vmem>>
        %dma_start3A_175 = tpu.memref_squeeze %dma_start3A_174 : memref<1x128xi32, #tpu.memory_space<vmem>> -> memref<128xi32, #tpu.memory_space<vmem>>
        %dma_start3A_176 = arith.constant 0 : i32
        %dma_start3A_177 = arith.constant 0 : i32
        %dma_start3A_178 = tpu.memref_slice %arg6[%dma_start3A_176, %dma_start3A_177] : memref<10240x128xf32, #tpu.memory_space<vmem_shared>> -> memref<10240x128xf32, #tpu.memory_space<vmem_shared>>
        %dma_start3A_179 = tpu.memref_slice %arg12[%dma_start3A_172] : memref<2x!tpu.dma_semaphore, #tpu.memory_space<semaphore_mem>> -> memref<1x!tpu.dma_semaphore, #tpu.memory_space<semaphore_mem>>
        %dma_start3A_180 = tpu.memref_squeeze %dma_start3A_179 : memref<1x!tpu.dma_semaphore, #tpu.memory_space<semaphore_mem>> -> memref<!tpu.dma_semaphore, #tpu.memory_space<semaphore_mem>>
        tpu.enqueue_indirect_dma source(%arg10 : memref<128x128xf32, #tpu.memory_space<vmem>>) target(%dma_start3A_178 : memref<10240x128xf32, #tpu.memory_space<vmem_shared>>) offsets(%dma_start3A_175 : memref<128xi32, #tpu.memory_space<vmem>>) semaphore(%dma_start3A_180 : memref<!tpu.dma_semaphore, #tpu.memory_space<semaphore_mem>>) {add = true}
        %sub3A_181 = arith.constant 1 : i32
        %sub3A_182 = arith.subi %add3A_162, %sub3A_181 : i32
        %add3A_183 = arith.constant 2 : i32
        %add3A_184 = arith.addi %sub3A_182, %add3A_183 : i32
        %ge3A_185 = arith.constant 0 : i32
        %ge3A_186 = arith.cmpi sge, %sub3A_182, %ge3A_185 : i32
        %lt3A_187 = arith.cmpi slt, %add3A_184, %min3A_52 : i32
        %and3A_188 = arith.andi %ge3A_186, %lt3A_187 : i1
        %convert_element_type3A_189 = arith.extui %and3A_188 : i1 to i32
        %cond3A_190 = arith.constant 0 : i32
        %cond3A_191 = arith.cmpi ne, %convert_element_type3A_189, %cond3A_190 : i32
        scf.if %cond3A_191 {
          %dma_wait3A_192 = arith.constant 0 : i32
          %dma_wait3A_193 = arith.constant 0 : i32
          %dma_wait3A_194 = tpu.memref_slice %arg8[%sub3A_182, %dma_wait3A_193] : memref<40x128xi32, #tpu.memory_space<vmem>> -> memref<1x128xi32, #tpu.memory_space<vmem>>
          %dma_wait3A_195 = tpu.memref_squeeze %dma_wait3A_194 : memref<1x128xi32, #tpu.memory_space<vmem>> -> memref<128xi32, #tpu.memory_space<vmem>>
          %dma_wait3A_196 = arith.constant 0 : i32
          %dma_wait3A_197 = arith.constant 0 : i32
          %dma_wait3A_198 = tpu.memref_slice %arg6[%dma_wait3A_196, %dma_wait3A_197] : memref<10240x128xf32, #tpu.memory_space<vmem_shared>> -> memref<10240x128xf32, #tpu.memory_space<vmem_shared>>
          %dma_wait3A_199 = tpu.memref_slice %arg12[%dma_wait3A_192] : memref<2x!tpu.dma_semaphore, #tpu.memory_space<semaphore_mem>> -> memref<1x!tpu.dma_semaphore, #tpu.memory_space<semaphore_mem>>
          %dma_wait3A_200 = tpu.memref_squeeze %dma_wait3A_199 : memref<1x!tpu.dma_semaphore, #tpu.memory_space<semaphore_mem>> -> memref<!tpu.dma_semaphore, #tpu.memory_space<semaphore_mem>>
          tpu.wait_indirect_dma semaphore(%dma_wait3A_200 : memref<!tpu.dma_semaphore, #tpu.memory_space<semaphore_mem>>) src(%arg9 : memref<128x128xf32, #tpu.memory_space<vmem>>) dst(%dma_wait3A_198 : memref<10240x128xf32, #tpu.memory_space<vmem_shared>>)
          %dma_start3A_201 = arith.constant 0 : i32
          %dma_start3A_202 = arith.constant 0 : i32
          %dma_start3A_203 = tpu.memref_slice %arg7[%add3A_184, %dma_start3A_202] : memref<40x128xi32, #tpu.memory_space<vmem>> -> memref<1x128xi32, #tpu.memory_space<vmem>>
          %dma_start3A_204 = tpu.memref_squeeze %dma_start3A_203 : memref<1x128xi32, #tpu.memory_space<vmem>> -> memref<128xi32, #tpu.memory_space<vmem>>
          %dma_start3A_205 = arith.constant 0 : i32
          %dma_start3A_206 = arith.constant 0 : i32
          %dma_start3A_207 = tpu.memref_slice %arg2[%dma_start3A_205, %dma_start3A_206] : memref<10240x128xf32, #tpu.memory_space<hbm>> -> memref<10240x128xf32, #tpu.memory_space<hbm>>
          %dma_start3A_208 = tpu.memref_slice %arg11[%dma_start3A_201] : memref<2x!tpu.dma_semaphore, #tpu.memory_space<semaphore_mem>> -> memref<1x!tpu.dma_semaphore, #tpu.memory_space<semaphore_mem>>
          %dma_start3A_209 = tpu.memref_squeeze %dma_start3A_208 : memref<1x!tpu.dma_semaphore, #tpu.memory_space<semaphore_mem>> -> memref<!tpu.dma_semaphore, #tpu.memory_space<semaphore_mem>>
          tpu.enqueue_indirect_dma source(%dma_start3A_207 : memref<10240x128xf32, #tpu.memory_space<hbm>>) target(%arg9 : memref<128x128xf32, #tpu.memory_space<vmem>>) offsets(%dma_start3A_204 : memref<128xi32, #tpu.memory_space<vmem>>) semaphore(%dma_start3A_209 : memref<!tpu.dma_semaphore, #tpu.memory_space<semaphore_mem>>)
        } else {
        }
      }
      %while3A_101 = arith.constant 1 : i32
      scf.for %while3A_127 = %while3A_99 to %while3A_95 step %while3A_101  : i32 {
        %mul3A_128 = arith.constant 2 : i32
        %mul3A_129 = arith.muli %while3A_127, %mul3A_128 : i32
        %add3A_130 = arith.constant 0 : i32
        %add3A_131 = arith.addi %mul3A_129, %add3A_130 : i32
        %dma_wait3A_132 = arith.constant 0 : i32
        %dma_wait3A_133 = arith.constant 0 : i32
        %dma_wait3A_134 = tpu.memref_slice %arg7[%add3A_131, %dma_wait3A_133] : memref<40x128xi32, #tpu.memory_space<vmem>> -> memref<1x128xi32, #tpu.memory_space<vmem>>
        %dma_wait3A_135 = tpu.memref_squeeze %dma_wait3A_134 : memref<1x128xi32, #tpu.memory_space<vmem>> -> memref<128xi32, #tpu.memory_space<vmem>>
        %dma_wait3A_136 = arith.constant 0 : i32
        %dma_wait3A_137 = arith.constant 0 : i32
        %dma_wait3A_138 = tpu.memref_slice %arg2[%dma_wait3A_136, %dma_wait3A_137] : memref<10240x128xf32, #tpu.memory_space<hbm>> -> memref<10240x128xf32, #tpu.memory_space<hbm>>
        %dma_wait3A_139 = tpu.memref_slice %arg11[%dma_wait3A_132] : memref<2x!tpu.dma_semaphore, #tpu.memory_space<semaphore_mem>> -> memref<1x!tpu.dma_semaphore, #tpu.memory_space<semaphore_mem>>
        %dma_wait3A_140 = tpu.memref_squeeze %dma_wait3A_139 : memref<1x!tpu.dma_semaphore, #tpu.memory_space<semaphore_mem>> -> memref<!tpu.dma_semaphore, #tpu.memory_space<semaphore_mem>>
        tpu.wait_indirect_dma semaphore(%dma_wait3A_140 : memref<!tpu.dma_semaphore, #tpu.memory_space<semaphore_mem>>) src(%dma_wait3A_138 : memref<10240x128xf32, #tpu.memory_space<hbm>>) dst(%arg9 : memref<128x128xf32, #tpu.memory_space<vmem>>)
        %dma_start3A_141 = arith.constant 0 : i32
        %dma_start3A_142 = arith.constant 0 : i32
        %dma_start3A_143 = tpu.memref_slice %arg8[%add3A_131, %dma_start3A_142] : memref<40x128xi32, #tpu.memory_space<vmem>> -> memref<1x128xi32, #tpu.memory_space<vmem>>
        %dma_start3A_144 = tpu.memref_squeeze %dma_start3A_143 : memref<1x128xi32, #tpu.memory_space<vmem>> -> memref<128xi32, #tpu.memory_space<vmem>>
        %dma_start3A_145 = arith.constant 0 : i32
        %dma_start3A_146 = arith.constant 0 : i32
        %dma_start3A_147 = tpu.memref_slice %arg6[%dma_start3A_145, %dma_start3A_146] : memref<10240x128xf32, #tpu.memory_space<vmem_shared>> -> memref<10240x128xf32, #tpu.memory_space<vmem_shared>>
        %dma_start3A_148 = tpu.memref_slice %arg12[%dma_start3A_141] : memref<2x!tpu.dma_semaphore, #tpu.memory_space<semaphore_mem>> -> memref<1x!tpu.dma_semaphore, #tpu.memory_space<semaphore_mem>>
        %dma_start3A_149 = tpu.memref_squeeze %dma_start3A_148 : memref<1x!tpu.dma_semaphore, #tpu.memory_space<semaphore_mem>> -> memref<!tpu.dma_semaphore, #tpu.memory_space<semaphore_mem>>
        tpu.enqueue_indirect_dma source(%arg9 : memref<128x128xf32, #tpu.memory_space<vmem>>) target(%dma_start3A_147 : memref<10240x128xf32, #tpu.memory_space<vmem_shared>>) offsets(%dma_start3A_144 : memref<128xi32, #tpu.memory_space<vmem>>) semaphore(%dma_start3A_149 : memref<!tpu.dma_semaphore, #tpu.memory_space<semaphore_mem>>) {add = true}
        %sub3A_150 = arith.constant 1 : i32
        %sub3A_151 = arith.subi %add3A_131, %sub3A_150 : i32
        %add3A_152 = arith.constant 2 : i32
        %add3A_153 = arith.addi %sub3A_151, %add3A_152 : i32
        %ge3A = arith.constant 0 : i32
        %ge3A_154 = arith.cmpi sge, %sub3A_151, %ge3A : i32
        %lt3A = arith.cmpi slt, %add3A_153, %min3A_52 : i32
        %and3A_155 = arith.andi %ge3A_154, %lt3A : i1
        %convert_element_type3A_156 = arith.extui %and3A_155 : i1 to i32
        %cond3A_157 = arith.constant 0 : i32
        %cond3A_158 = arith.cmpi ne, %convert_element_type3A_156, %cond3A_157 : i32
        scf.if %cond3A_158 {
          %dma_wait3A_192 = arith.constant 1 : i32
          %dma_wait3A_193 = arith.constant 0 : i32
          %dma_wait3A_194 = tpu.memref_slice %arg8[%sub3A_151, %dma_wait3A_193] : memref<40x128xi32, #tpu.memory_space<vmem>> -> memref<1x128xi32, #tpu.memory_space<vmem>>
          %dma_wait3A_195 = tpu.memref_squeeze %dma_wait3A_194 : memref<1x128xi32, #tpu.memory_space<vmem>> -> memref<128xi32, #tpu.memory_space<vmem>>
          %dma_wait3A_196 = arith.constant 0 : i32
          %dma_wait3A_197 = arith.constant 0 : i32
          %dma_wait3A_198 = tpu.memref_slice %arg6[%dma_wait3A_196, %dma_wait3A_197] : memref<10240x128xf32, #tpu.memory_space<vmem_shared>> -> memref<10240x128xf32, #tpu.memory_space<vmem_shared>>
          %dma_wait3A_199 = tpu.memref_slice %arg12[%dma_wait3A_192] : memref<2x!tpu.dma_semaphore, #tpu.memory_space<semaphore_mem>> -> memref<1x!tpu.dma_semaphore, #tpu.memory_space<semaphore_mem>>
          %dma_wait3A_200 = tpu.memref_squeeze %dma_wait3A_199 : memref<1x!tpu.dma_semaphore, #tpu.memory_space<semaphore_mem>> -> memref<!tpu.dma_semaphore, #tpu.memory_space<semaphore_mem>>
          tpu.wait_indirect_dma semaphore(%dma_wait3A_200 : memref<!tpu.dma_semaphore, #tpu.memory_space<semaphore_mem>>) src(%arg10 : memref<128x128xf32, #tpu.memory_space<vmem>>) dst(%dma_wait3A_198 : memref<10240x128xf32, #tpu.memory_space<vmem_shared>>)
          %dma_start3A_201 = arith.constant 1 : i32
          %dma_start3A_202 = arith.constant 0 : i32
          %dma_start3A_203 = tpu.memref_slice %arg7[%add3A_153, %dma_start3A_202] : memref<40x128xi32, #tpu.memory_space<vmem>> -> memref<1x128xi32, #tpu.memory_space<vmem>>
          %dma_start3A_204 = tpu.memref_squeeze %dma_start3A_203 : memref<1x128xi32, #tpu.memory_space<vmem>> -> memref<128xi32, #tpu.memory_space<vmem>>
          %dma_start3A_205 = arith.constant 0 : i32
          %dma_start3A_206 = arith.constant 0 : i32
          %dma_start3A_207 = tpu.memref_slice %arg2[%dma_start3A_205, %dma_start3A_206] : memref<10240x128xf32, #tpu.memory_space<hbm>> -> memref<10240x128xf32, #tpu.memory_space<hbm>>
          %dma_start3A_208 = tpu.memref_slice %arg11[%dma_start3A_201] : memref<2x!tpu.dma_semaphore, #tpu.memory_space<semaphore_mem>> -> memref<1x!tpu.dma_semaphore, #tpu.memory_space<semaphore_mem>>
          %dma_start3A_209 = tpu.memref_squeeze %dma_start3A_208 : memref<1x!tpu.dma_semaphore, #tpu.memory_space<semaphore_mem>> -> memref<!tpu.dma_semaphore, #tpu.memory_space<semaphore_mem>>
          tpu.enqueue_indirect_dma source(%dma_start3A_207 : memref<10240x128xf32, #tpu.memory_space<hbm>>) target(%arg10 : memref<128x128xf32, #tpu.memory_space<vmem>>) offsets(%dma_start3A_204 : memref<128xi32, #tpu.memory_space<vmem>>) semaphore(%dma_start3A_209 : memref<!tpu.dma_semaphore, #tpu.memory_space<semaphore_mem>>)
        } else {
        }
        %mul3A_159 = arith.constant 2 : i32
        %mul3A_160 = arith.muli %while3A_127, %mul3A_159 : i32
        %add3A_161 = arith.constant 1 : i32
        %add3A_162 = arith.addi %mul3A_160, %add3A_161 : i32
        %dma_wait3A_163 = arith.constant 1 : i32
        %dma_wait3A_164 = arith.constant 0 : i32
        %dma_wait3A_165 = tpu.memref_slice %arg7[%add3A_162, %dma_wait3A_164] : memref<40x128xi32, #tpu.memory_space<vmem>> -> memref<1x128xi32, #tpu.memory_space<vmem>>
        %dma_wait3A_166 = tpu.memref_squeeze %dma_wait3A_165 : memref<1x128xi32, #tpu.memory_space<vmem>> -> memref<128xi32, #tpu.memory_space<vmem>>
        %dma_wait3A_167 = arith.constant 0 : i32
        %dma_wait3A_168 = arith.constant 0 : i32
        %dma_wait3A_169 = tpu.memref_slice %arg2[%dma_wait3A_167, %dma_wait3A_168] : memref<10240x128xf32, #tpu.memory_space<hbm>> -> memref<10240x128xf32, #tpu.memory_space<hbm>>
        %dma_wait3A_170 = tpu.memref_slice %arg11[%dma_wait3A_163] : memref<2x!tpu.dma_semaphore, #tpu.memory_space<semaphore_mem>> -> memref<1x!tpu.dma_semaphore, #tpu.memory_space<semaphore_mem>>
        %dma_wait3A_171 = tpu.memref_squeeze %dma_wait3A_170 : memref<1x!tpu.dma_semaphore, #tpu.memory_space<semaphore_mem>> -> memref<!tpu.dma_semaphore, #tpu.memory_space<semaphore_mem>>
        tpu.wait_indirect_dma semaphore(%dma_wait3A_171 : memref<!tpu.dma_semaphore, #tpu.memory_space<semaphore_mem>>) src(%dma_wait3A_169 : memref<10240x128xf32, #tpu.memory_space<hbm>>) dst(%arg10 : memref<128x128xf32, #tpu.memory_space<vmem>>)
        %dma_start3A_172 = arith.constant 1 : i32
        %dma_start3A_173 = arith.constant 0 : i32
        %dma_start3A_174 = tpu.memref_slice %arg8[%add3A_162, %dma_start3A_173] : memref<40x128xi32, #tpu.memory_space<vmem>> -> memref<1x128xi32, #tpu.memory_space<vmem>>
        %dma_start3A_175 = tpu.memref_squeeze %dma_start3A_174 : memref<1x128xi32, #tpu.memory_space<vmem>> -> memref<128xi32, #tpu.memory_space<vmem>>
        %dma_start3A_176 = arith.constant 0 : i32
        %dma_start3A_177 = arith.constant 0 : i32
        %dma_start3A_178 = tpu.memref_slice %arg6[%dma_start3A_176, %dma_start3A_177] : memref<10240x128xf32, #tpu.memory_space<vmem_shared>> -> memref<10240x128xf32, #tpu.memory_space<vmem_shared>>
        %dma_start3A_179 = tpu.memref_slice %arg12[%dma_start3A_172] : memref<2x!tpu.dma_semaphore, #tpu.memory_space<semaphore_mem>> -> memref<1x!tpu.dma_semaphore, #tpu.memory_space<semaphore_mem>>
        %dma_start3A_180 = tpu.memref_squeeze %dma_start3A_179 : memref<1x!tpu.dma_semaphore, #tpu.memory_space<semaphore_mem>> -> memref<!tpu.dma_semaphore, #tpu.memory_space<semaphore_mem>>
        tpu.enqueue_indirect_dma source(%arg10 : memref<128x128xf32, #tpu.memory_space<vmem>>) target(%dma_start3A_178 : memref<10240x128xf32, #tpu.memory_space<vmem_shared>>) offsets(%dma_start3A_175 : memref<128xi32, #tpu.memory_space<vmem>>) semaphore(%dma_start3A_180 : memref<!tpu.dma_semaphore, #tpu.memory_space<semaphore_mem>>) {add = true}
        %sub3A_181 = arith.constant 1 : i32
        %sub3A_182 = arith.subi %add3A_162, %sub3A_181 : i32
        %add3A_183 = arith.constant 2 : i32
        %add3A_184 = arith.addi %sub3A_182, %add3A_183 : i32
        %ge3A_185 = arith.constant 0 : i32
        %ge3A_186 = arith.cmpi sge, %sub3A_182, %ge3A_185 : i32
        %lt3A_187 = arith.cmpi slt, %add3A_184, %min3A_52 : i32
        %and3A_188 = arith.andi %ge3A_186, %lt3A_187 : i1
        %convert_element_type3A_189 = arith.extui %and3A_188 : i1 to i32
        %cond3A_190 = arith.constant 0 : i32
        %cond3A_191 = arith.cmpi ne, %convert_element_type3A_189, %cond3A_190 : i32
        scf.if %cond3A_191 {
          %dma_wait3A_192 = arith.constant 0 : i32
          %dma_wait3A_193 = arith.constant 0 : i32
          %dma_wait3A_194 = tpu.memref_slice %arg8[%sub3A_182, %dma_wait3A_193] : memref<40x128xi32, #tpu.memory_space<vmem>> -> memref<1x128xi32, #tpu.memory_space<vmem>>
          %dma_wait3A_195 = tpu.memref_squeeze %dma_wait3A_194 : memref<1x128xi32, #tpu.memory_space<vmem>> -> memref<128xi32, #tpu.memory_space<vmem>>
          %dma_wait3A_196 = arith.constant 0 : i32
          %dma_wait3A_197 = arith.constant 0 : i32
          %dma_wait3A_198 = tpu.memref_slice %arg6[%dma_wait3A_196, %dma_wait3A_197] : memref<10240x128xf32, #tpu.memory_space<vmem_shared>> -> memref<10240x128xf32, #tpu.memory_space<vmem_shared>>
          %dma_wait3A_199 = tpu.memref_slice %arg12[%dma_wait3A_192] : memref<2x!tpu.dma_semaphore, #tpu.memory_space<semaphore_mem>> -> memref<1x!tpu.dma_semaphore, #tpu.memory_space<semaphore_mem>>
          %dma_wait3A_200 = tpu.memref_squeeze %dma_wait3A_199 : memref<1x!tpu.dma_semaphore, #tpu.memory_space<semaphore_mem>> -> memref<!tpu.dma_semaphore, #tpu.memory_space<semaphore_mem>>
          tpu.wait_indirect_dma semaphore(%dma_wait3A_200 : memref<!tpu.dma_semaphore, #tpu.memory_space<semaphore_mem>>) src(%arg9 : memref<128x128xf32, #tpu.memory_space<vmem>>) dst(%dma_wait3A_198 : memref<10240x128xf32, #tpu.memory_space<vmem_shared>>)
          %dma_start3A_201 = arith.constant 0 : i32
          %dma_start3A_202 = arith.constant 0 : i32
          %dma_start3A_203 = tpu.memref_slice %arg7[%add3A_184, %dma_start3A_202] : memref<40x128xi32, #tpu.memory_space<vmem>> -> memref<1x128xi32, #tpu.memory_space<vmem>>
          %dma_start3A_204 = tpu.memref_squeeze %dma_start3A_203 : memref<1x128xi32, #tpu.memory_space<vmem>> -> memref<128xi32, #tpu.memory_space<vmem>>
          %dma_start3A_205 = arith.constant 0 : i32
          %dma_start3A_206 = arith.constant 0 : i32
          %dma_start3A_207 = tpu.memref_slice %arg2[%dma_start3A_205, %dma_start3A_206] : memref<10240x128xf32, #tpu.memory_space<hbm>> -> memref<10240x128xf32, #tpu.memory_space<hbm>>
          %dma_start3A_208 = tpu.memref_slice %arg11[%dma_start3A_201] : memref<2x!tpu.dma_semaphore, #tpu.memory_space<semaphore_mem>> -> memref<1x!tpu.dma_semaphore, #tpu.memory_space<semaphore_mem>>
          %dma_start3A_209 = tpu.memref_squeeze %dma_start3A_208 : memref<1x!tpu.dma_semaphore, #tpu.memory_space<semaphore_mem>> -> memref<!tpu.dma_semaphore, #tpu.memory_space<semaphore_mem>>
          tpu.enqueue_indirect_dma source(%dma_start3A_207 : memref<10240x128xf32, #tpu.memory_space<hbm>>) target(%arg9 : memref<128x128xf32, #tpu.memory_space<vmem>>) offsets(%dma_start3A_204 : memref<128xi32, #tpu.memory_space<vmem>>) semaphore(%dma_start3A_209 : memref<!tpu.dma_semaphore, #tpu.memory_space<semaphore_mem>>)
        } else {
        }
      }
      %sub3A_102 = arith.constant 2 : i32
      %sub3A_103 = arith.subi %min3A_52, %sub3A_102 : i32
      %add3A_104 = arith.constant 0 : i32
      %add3A_105 = arith.addi %sub3A_103, %add3A_104 : i32
      %dma_wait3A = arith.constant 0 : i32
      %dma_wait3A_106 = arith.constant 0 : i32
      %dma_wait3A_107 = tpu.memref_slice %arg8[%add3A_105, %dma_wait3A_106] : memref<40x128xi32, #tpu.memory_space<vmem>> -> memref<1x128xi32, #tpu.memory_space<vmem>>
      %dma_wait3A_108 = tpu.memref_squeeze %dma_wait3A_107 : memref<1x128xi32, #tpu.memory_space<vmem>> -> memref<128xi32, #tpu.memory_space<vmem>>
      %dma_wait3A_109 = arith.constant 0 : i32
      %dma_wait3A_110 = arith.constant 0 : i32
      %dma_wait3A_111 = tpu.memref_slice %arg6[%dma_wait3A_109, %dma_wait3A_110] : memref<10240x128xf32, #tpu.memory_space<vmem_shared>> -> memref<10240x128xf32, #tpu.memory_space<vmem_shared>>
      %dma_wait3A_112 = tpu.memref_slice %arg12[%dma_wait3A] : memref<2x!tpu.dma_semaphore, #tpu.memory_space<semaphore_mem>> -> memref<1x!tpu.dma_semaphore, #tpu.memory_space<semaphore_mem>>
      %dma_wait3A_113 = tpu.memref_squeeze %dma_wait3A_112 : memref<1x!tpu.dma_semaphore, #tpu.memory_space<semaphore_mem>> -> memref<!tpu.dma_semaphore, #tpu.memory_space<semaphore_mem>>
      tpu.wait_indirect_dma semaphore(%dma_wait3A_113 : memref<!tpu.dma_semaphore, #tpu.memory_space<semaphore_mem>>) src(%arg9 : memref<128x128xf32, #tpu.memory_space<vmem>>) dst(%dma_wait3A_111 : memref<10240x128xf32, #tpu.memory_space<vmem_shared>>)
      %sub3A_114 = arith.constant 2 : i32
      %sub3A_115 = arith.subi %min3A_52, %sub3A_114 : i32
      %add3A_116 = arith.constant 1 : i32
      %add3A_117 = arith.addi %sub3A_115, %add3A_116 : i32
      %dma_wait3A_118 = arith.constant 1 : i32
      %dma_wait3A_119 = arith.constant 0 : i32
      %dma_wait3A_120 = tpu.memref_slice %arg8[%add3A_117, %dma_wait3A_119] : memref<40x128xi32, #tpu.memory_space<vmem>> -> memref<1x128xi32, #tpu.memory_space<vmem>>
      %dma_wait3A_121 = tpu.memref_squeeze %dma_wait3A_120 : memref<1x128xi32, #tpu.memory_space<vmem>> -> memref<128xi32, #tpu.memory_space<vmem>>
      %dma_wait3A_122 = arith.constant 0 : i32
      %dma_wait3A_123 = arith.constant 0 : i32
      %dma_wait3A_124 = tpu.memref_slice %arg6[%dma_wait3A_122, %dma_wait3A_123] : memref<10240x128xf32, #tpu.memory_space<vmem_shared>> -> memref<10240x128xf32, #tpu.memory_space<vmem_shared>>
      %dma_wait3A_125 = tpu.memref_slice %arg12[%dma_wait3A_118] : memref<2x!tpu.dma_semaphore, #tpu.memory_space<semaphore_mem>> -> memref<1x!tpu.dma_semaphore, #tpu.memory_space<semaphore_mem>>
      %dma_wait3A_126 = tpu.memref_squeeze %dma_wait3A_125 : memref<1x!tpu.dma_semaphore, #tpu.memory_space<semaphore_mem>> -> memref<!tpu.dma_semaphore, #tpu.memory_space<semaphore_mem>>
      tpu.wait_indirect_dma semaphore(%dma_wait3A_126 : memref<!tpu.dma_semaphore, #tpu.memory_space<semaphore_mem>>) src(%arg10 : memref<128x128xf32, #tpu.memory_space<vmem>>) dst(%dma_wait3A_124 : memref<10240x128xf32, #tpu.memory_space<vmem_shared>>)
    } else {
    }
    %barrier3A_46 = arith.constant 0 : index
    tpu.barrier barrier_id(%barrier3A_46)
    %mul3A_47 = arith.constant 640 : i32
    %mul3A_48 = arith.muli %arg1, %mul3A_47 : i32
    %mul3A_49 = arith.constant 640 : i32
    %mul3A_50 = arith.muli %arg1, %mul3A_49 : i32
    "tpu.region"() ({
      %run_scoped3A = tpu.sem_alloc : memref<!tpu.dma_semaphore, #tpu.memory_space<semaphore_mem>>
      %dma_start3A = arith.constant 0 : i32
      %dma_start3A_51 = tpu.memref_slice %arg5[%arg0, %mul3A_50, %dma_start3A] : memref<2x10240x128xf32, #tpu.memory_space<hbm>> -> memref<1x640x128xf32, #tpu.memory_space<hbm>>
      %dma_start3A_52 = tpu.memref_squeeze %dma_start3A_51 : memref<1x640x128xf32, #tpu.memory_space<hbm>> -> memref<640x128xf32, #tpu.memory_space<hbm>>
      %dma_start3A_53 = arith.constant 0 : i32
      %dma_start3A_54 = tpu.memref_slice %arg6[%mul3A_48, %dma_start3A_53] : memref<10240x128xf32, #tpu.memory_space<vmem_shared>> -> memref<640x128xf32, #tpu.memory_space<vmem_shared>>
      tpu.enqueue_dma source(%dma_start3A_54 : memref<640x128xf32, #tpu.memory_space<vmem_shared>>) target(%dma_start3A_52 : memref<640x128xf32, #tpu.memory_space<hbm>>) target_semaphore(%run_scoped3A : memref<!tpu.dma_semaphore, #tpu.memory_space<semaphore_mem>>)
      %dma_wait3A = arith.constant 0 : i32
      %dma_wait3A_55 = tpu.memref_slice %arg5[%arg0, %mul3A_50, %dma_wait3A] : memref<2x10240x128xf32, #tpu.memory_space<hbm>> -> memref<1x640x128xf32, #tpu.memory_space<hbm>>
      %dma_wait3A_56 = tpu.memref_squeeze %dma_wait3A_55 : memref<1x640x128xf32, #tpu.memory_space<hbm>> -> memref<640x128xf32, #tpu.memory_space<hbm>>
      %dma_wait3A_57 = arith.constant 0 : i32
      %dma_wait3A_58 = tpu.memref_slice %arg6[%mul3A_48, %dma_wait3A_57] : memref<10240x128xf32, #tpu.memory_space<vmem_shared>> -> memref<640x128xf32, #tpu.memory_space<vmem_shared>>
      tpu.wait_dma2 semaphore(%run_scoped3A : memref<!tpu.dma_semaphore, #tpu.memory_space<semaphore_mem>>) src(%dma_wait3A_58 : memref<640x128xf32, #tpu.memory_space<vmem_shared>>) dst(%dma_wait3A_56 : memref<640x128xf32, #tpu.memory_space<hbm>>)
      tpu.yield
    }) : () -> ()
    return
  }
}

module attributes {stable_mosaic.version = 14 : i64} {
  func.func @_prep_body(%arg0: i32, %arg1: memref<2x1024x1xf32, #tpu.memory_space<vmem>>, %arg2: memref<1024x128xf32, #tpu.memory_space<vmem>>, %arg3: memref<1024x1xf32, #tpu.memory_space<vmem>>, %arg4: memref<1024x128xf32, #tpu.memory_space<vmem>>) attributes {dimension_semantics = [#tpu.dimension_semantics<arbitrary>], iteration_bounds = array<i64: 10>, scalar_prefetch = 0 : i64, scratch_operands = 0 : i64, tpu.core_type = #tpu.core_type<tc>, window_params = [{transform_indices = @transform_0, window_bounds = array<i64: 2, 1024, 1>}, {transform_indices = @transform_1, window_bounds = array<i64: 1024, 128>}, {transform_indices = @transform_2, window_bounds = array<i64: 1024, 1>}, {transform_indices = @transform_3, window_bounds = array<i64: 1024, 128>}]} {
    %get3A = arith.constant 0 : index
    %get3A_0 = arith.constant 0 : index
    %get3A_1 = arith.constant 0 : index
    %get3A_2 = vector.load %arg1[%get3A, %get3A_0, %get3A_1] : memref<2x1024x1xf32, #tpu.memory_space<vmem>>, vector<1x1024x1xf32>
    %get3A_3 = vector.shape_cast %get3A_2 : vector<1x1024x1xf32> to vector<1024x1xf32>
    %get3A_4 = arith.constant 1 : index
    %get3A_5 = arith.constant 0 : index
    %get3A_6 = arith.constant 0 : index
    %get3A_7 = vector.load %arg1[%get3A_4, %get3A_5, %get3A_6] : memref<2x1024x1xf32, #tpu.memory_space<vmem>>, vector<1x1024x1xf32>
    %get3A_8 = vector.shape_cast %get3A_7 : vector<1x1024x1xf32> to vector<1024x1xf32>
    %add3A = arith.addf %get3A_3, %get3A_8 : vector<1024x1xf32>
    %add3A_9 = arith.constant 1.000000e+00 : f32
    %add3A_10 = vector.broadcast %add3A_9 : f32 to vector<1024x1xf32>
    %add3A_11 = arith.addf %add3A, %add3A_10 : vector<1024x1xf32>
    %rsqrt3A = math.rsqrt %add3A_11 : vector<1024x1xf32>
    %swap3A = arith.constant 0 : index
    %swap3A_12 = arith.constant 0 : index
    %swap3A_13 = vector.load %arg3[%swap3A, %swap3A_12] : memref<1024x1xf32, #tpu.memory_space<vmem>>, vector<1024x1xf32>
    tpu.vector_store %arg3[%swap3A, %swap3A_12], %rsqrt3A {strides = array<i32>} : memref<1024x1xf32, #tpu.memory_space<vmem>>, vector<1024x1xf32>,
    %get3A_14 = arith.constant 0 : index
    %get3A_15 = arith.constant 0 : index
    %get3A_16 = vector.load %arg2[%get3A_14, %get3A_15] : memref<1024x128xf32, #tpu.memory_space<vmem>>, vector<1024x128xf32>
    %mul3A = vector.broadcast %rsqrt3A : vector<1024x1xf32> to vector<1024x128xf32>
    %mul3A_17 = arith.mulf %get3A_16, %mul3A : vector<1024x128xf32>
    %swap3A_18 = arith.constant 0 : index
    %swap3A_19 = arith.constant 0 : index
    %swap3A_20 = vector.load %arg4[%swap3A_18, %swap3A_19] : memref<1024x128xf32, #tpu.memory_space<vmem>>, vector<1024x128xf32>
    tpu.vector_store %arg4[%swap3A_18, %swap3A_19], %mul3A_17 {strides = array<i32>} : memref<1024x128xf32, #tpu.memory_space<vmem>>, vector<1024x128xf32>,
    return
  }
  func.func @transform_0(%arg0: i32) -> (i32, i32, i32) {
    %c0_i32 = arith.constant 0 : i32
    %c0_i32_0 = arith.constant 0 : i32
    %c0_i32_1 = arith.constant 0 : i32
    return %c0_i32, %arg0, %c0_i32_0 : i32, i32, i32
  }
  func.func @transform_1(%arg0: i32) -> (i32, i32) {
    %c0_i32 = arith.constant 0 : i32
    %c0_i32_0 = arith.constant 0 : i32
    return %arg0, %c0_i32 : i32, i32
  }
  func.func @transform_2(%arg0: i32) -> (i32, i32) {
    %c0_i32 = arith.constant 0 : i32
    %c0_i32_0 = arith.constant 0 : i32
    return %arg0, %c0_i32 : i32, i32
  }
  func.func @transform_3(%arg0: i32) -> (i32, i32) {
    %c0_i32 = arith.constant 0 : i32
    %c0_i32_0 = arith.constant 0 : i32
    return %arg0, %c0_i32 : i32, i32
  }
}

module attributes {stable_mosaic.version = 14 : i64} {
  func.func @_mid_body(%arg0: i32, %arg1: memref<2x1024x128xf32, #tpu.memory_space<vmem>>, %arg2: memref<1024x128xf32, #tpu.memory_space<vmem>>, %arg3: memref<1024x1xf32, #tpu.memory_space<vmem>>, %arg4: memref<128x256xf32, #tpu.memory_space<vmem>>, %arg5: memref<1x256xf32, #tpu.memory_space<vmem>>, %arg6: memref<256x128xf32, #tpu.memory_space<vmem>>, %arg7: memref<1024x128xf32, #tpu.memory_space<vmem>>) attributes {dimension_semantics = [#tpu.dimension_semantics<arbitrary>], iteration_bounds = array<i64: 10>, scalar_prefetch = 0 : i64, scratch_operands = 0 : i64, tpu.core_type = #tpu.core_type<tc>, window_params = [{transform_indices = @transform_0, window_bounds = array<i64: 2, 1024, 128>}, {transform_indices = @transform_1, window_bounds = array<i64: 1024, 128>}, {transform_indices = @transform_2, window_bounds = array<i64: 1024, 1>}, {pipeline_mode = #tpu.pipeline_mode<synchronous>, transform_indices = @transform_3, window_bounds = array<i64: 128, 256>}, {pipeline_mode = #tpu.pipeline_mode<synchronous>, transform_indices = @transform_4, window_bounds = array<i64: 1, 256>}, {pipeline_mode = #tpu.pipeline_mode<synchronous>, transform_indices = @transform_5, window_bounds = array<i64: 256, 128>}, {transform_indices = @transform_6, window_bounds = array<i64: 1024, 128>}]} {
    %get3A = arith.constant 0 : index
    %get3A_0 = arith.constant 0 : index
    %get3A_1 = arith.constant 0 : index
    %get3A_2 = vector.load %arg1[%get3A, %get3A_0, %get3A_1] : memref<2x1024x128xf32, #tpu.memory_space<vmem>>, vector<1x1024x128xf32>
    %get3A_3 = vector.shape_cast %get3A_2 : vector<1x1024x128xf32> to vector<1024x128xf32>
    %get3A_4 = arith.constant 1 : index
    %get3A_5 = arith.constant 0 : index
    %get3A_6 = arith.constant 0 : index
    %get3A_7 = vector.load %arg1[%get3A_4, %get3A_5, %get3A_6] : memref<2x1024x128xf32, #tpu.memory_space<vmem>>, vector<1x1024x128xf32>
    %get3A_8 = vector.shape_cast %get3A_7 : vector<1x1024x128xf32> to vector<1024x128xf32>
    %add3A = arith.addf %get3A_3, %get3A_8 : vector<1024x128xf32>
    %get3A_9 = arith.constant 0 : index
    %get3A_10 = arith.constant 0 : index
    %get3A_11 = vector.load %arg2[%get3A_9, %get3A_10] : memref<1024x128xf32, #tpu.memory_space<vmem>>, vector<1024x128xf32>
    %add3A_12 = arith.addf %add3A, %get3A_11 : vector<1024x128xf32>
    %get3A_13 = arith.constant 0 : index
    %get3A_14 = arith.constant 0 : index
    %get3A_15 = vector.load %arg3[%get3A_13, %get3A_14] : memref<1024x1xf32, #tpu.memory_space<vmem>>, vector<1024x1xf32>
    %mul3A = vector.broadcast %get3A_15 : vector<1024x1xf32> to vector<1024x128xf32>
    %mul3A_16 = arith.mulf %add3A_12, %mul3A : vector<1024x128xf32>
    %get3A_17 = arith.constant 0 : index
    %get3A_18 = arith.constant 0 : index
    %get3A_19 = vector.load %arg4[%get3A_17, %get3A_18] : memref<128x256xf32, #tpu.memory_space<vmem>>, vector<128x256xf32>
    %dot_general3A = arith.constant dense<0.000000e+00> : vector<1024x256xf32>
    %dot_general3A_20 = tpu.matmul %mul3A_16, %get3A_19, %dot_general3A {dimension_numbers = #tpu.dot_dimension_numbers<[1], [0], [0], [1], [0, 0, 1, 1], [], []>, transpose_lhs_hint = false} : vector<1024x128xf32>, vector<128x256xf32>, vector<1024x256xf32> -> vector<1024x256xf32>
    %get3A_21 = arith.constant 0 : index
    %get3A_22 = arith.constant 0 : index
    %get3A_23 = vector.load %arg5[%get3A_21, %get3A_22] : memref<1x256xf32, #tpu.memory_space<vmem>>, vector<1x256xf32>
    %add3A_24 = vector.broadcast %get3A_23 : vector<1x256xf32> to vector<1024x256xf32>
    %add3A_25 = arith.addf %dot_general3A_20, %add3A_24 : vector<1024x256xf32>
    %max3A = arith.constant 0.000000e+00 : f32
    %max3A_26 = vector.broadcast %max3A : f32 to vector<1024x256xf32>
    %max3A_27 = arith.maximumf %add3A_25, %max3A_26 : vector<1024x256xf32>
    %get3A_28 = arith.constant 0 : index
    %get3A_29 = arith.constant 0 : index
    %get3A_30 = vector.load %arg6[%get3A_28, %get3A_29] : memref<256x128xf32, #tpu.memory_space<vmem>>, vector<256x128xf32>
    %dot_general3A_31 = arith.constant dense<0.000000e+00> : vector<1024x128xf32>
    %dot_general3A_32 = tpu.matmul %max3A_27, %get3A_30, %dot_general3A_31 {dimension_numbers = #tpu.dot_dimension_numbers<[1], [0], [0], [1], [0, 0, 1, 1], [], []>, transpose_lhs_hint = false} : vector<1024x256xf32>, vector<256x128xf32>, vector<1024x128xf32> -> vector<1024x128xf32>
    %get3A_33 = arith.constant 0 : index
    %get3A_34 = arith.constant 0 : index
    %get3A_35 = vector.load %arg3[%get3A_33, %get3A_34] : memref<1024x1xf32, #tpu.memory_space<vmem>>, vector<1024x1xf32>
    %mul3A_36 = vector.broadcast %get3A_35 : vector<1024x1xf32> to vector<1024x128xf32>
    %mul3A_37 = arith.mulf %dot_general3A_32, %mul3A_36 : vector<1024x128xf32>
    %swap3A = arith.constant 0 : index
    %swap3A_38 = arith.constant 0 : index
    %swap3A_39 = vector.load %arg7[%swap3A, %swap3A_38] : memref<1024x128xf32, #tpu.memory_space<vmem>>, vector<1024x128xf32>
    tpu.vector_store %arg7[%swap3A, %swap3A_38], %mul3A_37 {strides = array<i32>} : memref<1024x128xf32, #tpu.memory_space<vmem>>, vector<1024x128xf32>,
    return
  }
  func.func @transform_0(%arg0: i32) -> (i32, i32, i32) {
    %c0_i32 = arith.constant 0 : i32
    %c0_i32_0 = arith.constant 0 : i32
    %c0_i32_1 = arith.constant 0 : i32
    return %c0_i32, %arg0, %c0_i32_0 : i32, i32, i32
  }
  func.func @transform_1(%arg0: i32) -> (i32, i32) {
    %c0_i32 = arith.constant 0 : i32
    %c0_i32_0 = arith.constant 0 : i32
    return %arg0, %c0_i32 : i32, i32
  }
  func.func @transform_2(%arg0: i32) -> (i32, i32) {
    %c0_i32 = arith.constant 0 : i32
    %c0_i32_0 = arith.constant 0 : i32
    return %arg0, %c0_i32 : i32, i32
  }
  func.func @transform_3(%arg0: i32) -> (i32, i32) {
    %c0_i32 = arith.constant 0 : i32
    %c0_i32_0 = arith.constant 0 : i32
    %c0_i32_1 = arith.constant 0 : i32
    return %c0_i32, %c0_i32_0 : i32, i32
  }
  func.func @transform_4(%arg0: i32) -> (i32, i32) {
    %c0_i32 = arith.constant 0 : i32
    %c0_i32_0 = arith.constant 0 : i32
    %c0_i32_1 = arith.constant 0 : i32
    return %c0_i32, %c0_i32_0 : i32, i32
  }
  func.func @transform_5(%arg0: i32) -> (i32, i32) {
    %c0_i32 = arith.constant 0 : i32
    %c0_i32_0 = arith.constant 0 : i32
    %c0_i32_1 = arith.constant 0 : i32
    return %c0_i32, %c0_i32_0 : i32, i32
  }
  func.func @transform_6(%arg0: i32) -> (i32, i32) {
    %c0_i32 = arith.constant 0 : i32
    %c0_i32_0 = arith.constant 0 : i32
    return %arg0, %c0_i32 : i32, i32
  }
}

module attributes {stable_mosaic.version = 14 : i64} {
  func.func @_fin_body(%arg0: i32, %arg1: memref<2x1000x128xf32, #tpu.memory_space<vmem>>, %arg2: memref<1000x128xf32, #tpu.memory_space<vmem>>, %arg3: memref<1000x1xf32, #tpu.memory_space<vmem>>, %arg4: memref<1x128xf32, #tpu.memory_space<vmem>>, %arg5: memref<1000x128xf32, #tpu.memory_space<vmem>>) attributes {dimension_semantics = [#tpu.dimension_semantics<arbitrary>], iteration_bounds = array<i64: 10>, scalar_prefetch = 0 : i64, scratch_operands = 0 : i64, tpu.core_type = #tpu.core_type<tc>, window_params = [{transform_indices = @transform_0, window_bounds = array<i64: 2, 1000, 128>}, {transform_indices = @transform_1, window_bounds = array<i64: 1000, 128>}, {transform_indices = @transform_2, window_bounds = array<i64: 1000, 1>}, {pipeline_mode = #tpu.pipeline_mode<synchronous>, transform_indices = @transform_3, window_bounds = array<i64: 1, 128>}, {transform_indices = @transform_4, window_bounds = array<i64: 1000, 128>}]} {
    %get3A = arith.constant 0 : index
    %get3A_0 = arith.constant 0 : index
    %get3A_1 = arith.constant 0 : index
    %get3A_2 = vector.load %arg1[%get3A, %get3A_0, %get3A_1] : memref<2x1000x128xf32, #tpu.memory_space<vmem>>, vector<1x1000x128xf32>
    %get3A_3 = vector.shape_cast %get3A_2 : vector<1x1000x128xf32> to vector<1000x128xf32>
    %get3A_4 = arith.constant 1 : index
    %get3A_5 = arith.constant 0 : index
    %get3A_6 = arith.constant 0 : index
    %get3A_7 = vector.load %arg1[%get3A_4, %get3A_5, %get3A_6] : memref<2x1000x128xf32, #tpu.memory_space<vmem>>, vector<1x1000x128xf32>
    %get3A_8 = vector.shape_cast %get3A_7 : vector<1x1000x128xf32> to vector<1000x128xf32>
    %add3A = arith.addf %get3A_3, %get3A_8 : vector<1000x128xf32>
    %get3A_9 = arith.constant 0 : index
    %get3A_10 = arith.constant 0 : index
    %get3A_11 = vector.load %arg2[%get3A_9, %get3A_10] : memref<1000x128xf32, #tpu.memory_space<vmem>>, vector<1000x128xf32>
    %add3A_12 = arith.addf %add3A, %get3A_11 : vector<1000x128xf32>
    %get3A_13 = arith.constant 0 : index
    %get3A_14 = arith.constant 0 : index
    %get3A_15 = vector.load %arg3[%get3A_13, %get3A_14] : memref<1000x1xf32, #tpu.memory_space<vmem>>, vector<1000x1xf32>
    %mul3A = vector.broadcast %get3A_15 : vector<1000x1xf32> to vector<1000x128xf32>
    %mul3A_16 = arith.mulf %add3A_12, %mul3A : vector<1000x128xf32>
    %get3A_17 = arith.constant 0 : index
    %get3A_18 = arith.constant 0 : index
    %get3A_19 = vector.load %arg4[%get3A_17, %get3A_18] : memref<1x128xf32, #tpu.memory_space<vmem>>, vector<1x128xf32>
    %add3A_20 = vector.broadcast %get3A_19 : vector<1x128xf32> to vector<1000x128xf32>
    %add3A_21 = arith.addf %mul3A_16, %add3A_20 : vector<1000x128xf32>
    %swap3A = arith.constant 0 : index
    %swap3A_22 = arith.constant 0 : index
    %swap3A_23 = vector.load %arg5[%swap3A, %swap3A_22] : memref<1000x128xf32, #tpu.memory_space<vmem>>, vector<1000x128xf32>
    tpu.vector_store %arg5[%swap3A, %swap3A_22], %add3A_21 {strides = array<i32>} : memref<1000x128xf32, #tpu.memory_space<vmem>>, vector<1000x128xf32>,
    return
  }
  func.func @transform_0(%arg0: i32) -> (i32, i32, i32) {
    %c0_i32 = arith.constant 0 : i32
    %c0_i32_0 = arith.constant 0 : i32
    %c0_i32_1 = arith.constant 0 : i32
    return %c0_i32, %arg0, %c0_i32_0 : i32, i32, i32
  }
  func.func @transform_1(%arg0: i32) -> (i32, i32) {
    %c0_i32 = arith.constant 0 : i32
    %c0_i32_0 = arith.constant 0 : i32
    return %arg0, %c0_i32 : i32, i32
  }
  func.func @transform_2(%arg0: i32) -> (i32, i32) {
    %c0_i32 = arith.constant 0 : i32
    %c0_i32_0 = arith.constant 0 : i32
    return %arg0, %c0_i32 : i32, i32
  }
  func.func @transform_3(%arg0: i32) -> (i32, i32) {
    %c0_i32 = arith.constant 0 : i32
    %c0_i32_0 = arith.constant 0 : i32
    %c0_i32_1 = arith.constant 0 : i32
    return %c0_i32, %c0_i32_0 : i32, i32
  }
  func.func @transform_4(%arg0: i32) -> (i32, i32) {
    %c0_i32 = arith.constant 0 : i32
    %c0_i32_0 = arith.constant 0 : i32
    return %arg0, %c0_i32 : i32, i32
  }
}

</mosaic_0001>

<sc_bundles>
// kernel: kernel.11.cloned.1.call-start
scs
__scs_entry_jumppad:
0x0: {  	(pc) =	sbr.rel $0x88, $3  }
0x1: {  	(tag) =	ssettag $0x0;
	lr =	simm.s32 $0x1  }
0x2: {  	[smem:$0x3F9B] =	sst lr;
	_ =	strace $0xD0000000  }
0x3: {  	_ = 	snop  }
0x4: {  	_ = 	snop  }
0x5: {  	_ = 	snop  }
0x6: {  	_ = 	snop  }
0x7: {  	_ = 	snop  }
__scs_overlays_trampoline_lowered:
0x8: {  	[smem:$0x3FAA] =	sst s0  }
0x9: {  	[smem:$0x3FAB] =	sst s1  }
0xa: {  	[smem:$0x3FAC] =	sst s2  }
0xb: {  	[smem:$0x3FAD] =	sst s3  }
0xc: {  	[smem:$0x3FAE] =	sst s4  }
0xd: {  	[smem:$0x3FAF] =	sst s5  }
0xe: {  	[smem:$0x3FB0] =	sst s6  }
0xf: {  	[smem:$0x3FB1] =	sst s7  }
0x10: {  	[smem:$0x3FB2] =	sst s8  }
0x11: {  	[smem:$0x3FB3] =	sst s9;
	s0 =	simm.s32 @!p0 $0x0  }
0x12: {  	s1 =	sld [smem:$0x3F99];
	s0 =	simm.s32 @p0 $0x1  }
0x13: {  	[smem:$0x3FB4] =	sst s0;
	s0 =	simm.s32 @!p1 $0x0  }
0x14: {  	s2 =	sld [smem:$0x3F98];
	s0 =	simm.s32 @p1 $0x1  }
0x15: {  	[smem:$0x3FB5] =	sst s0;
	s0 =	simm.s32 @!p2 $0x0  }
0x16: {  	s3 =	sld [smem:$0x3FDB];
	s0 =	simm.s32 @p2 $0x1  }
0x17: {  	s4 =	simm.s32 $0x1BF5;
	[smem:$0x3FB7] =	sst s0  }
0x18: {  	s0 =	sld [smem:$0x3F9A];
	_ =	swait.ge [sflag:s4], $0x0  }
0x19: {  	s7 =	sld [smem:$0x3F9B]  }
0x1a: {  	s8 =	sadd.s32 $0xFFFFE003, lr  }
0x1b: {  	s9 =	sadd.s32 $0xFFFFFEF7, lr;
	s5 =	simm.s32 $0xFFFFFFFF;
	p2 =	slt.u32 s8, $0xFFFFF086  }
0x1c: {  	p1 =	slt.u32 s9, $0xF7A;
	s5 =	simm.s32 @!p2 $0x0  }
0x1d: {  	s5 =	simm.s32 @p1 $0x1;
	p0 =	seq.s32 s7, s2  }
0x1e: {  	s7 =	smul.u32 @!p0 $0xF7A, s2;
	p2 =	seq.s32 @!p0 s5, $0x0  }
0x1f: {  	s9 =	smul.u32 $0xF7A, s1;
	s8 =	simm.s32 @!p0 $0x1BF5;
	p2 =	por !p2, p0  }
0x20: {  	[sflag:s8] =	ssyncset.s32 @!p0 $0xFFFFF086;
	s6 =	sadd.s32 @!p0 s3, s7;
	s7 =	simm.s32 @!p0 $0x108  }
0x21: {  	s3 =	sadd.s32 s3, s9;
	s6 =	sadd.s32 @!p0 $0x88, s6;
	s7 =	simm.s32 @p2 $0x1082  }
0x22: {  	[simem:s7], [sflag:s8] =	dma.local @!p0 [hbm:s6], $0xF7A  }
0x23: {  	s9 =	sor.u32 $0xD0000000, s2;
	s6 =	simm.s32 $0x108;
	_ =	swait.ge @!p0 [sflag:s8], $0x0  }
0x24: {  	s3 =	sadd.s32 $0x88, s3;
	s6 =	simm.s32 @!p1 $0x1082;
	[sflag:s4] =	ssyncset.s32 $0xFFFFF086  }
0x25: {  	[simem:s6], [sflag:s4] =	dma.local [hbm:s3], $0xF7A  }
0x26: {  	[smem:$0x3F9B] =	sst s1;
	(tag) =	ssettag s2;
	_ =	strace s9  }
0x27: {  	s1 =	sld [smem:$0x3FAB]  }
0x28: {  	s2 =	sld [smem:$0x3FAC]  }
0x29: {  	s4 =	sld [smem:$0x3FAE]  }
0x2a: {  	p0 =	seq.s32 s5, $0x0;
	s5 =	sld [smem:$0x3FAF]  }
0x2b: {  	s6 =	sld [smem:$0x3FB0]  }
0x2c: {  	s7 =	sld [smem:$0x3FB1]  }
0x2d: {  	s3 =	simm.s32 $0x108;
	s8 =	sld [smem:$0x3FB2]  }
0x2e: {  	s3 =	simm.s32 @!p0 $0x1082;
	s9 =	sld [smem:$0x3FB3]  }
0x2f: {  	lr =	sadd.s32 s0, s3;
	s0 =	sld [smem:$0x3FAA]  }
0x30: {  	s3 =	sld [smem:$0x3FAD]  }
0x31: {  	[smem:$0x3FB6] =	sst s10  }
0x32: {  	s10 =	sld [smem:$0x3FB4];
	_ =	sdelay $0x3  }
0x33: {  	p0 =	seq.s32 s10, $0x1;
	s10 =	sld [smem:$0x3FB6];
	_ =	sdelay $0x3  }
0x34: {  	[smem:$0x3FB6] =	sst s10  }
0x35: {  	s10 =	sld [smem:$0x3FB5];
	_ =	sdelay $0x3  }
0x36: {  	p1 =	seq.s32 s10, $0x1;
	s10 =	sld [smem:$0x3FB6];
	_ =	sdelay $0x3  }
0x37: {  	[smem:$0x3FB6] =	sst s10  }
0x38: {  	s10 =	sld [smem:$0x3FB7]  }
0x39: {  	_ = 	snop;
	(pc) =	sbr.ind lr, $3  }
0x3a: {  	_ = 	snop  }
0x3b: {  	_ = 	snop  }
0x3c: {  	p2 =	seq.s32 s10, $0x1;
	s10 =	sld [smem:$0x3FB6]  }
0x3d: {  	_ =	shalt  }
0x3e: {  	_ =	shalt  }
0x3f: {  	_ =	shalt  }
0x40: {  	_ =	shalt  }
0x41: {  	_ =	shalt  }
0x42: {  	_ =	shalt  }
0x43: {  	_ =	shalt  }
0x44: {  	_ =	shalt  }
0x45: {  	_ =	shalt  }
0x46: {  	_ =	shalt  }
0x47: {  	_ =	shalt  }
0x48: {  	_ =	shalt  }
0x49: {  	_ =	shalt  }
0x4a: {  	_ =	shalt  }
0x4b: {  	_ =	shalt  }
0x4c: {  	_ =	shalt  }
0x4d: {  	_ =	shalt  }
0x4e: {  	_ =	shalt  }
0x4f: {  	_ =	shalt  }
0x50: {  	_ =	shalt  }
0x51: {  	_ =	shalt  }
0x52: {  	_ =	shalt  }
0x53: {  	_ =	shalt  }
0x54: {  	_ =	shalt  }
0x55: {  	_ =	shalt  }
0x56: {  	_ =	shalt  }
0x57: {  	_ =	shalt  }
0x58: {  	_ =	shalt  }
0x59: {  	_ =	shalt  }
0x5a: {  	_ =	shalt  }
0x5b: {  	_ =	shalt  }
0x5c: {  	_ =	shalt  }
0x5d: {  	_ =	shalt  }
0x5e: {  	_ =	shalt  }
0x5f: {  	_ =	shalt  }
0x60: {  	_ =	shalt  }
0x61: {  	_ =	shalt  }
0x62: {  	_ =	shalt  }
0x63: {  	_ =	shalt  }
0x64: {  	_ =	shalt  }
0x65: {  	_ =	shalt  }
0x66: {  	_ =	shalt  }
0x67: {  	_ =	shalt  }
0x68: {  	_ =	shalt  }
0x69: {  	_ =	shalt  }
0x6a: {  	_ =	shalt  }
0x6b: {  	_ =	shalt  }
0x6c: {  	_ =	shalt  }
0x6d: {  	_ =	shalt  }
0x6e: {  	_ =	shalt  }
0x6f: {  	_ =	shalt  }
0x70: {  	_ =	shalt  }
0x71: {  	_ =	shalt  }
0x72: {  	_ =	shalt  }
0x73: {  	_ =	shalt  }
0x74: {  	_ =	shalt  }
0x75: {  	_ =	shalt  }
0x76: {  	_ =	shalt  }
0x77: {  	_ =	shalt  }
0x78: {  	_ =	shalt  }
0x79: {  	_ =	shalt  }
0x7a: {  	_ =	shalt  }
0x7b: {  	_ =	shalt  }
0x7c: {  	_ =	shalt  }
0x7d: {  	_ =	shalt  }
0x7e: {  	_ =	shalt  }
0x7f: {  	_ =	shalt  }
0x80: {  	_ =	shalt  }
0x81: {  	_ =	shalt  }
0x82: {  	_ =	shalt  }
0x83: {  	_ =	shalt  }
0x84: {  	_ =	shalt  }
0x85: {  	_ =	shalt  }
0x86: {  	_ =	shalt  }
0x87: {  	_ =	shalt  }
.Lfunc_end0:
.L_simem_size_0:
called_computation.1_lowered:
.L_overlay_start_0:
0x88: {  	s2 =	sld [smem:$0x3FD9]  }
0x89: {  	s3 =	sld [smem:$0x3FFE];
	_ =	sdelay $0x1  }
0x8a: {  	s1 =	srdreg.scid  }
0x8b: {  	s0 =	sand.u32 $0x1, s1  }
0x8c: {  	s17 =	sshll.u32 s0, $0xA;
	s2 =	sadd.s32 s3, s2  }
0x8d: {  	s2 =	sadd.s32 s2, s17  }
0x8e: {  	[smem:$0x3FC2] =	sst s2  }
0x8f: {  	_ = 	snop  }
0x90: {  	s2 =	sld [smem:$0x3FD0];
	(tm) =	ssettm $0x1  }
0x91: {  	s18 =	sld [smem:$0x3FFB];
	_ =	sdelay $0x3  }
0x92: {  	_ =	strace s18  }
0x93: {  	s3 =	sld [smem:$0x3FFC];
	_ =	sdelay $0x3  }
0x94: {  	_ =	strace s3  }
0x95: {  	s3 =	sld [smem:$0x3FFD];
	_ =	sdelay $0x3  }
0x96: {  	_ =	strace s3  }
0x97: {  	_ =	strace $0x8FFFFFFF  }
0x98: {  	s19 =	sld [smem:$0x3FDB];
	_ =	sdelay $0x1  }
0x99: {  	s4 =	simm.s32 $_scs_section_size  }
0x9a: {  	s5 =	simm.s32 $_size__tile_overlayer_lowered;
	s6 =	simm.s32 $_tile_overlayer_lowered  }
0x9b: {  	s22 =	simm.s32 $0x1BFF;
	s21 =	sshll.u32 s6, $0x1;
	s3 =	sadd.s32 s4, s19  }
0x9c: {  	s7 =	simm.s32 $0x0;
	s20 =	sshll.u32 s5, $0x1;
	s5 =	sadd.s32 s21, s3  }
0x9d: {  	[timem:s7], [sflag:s22] =	dma.local [hbm:s5], s20  }
0x9e: {  	_ =	swait.ge [sflag:s22], s20  }
0x9f: {  	s4 =	ssub.s32 $0x0, s20;
	[sflag:s22] =	ssyncset.done $0x0  }
0xa0: {  	[sflag:s22] =	ssyncadd.s32 s4;
	_ =	sdelay $0x1  }
0xa1: {  	s23 =	simm.s32 $0x1B8B  }
0xa2: {  	_ =	swait.ge [sflag:s23], $0x1  }
0xa3: {  	[sflag:s23] =	ssyncset.done $0x0  }
0xa4: {  	s25 =	simm.s32 $0x1B8E;
	s24 =	sld [smem:$0x3FFE];
	[sflag:s23] =	ssyncadd.s32 $0xFFFFFFFF  }
0xa5: {  	s26 =	simm.s32 $execute0_lowered;
	[smem:$0x3FD2] =	sst s25  }
0xa6: {  	s5 =	sshll.u32 s26, $0x1;
	_ =	strace $0x80000049;
	[dreg:$0x1] =	wrdreg $0xFFFFFFFF  }
0xa7: {  	s28 =	simm.s32 $_size_execute0_lowered;
	s3 =	sadd.s32 s3, s5;
	[dreg:$0x0] =	wrdreg $0x0  }
0xa8: {  	s5 =	sshll.u32 s28, $0x1;
	[dreg:$0x2] =	wrdreg s3  }
0xa9: {  	[dreg:$0x3] =	wrdreg s5  }
0xaa: {  	[dreg:$0x4] =	wrdreg $0xC0  }
0xab: {  	_ =	task [dreg:s7], $0x5FFFF  }
0xac: {  	[dreg:$0x1] =	wrdreg $0xFFFFFFFF  }
0xad: {  	[dreg:$0x0] =	wrdreg $0x60  }
0xae: {  	[dreg:$0x2] =	wrdreg s24  }
0xaf: {  	[dreg:$0x3] =	wrdreg s2  }
0xb0: {  	[dreg:$0x4] =	wrdreg $0x0  }
0xb1: {  	[dreg:$0x5] =	wrdreg $0x9  }
0xb2: {  	_ =	task.clear_ibuf [dreg:s7], $0x6FFFF;
	_ =	strace $0x90000049  }
0xb3: {  	s29 =	simm.s32 $0x9;
	_ =	strace $0x8000004B  }
0xb4: {  	_ =	swait.ge [sflag:s29], $0x1  }
0xb5: {  	[sflag:s29] =	ssyncadd.s32 $0xFFFFFFFF  }
0xb6: {  	_ =	strace $0x9000004B  }
0xb7: {  	_ =	sfence  }
0xb8: {  	s30 =	sld [smem:$0x0];
	_ =	sdelay $0x2  }
0xb9: {  	s31 =	sshll.u32 s1, $0xD;
	s1 =	sshrl.u32 s1, $0x2  }
0xba: {  	s3 =	sand.u32 $0x4000, s31;
	s1 =	sadd.s32 s1, s30  }
0xbb: {  	s0 =	sor.u32 s3, s0;
	s1 =	sshll.u32 s1, $0x11  }
0xbc: {  	s0 =	sor.u32 s1, s0  }
0xbd: {  	s0 =	sadd.s32 $0x8F2B, s0  }
0xbe: {  	[sflag:s0] =	ssyncadd.remote.s32 $0x1  }
0xbf: {  	_ =	sfence.sel $0xFFFF  }
0xc0: {  	[dreg:$0x0] =	wrdreg $0xFFFFFFFF;
	(pc) =	sbr.abs _section_cstart, $3  }
0xc1: {  	[dreg:$0x1] =	wrdreg $0xFFFFFFFF  }
0xc2: {  	_ =	task.clear_ibuf [dreg:s7], $0x2FFFF;
	_ =	strace $0x9FFFFFFF  }
0xc3: {  	(tm) =	ssettm $0x7FFFFFFF  }
tec
execute0_lowered:
.L_overlay_start_1:
0x0: {  	(tag) =	ssettag $0x1  }
0x1: {  	s0 =	rddreg [dreg:$0x0]  }
0x2: {  	s2 =	rddreg [dreg:$0x1]  }
0x3: {  	s1 =	rddreg [dreg:$0x2]  }
0x4: {  	s3 =	srdreg.scid;
	s12 =	stileid.u32;
	s28 =	simm.s32 $0x5  }
0x5: {  	s29 =	simm.s32 $0x14000;
	s30 =	simm.s32 $0x15400;
	s31 =	simm.s32 $0x80  }
0x6: {  	s6 =	sand.u32 $0x1, s3;
	s3 =	simm.s32 $0x0;
	s7 =	smul.u32 $0x14000, s12  }
0x7: {  	s4 =	sadd.s32 $0xCC00, s0;
	s8 =	sadd.s32 $0x2800, s0;
	s9 =	smul.u32 $0x50000, s12  }
0x8: {  	s5 =	smul.u32 $0x140000, s6;
	[smem:$0x7FF] =	sst s3;
	p0 =	seq.s32 s6, $0x0  }
0x9: {  	s10 =	smul.u32 $0x900, s6;
	s11 =	ssub.s32 $0x2, s6;
	_ =	strace $0x8000004A  }
0xa: {  	s9 =	sshrl.u32 s9, $0x2;
	s5 =	sadd.s32 s7, s5;
	s7 =	simm.s32 $0x90  }
0xb: {  	s13 =	sshrl.u32 s11, $0x1;
	s5 =	sshrl.u32 s5, $0x3;
	s7 =	simm.s32 @!p0 $0x10  }
0xc: {  	p0 =	sne.s32 s6, $0x0;
	s0 =	sadd.s32 s5, s0;
	s5 =	sadd.s32 s9, s1  }
0xd: {  	s12 =	smul.u32 s12, s7;
	s9 =	ssub.s32 s11, s13;
	s21 =	sadd.s32 $0x4000, s5  }
0xe: {  	s16 =	smin.u32 s7, $0x78;
	s22 =	sadd.s32 $0x8000, s5;
	[dreg:$0x4] =	wrdreg s21  }
0xf: {  	s13 =	simm.s32 $0x2;
	s23 =	sadd.s32 $0xC000, s5;
	[dreg:$0x5] =	wrdreg s22  }
0x10: {  	s24 =	sadd.s32 $0x10000, s5;
	s0 =	sadd.s32 $0x34C00, s0;
	[dreg:$0x6] =	wrdreg s23  }
0x11: {  	s20 =	sadd.s32 s10, s12;
	[dreg:$0x7] =	wrdreg s24;
	s10 =	smin.u32 s7, $0x28  }
0x12: {  	s12 =	sshll.u32 s12, $0x4;
	[dreg:$0x10] =	wrdreg s0;
	s22 =	smax.u32 s9, $0x1  }
0x13: {  	s0 =	simm.s32 $0x14080;
	s11 =	sshll.u32 s20, $0x4;
	s26 =	sadd.s32 $0x280, s12  }
0x14: {  	s14 =	sadd.s32 $0x500, s12;
	s12 =	sadd.s32 $0x780, s12;
	s25 =	sadd.s32 s2, s11  }
0x15: {  	s24 =	sshll.u32 s10, $0x9;
	s11 =	sadd.s32 s8, s11;
	[dreg:$0x8] =	wrdreg s25  }
0x16: {  	s15 =	sadd.s32 s2, s26;
	s17 =	sadd.s32 s2, s14;
	[dreg:$0x9] =	wrdreg s11  }
0x17: {  	s18 =	sadd.s32 s8, s14;
	s2 =	sadd.s32 s2, s12;
	[dreg:$0xa] =	wrdreg s15  }
0x18: {  	s20 =	sadd.s32 s8, s12;
	s23 =	sadd.s32 $0xFFFFF800, s24;
	[dreg:$0xc] =	wrdreg s17  }
0x19: {  	s24 =	simm.s32 $0x1A800;
	s14 =	simm.s32 $0x15480;
	[dreg:$0xd] =	wrdreg s18  }
0x1a: {  	s11 =	sadd.s32 s8, s26;
	s15 =	sadd.s32 $0xFFFFFFB0, s16;
	[dreg:$0xe] =	wrdreg s2  }
0x1b: {  	s18 =	sadd.s32 $0xFFFFFF88, s7;
	[dreg:$0xf] =	wrdreg s20;
	s16 =	simm.s32 $0x3  }
.Ltmp0:
0x1c: {  	s17 =	simm.s32 $0x14100;
	s20 =	simm.s32 $0x0;
	(pc) =	sbr.rel .LBB2_1-.Ltmp0, $4  }
0x1d: {  	[dreg:$0xb] =	wrdreg s11;
	s19 =	sshra.s32 s15, $0x1;
	s21 =	sshra.s32 s18, $0x1  }
0x1e: {  	p1 =	slt.s32 s19, $0x1;
	s25 =	sadd.s32 $0xFFFFFFFF, s19;
	p2 =	slt.s32 s21, $0x1  }
0x1f: {  	s26 =	sadd.s32 $0xFFFFFFFF, s21;
	s19 =	simm.s32 $0x4;
	[dreg:$0x11] =	wrdreg s25  }
0x20: {  	v0 =	vimm.f32 $0.0e+00;
	[dreg:$0x12] =	wrdreg s26;
	s26 =	simm.s32 $0x16800;
	s25 =	simm.s32 $0x1  }
.LBB2_16:
0x21: {  	[sflag:s9] =	ssyncadd.s32 @!p4 $0xFFFFC000  }
0x22: {  	[tilespmem:s11], [sflag:$0x1] =	stream.indirect.gather @!p4 [hbm4b:s4+s21], $0x80, s12, s21, $0xb8;
	[tilespmem:$0x1E800] =	vst v63  }
.LBB2_17:
0x23: {  	_ =	swait.ge [sflag:s16], $0x4000  }
0x24: {  	[sflag:s16] =	ssyncset.done $0x0  }
0x25: {  	[sflag:s16] =	ssyncadd.s32 $0xFFFFC000  }
0x26: {  	_ =	swait.ge [sflag:s19], $0x4000  }
0x27: {  	[sflag:s19] =	ssyncset.done $0x0  }
0x28: {  	[sflag:s19] =	ssyncadd.s32 $0xFFFFC000  }
.LBB2_18:
0x29: {  	s2 =	stileid.u32;
	[bflag:$0x0] =	sbarrier.arrive $0xFFFF;
	s20 =	sadd.s32 $0x1, s20  }
0x2a: {  	s6 =	sshrl.u32 s5, $0x3;
	s2 =	sshll.u32 s2, $0x6;
	p3 =	sne.s32 s20, s22  }
.Ltmp1:
0x2b: {  	s7 =	rddreg [dreg:$0x10];
	s2 =	sor.u32 $0x1C05, s2;
	(pc) =	sbr.rel @!p3 .LBB2_19-.Ltmp1, $4  }
0x2c: {  	[hbm:s7], [sflag:s2] =	dma.local [spmem:s6], $0x2800  }
0x2d: {  	_ =	swait.ge [sflag:s28], $0x2800  }
0x2e: {  	[sflag:s28] =	ssyncset.done $0x0  }
0x2f: {  	[sflag:s28] =	ssyncadd.s32 $0xFFFFD800  }
.LBB2_1:
0x30: {  	s2 =	simm.s32 $0x0;
	s6 =	simm.s32 $0x200  }
.LBB2_2:
0x31: {  	p3 =	sne.s32 s6, $0xFE00;
	[tilespmem:s2+$0x16870] =	vst v0  }
0x32: {  	[tilespmem:s2+$0x16800] =	vst v0  }
0x33: {  	[tilespmem:s2+$0x16810] =	vst v0  }
.Ltmp2:
0x34: {  	[tilespmem:s2+$0x16820] =	vst v0;
	(pc) =	sbr.rel @p3 .LBB2_2-.Ltmp2, $4  }
0x35: {  	[tilespmem:s2+$0x16830] =	vst v0  }
0x36: {  	[tilespmem:s2+$0x16840] =	vst v0  }
0x37: {  	[tilespmem:s2+$0x16850] =	vst v0  }
0x38: {  	[tilespmem:s2+$0x16860] =	vst v0;
	s2 =	sshra.s32 s6, $0x2;
	s6 =	sadd.s32 $0x200, s6  }
0x39: {  	[tilespmem:s2+$0x16870] =	vst v0  }
0x3a: {  	[tilespmem:s2+$0x16800] =	vst v0  }
0x3b: {  	[tilespmem:s2+$0x16810] =	vst v0  }
0x3c: {  	[tilespmem:s2+$0x16820] =	vst v0  }
0x3d: {  	[tilespmem:s2+$0x16830] =	vst v0  }
0x3e: {  	[tilespmem:s2+$0x16840] =	vst v0  }
0x3f: {  	[tilespmem:s2+$0x16850] =	vst v0  }
0x40: {  	[tilespmem:s2+$0x16860] =	vst v0  }
0x41: {  	[spmem:s5] =	stream.linear.scatter [tilespmem:s26], [sflag:$0x5], $0x4000, $0x38;
	[tilespmem:$0x1E800] =	vst v63  }
0x42: {  	_ =	swait.ge [sflag:s28], $0x4000  }
0x43: {  	[sflag:s28] =	ssyncset.done $0x0  }
0x44: {  	s21 =	rddreg [dreg:$0x4];
	[sflag:s28] =	ssyncadd.s32 $0xFFFFC000  }
0x45: {  	[spmem:s21] =	stream.linear.scatter [tilespmem:s26], [sflag:$0x5], $0x4000, $0x38;
	[tilespmem:$0x1E800] =	vst v63  }
0x46: {  	_ =	swait.ge [sflag:s28], $0x4000  }
0x47: {  	[sflag:s28] =	ssyncset.done $0x0  }
0x48: {  	s6 =	rddreg [dreg:$0x5];
	[sflag:s28] =	ssyncadd.s32 $0xFFFFC000  }
0x49: {  	[spmem:s6] =	stream.linear.scatter [tilespmem:s26], [sflag:$0x5], $0x4000, $0x38;
	[tilespmem:$0x1E800] =	vst v63  }
0x4a: {  	_ =	swait.ge [sflag:s28], $0x4000  }
0x4b: {  	[sflag:s28] =	ssyncset.done $0x0  }
0x4c: {  	s7 =	rddreg [dreg:$0x6];
	[sflag:s28] =	ssyncadd.s32 $0xFFFFC000  }
0x4d: {  	[spmem:s7] =	stream.linear.scatter [tilespmem:s26], [sflag:$0x5], $0x4000, $0x38;
	[tilespmem:$0x1E800] =	vst v63  }
0x4e: {  	_ =	swait.ge [sflag:s28], $0x4000  }
0x4f: {  	[sflag:s28] =	ssyncset.done $0x0  }
0x50: {  	s8 =	rddreg [dreg:$0x7];
	[sflag:s28] =	ssyncadd.s32 $0xFFFFC000  }
0x51: {  	[spmem:s8] =	stream.linear.scatter [tilespmem:s26], [sflag:$0x5], $0x4000, $0x38;
	[tilespmem:$0x1E800] =	vst v63  }
0x52: {  	_ =	swait.ge [sflag:s28], $0x4000  }
0x53: {  	[sflag:s28] =	ssyncset.done $0x0  }
0x54: {  	[sflag:s28] =	ssyncadd.s32 $0xFFFFC000  }
0x55: {  	[bflag:$0x0] =	sbarrier.arrive $0xFFFF  }
0x56: {  	s9 =	simm.s32 $0x0;
	s6 =	rddreg [dreg:$0x8]  }
0x57: {  	[tilespmem:s29], [sflag:$0x5] =	stream.linear.gather [hbm4b:s6+s9], $0x1400, $0x38;
	[tilespmem:$0x1E800] =	vst v63  }
0x58: {  	_ =	swait.ge [sflag:s28], $0x1400  }
0x59: {  	[sflag:s28] =	ssyncset.done $0x0  }
0x5a: {  	s11 =	rddreg [dreg:$0x9];
	[sflag:s28] =	ssyncadd.s32 $0xFFFFEC00  }
0x5b: {  	[tilespmem:s30], [sflag:$0x5] =	stream.linear.gather [hbm4b:s11+s9], $0x1400, $0x38;
	[tilespmem:$0x1E800] =	vst v63  }
0x5c: {  	_ =	swait.ge [sflag:s28], $0x1400  }
0x5d: {  	[sflag:s28] =	ssyncset.done $0x0  }
0x5e: {  	[sflag:s28] =	ssyncadd.s32 $0xFFFFEC00  }
0x5f: {  	[tilespmem:s26], [sflag:$0x1] =	stream.indirect.gather [hbm4b:s4+s31], $0x80, s29, s31, $0xb8;
	[tilespmem:$0x1E800] =	vst v63  }
0x60: {  	_ = 	snop  }
0x61: {  	[tilespmem:s24], [sflag:$0x2] =	stream.indirect.gather [hbm4b:s4+s31], $0x80, s0, s31, $0xb8;
	[tilespmem:$0x1E800] =	vst v63  }
0x62: {  	_ =	swait.ge [sflag:s25], $0x4000  }
0x63: {  	[sflag:s25] =	ssyncset.done $0x0  }
0x64: {  	[sflag:s25] =	ssyncadd.s32 $0xFFFFC000  }
0x65: {  	[spmem:s1] =	stream.indirect.scatter.add.f32 [tilespmem:s26], [sflag:$0x3], $0x80, s30, s31, $0xb8;
	[tilespmem:$0x1E800] =	vst v63  }
0x66: {  	_ =	swait.ge [sflag:s13], $0x4000  }
0x67: {  	[sflag:s13] =	ssyncset.done $0x0  }
0x68: {  	[sflag:s13] =	ssyncadd.s32 $0xFFFFC000  }
0x69: {  	[spmem:s1] =	stream.indirect.scatter.add.f32 [tilespmem:s24], [sflag:$0x4], $0x80, s14, s31, $0xb8;
	[tilespmem:$0x1E800] =	vst v63  }
0x6a: {  	_ =	swait.ge [sflag:s16], $0x4000  }
0x6b: {  	[sflag:s16] =	ssyncset.done $0x0  }
0x6c: {  	[sflag:s16] =	ssyncadd.s32 $0xFFFFC000  }
0x6d: {  	[tilespmem:s26], [sflag:$0x1] =	stream.indirect.gather [hbm4b:s4+s31], $0x80, s17, s31, $0xb8;
	[tilespmem:$0x1E800] =	vst v63  }
0x6e: {  	_ =	swait.ge [sflag:s25], $0x4000  }
0x6f: {  	p3 =	sle.u32 s10, $0x3;
	[sflag:s25] =	ssyncset.done $0x0  }
0x70: {  	s12 =	simm.s32 $0x15500;
	s6 =	simm.s32 @!p3 $0x4;
	[sflag:s25] =	ssyncadd.s32 $0xFFFFC000  }
0x71: {  	[spmem:s1] =	stream.indirect.scatter.add.f32 [tilespmem:s26], [sflag:$0x3], $0x80, s12, s31, $0xb8;
	[tilespmem:$0x1E800] =	vst v63  }
0x72: {  	_ =	swait.ge @!p3 [sflag:s6], $0x4000  }
0x73: {  	s2 =	simm.s32 @!p3 $0x14180;
	[sflag:s6] =	ssyncset.done @!p3 $0x0  }
0x74: {  	s7 =	simm.s32 @!p3 $0x80;
	s8 =	simm.s32 @!p3 $0x1A800;
	[sflag:s6] =	ssyncadd.s32 @!p3 $0xFFFFC000  }
0x75: {  	[tilespmem:s8], [sflag:$0x2] =	stream.indirect.gather @!p3 [hbm4b:s4+s7], $0x80, s2, s7, $0xb8;
	[tilespmem:$0x1E800] =	vst v63  }
0x76: {  	p4 =	sne.s32 s23, $0x400;
	s21 =	simm.s32 $0x15580;
	_ =	swait.ge [sflag:s13], $0x4000  }
.Ltmp3:
0x77: {  	p3 =	sle.u32 s10, $0x4;
	[sflag:s13] =	ssyncset.done $0x0;
	(pc) =	sbr.rel @!p4 .LBB2_5-.Ltmp3, $4  }
0x78: {  	s6 =	simm.s32 $0x4;
	s7 =	simm.s32 @!p3 $0x3;
	[sflag:s13] =	ssyncadd.s32 $0xFFFFC000  }
0x79: {  	[spmem:s1] =	stream.indirect.scatter.add.f32 [tilespmem:s24], [sflag:$0x4], $0x80, s21, s31, $0xb8;
	[tilespmem:$0x1E800] =	vst v63  }
0x7a: {  	s2 =	simm.s32 $0x400;
	s8 =	simm.s32 @!p3 $0x14200;
	_ =	swait.ge @!p3 [sflag:s7], $0x4000  }
0x7b: {  	s9 =	simm.s32 @!p3 $0x80;
	s11 =	simm.s32 @!p3 $0x16800;
	[sflag:s7] =	ssyncset.done @!p3 $0x0  }
.LBB2_4:
0x7c: {  	[sflag:s7] =	ssyncadd.s32 @!p3 $0xFFFFC000  }
0x7d: {  	s6 =	sadd.s32 $0x2, s6;
	s12 =	smov.u32 s2;
	s2 =	sadd.s32 $0x400, s2  }
0x7e: {  	[tilespmem:s11], [sflag:$0x1] =	stream.indirect.gather @!p3 [hbm4b:s4+s9], $0x80, s8, s9, $0xb8;
	[tilespmem:$0x1E800] =	vst v63  }
0x7f: {  	s7 =	sshra.s32 s12, $0x2;
	s8 =	sadd.s32 $0xFFFFFFFF, s6;
	_ =	swait.ge [sflag:s25], $0x4000  }
0x80: {  	s9 =	sadd.s32 $0x15500, s7;
	p3 =	sge.u32 s8, s10;
	[sflag:s25] =	ssyncset.done $0x0  }
0x81: {  	s8 =	simm.s32 @!p3 $0x4;
	s11 =	sshra.s32 @!p3 s12, $0x2;
	[sflag:s25] =	ssyncadd.s32 $0xFFFFC000  }
0x82: {  	[spmem:s1] =	stream.indirect.scatter.add.f32 [tilespmem:s26], [sflag:$0x3], $0x80, s9, s31, $0xb8;
	[tilespmem:$0x1E800] =	vst v63  }
0x83: {  	p4 =	sne.s32 s23, s2;
	s9 =	sadd.s32 @!p3 $0x14180, s11;
	_ =	swait.ge @!p3 [sflag:s8], $0x4000  }
0x84: {  	s21 =	simm.s32 @!p3 $0x1A800;
	s11 =	simm.s32 @!p3 $0x80;
	[sflag:s8] =	ssyncset.done @!p3 $0x0  }
0x85: {  	[sflag:s8] =	ssyncadd.s32 @!p3 $0xFFFFC000  }
0x86: {  	[tilespmem:s21], [sflag:$0x2] =	stream.indirect.gather @!p3 [hbm4b:s4+s11], $0x80, s9, s11, $0xb8;
	[tilespmem:$0x1E800] =	vst v63  }
0x87: {  	p3 =	sge.u32 s6, s10;
	_ =	swait.ge [sflag:s13], $0x4000  }
.Ltmp4:
0x88: {  	s8 =	sadd.s32 $0x15580, s7;
	[sflag:s13] =	ssyncset.done $0x0;
	(pc) =	sbr.rel @p4 .LBB2_4-.Ltmp4, $4  }
0x89: {  	s7 =	simm.s32 @!p3 $0x3;
	s9 =	sshra.s32 @!p3 s12, $0x2;
	[sflag:s13] =	ssyncadd.s32 $0xFFFFC000  }
0x8a: {  	[spmem:s1] =	stream.indirect.scatter.add.f32 [tilespmem:s24], [sflag:$0x4], $0x80, s8, s31, $0xb8;
	[tilespmem:$0x1E800] =	vst v63  }
0x8b: {  	s8 =	sadd.s32 @!p3 $0x14200, s9;
	_ =	swait.ge @!p3 [sflag:s7], $0x4000  }
0x8c: {  	s11 =	simm.s32 @!p3 $0x16800;
	s9 =	simm.s32 @!p3 $0x80;
	[sflag:s7] =	ssyncset.done @!p3 $0x0  }
.LBB2_5:
0x8d: {  	[sflag:s7] =	ssyncadd.s32 @!p3 $0xFFFFC000  }
0x8e: {  	[tilespmem:s11], [sflag:$0x1] =	stream.indirect.gather @!p3 [hbm4b:s4+s9], $0x80, s8, s9, $0xb8;
	[tilespmem:$0x1E800] =	vst v63  }
0x8f: {  	s6 =	sadd.s32 $0x2, s6;
	_ =	swait.ge [sflag:s25], $0x4000  }
0x90: {  	s12 =	sshra.s32 s2, $0x2;
	s21 =	sadd.s32 $0xFFFFFFFF, s6;
	[sflag:s25] =	ssyncset.done $0x0  }
0x91: {  	s7 =	sadd.s32 $0x15500, s12;
	p3 =	slt.u32 s21, s10;
	[sflag:s25] =	ssyncadd.s32 $0xFFFFC000  }
0x92: {  	[spmem:s1] =	stream.indirect.scatter.add.f32 [tilespmem:s26], [sflag:$0x3], $0x80, s7, s31, $0xb8;
	[tilespmem:$0x1E800] =	vst v63  }
0x93: {  	s7 =	simm.s32 @p3 $0x4  }
0x94: {  	_ =	swait.ge @p3 [sflag:s7], $0x4000  }
0x95: {  	[sflag:s7] =	ssyncset.done @p3 $0x0  }
0x96: {  	[sflag:s7] =	ssyncadd.s32 @p3 $0xFFFFC000;
	s7 =	sshra.s32 @p3 s2, $0x2  }
0x97: {  	s8 =	simm.s32 @p3 $0x80;
	s9 =	simm.s32 @p3 $0x1A800;
	s7 =	sadd.s32 @p3 $0x14180, s7  }
0x98: {  	[tilespmem:s9], [sflag:$0x2] =	stream.indirect.gather @p3 [hbm4b:s4+s8], $0x80, s7, s8, $0xb8;
	[tilespmem:$0x1E800] =	vst v63  }
0x99: {  	s7 =	sadd.s32 @p3 $0x600, s2;
	s8 =	sadd.s32 @!p3 $0x600, s2  }
0x9a: {  	s8 =	smov.u32 @p3 s7;
	_ =	swait.ge [sflag:s13], $0x4000  }
0x9b: {  	p3 =	sge.u32 s6, s10;
	[sflag:s13] =	ssyncset.done $0x0;
	s7 =	sshra.s32 s8, $0x2  }
0x9c: {  	s6 =	simm.s32 @!p3 $0x3;
	[sflag:s13] =	ssyncadd.s32 $0xFFFFC000;
	s7 =	sadd.s32 $0x15400, s7  }
0x9d: {  	[spmem:s1] =	stream.indirect.scatter.add.f32 [tilespmem:s24], [sflag:$0x4], $0x80, s7, s31, $0xb8;
	[tilespmem:$0x1E800] =	vst v63  }
0x9e: {  	s2 =	sshra.s32 @!p3 s2, $0x2;
	_ =	swait.ge @!p3 [sflag:s6], $0x4000  }
0x9f: {  	s2 =	sadd.s32 @!p3 $0x14200, s2;
	[sflag:s6] =	ssyncset.done @!p3 $0x0  }
0xa0: {  	s7 =	simm.s32 @!p3 $0x16800;
	[sflag:s6] =	ssyncadd.s32 @!p3 $0xFFFFC000;
	s6 =	simm.s32 @!p3 $0x80  }
0xa1: {  	[tilespmem:s7], [sflag:$0x1] =	stream.indirect.gather @!p3 [hbm4b:s4+s6], $0x80, s2, s6, $0xb8;
	[tilespmem:$0x1E800] =	vst v63  }
0xa2: {  	_ =	swait.ge [sflag:s16], $0x4000  }
.Ltmp5:
0xa3: {  	[sflag:s16] =	ssyncset.done $0x0;
	(pc) =	sbr.rel @p0 .LBB2_18-.Ltmp5, $4  }
0xa4: {  	[sflag:s16] =	ssyncadd.s32 $0xFFFFC000  }
0xa5: {  	_ =	swait.ge [sflag:s19], $0x4000  }
0xa6: {  	[sflag:s19] =	ssyncset.done $0x0  }
0xa7: {  	[sflag:s19] =	ssyncadd.s32 $0xFFFFC000  }
0xa8: {  	s2 =	rddreg [dreg:$0xa]  }
0xa9: {  	[tilespmem:s29], [sflag:$0x5] =	stream.linear.gather [hbm4b:s2+s3], $0x1400, $0x38;
	[tilespmem:$0x1E800] =	vst v63  }
0xaa: {  	_ =	swait.ge [sflag:s28], $0x1400  }
0xab: {  	[sflag:s28] =	ssyncset.done $0x0  }
0xac: {  	s21 =	rddreg [dreg:$0xb];
	[sflag:s28] =	ssyncadd.s32 $0xFFFFEC00  }
0xad: {  	[tilespmem:s30], [sflag:$0x5] =	stream.linear.gather [hbm4b:s21+s3], $0x1400, $0x38;
	[tilespmem:$0x1E800] =	vst v63  }
0xae: {  	_ =	swait.ge [sflag:s28], $0x1400  }
0xaf: {  	[sflag:s28] =	ssyncset.done $0x0  }
0xb0: {  	[sflag:s28] =	ssyncadd.s32 $0xFFFFEC00  }
0xb1: {  	[tilespmem:s26], [sflag:$0x1] =	stream.indirect.gather [hbm4b:s4+s31], $0x80, s29, s31, $0xb8;
	[tilespmem:$0x1E800] =	vst v63  }
0xb2: {  	_ = 	snop  }
0xb3: {  	[tilespmem:s24], [sflag:$0x2] =	stream.indirect.gather [hbm4b:s4+s31], $0x80, s0, s31, $0xb8;
	[tilespmem:$0x1E800] =	vst v63  }
0xb4: {  	_ =	swait.ge [sflag:s25], $0x4000  }
0xb5: {  	[sflag:s25] =	ssyncset.done $0x0  }
0xb6: {  	[sflag:s25] =	ssyncadd.s32 $0xFFFFC000  }
0xb7: {  	[spmem:s1] =	stream.indirect.scatter.add.f32 [tilespmem:s26], [sflag:$0x3], $0x80, s30, s31, $0xb8;
	[tilespmem:$0x1E800] =	vst v63  }
0xb8: {  	_ =	swait.ge [sflag:s13], $0x4000  }
0xb9: {  	[sflag:s13] =	ssyncset.done $0x0  }
0xba: {  	[sflag:s13] =	ssyncadd.s32 $0xFFFFC000  }
0xbb: {  	[spmem:s1] =	stream.indirect.scatter.add.f32 [tilespmem:s24], [sflag:$0x4], $0x80, s14, s31, $0xb8;
	[tilespmem:$0x1E800] =	vst v63  }
0xbc: {  	_ =	swait.ge [sflag:s16], $0x4000  }
0xbd: {  	[sflag:s16] =	ssyncset.done $0x0  }
0xbe: {  	s2 =	simm.s32 $0xFFFFB800;
	[sflag:s16] =	ssyncadd.s32 $0xFFFFC000  }
0xbf: {  	[tilespmem:s26], [sflag:$0x1] =	stream.indirect.gather [hbm4b:s4+s31], $0x80, s17, s31, $0xb8;
	[tilespmem:$0x1E800] =	vst v63  }
.LBB2_7:
0xc0: {  	_ =	swait.ge [sflag:s25], $0x4000  }
0xc1: {  	s6 =	sshra.s32 s2, $0x2;
	[sflag:s25] =	ssyncset.done $0x0  }
0xc2: {  	s7 =	sadd.s32 $0x16700, s6;
	[sflag:s25] =	ssyncadd.s32 $0xFFFFC000  }
0xc3: {  	[spmem:s1] =	stream.indirect.scatter.add.f32 [tilespmem:s26], [sflag:$0x3], $0x80, s7, s31, $0xb8;
	[tilespmem:$0x1E800] =	vst v63  }
0xc4: {  	_ =	swait.ge [sflag:s19], $0x4000  }
0xc5: {  	[sflag:s19] =	ssyncset.done $0x0  }
0xc6: {  	s12 =	sadd.s32 $0x15380, s6;
	[sflag:s19] =	ssyncadd.s32 $0xFFFFC000  }
0xc7: {  	[tilespmem:s24], [sflag:$0x2] =	stream.indirect.gather [hbm4b:s4+s31], $0x80, s12, s31, $0xb8;
	[tilespmem:$0x1E800] =	vst v63  }
0xc8: {  	_ =	swait.ge [sflag:s13], $0x4000  }
0xc9: {  	p3 =	seq.s32 s2, $0x0;
	[sflag:s13] =	ssyncset.done $0x0  }
.Ltmp6:
0xca: {  	s21 =	sadd.s32 $0x16780, s6;
	[sflag:s13] =	ssyncadd.s32 $0xFFFFC000;
	(pc) =	sbr.rel @p3 .LBB2_9-.Ltmp6, $4  }
0xcb: {  	[spmem:s1] =	stream.indirect.scatter.add.f32 [tilespmem:s24], [sflag:$0x4], $0x80, s21, s31, $0xb8;
	[tilespmem:$0x1E800] =	vst v63  }
0xcc: {  	_ =	swait.ge [sflag:s16], $0x4000  }
0xcd: {  	[sflag:s16] =	ssyncset.done $0x0  }
0xce: {  	[sflag:s16] =	ssyncadd.s32 $0xFFFFC000  }
.Ltmp7:
0xcf: {  	(pc) =	sbr.rel .LBB2_7-.Ltmp7, $3  }
0xd0: {  	_ =	sdelay $0x1  }
0xd1: {  	s6 =	sadd.s32 $0x15400, s6;
	s2 =	sadd.s32 $0x400, s2  }
0xd2: {  	[tilespmem:s26], [sflag:$0x1] =	stream.indirect.gather [hbm4b:s4+s31], $0x80, s6, s31, $0xb8;
	[tilespmem:$0x1E800] =	vst v63  }
.LBB2_9:
0xd3: {  	_ =	swait.ge [sflag:s19], $0x4000  }
0xd4: {  	[sflag:s19] =	ssyncset.done $0x0  }
0xd5: {  	s2 =	rddreg [dreg:$0xc];
	[sflag:s19] =	ssyncadd.s32 $0xFFFFC000  }
0xd6: {  	[tilespmem:s29], [sflag:$0x5] =	stream.linear.gather [hbm4b:s2+s3], $0x1400, $0x38;
	[tilespmem:$0x1E800] =	vst v63  }
0xd7: {  	_ =	swait.ge [sflag:s28], $0x1400  }
0xd8: {  	[sflag:s28] =	ssyncset.done $0x0  }
0xd9: {  	s21 =	rddreg [dreg:$0xd];
	[sflag:s28] =	ssyncadd.s32 $0xFFFFEC00  }
0xda: {  	[tilespmem:s30], [sflag:$0x5] =	stream.linear.gather [hbm4b:s21+s3], $0x1400, $0x38;
	[tilespmem:$0x1E800] =	vst v63  }
0xdb: {  	_ =	swait.ge [sflag:s28], $0x1400  }
.Ltmp8:
0xdc: {  	[sflag:s28] =	ssyncset.done $0x0;
	(pc) =	sbr.rel @p1 .LBB2_13-.Ltmp8, $4  }
0xdd: {  	[sflag:s28] =	ssyncadd.s32 $0xFFFFEC00  }
0xde: {  	[tilespmem:s26], [sflag:$0x1] =	stream.indirect.gather [hbm4b:s4+s31], $0x80, s29, s31, $0xb8;
	[tilespmem:$0x1E800] =	vst v63  }
0xdf: {  	_ = 	snop  }
0xe0: {  	[tilespmem:s24], [sflag:$0x2] =	stream.indirect.gather [hbm4b:s4+s31], $0x80, s0, s31, $0xb8;
	[tilespmem:$0x1E800] =	vst v63  }
0xe1: {  	_ =	swait.ge [sflag:s25], $0x4000  }
0xe2: {  	[sflag:s25] =	ssyncset.done $0x0  }
0xe3: {  	[sflag:s25] =	ssyncadd.s32 $0xFFFFC000  }
0xe4: {  	[spmem:s1] =	stream.indirect.scatter.add.f32 [tilespmem:s26], [sflag:$0x3], $0x80, s30, s31, $0xb8;
	[tilespmem:$0x1E800] =	vst v63  }
0xe5: {  	_ =	swait.ge [sflag:s13], $0x4000  }
0xe6: {  	[sflag:s13] =	ssyncset.done $0x0  }
0xe7: {  	s2 =	simm.s32 $0x3;
	[sflag:s13] =	ssyncadd.s32 $0xFFFFC000  }
0xe8: {  	[spmem:s1] =	stream.indirect.scatter.add.f32 [tilespmem:s24], [sflag:$0x4], $0x80, s14, s31, $0xb8;
	[tilespmem:$0x1E800] =	vst v63  }
0xe9: {  	_ =	swait.ge [sflag:s2], $0x4000  }
0xea: {  	[sflag:s2] =	ssyncset.done $0x0  }
0xeb: {  	[sflag:s2] =	ssyncadd.s32 $0xFFFFC000  }
0xec: {  	[tilespmem:s26], [sflag:$0x1] =	stream.indirect.gather [hbm4b:s4+s31], $0x80, s17, s31, $0xb8;
	[tilespmem:$0x1E800] =	vst v63  }
0xed: {  	_ =	swait.ge [sflag:s25], $0x4000  }
0xee: {  	p3 =	sle.s32 s15, $0x3;
	[sflag:s25] =	ssyncset.done $0x0  }
0xef: {  	s7 =	simm.s32 @!p3 $0x4;
	s2 =	simm.s32 $0x15500;
	[sflag:s25] =	ssyncadd.s32 $0xFFFFC000  }
0xf0: {  	[spmem:s1] =	stream.indirect.scatter.add.f32 [tilespmem:s26], [sflag:$0x3], $0x80, s2, s31, $0xb8;
	[tilespmem:$0x1E800] =	vst v63  }
0xf1: {  	s8 =	simm.s32 $0x14180;
	_ =	swait.ge @!p3 [sflag:s7], $0x4000  }
0xf2: {  	s9 =	simm.s32 @!p3 $0x80;
	s6 =	rddreg [dreg:$0x11];
	[sflag:s7] =	ssyncset.done @!p3 $0x0  }
0xf3: {  	s11 =	simm.s32 @!p3 $0x1A800;
	s6 =	sadd.s32 $0xFFFFFFFF, s6;
	[sflag:s7] =	ssyncadd.s32 @!p3 $0xFFFFC000  }
0xf4: {  	[tilespmem:s11], [sflag:$0x2] =	stream.indirect.gather @!p3 [hbm4b:s4+s9], $0x80, s8, s9, $0xb8;
	[tilespmem:$0x1E800] =	vst v63  }
0xf5: {  	s21 =	simm.s32 $0x15580;
	p3 =	sne.s32 s6, $0x0;
	_ =	swait.ge [sflag:s13], $0x4000  }
.Ltmp9:
0xf6: {  	p4 =	sle.s32 s15, $0x4;
	[sflag:s13] =	ssyncset.done $0x0;
	(pc) =	sbr.rel @!p3 .LBB2_12-.Ltmp9, $4  }
0xf7: {  	s12 =	simm.s32 @!p4 $0x14200;
	s9 =	simm.s32 @!p4 $0x3;
	[sflag:s13] =	ssyncadd.s32 $0xFFFFC000  }
0xf8: {  	[spmem:s1] =	stream.indirect.scatter.add.f32 [tilespmem:s24], [sflag:$0x4], $0x80, s21, s31, $0xb8;
	[tilespmem:$0x1E800] =	vst v63  }
0xf9: {  	s7 =	simm.s32 $0x5;
	s11 =	simm.s32 @!p4 $0x16800;
	_ =	swait.ge @!p4 [sflag:s9], $0x4000  }
0xfa: {  	s8 =	simm.s32 $0x14280;
	s21 =	simm.s32 @!p4 $0x80;
	[sflag:s9] =	ssyncset.done @!p4 $0x0  }
.LBB2_11:
0xfb: {  	s6 =	sadd.s32 $0xFFFFFFFF, s6;
	[sflag:s9] =	ssyncadd.s32 @!p4 $0xFFFFC000;
	s2 =	sadd.s32 $0x100, s2  }
0xfc: {  	[tilespmem:s11], [sflag:$0x1] =	stream.indirect.gather @!p4 [hbm4b:s4+s21], $0x80, s12, s21, $0xb8;
	[tilespmem:$0x1E800] =	vst v63  }
0xfd: {  	p3 =	sne.s32 s6, $0x0;
	s12 =	smov.u32 s8;
	_ =	swait.ge [sflag:s25], $0x4000  }
0xfe: {  	p4 =	sge.s32 s7, s15;
	[sflag:s25] =	ssyncset.done $0x0  }
0xff: {  	s9 =	simm.s32 @!p4 $0x4;
	[sflag:s25] =	ssyncadd.s32 $0xFFFFC000  }
0x100: {  	[spmem:s1] =	stream.indirect.scatter.add.f32 [tilespmem:s26], [sflag:$0x3], $0x80, s2, s31, $0xb8;
	[tilespmem:$0x1E800] =	vst v63  }
0x101: {  	_ =	swait.ge @!p4 [sflag:s9], $0x4000  }
0x102: {  	s11 =	simm.s32 @!p4 $0x80;
	s21 =	simm.s32 @!p4 $0x1A800;
	[sflag:s9] =	ssyncset.done @!p4 $0x0  }
0x103: {  	[sflag:s9] =	ssyncadd.s32 @!p4 $0xFFFFC000  }
0x104: {  	[tilespmem:s21], [sflag:$0x2] =	stream.indirect.gather @!p4 [hbm4b:s4+s11], $0x80, s8, s11, $0xb8;
	[tilespmem:$0x1E800] =	vst v63  }
0x105: {  	s9 =	sadd.s32 $0x1, s7;
	s11 =	sadd.s32 $0x80, s2;
	_ =	swait.ge [sflag:s13], $0x4000  }
.Ltmp10:
0x106: {  	p4 =	sge.s32 s9, s15;
	[sflag:s13] =	ssyncset.done $0x0;
	(pc) =	sbr.rel @p3 .LBB2_11-.Ltmp10, $4  }
0x107: {  	s7 =	sadd.s32 $0x2, s7;
	s9 =	simm.s32 @!p4 $0x3;
	[sflag:s13] =	ssyncadd.s32 $0xFFFFC000  }
0x108: {  	[spmem:s1] =	stream.indirect.scatter.add.f32 [tilespmem:s24], [sflag:$0x4], $0x80, s11, s31, $0xb8;
	[tilespmem:$0x1E800] =	vst v63  }
0x109: {  	s8 =	sadd.s32 $0x100, s8;
	s11 =	simm.s32 @!p4 $0x16800;
	_ =	swait.ge @!p4 [sflag:s9], $0x4000  }
0x10a: {  	s12 =	sadd.s32 @!p4 $0x80, s12;
	s21 =	simm.s32 @!p4 $0x80;
	[sflag:s9] =	ssyncset.done @!p4 $0x0  }
.LBB2_12:
0x10b: {  	[sflag:s9] =	ssyncadd.s32 @!p4 $0xFFFFC000  }
0x10c: {  	[tilespmem:s11], [sflag:$0x1] =	stream.indirect.gather @!p4 [hbm4b:s4+s21], $0x80, s12, s21, $0xb8;
	[tilespmem:$0x1E800] =	vst v63  }
.LBB2_13:
0x10d: {  	_ =	swait.ge [sflag:s16], $0x4000  }
0x10e: {  	[sflag:s16] =	ssyncset.done $0x0  }
0x10f: {  	[sflag:s16] =	ssyncadd.s32 $0xFFFFC000  }
0x110: {  	_ =	swait.ge [sflag:s19], $0x4000  }
0x111: {  	[sflag:s19] =	ssyncset.done $0x0  }
0x112: {  	s2 =	rddreg [dreg:$0xe];
	[sflag:s19] =	ssyncadd.s32 $0xFFFFC000  }
0x113: {  	[tilespmem:s29], [sflag:$0x5] =	stream.linear.gather [hbm4b:s2+s3], $0x1400, $0x38;
	[tilespmem:$0x1E800] =	vst v63  }
0x114: {  	_ =	swait.ge [sflag:s28], $0x1400  }
0x115: {  	[sflag:s28] =	ssyncset.done $0x0  }
0x116: {  	s21 =	rddreg [dreg:$0xf];
	[sflag:s28] =	ssyncadd.s32 $0xFFFFEC00  }
0x117: {  	[tilespmem:s30], [sflag:$0x5] =	stream.linear.gather [hbm4b:s21+s3], $0x1400, $0x38;
	[tilespmem:$0x1E800] =	vst v63  }
0x118: {  	_ =	swait.ge [sflag:s28], $0x1400  }
.Ltmp11:
0x119: {  	[sflag:s28] =	ssyncset.done $0x0;
	(pc) =	sbr.rel @p2 .LBB2_17-.Ltmp11, $4  }
0x11a: {  	[sflag:s28] =	ssyncadd.s32 $0xFFFFEC00  }
0x11b: {  	[tilespmem:s26], [sflag:$0x1] =	stream.indirect.gather [hbm4b:s4+s31], $0x80, s29, s31, $0xb8;
	[tilespmem:$0x1E800] =	vst v63  }
0x11c: {  	_ = 	snop  }
0x11d: {  	[tilespmem:s24], [sflag:$0x2] =	stream.indirect.gather [hbm4b:s4+s31], $0x80, s0, s31, $0xb8;
	[tilespmem:$0x1E800] =	vst v63  }
0x11e: {  	_ =	swait.ge [sflag:s25], $0x4000  }
0x11f: {  	[sflag:s25] =	ssyncset.done $0x0  }
0x120: {  	[sflag:s25] =	ssyncadd.s32 $0xFFFFC000  }
0x121: {  	[spmem:s1] =	stream.indirect.scatter.add.f32 [tilespmem:s26], [sflag:$0x3], $0x80, s30, s31, $0xb8;
	[tilespmem:$0x1E800] =	vst v63  }
0x122: {  	_ =	swait.ge [sflag:s13], $0x4000  }
0x123: {  	[sflag:s13] =	ssyncset.done $0x0  }
0x124: {  	s2 =	simm.s32 $0x3;
	[sflag:s13] =	ssyncadd.s32 $0xFFFFC000  }
0x125: {  	[spmem:s1] =	stream.indirect.scatter.add.f32 [tilespmem:s24], [sflag:$0x4], $0x80, s14, s31, $0xb8;
	[tilespmem:$0x1E800] =	vst v63  }
0x126: {  	_ =	swait.ge [sflag:s2], $0x4000  }
0x127: {  	[sflag:s2] =	ssyncset.done $0x0  }
0x128: {  	[sflag:s2] =	ssyncadd.s32 $0xFFFFC000  }
0x129: {  	[tilespmem:s26], [sflag:$0x1] =	stream.indirect.gather [hbm4b:s4+s31], $0x80, s17, s31, $0xb8;
	[tilespmem:$0x1E800] =	vst v63  }
0x12a: {  	_ =	swait.ge [sflag:s25], $0x4000  }
0x12b: {  	p3 =	sle.s32 s18, $0x3;
	[sflag:s25] =	ssyncset.done $0x0  }
0x12c: {  	s7 =	simm.s32 @!p3 $0x4;
	s2 =	simm.s32 $0x15500;
	[sflag:s25] =	ssyncadd.s32 $0xFFFFC000  }
0x12d: {  	[spmem:s1] =	stream.indirect.scatter.add.f32 [tilespmem:s26], [sflag:$0x3], $0x80, s2, s31, $0xb8;
	[tilespmem:$0x1E800] =	vst v63  }
0x12e: {  	s8 =	simm.s32 $0x14180;
	_ =	swait.ge @!p3 [sflag:s7], $0x4000  }
0x12f: {  	s9 =	simm.s32 @!p3 $0x80;
	s6 =	rddreg [dreg:$0x12];
	[sflag:s7] =	ssyncset.done @!p3 $0x0  }
0x130: {  	s11 =	simm.s32 @!p3 $0x1A800;
	s6 =	sadd.s32 $0xFFFFFFFF, s6;
	[sflag:s7] =	ssyncadd.s32 @!p3 $0xFFFFC000  }
0x131: {  	[tilespmem:s11], [sflag:$0x2] =	stream.indirect.gather @!p3 [hbm4b:s4+s9], $0x80, s8, s9, $0xb8;
	[tilespmem:$0x1E800] =	vst v63  }
0x132: {  	s21 =	simm.s32 $0x15580;
	p3 =	sne.s32 s6, $0x0;
	_ =	swait.ge [sflag:s13], $0x4000  }
.Ltmp12:
0x133: {  	p4 =	sle.s32 s18, $0x4;
	[sflag:s13] =	ssyncset.done $0x0;
	(pc) =	sbr.rel @!p3 .LBB2_16-.Ltmp12, $4  }
0x134: {  	s12 =	simm.s32 @!p4 $0x14200;
	s9 =	simm.s32 @!p4 $0x3;
	[sflag:s13] =	ssyncadd.s32 $0xFFFFC000  }
0x135: {  	[spmem:s1] =	stream.indirect.scatter.add.f32 [tilespmem:s24], [sflag:$0x4], $0x80, s21, s31, $0xb8;
	[tilespmem:$0x1E800] =	vst v63  }
0x136: {  	s7 =	simm.s32 $0x5;
	s11 =	simm.s32 @!p4 $0x16800;
	_ =	swait.ge @!p4 [sflag:s9], $0x4000  }
0x137: {  	s8 =	simm.s32 $0x14280;
	s21 =	simm.s32 @!p4 $0x80;
	[sflag:s9] =	ssyncset.done @!p4 $0x0  }
.LBB2_15:
0x138: {  	s6 =	sadd.s32 $0xFFFFFFFF, s6;
	[sflag:s9] =	ssyncadd.s32 @!p4 $0xFFFFC000;
	s2 =	sadd.s32 $0x100, s2  }
0x139: {  	[tilespmem:s11], [sflag:$0x1] =	stream.indirect.gather @!p4 [hbm4b:s4+s21], $0x80, s12, s21, $0xb8;
	[tilespmem:$0x1E800] =	vst v63  }
0x13a: {  	p3 =	sne.s32 s6, $0x0;
	s12 =	smov.u32 s8;
	_ =	swait.ge [sflag:s25], $0x4000  }
0x13b: {  	p4 =	sge.s32 s7, s18;
	[sflag:s25] =	ssyncset.done $0x0  }
0x13c: {  	s9 =	simm.s32 @!p4 $0x4;
	[sflag:s25] =	ssyncadd.s32 $0xFFFFC000  }
0x13d: {  	[spmem:s1] =	stream.indirect.scatter.add.f32 [tilespmem:s26], [sflag:$0x3], $0x80, s2, s31, $0xb8;
	[tilespmem:$0x1E800] =	vst v63  }
0x13e: {  	_ =	swait.ge @!p4 [sflag:s9], $0x4000  }
0x13f: {  	s11 =	simm.s32 @!p4 $0x80;
	s21 =	simm.s32 @!p4 $0x1A800;
	[sflag:s9] =	ssyncset.done @!p4 $0x0  }
0x140: {  	[sflag:s9] =	ssyncadd.s32 @!p4 $0xFFFFC000  }
0x141: {  	[tilespmem:s21], [sflag:$0x2] =	stream.indirect.gather @!p4 [hbm4b:s4+s11], $0x80, s8, s11, $0xb8;
	[tilespmem:$0x1E800] =	vst v63  }
0x142: {  	s9 =	sadd.s32 $0x1, s7;
	s11 =	sadd.s32 $0x80, s2;
	_ =	swait.ge [sflag:s13], $0x4000  }
.Ltmp13:
0x143: {  	p4 =	sge.s32 s9, s18;
	[sflag:s13] =	ssyncset.done $0x0;
	(pc) =	sbr.rel @p3 .LBB2_15-.Ltmp13, $4  }
0x144: {  	s7 =	sadd.s32 $0x2, s7;
	s9 =	simm.s32 @!p4 $0x3;
	[sflag:s13] =	ssyncadd.s32 $0xFFFFC000  }
0x145: {  	[spmem:s1] =	stream.indirect.scatter.add.f32 [tilespmem:s24], [sflag:$0x4], $0x80, s11, s31, $0xb8;
	[tilespmem:$0x1E800] =	vst v63  }
0x146: {  	s8 =	sadd.s32 $0x100, s8;
	s11 =	simm.s32 @!p4 $0x16800;
	_ =	swait.ge @!p4 [sflag:s9], $0x4000  }
0x147: {  	s12 =	sadd.s32 @!p4 $0x80, s12;
	s21 =	simm.s32 @!p4 $0x80;
	[sflag:s9] =	ssyncset.done @!p4 $0x0  }
.Ltmp14:
0x148: {  	_ = 	snop;
	(pc) =	sbr.rel .LBB2_16-.Ltmp14, $1  }
0x149: {  	_ =	sdelay $0x3  }
.LBB2_19:
0x14a: {  	_ =	sfence.sel $0x180000  }
0x14b: {  	[bflag:$0x0] =	sbarrier.arrive $0xFFFF  }
0x14c: {  	_ =	strace $0x9000004A  }
0x14d: {  	s0 =	stileid.u32;
	[bflag:$0x2] =	sbarrier.arrive $0xFFFF  }
0x14e: {  	p0 =	sne.s32 s0, $0x0;
	s0 =	rddreg [dreg:$0x3]  }
0x14f: {  	s0 =	sadd.s32 @!p0 $0x100000, s0  }
0x150: {  	[sflag:s0] =	ssyncadd.tile.s32 @!p0 $0x1;
	_ =	shalt  }
.Lfunc_end2:
_tile_overlayer_lowered:
.L_overlay_start_2:
0x151: {  	(tag) =	ssettag $0x2  }
0x152: {  	s0 =	rddreg [dreg:$0x0];
	s2 =	stileid.u32  }
0x153: {  	s1 =	rddreg [dreg:$0x1];
	p0 =	sne.s32 s2, $0x0  }
0x154: {  	s3 =	rddreg [dreg:$0x2];
	[bflag:$0x3] =	sbarrier.arrive $0xFFFF;
	s2 =	simm.s32 @!p0 $0x1C05  }
0x155: {  	[timem:s3], [sflag:s2] =	dma.local @!p0 [hbm:s0], s1  }
0x156: {  	s0 =	simm.s32 @!p0 $0x5  }
0x157: {  	_ =	swait.ge @!p0 [sflag:s0], s1  }
0x158: {  	s1 =	ssub.s32 @!p0 $0x0, s1;
	[sflag:s0] =	ssyncset.done @!p0 $0x0  }
0x159: {  	[sflag:s0] =	ssyncadd.s32 @!p0 s1  }
0x15a: {  	[bflag:$0x3] =	sbarrier.arrive $0xFFFF  }
0x15b: {  	_ =	shalt  }

// kernel: kernel.14.cloned.1.call-start
scs
__scs_entry_jumppad:
0x0: {  	(pc) =	sbr.rel $0x88, $3  }
0x1: {  	(tag) =	ssettag $0x0;
	lr =	simm.s32 $0x1  }
0x2: {  	[smem:$0x3F9B] =	sst lr;
	_ =	strace $0xD0000000  }
0x3: {  	_ = 	snop  }
0x4: {  	_ = 	snop  }
0x5: {  	_ = 	snop  }
0x6: {  	_ = 	snop  }
0x7: {  	_ = 	snop  }
__scs_overlays_trampoline_lowered:
0x8: {  	[smem:$0x3FAA] =	sst s0  }
0x9: {  	[smem:$0x3FAB] =	sst s1  }
0xa: {  	[smem:$0x3FAC] =	sst s2  }
0xb: {  	[smem:$0x3FAD] =	sst s3  }
0xc: {  	[smem:$0x3FAE] =	sst s4  }
0xd: {  	[smem:$0x3FAF] =	sst s5  }
0xe: {  	[smem:$0x3FB0] =	sst s6  }
0xf: {  	[smem:$0x3FB1] =	sst s7  }
0x10: {  	[smem:$0x3FB2] =	sst s8  }
0x11: {  	[smem:$0x3FB3] =	sst s9;
	s0 =	simm.s32 @!p0 $0x0  }
0x12: {  	s1 =	sld [smem:$0x3F99];
	s0 =	simm.s32 @p0 $0x1  }
0x13: {  	[smem:$0x3FB4] =	sst s0;
	s0 =	simm.s32 @!p1 $0x0  }
0x14: {  	s2 =	sld [smem:$0x3F98];
	s0 =	simm.s32 @p1 $0x1  }
0x15: {  	[smem:$0x3FB5] =	sst s0;
	s0 =	simm.s32 @!p2 $0x0  }
0x16: {  	s3 =	sld [smem:$0x3FDB];
	s0 =	simm.s32 @p2 $0x1  }
0x17: {  	s4 =	simm.s32 $0x1BF5;
	[smem:$0x3FB7] =	sst s0  }
0x18: {  	s0 =	sld [smem:$0x3F9A];
	_ =	swait.ge [sflag:s4], $0x0  }
0x19: {  	s7 =	sld [smem:$0x3F9B]  }
0x1a: {  	s8 =	sadd.s32 $0xFFFFE003, lr  }
0x1b: {  	s9 =	sadd.s32 $0xFFFFFEF7, lr;
	s5 =	simm.s32 $0xFFFFFFFF;
	p2 =	slt.u32 s8, $0xFFFFF086  }
0x1c: {  	p1 =	slt.u32 s9, $0xF7A;
	s5 =	simm.s32 @!p2 $0x0  }
0x1d: {  	s5 =	simm.s32 @p1 $0x1;
	p0 =	seq.s32 s7, s2  }
0x1e: {  	s7 =	smul.u32 @!p0 $0xF7A, s2;
	p2 =	seq.s32 @!p0 s5, $0x0  }
0x1f: {  	s9 =	smul.u32 $0xF7A, s1;
	s8 =	simm.s32 @!p0 $0x1BF5;
	p2 =	por !p2, p0  }
0x20: {  	[sflag:s8] =	ssyncset.s32 @!p0 $0xFFFFF086;
	s6 =	sadd.s32 @!p0 s3, s7;
	s7 =	simm.s32 @!p0 $0x108  }
0x21: {  	s3 =	sadd.s32 s3, s9;
	s6 =	sadd.s32 @!p0 $0x88, s6;
	s7 =	simm.s32 @p2 $0x1082  }
0x22: {  	[simem:s7], [sflag:s8] =	dma.local @!p0 [hbm:s6], $0xF7A  }
0x23: {  	s9 =	sor.u32 $0xD0000000, s2;
	s6 =	simm.s32 $0x108;
	_ =	swait.ge @!p0 [sflag:s8], $0x0  }
0x24: {  	s3 =	sadd.s32 $0x88, s3;
	s6 =	simm.s32 @!p1 $0x1082;
	[sflag:s4] =	ssyncset.s32 $0xFFFFF086  }
0x25: {  	[simem:s6], [sflag:s4] =	dma.local [hbm:s3], $0xF7A  }
0x26: {  	[smem:$0x3F9B] =	sst s1;
	(tag) =	ssettag s2;
	_ =	strace s9  }
0x27: {  	s1 =	sld [smem:$0x3FAB]  }
0x28: {  	s2 =	sld [smem:$0x3FAC]  }
0x29: {  	s4 =	sld [smem:$0x3FAE]  }
0x2a: {  	p0 =	seq.s32 s5, $0x0;
	s5 =	sld [smem:$0x3FAF]  }
0x2b: {  	s6 =	sld [smem:$0x3FB0]  }
0x2c: {  	s7 =	sld [smem:$0x3FB1]  }
0x2d: {  	s3 =	simm.s32 $0x108;
	s8 =	sld [smem:$0x3FB2]  }
0x2e: {  	s3 =	simm.s32 @!p0 $0x1082;
	s9 =	sld [smem:$0x3FB3]  }
0x2f: {  	lr =	sadd.s32 s0, s3;
	s0 =	sld [smem:$0x3FAA]  }
0x30: {  	s3 =	sld [smem:$0x3FAD]  }
0x31: {  	[smem:$0x3FB6] =	sst s10  }
0x32: {  	s10 =	sld [smem:$0x3FB4];
	_ =	sdelay $0x3  }
0x33: {  	p0 =	seq.s32 s10, $0x1;
	s10 =	sld [smem:$0x3FB6];
	_ =	sdelay $0x3  }
0x34: {  	[smem:$0x3FB6] =	sst s10  }
0x35: {  	s10 =	sld [smem:$0x3FB5];
	_ =	sdelay $0x3  }
0x36: {  	p1 =	seq.s32 s10, $0x1;
	s10 =	sld [smem:$0x3FB6];
	_ =	sdelay $0x3  }
0x37: {  	[smem:$0x3FB6] =	sst s10  }
0x38: {  	s10 =	sld [smem:$0x3FB7]  }
0x39: {  	_ = 	snop;
	(pc) =	sbr.ind lr, $3  }
0x3a: {  	_ = 	snop  }
0x3b: {  	_ = 	snop  }
0x3c: {  	p2 =	seq.s32 s10, $0x1;
	s10 =	sld [smem:$0x3FB6]  }
0x3d: {  	_ =	shalt  }
0x3e: {  	_ =	shalt  }
0x3f: {  	_ =	shalt  }
0x40: {  	_ =	shalt  }
0x41: {  	_ =	shalt  }
0x42: {  	_ =	shalt  }
0x43: {  	_ =	shalt  }
0x44: {  	_ =	shalt  }
0x45: {  	_ =	shalt  }
0x46: {  	_ =	shalt  }
0x47: {  	_ =	shalt  }
0x48: {  	_ =	shalt  }
0x49: {  	_ =	shalt  }
0x4a: {  	_ =	shalt  }
0x4b: {  	_ =	shalt  }
0x4c: {  	_ =	shalt  }
0x4d: {  	_ =	shalt  }
0x4e: {  	_ =	shalt  }
0x4f: {  	_ =	shalt  }
0x50: {  	_ =	shalt  }
0x51: {  	_ =	shalt  }
0x52: {  	_ =	shalt  }
0x53: {  	_ =	shalt  }
0x54: {  	_ =	shalt  }
0x55: {  	_ =	shalt  }
0x56: {  	_ =	shalt  }
0x57: {  	_ =	shalt  }
0x58: {  	_ =	shalt  }
0x59: {  	_ =	shalt  }
0x5a: {  	_ =	shalt  }
0x5b: {  	_ =	shalt  }
0x5c: {  	_ =	shalt  }
0x5d: {  	_ =	shalt  }
0x5e: {  	_ =	shalt  }
0x5f: {  	_ =	shalt  }
0x60: {  	_ =	shalt  }
0x61: {  	_ =	shalt  }
0x62: {  	_ =	shalt  }
0x63: {  	_ =	shalt  }
0x64: {  	_ =	shalt  }
0x65: {  	_ =	shalt  }
0x66: {  	_ =	shalt  }
0x67: {  	_ =	shalt  }
0x68: {  	_ =	shalt  }
0x69: {  	_ =	shalt  }
0x6a: {  	_ =	shalt  }
0x6b: {  	_ =	shalt  }
0x6c: {  	_ =	shalt  }
0x6d: {  	_ =	shalt  }
0x6e: {  	_ =	shalt  }
0x6f: {  	_ =	shalt  }
0x70: {  	_ =	shalt  }
0x71: {  	_ =	shalt  }
0x72: {  	_ =	shalt  }
0x73: {  	_ =	shalt  }
0x74: {  	_ =	shalt  }
0x75: {  	_ =	shalt  }
0x76: {  	_ =	shalt  }
0x77: {  	_ =	shalt  }
0x78: {  	_ =	shalt  }
0x79: {  	_ =	shalt  }
0x7a: {  	_ =	shalt  }
0x7b: {  	_ =	shalt  }
0x7c: {  	_ =	shalt  }
0x7d: {  	_ =	shalt  }
0x7e: {  	_ =	shalt  }
0x7f: {  	_ =	shalt  }
0x80: {  	_ =	shalt  }
0x81: {  	_ =	shalt  }
0x82: {  	_ =	shalt  }
0x83: {  	_ =	shalt  }
0x84: {  	_ =	shalt  }
0x85: {  	_ =	shalt  }
0x86: {  	_ =	shalt  }
0x87: {  	_ =	shalt  }
.Lfunc_end0:
.L_simem_size_0:
called_computation.2_lowered:
.L_overlay_start_0:
0x88: {  	s2 =	sld [smem:$0x3FD9]  }
0x89: {  	s3 =	sld [smem:$0x3FFE];
	_ =	sdelay $0x1  }
0x8a: {  	s1 =	srdreg.scid  }
0x8b: {  	s0 =	sand.u32 $0x1, s1  }
0x8c: {  	s17 =	sshll.u32 s0, $0xA;
	s2 =	sadd.s32 s3, s2  }
0x8d: {  	s2 =	sadd.s32 s2, s17  }
0x8e: {  	[smem:$0x3FC2] =	sst s2  }
0x8f: {  	_ = 	snop  }
0x90: {  	s2 =	sld [smem:$0x3FD0];
	(tm) =	ssettm $0x1  }
0x91: {  	s18 =	sld [smem:$0x3FFB];
	_ =	sdelay $0x3  }
0x92: {  	_ =	strace s18  }
0x93: {  	s3 =	sld [smem:$0x3FFC];
	_ =	sdelay $0x3  }
0x94: {  	_ =	strace s3  }
0x95: {  	s3 =	sld [smem:$0x3FFD];
	_ =	sdelay $0x3  }
0x96: {  	_ =	strace s3  }
0x97: {  	_ =	strace $0x8FFFFFFF  }
0x98: {  	s19 =	sld [smem:$0x3FDB];
	_ =	sdelay $0x1  }
0x99: {  	s4 =	simm.s32 $_scs_section_size  }
0x9a: {  	s5 =	simm.s32 $_size__tile_overlayer_lowered;
	s6 =	simm.s32 $_tile_overlayer_lowered  }
0x9b: {  	s22 =	simm.s32 $0x1BFF;
	s21 =	sshll.u32 s6, $0x1;
	s3 =	sadd.s32 s4, s19  }
0x9c: {  	s7 =	simm.s32 $0x0;
	s20 =	sshll.u32 s5, $0x1;
	s5 =	sadd.s32 s21, s3  }
0x9d: {  	[timem:s7], [sflag:s22] =	dma.local [hbm:s5], s20  }
0x9e: {  	_ =	swait.ge [sflag:s22], s20  }
0x9f: {  	s4 =	ssub.s32 $0x0, s20;
	[sflag:s22] =	ssyncset.done $0x0  }
0xa0: {  	[sflag:s22] =	ssyncadd.s32 s4;
	_ =	sdelay $0x1  }
0xa1: {  	s23 =	simm.s32 $0x1B8B  }
0xa2: {  	_ =	swait.ge [sflag:s23], $0x1  }
0xa3: {  	[sflag:s23] =	ssyncset.done $0x0  }
0xa4: {  	s25 =	simm.s32 $0x1B8E;
	s24 =	sld [smem:$0x3FFE];
	[sflag:s23] =	ssyncadd.s32 $0xFFFFFFFF  }
0xa5: {  	s26 =	simm.s32 $execute0_lowered;
	[smem:$0x3FD2] =	sst s25  }
0xa6: {  	s5 =	sshll.u32 s26, $0x1;
	_ =	strace $0x8000004C;
	[dreg:$0x1] =	wrdreg $0xFFFFFFFF  }
0xa7: {  	s28 =	simm.s32 $_size_execute0_lowered;
	s3 =	sadd.s32 s3, s5;
	[dreg:$0x0] =	wrdreg $0x0  }
0xa8: {  	s5 =	sshll.u32 s28, $0x1;
	[dreg:$0x2] =	wrdreg s3  }
0xa9: {  	[dreg:$0x3] =	wrdreg s5  }
0xaa: {  	[dreg:$0x4] =	wrdreg $0xC0  }
0xab: {  	_ =	task [dreg:s7], $0x5FFFF  }
0xac: {  	[dreg:$0x1] =	wrdreg $0xFFFFFFFF  }
0xad: {  	[dreg:$0x0] =	wrdreg $0x60  }
0xae: {  	[dreg:$0x2] =	wrdreg s24  }
0xaf: {  	[dreg:$0x3] =	wrdreg s2  }
0xb0: {  	[dreg:$0x4] =	wrdreg $0x0  }
0xb1: {  	[dreg:$0x5] =	wrdreg $0x9  }
0xb2: {  	_ =	task.clear_ibuf [dreg:s7], $0x6FFFF;
	_ =	strace $0x9000004C  }
0xb3: {  	s29 =	simm.s32 $0x9;
	_ =	strace $0x8000004E  }
0xb4: {  	_ =	swait.ge [sflag:s29], $0x1  }
0xb5: {  	[sflag:s29] =	ssyncadd.s32 $0xFFFFFFFF  }
0xb6: {  	_ =	strace $0x9000004E  }
0xb7: {  	_ =	sfence  }
0xb8: {  	s30 =	sld [smem:$0x0];
	_ =	sdelay $0x2  }
0xb9: {  	s31 =	sshll.u32 s1, $0xD;
	s1 =	sshrl.u32 s1, $0x2  }
0xba: {  	s3 =	sand.u32 $0x4000, s31;
	s1 =	sadd.s32 s1, s30  }
0xbb: {  	s0 =	sor.u32 s3, s0;
	s1 =	sshll.u32 s1, $0x11  }
0xbc: {  	s0 =	sor.u32 s1, s0  }
0xbd: {  	s0 =	sadd.s32 $0x8F2B, s0  }
0xbe: {  	[sflag:s0] =	ssyncadd.remote.s32 $0x1  }
0xbf: {  	_ =	sfence.sel $0xFFFF  }
0xc0: {  	[dreg:$0x0] =	wrdreg $0xFFFFFFFF;
	(pc) =	sbr.abs _section_cstart, $3  }
0xc1: {  	[dreg:$0x1] =	wrdreg $0xFFFFFFFF  }
0xc2: {  	_ =	task.clear_ibuf [dreg:s7], $0x2FFFF;
	_ =	strace $0x9FFFFFFF  }
0xc3: {  	(tm) =	ssettm $0x7FFFFFFF  }
tec
execute0_lowered:
.L_overlay_start_1:
0x0: {  	(tag) =	ssettag $0x1  }
0x1: {  	s0 =	rddreg [dreg:$0x0]  }
0x2: {  	s2 =	rddreg [dreg:$0x1]  }
0x3: {  	s1 =	rddreg [dreg:$0x2]  }
0x4: {  	s3 =	srdreg.scid;
	s12 =	stileid.u32;
	s28 =	simm.s32 $0x5  }
0x5: {  	s29 =	simm.s32 $0x14000;
	s30 =	simm.s32 $0x15400;
	s31 =	simm.s32 $0x80  }
0x6: {  	s6 =	sand.u32 $0x1, s3;
	s3 =	simm.s32 $0x0;
	s7 =	smul.u32 $0x14000, s12  }
0x7: {  	s4 =	sadd.s32 $0xCC00, s0;
	s8 =	sadd.s32 $0x2800, s0;
	s9 =	smul.u32 $0x50000, s12  }
0x8: {  	s5 =	smul.u32 $0x140000, s6;
	[smem:$0x7FF] =	sst s3;
	p0 =	seq.s32 s6, $0x0  }
0x9: {  	s10 =	smul.u32 $0x900, s6;
	s11 =	ssub.s32 $0x2, s6;
	_ =	strace $0x8000004D  }
0xa: {  	s9 =	sshrl.u32 s9, $0x2;
	s5 =	sadd.s32 s7, s5;
	s7 =	simm.s32 $0x90  }
0xb: {  	s13 =	sshrl.u32 s11, $0x1;
	s5 =	sshrl.u32 s5, $0x3;
	s7 =	simm.s32 @!p0 $0x10  }
0xc: {  	p0 =	sne.s32 s6, $0x0;
	s0 =	sadd.s32 s5, s0;
	s5 =	sadd.s32 s9, s1  }
0xd: {  	s12 =	smul.u32 s12, s7;
	s9 =	ssub.s32 s11, s13;
	s21 =	sadd.s32 $0x4000, s5  }
0xe: {  	s16 =	smin.u32 s7, $0x78;
	s22 =	sadd.s32 $0x8000, s5;
	[dreg:$0x4] =	wrdreg s21  }
0xf: {  	s13 =	simm.s32 $0x2;
	s23 =	sadd.s32 $0xC000, s5;
	[dreg:$0x5] =	wrdreg s22  }
0x10: {  	s24 =	sadd.s32 $0x10000, s5;
	s0 =	sadd.s32 $0x34C00, s0;
	[dreg:$0x6] =	wrdreg s23  }
0x11: {  	s20 =	sadd.s32 s10, s12;
	[dreg:$0x7] =	wrdreg s24;
	s10 =	smin.u32 s7, $0x28  }
0x12: {  	s12 =	sshll.u32 s12, $0x4;
	[dreg:$0x10] =	wrdreg s0;
	s22 =	smax.u32 s9, $0x1  }
0x13: {  	s0 =	simm.s32 $0x14080;
	s11 =	sshll.u32 s20, $0x4;
	s26 =	sadd.s32 $0x280, s12  }
0x14: {  	s14 =	sadd.s32 $0x500, s12;
	s12 =	sadd.s32 $0x780, s12;
	s25 =	sadd.s32 s2, s11  }
0x15: {  	s24 =	sshll.u32 s10, $0x9;
	s11 =	sadd.s32 s8, s11;
	[dreg:$0x8] =	wrdreg s25  }
0x16: {  	s15 =	sadd.s32 s2, s26;
	s17 =	sadd.s32 s2, s14;
	[dreg:$0x9] =	wrdreg s11  }
0x17: {  	s18 =	sadd.s32 s8, s14;
	s2 =	sadd.s32 s2, s12;
	[dreg:$0xa] =	wrdreg s15  }
0x18: {  	s20 =	sadd.s32 s8, s12;
	s23 =	sadd.s32 $0xFFFFF800, s24;
	[dreg:$0xc] =	wrdreg s17  }
0x19: {  	s24 =	simm.s32 $0x1A800;
	s14 =	simm.s32 $0x15480;
	[dreg:$0xd] =	wrdreg s18  }
0x1a: {  	s11 =	sadd.s32 s8, s26;
	s15 =	sadd.s32 $0xFFFFFFB0, s16;
	[dreg:$0xe] =	wrdreg s2  }
0x1b: {  	s18 =	sadd.s32 $0xFFFFFF88, s7;
	[dreg:$0xf] =	wrdreg s20;
	s16 =	simm.s32 $0x3  }
.Ltmp0:
0x1c: {  	s17 =	simm.s32 $0x14100;
	s20 =	simm.s32 $0x0;
	(pc) =	sbr.rel .LBB2_1-.Ltmp0, $4  }
0x1d: {  	[dreg:$0xb] =	wrdreg s11;
	s19 =	sshra.s32 s15, $0x1;
	s21 =	sshra.s32 s18, $0x1  }
0x1e: {  	p1 =	slt.s32 s19, $0x1;
	s25 =	sadd.s32 $0xFFFFFFFF, s19;
	p2 =	slt.s32 s21, $0x1  }
0x1f: {  	s26 =	sadd.s32 $0xFFFFFFFF, s21;
	s19 =	simm.s32 $0x4;
	[dreg:$0x11] =	wrdreg s25  }
0x20: {  	v0 =	vimm.f32 $0.0e+00;
	[dreg:$0x12] =	wrdreg s26;
	s26 =	simm.s32 $0x16800;
	s25 =	simm.s32 $0x1  }
.LBB2_16:
0x21: {  	[sflag:s9] =	ssyncadd.s32 @!p4 $0xFFFFC000  }
0x22: {  	[tilespmem:s11], [sflag:$0x1] =	stream.indirect.gather @!p4 [hbm4b:s4+s21], $0x80, s12, s21, $0xb8;
	[tilespmem:$0x1E800] =	vst v63  }
.LBB2_17:
0x23: {  	_ =	swait.ge [sflag:s16], $0x4000  }
0x24: {  	[sflag:s16] =	ssyncset.done $0x0  }
0x25: {  	[sflag:s16] =	ssyncadd.s32 $0xFFFFC000  }
0x26: {  	_ =	swait.ge [sflag:s19], $0x4000  }
0x27: {  	[sflag:s19] =	ssyncset.done $0x0  }
0x28: {  	[sflag:s19] =	ssyncadd.s32 $0xFFFFC000  }
.LBB2_18:
0x29: {  	s2 =	stileid.u32;
	[bflag:$0x0] =	sbarrier.arrive $0xFFFF;
	s20 =	sadd.s32 $0x1, s20  }
0x2a: {  	s6 =	sshrl.u32 s5, $0x3;
	s2 =	sshll.u32 s2, $0x6;
	p3 =	sne.s32 s20, s22  }
.Ltmp1:
0x2b: {  	s7 =	rddreg [dreg:$0x10];
	s2 =	sor.u32 $0x1C05, s2;
	(pc) =	sbr.rel @!p3 .LBB2_19-.Ltmp1, $4  }
0x2c: {  	[hbm:s7], [sflag:s2] =	dma.local [spmem:s6], $0x2800  }
0x2d: {  	_ =	swait.ge [sflag:s28], $0x2800  }
0x2e: {  	[sflag:s28] =	ssyncset.done $0x0  }
0x2f: {  	[sflag:s28] =	ssyncadd.s32 $0xFFFFD800  }
.LBB2_1:
0x30: {  	s2 =	simm.s32 $0x0;
	s6 =	simm.s32 $0x200  }
.LBB2_2:
0x31: {  	p3 =	sne.s32 s6, $0xFE00;
	[tilespmem:s2+$0x16870] =	vst v0  }
0x32: {  	[tilespmem:s2+$0x16800] =	vst v0  }
0x33: {  	[tilespmem:s2+$0x16810] =	vst v0  }
.Ltmp2:
0x34: {  	[tilespmem:s2+$0x16820] =	vst v0;
	(pc) =	sbr.rel @p3 .LBB2_2-.Ltmp2, $4  }
0x35: {  	[tilespmem:s2+$0x16830] =	vst v0  }
0x36: {  	[tilespmem:s2+$0x16840] =	vst v0  }
0x37: {  	[tilespmem:s2+$0x16850] =	vst v0  }
0x38: {  	[tilespmem:s2+$0x16860] =	vst v0;
	s2 =	sshra.s32 s6, $0x2;
	s6 =	sadd.s32 $0x200, s6  }
0x39: {  	[tilespmem:s2+$0x16870] =	vst v0  }
0x3a: {  	[tilespmem:s2+$0x16800] =	vst v0  }
0x3b: {  	[tilespmem:s2+$0x16810] =	vst v0  }
0x3c: {  	[tilespmem:s2+$0x16820] =	vst v0  }
0x3d: {  	[tilespmem:s2+$0x16830] =	vst v0  }
0x3e: {  	[tilespmem:s2+$0x16840] =	vst v0  }
0x3f: {  	[tilespmem:s2+$0x16850] =	vst v0  }
0x40: {  	[tilespmem:s2+$0x16860] =	vst v0  }
0x41: {  	[spmem:s5] =	stream.linear.scatter [tilespmem:s26], [sflag:$0x5], $0x4000, $0x38;
	[tilespmem:$0x1E800] =	vst v63  }
0x42: {  	_ =	swait.ge [sflag:s28], $0x4000  }
0x43: {  	[sflag:s28] =	ssyncset.done $0x0  }
0x44: {  	s21 =	rddreg [dreg:$0x4];
	[sflag:s28] =	ssyncadd.s32 $0xFFFFC000  }
0x45: {  	[spmem:s21] =	stream.linear.scatter [tilespmem:s26], [sflag:$0x5], $0x4000, $0x38;
	[tilespmem:$0x1E800] =	vst v63  }
0x46: {  	_ =	swait.ge [sflag:s28], $0x4000  }
0x47: {  	[sflag:s28] =	ssyncset.done $0x0  }
0x48: {  	s6 =	rddreg [dreg:$0x5];
	[sflag:s28] =	ssyncadd.s32 $0xFFFFC000  }
0x49: {  	[spmem:s6] =	stream.linear.scatter [tilespmem:s26], [sflag:$0x5], $0x4000, $0x38;
	[tilespmem:$0x1E800] =	vst v63  }
0x4a: {  	_ =	swait.ge [sflag:s28], $0x4000  }
0x4b: {  	[sflag:s28] =	ssyncset.done $0x0  }
0x4c: {  	s7 =	rddreg [dreg:$0x6];
	[sflag:s28] =	ssyncadd.s32 $0xFFFFC000  }
0x4d: {  	[spmem:s7] =	stream.linear.scatter [tilespmem:s26], [sflag:$0x5], $0x4000, $0x38;
	[tilespmem:$0x1E800] =	vst v63  }
0x4e: {  	_ =	swait.ge [sflag:s28], $0x4000  }
0x4f: {  	[sflag:s28] =	ssyncset.done $0x0  }
0x50: {  	s8 =	rddreg [dreg:$0x7];
	[sflag:s28] =	ssyncadd.s32 $0xFFFFC000  }
0x51: {  	[spmem:s8] =	stream.linear.scatter [tilespmem:s26], [sflag:$0x5], $0x4000, $0x38;
	[tilespmem:$0x1E800] =	vst v63  }
0x52: {  	_ =	swait.ge [sflag:s28], $0x4000  }
0x53: {  	[sflag:s28] =	ssyncset.done $0x0  }
0x54: {  	[sflag:s28] =	ssyncadd.s32 $0xFFFFC000  }
0x55: {  	[bflag:$0x0] =	sbarrier.arrive $0xFFFF  }
0x56: {  	s9 =	simm.s32 $0x0;
	s6 =	rddreg [dreg:$0x8]  }
0x57: {  	[tilespmem:s29], [sflag:$0x5] =	stream.linear.gather [hbm4b:s6+s9], $0x1400, $0x38;
	[tilespmem:$0x1E800] =	vst v63  }
0x58: {  	_ =	swait.ge [sflag:s28], $0x1400  }
0x59: {  	[sflag:s28] =	ssyncset.done $0x0  }
0x5a: {  	s11 =	rddreg [dreg:$0x9];
	[sflag:s28] =	ssyncadd.s32 $0xFFFFEC00  }
0x5b: {  	[tilespmem:s30], [sflag:$0x5] =	stream.linear.gather [hbm4b:s11+s9], $0x1400, $0x38;
	[tilespmem:$0x1E800] =	vst v63  }
0x5c: {  	_ =	swait.ge [sflag:s28], $0x1400  }
0x5d: {  	[sflag:s28] =	ssyncset.done $0x0  }
0x5e: {  	[sflag:s28] =	ssyncadd.s32 $0xFFFFEC00  }
0x5f: {  	[tilespmem:s26], [sflag:$0x1] =	stream.indirect.gather [hbm4b:s4+s31], $0x80, s29, s31, $0xb8;
	[tilespmem:$0x1E800] =	vst v63  }
0x60: {  	_ = 	snop  }
0x61: {  	[tilespmem:s24], [sflag:$0x2] =	stream.indirect.gather [hbm4b:s4+s31], $0x80, s0, s31, $0xb8;
	[tilespmem:$0x1E800] =	vst v63  }
0x62: {  	_ =	swait.ge [sflag:s25], $0x4000  }
0x63: {  	[sflag:s25] =	ssyncset.done $0x0  }
0x64: {  	[sflag:s25] =	ssyncadd.s32 $0xFFFFC000  }
0x65: {  	[spmem:s1] =	stream.indirect.scatter.add.f32 [tilespmem:s26], [sflag:$0x3], $0x80, s30, s31, $0xb8;
	[tilespmem:$0x1E800] =	vst v63  }
0x66: {  	_ =	swait.ge [sflag:s13], $0x4000  }
0x67: {  	[sflag:s13] =	ssyncset.done $0x0  }
0x68: {  	[sflag:s13] =	ssyncadd.s32 $0xFFFFC000  }
0x69: {  	[spmem:s1] =	stream.indirect.scatter.add.f32 [tilespmem:s24], [sflag:$0x4], $0x80, s14, s31, $0xb8;
	[tilespmem:$0x1E800] =	vst v63  }
0x6a: {  	_ =	swait.ge [sflag:s16], $0x4000  }
0x6b: {  	[sflag:s16] =	ssyncset.done $0x0  }
0x6c: {  	[sflag:s16] =	ssyncadd.s32 $0xFFFFC000  }
0x6d: {  	[tilespmem:s26], [sflag:$0x1] =	stream.indirect.gather [hbm4b:s4+s31], $0x80, s17, s31, $0xb8;
	[tilespmem:$0x1E800] =	vst v63  }
0x6e: {  	_ =	swait.ge [sflag:s25], $0x4000  }
0x6f: {  	p3 =	sle.u32 s10, $0x3;
	[sflag:s25] =	ssyncset.done $0x0  }
0x70: {  	s12 =	simm.s32 $0x15500;
	s6 =	simm.s32 @!p3 $0x4;
	[sflag:s25] =	ssyncadd.s32 $0xFFFFC000  }
0x71: {  	[spmem:s1] =	stream.indirect.scatter.add.f32 [tilespmem:s26], [sflag:$0x3], $0x80, s12, s31, $0xb8;
	[tilespmem:$0x1E800] =	vst v63  }
0x72: {  	_ =	swait.ge @!p3 [sflag:s6], $0x4000  }
0x73: {  	s2 =	simm.s32 @!p3 $0x14180;
	[sflag:s6] =	ssyncset.done @!p3 $0x0  }
0x74: {  	s7 =	simm.s32 @!p3 $0x80;
	s8 =	simm.s32 @!p3 $0x1A800;
	[sflag:s6] =	ssyncadd.s32 @!p3 $0xFFFFC000  }
0x75: {  	[tilespmem:s8], [sflag:$0x2] =	stream.indirect.gather @!p3 [hbm4b:s4+s7], $0x80, s2, s7, $0xb8;
	[tilespmem:$0x1E800] =	vst v63  }
0x76: {  	p4 =	sne.s32 s23, $0x400;
	s21 =	simm.s32 $0x15580;
	_ =	swait.ge [sflag:s13], $0x4000  }
.Ltmp3:
0x77: {  	p3 =	sle.u32 s10, $0x4;
	[sflag:s13] =	ssyncset.done $0x0;
	(pc) =	sbr.rel @!p4 .LBB2_5-.Ltmp3, $4  }
0x78: {  	s6 =	simm.s32 $0x4;
	s7 =	simm.s32 @!p3 $0x3;
	[sflag:s13] =	ssyncadd.s32 $0xFFFFC000  }
0x79: {  	[spmem:s1] =	stream.indirect.scatter.add.f32 [tilespmem:s24], [sflag:$0x4], $0x80, s21, s31, $0xb8;
	[tilespmem:$0x1E800] =	vst v63  }
0x7a: {  	s2 =	simm.s32 $0x400;
	s8 =	simm.s32 @!p3 $0x14200;
	_ =	swait.ge @!p3 [sflag:s7], $0x4000  }
0x7b: {  	s9 =	simm.s32 @!p3 $0x80;
	s11 =	simm.s32 @!p3 $0x16800;
	[sflag:s7] =	ssyncset.done @!p3 $0x0  }
.LBB2_4:
0x7c: {  	[sflag:s7] =	ssyncadd.s32 @!p3 $0xFFFFC000  }
0x7d: {  	s6 =	sadd.s32 $0x2, s6;
	s12 =	smov.u32 s2;
	s2 =	sadd.s32 $0x400, s2  }
0x7e: {  	[tilespmem:s11], [sflag:$0x1] =	stream.indirect.gather @!p3 [hbm4b:s4+s9], $0x80, s8, s9, $0xb8;
	[tilespmem:$0x1E800] =	vst v63  }
0x7f: {  	s7 =	sshra.s32 s12, $0x2;
	s8 =	sadd.s32 $0xFFFFFFFF, s6;
	_ =	swait.ge [sflag:s25], $0x4000  }
0x80: {  	s9 =	sadd.s32 $0x15500, s7;
	p3 =	sge.u32 s8, s10;
	[sflag:s25] =	ssyncset.done $0x0  }
0x81: {  	s8 =	simm.s32 @!p3 $0x4;
	s11 =	sshra.s32 @!p3 s12, $0x2;
	[sflag:s25] =	ssyncadd.s32 $0xFFFFC000  }
0x82: {  	[spmem:s1] =	stream.indirect.scatter.add.f32 [tilespmem:s26], [sflag:$0x3], $0x80, s9, s31, $0xb8;
	[tilespmem:$0x1E800] =	vst v63  }
0x83: {  	p4 =	sne.s32 s23, s2;
	s9 =	sadd.s32 @!p3 $0x14180, s11;
	_ =	swait.ge @!p3 [sflag:s8], $0x4000  }
0x84: {  	s21 =	simm.s32 @!p3 $0x1A800;
	s11 =	simm.s32 @!p3 $0x80;
	[sflag:s8] =	ssyncset.done @!p3 $0x0  }
0x85: {  	[sflag:s8] =	ssyncadd.s32 @!p3 $0xFFFFC000  }
0x86: {  	[tilespmem:s21], [sflag:$0x2] =	stream.indirect.gather @!p3 [hbm4b:s4+s11], $0x80, s9, s11, $0xb8;
	[tilespmem:$0x1E800] =	vst v63  }
0x87: {  	p3 =	sge.u32 s6, s10;
	_ =	swait.ge [sflag:s13], $0x4000  }
.Ltmp4:
0x88: {  	s8 =	sadd.s32 $0x15580, s7;
	[sflag:s13] =	ssyncset.done $0x0;
	(pc) =	sbr.rel @p4 .LBB2_4-.Ltmp4, $4  }
0x89: {  	s7 =	simm.s32 @!p3 $0x3;
	s9 =	sshra.s32 @!p3 s12, $0x2;
	[sflag:s13] =	ssyncadd.s32 $0xFFFFC000  }
0x8a: {  	[spmem:s1] =	stream.indirect.scatter.add.f32 [tilespmem:s24], [sflag:$0x4], $0x80, s8, s31, $0xb8;
	[tilespmem:$0x1E800] =	vst v63  }
0x8b: {  	s8 =	sadd.s32 @!p3 $0x14200, s9;
	_ =	swait.ge @!p3 [sflag:s7], $0x4000  }
0x8c: {  	s11 =	simm.s32 @!p3 $0x16800;
	s9 =	simm.s32 @!p3 $0x80;
	[sflag:s7] =	ssyncset.done @!p3 $0x0  }
.LBB2_5:
0x8d: {  	[sflag:s7] =	ssyncadd.s32 @!p3 $0xFFFFC000  }
0x8e: {  	[tilespmem:s11], [sflag:$0x1] =	stream.indirect.gather @!p3 [hbm4b:s4+s9], $0x80, s8, s9, $0xb8;
	[tilespmem:$0x1E800] =	vst v63  }
0x8f: {  	s6 =	sadd.s32 $0x2, s6;
	_ =	swait.ge [sflag:s25], $0x4000  }
0x90: {  	s12 =	sshra.s32 s2, $0x2;
	s21 =	sadd.s32 $0xFFFFFFFF, s6;
	[sflag:s25] =	ssyncset.done $0x0  }
0x91: {  	s7 =	sadd.s32 $0x15500, s12;
	p3 =	slt.u32 s21, s10;
	[sflag:s25] =	ssyncadd.s32 $0xFFFFC000  }
0x92: {  	[spmem:s1] =	stream.indirect.scatter.add.f32 [tilespmem:s26], [sflag:$0x3], $0x80, s7, s31, $0xb8;
	[tilespmem:$0x1E800] =	vst v63  }
0x93: {  	s7 =	simm.s32 @p3 $0x4  }
0x94: {  	_ =	swait.ge @p3 [sflag:s7], $0x4000  }
0x95: {  	[sflag:s7] =	ssyncset.done @p3 $0x0  }
0x96: {  	[sflag:s7] =	ssyncadd.s32 @p3 $0xFFFFC000;
	s7 =	sshra.s32 @p3 s2, $0x2  }
0x97: {  	s8 =	simm.s32 @p3 $0x80;
	s9 =	simm.s32 @p3 $0x1A800;
	s7 =	sadd.s32 @p3 $0x14180, s7  }
0x98: {  	[tilespmem:s9], [sflag:$0x2] =	stream.indirect.gather @p3 [hbm4b:s4+s8], $0x80, s7, s8, $0xb8;
	[tilespmem:$0x1E800] =	vst v63  }
0x99: {  	s7 =	sadd.s32 @p3 $0x600, s2;
	s8 =	sadd.s32 @!p3 $0x600, s2  }
0x9a: {  	s8 =	smov.u32 @p3 s7;
	_ =	swait.ge [sflag:s13], $0x4000  }
0x9b: {  	p3 =	sge.u32 s6, s10;
	[sflag:s13] =	ssyncset.done $0x0;
	s7 =	sshra.s32 s8, $0x2  }
0x9c: {  	s6 =	simm.s32 @!p3 $0x3;
	[sflag:s13] =	ssyncadd.s32 $0xFFFFC000;
	s7 =	sadd.s32 $0x15400, s7  }
0x9d: {  	[spmem:s1] =	stream.indirect.scatter.add.f32 [tilespmem:s24], [sflag:$0x4], $0x80, s7, s31, $0xb8;
	[tilespmem:$0x1E800] =	vst v63  }
0x9e: {  	s2 =	sshra.s32 @!p3 s2, $0x2;
	_ =	swait.ge @!p3 [sflag:s6], $0x4000  }
0x9f: {  	s2 =	sadd.s32 @!p3 $0x14200, s2;
	[sflag:s6] =	ssyncset.done @!p3 $0x0  }
0xa0: {  	s7 =	simm.s32 @!p3 $0x16800;
	[sflag:s6] =	ssyncadd.s32 @!p3 $0xFFFFC000;
	s6 =	simm.s32 @!p3 $0x80  }
0xa1: {  	[tilespmem:s7], [sflag:$0x1] =	stream.indirect.gather @!p3 [hbm4b:s4+s6], $0x80, s2, s6, $0xb8;
	[tilespmem:$0x1E800] =	vst v63  }
0xa2: {  	_ =	swait.ge [sflag:s16], $0x4000  }
.Ltmp5:
0xa3: {  	[sflag:s16] =	ssyncset.done $0x0;
	(pc) =	sbr.rel @p0 .LBB2_18-.Ltmp5, $4  }
0xa4: {  	[sflag:s16] =	ssyncadd.s32 $0xFFFFC000  }
0xa5: {  	_ =	swait.ge [sflag:s19], $0x4000  }
0xa6: {  	[sflag:s19] =	ssyncset.done $0x0  }
0xa7: {  	[sflag:s19] =	ssyncadd.s32 $0xFFFFC000  }
0xa8: {  	s2 =	rddreg [dreg:$0xa]  }
0xa9: {  	[tilespmem:s29], [sflag:$0x5] =	stream.linear.gather [hbm4b:s2+s3], $0x1400, $0x38;
	[tilespmem:$0x1E800] =	vst v63  }
0xaa: {  	_ =	swait.ge [sflag:s28], $0x1400  }
0xab: {  	[sflag:s28] =	ssyncset.done $0x0  }
0xac: {  	s21 =	rddreg [dreg:$0xb];
	[sflag:s28] =	ssyncadd.s32 $0xFFFFEC00  }
0xad: {  	[tilespmem:s30], [sflag:$0x5] =	stream.linear.gather [hbm4b:s21+s3], $0x1400, $0x38;
	[tilespmem:$0x1E800] =	vst v63  }
0xae: {  	_ =	swait.ge [sflag:s28], $0x1400  }
0xaf: {  	[sflag:s28] =	ssyncset.done $0x0  }
0xb0: {  	[sflag:s28] =	ssyncadd.s32 $0xFFFFEC00  }
0xb1: {  	[tilespmem:s26], [sflag:$0x1] =	stream.indirect.gather [hbm4b:s4+s31], $0x80, s29, s31, $0xb8;
	[tilespmem:$0x1E800] =	vst v63  }
0xb2: {  	_ = 	snop  }
0xb3: {  	[tilespmem:s24], [sflag:$0x2] =	stream.indirect.gather [hbm4b:s4+s31], $0x80, s0, s31, $0xb8;
	[tilespmem:$0x1E800] =	vst v63  }
0xb4: {  	_ =	swait.ge [sflag:s25], $0x4000  }
0xb5: {  	[sflag:s25] =	ssyncset.done $0x0  }
0xb6: {  	[sflag:s25] =	ssyncadd.s32 $0xFFFFC000  }
0xb7: {  	[spmem:s1] =	stream.indirect.scatter.add.f32 [tilespmem:s26], [sflag:$0x3], $0x80, s30, s31, $0xb8;
	[tilespmem:$0x1E800] =	vst v63  }
0xb8: {  	_ =	swait.ge [sflag:s13], $0x4000  }
0xb9: {  	[sflag:s13] =	ssyncset.done $0x0  }
0xba: {  	[sflag:s13] =	ssyncadd.s32 $0xFFFFC000  }
0xbb: {  	[spmem:s1] =	stream.indirect.scatter.add.f32 [tilespmem:s24], [sflag:$0x4], $0x80, s14, s31, $0xb8;
	[tilespmem:$0x1E800] =	vst v63  }
0xbc: {  	_ =	swait.ge [sflag:s16], $0x4000  }
0xbd: {  	[sflag:s16] =	ssyncset.done $0x0  }
0xbe: {  	s2 =	simm.s32 $0xFFFFB800;
	[sflag:s16] =	ssyncadd.s32 $0xFFFFC000  }
0xbf: {  	[tilespmem:s26], [sflag:$0x1] =	stream.indirect.gather [hbm4b:s4+s31], $0x80, s17, s31, $0xb8;
	[tilespmem:$0x1E800] =	vst v63  }
.LBB2_7:
0xc0: {  	_ =	swait.ge [sflag:s25], $0x4000  }
0xc1: {  	s6 =	sshra.s32 s2, $0x2;
	[sflag:s25] =	ssyncset.done $0x0  }
0xc2: {  	s7 =	sadd.s32 $0x16700, s6;
	[sflag:s25] =	ssyncadd.s32 $0xFFFFC000  }
0xc3: {  	[spmem:s1] =	stream.indirect.scatter.add.f32 [tilespmem:s26], [sflag:$0x3], $0x80, s7, s31, $0xb8;
	[tilespmem:$0x1E800] =	vst v63  }
0xc4: {  	_ =	swait.ge [sflag:s19], $0x4000  }
0xc5: {  	[sflag:s19] =	ssyncset.done $0x0  }
0xc6: {  	s12 =	sadd.s32 $0x15380, s6;
	[sflag:s19] =	ssyncadd.s32 $0xFFFFC000  }
0xc7: {  	[tilespmem:s24], [sflag:$0x2] =	stream.indirect.gather [hbm4b:s4+s31], $0x80, s12, s31, $0xb8;
	[tilespmem:$0x1E800] =	vst v63  }
0xc8: {  	_ =	swait.ge [sflag:s13], $0x4000  }
0xc9: {  	p3 =	seq.s32 s2, $0x0;
	[sflag:s13] =	ssyncset.done $0x0  }
.Ltmp6:
0xca: {  	s21 =	sadd.s32 $0x16780, s6;
	[sflag:s13] =	ssyncadd.s32 $0xFFFFC000;
	(pc) =	sbr.rel @p3 .LBB2_9-.Ltmp6, $4  }
0xcb: {  	[spmem:s1] =	stream.indirect.scatter.add.f32 [tilespmem:s24], [sflag:$0x4], $0x80, s21, s31, $0xb8;
	[tilespmem:$0x1E800] =	vst v63  }
0xcc: {  	_ =	swait.ge [sflag:s16], $0x4000  }
0xcd: {  	[sflag:s16] =	ssyncset.done $0x0  }
0xce: {  	[sflag:s16] =	ssyncadd.s32 $0xFFFFC000  }
.Ltmp7:
0xcf: {  	(pc) =	sbr.rel .LBB2_7-.Ltmp7, $3  }
0xd0: {  	_ =	sdelay $0x1  }
0xd1: {  	s6 =	sadd.s32 $0x15400, s6;
	s2 =	sadd.s32 $0x400, s2  }
0xd2: {  	[tilespmem:s26], [sflag:$0x1] =	stream.indirect.gather [hbm4b:s4+s31], $0x80, s6, s31, $0xb8;
	[tilespmem:$0x1E800] =	vst v63  }
.LBB2_9:
0xd3: {  	_ =	swait.ge [sflag:s19], $0x4000  }
0xd4: {  	[sflag:s19] =	ssyncset.done $0x0  }
0xd5: {  	s2 =	rddreg [dreg:$0xc];
	[sflag:s19] =	ssyncadd.s32 $0xFFFFC000  }
0xd6: {  	[tilespmem:s29], [sflag:$0x5] =	stream.linear.gather [hbm4b:s2+s3], $0x1400, $0x38;
	[tilespmem:$0x1E800] =	vst v63  }
0xd7: {  	_ =	swait.ge [sflag:s28], $0x1400  }
0xd8: {  	[sflag:s28] =	ssyncset.done $0x0  }
0xd9: {  	s21 =	rddreg [dreg:$0xd];
	[sflag:s28] =	ssyncadd.s32 $0xFFFFEC00  }
0xda: {  	[tilespmem:s30], [sflag:$0x5] =	stream.linear.gather [hbm4b:s21+s3], $0x1400, $0x38;
	[tilespmem:$0x1E800] =	vst v63  }
0xdb: {  	_ =	swait.ge [sflag:s28], $0x1400  }
.Ltmp8:
0xdc: {  	[sflag:s28] =	ssyncset.done $0x0;
	(pc) =	sbr.rel @p1 .LBB2_13-.Ltmp8, $4  }
0xdd: {  	[sflag:s28] =	ssyncadd.s32 $0xFFFFEC00  }
0xde: {  	[tilespmem:s26], [sflag:$0x1] =	stream.indirect.gather [hbm4b:s4+s31], $0x80, s29, s31, $0xb8;
	[tilespmem:$0x1E800] =	vst v63  }
0xdf: {  	_ = 	snop  }
0xe0: {  	[tilespmem:s24], [sflag:$0x2] =	stream.indirect.gather [hbm4b:s4+s31], $0x80, s0, s31, $0xb8;
	[tilespmem:$0x1E800] =	vst v63  }
0xe1: {  	_ =	swait.ge [sflag:s25], $0x4000  }
0xe2: {  	[sflag:s25] =	ssyncset.done $0x0  }
0xe3: {  	[sflag:s25] =	ssyncadd.s32 $0xFFFFC000  }
0xe4: {  	[spmem:s1] =	stream.indirect.scatter.add.f32 [tilespmem:s26], [sflag:$0x3], $0x80, s30, s31, $0xb8;
	[tilespmem:$0x1E800] =	vst v63  }
0xe5: {  	_ =	swait.ge [sflag:s13], $0x4000  }
0xe6: {  	[sflag:s13] =	ssyncset.done $0x0  }
0xe7: {  	s2 =	simm.s32 $0x3;
	[sflag:s13] =	ssyncadd.s32 $0xFFFFC000  }
0xe8: {  	[spmem:s1] =	stream.indirect.scatter.add.f32 [tilespmem:s24], [sflag:$0x4], $0x80, s14, s31, $0xb8;
	[tilespmem:$0x1E800] =	vst v63  }
0xe9: {  	_ =	swait.ge [sflag:s2], $0x4000  }
0xea: {  	[sflag:s2] =	ssyncset.done $0x0  }
0xeb: {  	[sflag:s2] =	ssyncadd.s32 $0xFFFFC000  }
0xec: {  	[tilespmem:s26], [sflag:$0x1] =	stream.indirect.gather [hbm4b:s4+s31], $0x80, s17, s31, $0xb8;
	[tilespmem:$0x1E800] =	vst v63  }
0xed: {  	_ =	swait.ge [sflag:s25], $0x4000  }
0xee: {  	p3 =	sle.s32 s15, $0x3;
	[sflag:s25] =	ssyncset.done $0x0  }
0xef: {  	s7 =	simm.s32 @!p3 $0x4;
	s2 =	simm.s32 $0x15500;
	[sflag:s25] =	ssyncadd.s32 $0xFFFFC000  }
0xf0: {  	[spmem:s1] =	stream.indirect.scatter.add.f32 [tilespmem:s26], [sflag:$0x3], $0x80, s2, s31, $0xb8;
	[tilespmem:$0x1E800] =	vst v63  }
0xf1: {  	s8 =	simm.s32 $0x14180;
	_ =	swait.ge @!p3 [sflag:s7], $0x4000  }
0xf2: {  	s9 =	simm.s32 @!p3 $0x80;
	s6 =	rddreg [dreg:$0x11];
	[sflag:s7] =	ssyncset.done @!p3 $0x0  }
0xf3: {  	s11 =	simm.s32 @!p3 $0x1A800;
	s6 =	sadd.s32 $0xFFFFFFFF, s6;
	[sflag:s7] =	ssyncadd.s32 @!p3 $0xFFFFC000  }
0xf4: {  	[tilespmem:s11], [sflag:$0x2] =	stream.indirect.gather @!p3 [hbm4b:s4+s9], $0x80, s8, s9, $0xb8;
	[tilespmem:$0x1E800] =	vst v63  }
0xf5: {  	s21 =	simm.s32 $0x15580;
	p3 =	sne.s32 s6, $0x0;
	_ =	swait.ge [sflag:s13], $0x4000  }
.Ltmp9:
0xf6: {  	p4 =	sle.s32 s15, $0x4;
	[sflag:s13] =	ssyncset.done $0x0;
	(pc) =	sbr.rel @!p3 .LBB2_12-.Ltmp9, $4  }
0xf7: {  	s12 =	simm.s32 @!p4 $0x14200;
	s9 =	simm.s32 @!p4 $0x3;
	[sflag:s13] =	ssyncadd.s32 $0xFFFFC000  }
0xf8: {  	[spmem:s1] =	stream.indirect.scatter.add.f32 [tilespmem:s24], [sflag:$0x4], $0x80, s21, s31, $0xb8;
	[tilespmem:$0x1E800] =	vst v63  }
0xf9: {  	s7 =	simm.s32 $0x5;
	s11 =	simm.s32 @!p4 $0x16800;
	_ =	swait.ge @!p4 [sflag:s9], $0x4000  }
0xfa: {  	s8 =	simm.s32 $0x14280;
	s21 =	simm.s32 @!p4 $0x80;
	[sflag:s9] =	ssyncset.done @!p4 $0x0  }
.LBB2_11:
0xfb: {  	s6 =	sadd.s32 $0xFFFFFFFF, s6;
	[sflag:s9] =	ssyncadd.s32 @!p4 $0xFFFFC000;
	s2 =	sadd.s32 $0x100, s2  }
0xfc: {  	[tilespmem:s11], [sflag:$0x1] =	stream.indirect.gather @!p4 [hbm4b:s4+s21], $0x80, s12, s21, $0xb8;
	[tilespmem:$0x1E800] =	vst v63  }
0xfd: {  	p3 =	sne.s32 s6, $0x0;
	s12 =	smov.u32 s8;
	_ =	swait.ge [sflag:s25], $0x4000  }
0xfe: {  	p4 =	sge.s32 s7, s15;
	[sflag:s25] =	ssyncset.done $0x0  }
0xff: {  	s9 =	simm.s32 @!p4 $0x4;
	[sflag:s25] =	ssyncadd.s32 $0xFFFFC000  }
0x100: {  	[spmem:s1] =	stream.indirect.scatter.add.f32 [tilespmem:s26], [sflag:$0x3], $0x80, s2, s31, $0xb8;
	[tilespmem:$0x1E800] =	vst v63  }
0x101: {  	_ =	swait.ge @!p4 [sflag:s9], $0x4000  }
0x102: {  	s11 =	simm.s32 @!p4 $0x80;
	s21 =	simm.s32 @!p4 $0x1A800;
	[sflag:s9] =	ssyncset.done @!p4 $0x0  }
0x103: {  	[sflag:s9] =	ssyncadd.s32 @!p4 $0xFFFFC000  }
0x104: {  	[tilespmem:s21], [sflag:$0x2] =	stream.indirect.gather @!p4 [hbm4b:s4+s11], $0x80, s8, s11, $0xb8;
	[tilespmem:$0x1E800] =	vst v63  }
0x105: {  	s9 =	sadd.s32 $0x1, s7;
	s11 =	sadd.s32 $0x80, s2;
	_ =	swait.ge [sflag:s13], $0x4000  }
.Ltmp10:
0x106: {  	p4 =	sge.s32 s9, s15;
	[sflag:s13] =	ssyncset.done $0x0;
	(pc) =	sbr.rel @p3 .LBB2_11-.Ltmp10, $4  }
0x107: {  	s7 =	sadd.s32 $0x2, s7;
	s9 =	simm.s32 @!p4 $0x3;
	[sflag:s13] =	ssyncadd.s32 $0xFFFFC000  }
0x108: {  	[spmem:s1] =	stream.indirect.scatter.add.f32 [tilespmem:s24], [sflag:$0x4], $0x80, s11, s31, $0xb8;
	[tilespmem:$0x1E800] =	vst v63  }
0x109: {  	s8 =	sadd.s32 $0x100, s8;
	s11 =	simm.s32 @!p4 $0x16800;
	_ =	swait.ge @!p4 [sflag:s9], $0x4000  }
0x10a: {  	s12 =	sadd.s32 @!p4 $0x80, s12;
	s21 =	simm.s32 @!p4 $0x80;
	[sflag:s9] =	ssyncset.done @!p4 $0x0  }
.LBB2_12:
0x10b: {  	[sflag:s9] =	ssyncadd.s32 @!p4 $0xFFFFC000  }
0x10c: {  	[tilespmem:s11], [sflag:$0x1] =	stream.indirect.gather @!p4 [hbm4b:s4+s21], $0x80, s12, s21, $0xb8;
	[tilespmem:$0x1E800] =	vst v63  }
.LBB2_13:
0x10d: {  	_ =	swait.ge [sflag:s16], $0x4000  }
0x10e: {  	[sflag:s16] =	ssyncset.done $0x0  }
0x10f: {  	[sflag:s16] =	ssyncadd.s32 $0xFFFFC000  }
0x110: {  	_ =	swait.ge [sflag:s19], $0x4000  }
0x111: {  	[sflag:s19] =	ssyncset.done $0x0  }
0x112: {  	s2 =	rddreg [dreg:$0xe];
	[sflag:s19] =	ssyncadd.s32 $0xFFFFC000  }
0x113: {  	[tilespmem:s29], [sflag:$0x5] =	stream.linear.gather [hbm4b:s2+s3], $0x1400, $0x38;
	[tilespmem:$0x1E800] =	vst v63  }
0x114: {  	_ =	swait.ge [sflag:s28], $0x1400  }
0x115: {  	[sflag:s28] =	ssyncset.done $0x0  }
0x116: {  	s21 =	rddreg [dreg:$0xf];
	[sflag:s28] =	ssyncadd.s32 $0xFFFFEC00  }
0x117: {  	[tilespmem:s30], [sflag:$0x5] =	stream.linear.gather [hbm4b:s21+s3], $0x1400, $0x38;
	[tilespmem:$0x1E800] =	vst v63  }
0x118: {  	_ =	swait.ge [sflag:s28], $0x1400  }
.Ltmp11:
0x119: {  	[sflag:s28] =	ssyncset.done $0x0;
	(pc) =	sbr.rel @p2 .LBB2_17-.Ltmp11, $4  }
0x11a: {  	[sflag:s28] =	ssyncadd.s32 $0xFFFFEC00  }
0x11b: {  	[tilespmem:s26], [sflag:$0x1] =	stream.indirect.gather [hbm4b:s4+s31], $0x80, s29, s31, $0xb8;
	[tilespmem:$0x1E800] =	vst v63  }
0x11c: {  	_ = 	snop  }
0x11d: {  	[tilespmem:s24], [sflag:$0x2] =	stream.indirect.gather [hbm4b:s4+s31], $0x80, s0, s31, $0xb8;
	[tilespmem:$0x1E800] =	vst v63  }
0x11e: {  	_ =	swait.ge [sflag:s25], $0x4000  }
0x11f: {  	[sflag:s25] =	ssyncset.done $0x0  }
0x120: {  	[sflag:s25] =	ssyncadd.s32 $0xFFFFC000  }
0x121: {  	[spmem:s1] =	stream.indirect.scatter.add.f32 [tilespmem:s26], [sflag:$0x3], $0x80, s30, s31, $0xb8;
	[tilespmem:$0x1E800] =	vst v63  }
0x122: {  	_ =	swait.ge [sflag:s13], $0x4000  }
0x123: {  	[sflag:s13] =	ssyncset.done $0x0  }
0x124: {  	s2 =	simm.s32 $0x3;
	[sflag:s13] =	ssyncadd.s32 $0xFFFFC000  }
0x125: {  	[spmem:s1] =	stream.indirect.scatter.add.f32 [tilespmem:s24], [sflag:$0x4], $0x80, s14, s31, $0xb8;
	[tilespmem:$0x1E800] =	vst v63  }
0x126: {  	_ =	swait.ge [sflag:s2], $0x4000  }
0x127: {  	[sflag:s2] =	ssyncset.done $0x0  }
0x128: {  	[sflag:s2] =	ssyncadd.s32 $0xFFFFC000  }
0x129: {  	[tilespmem:s26], [sflag:$0x1] =	stream.indirect.gather [hbm4b:s4+s31], $0x80, s17, s31, $0xb8;
	[tilespmem:$0x1E800] =	vst v63  }
0x12a: {  	_ =	swait.ge [sflag:s25], $0x4000  }
0x12b: {  	p3 =	sle.s32 s18, $0x3;
	[sflag:s25] =	ssyncset.done $0x0  }
0x12c: {  	s7 =	simm.s32 @!p3 $0x4;
	s2 =	simm.s32 $0x15500;
	[sflag:s25] =	ssyncadd.s32 $0xFFFFC000  }
0x12d: {  	[spmem:s1] =	stream.indirect.scatter.add.f32 [tilespmem:s26], [sflag:$0x3], $0x80, s2, s31, $0xb8;
	[tilespmem:$0x1E800] =	vst v63  }
0x12e: {  	s8 =	simm.s32 $0x14180;
	_ =	swait.ge @!p3 [sflag:s7], $0x4000  }
0x12f: {  	s9 =	simm.s32 @!p3 $0x80;
	s6 =	rddreg [dreg:$0x12];
	[sflag:s7] =	ssyncset.done @!p3 $0x0  }
0x130: {  	s11 =	simm.s32 @!p3 $0x1A800;
	s6 =	sadd.s32 $0xFFFFFFFF, s6;
	[sflag:s7] =	ssyncadd.s32 @!p3 $0xFFFFC000  }
0x131: {  	[tilespmem:s11], [sflag:$0x2] =	stream.indirect.gather @!p3 [hbm4b:s4+s9], $0x80, s8, s9, $0xb8;
	[tilespmem:$0x1E800] =	vst v63  }
0x132: {  	s21 =	simm.s32 $0x15580;
	p3 =	sne.s32 s6, $0x0;
	_ =	swait.ge [sflag:s13], $0x4000  }
.Ltmp12:
0x133: {  	p4 =	sle.s32 s18, $0x4;
	[sflag:s13] =	ssyncset.done $0x0;
	(pc) =	sbr.rel @!p3 .LBB2_16-.Ltmp12, $4  }
0x134: {  	s12 =	simm.s32 @!p4 $0x14200;
	s9 =	simm.s32 @!p4 $0x3;
	[sflag:s13] =	ssyncadd.s32 $0xFFFFC000  }
0x135: {  	[spmem:s1] =	stream.indirect.scatter.add.f32 [tilespmem:s24], [sflag:$0x4], $0x80, s21, s31, $0xb8;
	[tilespmem:$0x1E800] =	vst v63  }
0x136: {  	s7 =	simm.s32 $0x5;
	s11 =	simm.s32 @!p4 $0x16800;
	_ =	swait.ge @!p4 [sflag:s9], $0x4000  }
0x137: {  	s8 =	simm.s32 $0x14280;
	s21 =	simm.s32 @!p4 $0x80;
	[sflag:s9] =	ssyncset.done @!p4 $0x0  }
.LBB2_15:
0x138: {  	s6 =	sadd.s32 $0xFFFFFFFF, s6;
	[sflag:s9] =	ssyncadd.s32 @!p4 $0xFFFFC000;
	s2 =	sadd.s32 $0x100, s2  }
0x139: {  	[tilespmem:s11], [sflag:$0x1] =	stream.indirect.gather @!p4 [hbm4b:s4+s21], $0x80, s12, s21, $0xb8;
	[tilespmem:$0x1E800] =	vst v63  }
0x13a: {  	p3 =	sne.s32 s6, $0x0;
	s12 =	smov.u32 s8;
	_ =	swait.ge [sflag:s25], $0x4000  }
0x13b: {  	p4 =	sge.s32 s7, s18;
	[sflag:s25] =	ssyncset.done $0x0  }
0x13c: {  	s9 =	simm.s32 @!p4 $0x4;
	[sflag:s25] =	ssyncadd.s32 $0xFFFFC000  }
0x13d: {  	[spmem:s1] =	stream.indirect.scatter.add.f32 [tilespmem:s26], [sflag:$0x3], $0x80, s2, s31, $0xb8;
	[tilespmem:$0x1E800] =	vst v63  }
0x13e: {  	_ =	swait.ge @!p4 [sflag:s9], $0x4000  }
0x13f: {  	s11 =	simm.s32 @!p4 $0x80;
	s21 =	simm.s32 @!p4 $0x1A800;
	[sflag:s9] =	ssyncset.done @!p4 $0x0  }
0x140: {  	[sflag:s9] =	ssyncadd.s32 @!p4 $0xFFFFC000  }
0x141: {  	[tilespmem:s21], [sflag:$0x2] =	stream.indirect.gather @!p4 [hbm4b:s4+s11], $0x80, s8, s11, $0xb8;
	[tilespmem:$0x1E800] =	vst v63  }
0x142: {  	s9 =	sadd.s32 $0x1, s7;
	s11 =	sadd.s32 $0x80, s2;
	_ =	swait.ge [sflag:s13], $0x4000  }
.Ltmp13:
0x143: {  	p4 =	sge.s32 s9, s18;
	[sflag:s13] =	ssyncset.done $0x0;
	(pc) =	sbr.rel @p3 .LBB2_15-.Ltmp13, $4  }
0x144: {  	s7 =	sadd.s32 $0x2, s7;
	s9 =	simm.s32 @!p4 $0x3;
	[sflag:s13] =	ssyncadd.s32 $0xFFFFC000  }
0x145: {  	[spmem:s1] =	stream.indirect.scatter.add.f32 [tilespmem:s24], [sflag:$0x4], $0x80, s11, s31, $0xb8;
	[tilespmem:$0x1E800] =	vst v63  }
0x146: {  	s8 =	sadd.s32 $0x100, s8;
	s11 =	simm.s32 @!p4 $0x16800;
	_ =	swait.ge @!p4 [sflag:s9], $0x4000  }
0x147: {  	s12 =	sadd.s32 @!p4 $0x80, s12;
	s21 =	simm.s32 @!p4 $0x80;
	[sflag:s9] =	ssyncset.done @!p4 $0x0  }
.Ltmp14:
0x148: {  	_ = 	snop;
	(pc) =	sbr.rel .LBB2_16-.Ltmp14, $1  }
0x149: {  	_ =	sdelay $0x3  }
.LBB2_19:
0x14a: {  	_ =	sfence.sel $0x180000  }
0x14b: {  	[bflag:$0x0] =	sbarrier.arrive $0xFFFF  }
0x14c: {  	_ =	strace $0x9000004D  }
0x14d: {  	s0 =	stileid.u32;
	[bflag:$0x2] =	sbarrier.arrive $0xFFFF  }
0x14e: {  	p0 =	sne.s32 s0, $0x0;
	s0 =	rddreg [dreg:$0x3]  }
0x14f: {  	s0 =	sadd.s32 @!p0 $0x100000, s0  }
0x150: {  	[sflag:s0] =	ssyncadd.tile.s32 @!p0 $0x1;
	_ =	shalt  }
.Lfunc_end2:
_tile_overlayer_lowered:
.L_overlay_start_2:
0x151: {  	(tag) =	ssettag $0x2  }
0x152: {  	s0 =	rddreg [dreg:$0x0];
	s2 =	stileid.u32  }
0x153: {  	s1 =	rddreg [dreg:$0x1];
	p0 =	sne.s32 s2, $0x0  }
0x154: {  	s3 =	rddreg [dreg:$0x2];
	[bflag:$0x3] =	sbarrier.arrive $0xFFFF;
	s2 =	simm.s32 @!p0 $0x1C05  }
0x155: {  	[timem:s3], [sflag:s2] =	dma.local @!p0 [hbm:s0], s1  }
0x156: {  	s0 =	simm.s32 @!p0 $0x5  }
0x157: {  	_ =	swait.ge @!p0 [sflag:s0], s1  }
0x158: {  	s1 =	ssub.s32 @!p0 $0x0, s1;
	[sflag:s0] =	ssyncset.done @!p0 $0x0  }
0x159: {  	[sflag:s0] =	ssyncadd.s32 @!p0 s1  }
0x15a: {  	[bflag:$0x3] =	sbarrier.arrive $0xFFFF  }
0x15b: {  	_ =	shalt  }

// kernel: kernel.8.cloned.1.call-start
scs
__scs_entry_jumppad:
0x0: {  	(pc) =	sbr.rel $0x88, $3  }
0x1: {  	(tag) =	ssettag $0x0;
	lr =	simm.s32 $0x1  }
0x2: {  	[smem:$0x3F9B] =	sst lr;
	_ =	strace $0xD0000000  }
0x3: {  	_ = 	snop  }
0x4: {  	_ = 	snop  }
0x5: {  	_ = 	snop  }
0x6: {  	_ = 	snop  }
0x7: {  	_ = 	snop  }
__scs_overlays_trampoline_lowered:
0x8: {  	[smem:$0x3FAA] =	sst s0  }
0x9: {  	[smem:$0x3FAB] =	sst s1  }
0xa: {  	[smem:$0x3FAC] =	sst s2  }
0xb: {  	[smem:$0x3FAD] =	sst s3  }
0xc: {  	[smem:$0x3FAE] =	sst s4  }
0xd: {  	[smem:$0x3FAF] =	sst s5  }
0xe: {  	[smem:$0x3FB0] =	sst s6  }
0xf: {  	[smem:$0x3FB1] =	sst s7  }
0x10: {  	[smem:$0x3FB2] =	sst s8  }
0x11: {  	[smem:$0x3FB3] =	sst s9;
	s0 =	simm.s32 @!p0 $0x0  }
0x12: {  	s1 =	sld [smem:$0x3F99];
	s0 =	simm.s32 @p0 $0x1  }
0x13: {  	[smem:$0x3FB4] =	sst s0;
	s0 =	simm.s32 @!p1 $0x0  }
0x14: {  	s2 =	sld [smem:$0x3F98];
	s0 =	simm.s32 @p1 $0x1  }
0x15: {  	[smem:$0x3FB5] =	sst s0;
	s0 =	simm.s32 @!p2 $0x0  }
0x16: {  	s3 =	sld [smem:$0x3FDB];
	s0 =	simm.s32 @p2 $0x1  }
0x17: {  	s4 =	simm.s32 $0x1BF5;
	[smem:$0x3FB7] =	sst s0  }
0x18: {  	s0 =	sld [smem:$0x3F9A];
	_ =	swait.ge [sflag:s4], $0x0  }
0x19: {  	s7 =	sld [smem:$0x3F9B]  }
0x1a: {  	s8 =	sadd.s32 $0xFFFFE003, lr  }
0x1b: {  	s9 =	sadd.s32 $0xFFFFFEF7, lr;
	s5 =	simm.s32 $0xFFFFFFFF;
	p2 =	slt.u32 s8, $0xFFFFF086  }
0x1c: {  	p1 =	slt.u32 s9, $0xF7A;
	s5 =	simm.s32 @!p2 $0x0  }
0x1d: {  	s5 =	simm.s32 @p1 $0x1;
	p0 =	seq.s32 s7, s2  }
0x1e: {  	s7 =	smul.u32 @!p0 $0xF7A, s2;
	p2 =	seq.s32 @!p0 s5, $0x0  }
0x1f: {  	s9 =	smul.u32 $0xF7A, s1;
	s8 =	simm.s32 @!p0 $0x1BF5;
	p2 =	por !p2, p0  }
0x20: {  	[sflag:s8] =	ssyncset.s32 @!p0 $0xFFFFF086;
	s6 =	sadd.s32 @!p0 s3, s7;
	s7 =	simm.s32 @!p0 $0x108  }
0x21: {  	s3 =	sadd.s32 s3, s9;
	s6 =	sadd.s32 @!p0 $0x88, s6;
	s7 =	simm.s32 @p2 $0x1082  }
0x22: {  	[simem:s7], [sflag:s8] =	dma.local @!p0 [hbm:s6], $0xF7A  }
0x23: {  	s9 =	sor.u32 $0xD0000000, s2;
	s6 =	simm.s32 $0x108;
	_ =	swait.ge @!p0 [sflag:s8], $0x0  }
0x24: {  	s3 =	sadd.s32 $0x88, s3;
	s6 =	simm.s32 @!p1 $0x1082;
	[sflag:s4] =	ssyncset.s32 $0xFFFFF086  }
0x25: {  	[simem:s6], [sflag:s4] =	dma.local [hbm:s3], $0xF7A  }
0x26: {  	[smem:$0x3F9B] =	sst s1;
	(tag) =	ssettag s2;
	_ =	strace s9  }
0x27: {  	s1 =	sld [smem:$0x3FAB]  }
0x28: {  	s2 =	sld [smem:$0x3FAC]  }
0x29: {  	s4 =	sld [smem:$0x3FAE]  }
0x2a: {  	p0 =	seq.s32 s5, $0x0;
	s5 =	sld [smem:$0x3FAF]  }
0x2b: {  	s6 =	sld [smem:$0x3FB0]  }
0x2c: {  	s7 =	sld [smem:$0x3FB1]  }
0x2d: {  	s3 =	simm.s32 $0x108;
	s8 =	sld [smem:$0x3FB2]  }
0x2e: {  	s3 =	simm.s32 @!p0 $0x1082;
	s9 =	sld [smem:$0x3FB3]  }
0x2f: {  	lr =	sadd.s32 s0, s3;
	s0 =	sld [smem:$0x3FAA]  }
0x30: {  	s3 =	sld [smem:$0x3FAD]  }
0x31: {  	[smem:$0x3FB6] =	sst s10  }
0x32: {  	s10 =	sld [smem:$0x3FB4];
	_ =	sdelay $0x3  }
0x33: {  	p0 =	seq.s32 s10, $0x1;
	s10 =	sld [smem:$0x3FB6];
	_ =	sdelay $0x3  }
0x34: {  	[smem:$0x3FB6] =	sst s10  }
0x35: {  	s10 =	sld [smem:$0x3FB5];
	_ =	sdelay $0x3  }
0x36: {  	p1 =	seq.s32 s10, $0x1;
	s10 =	sld [smem:$0x3FB6];
	_ =	sdelay $0x3  }
0x37: {  	[smem:$0x3FB6] =	sst s10  }
0x38: {  	s10 =	sld [smem:$0x3FB7]  }
0x39: {  	_ = 	snop;
	(pc) =	sbr.ind lr, $3  }
0x3a: {  	_ = 	snop  }
0x3b: {  	_ = 	snop  }
0x3c: {  	p2 =	seq.s32 s10, $0x1;
	s10 =	sld [smem:$0x3FB6]  }
0x3d: {  	_ =	shalt  }
0x3e: {  	_ =	shalt  }
0x3f: {  	_ =	shalt  }
0x40: {  	_ =	shalt  }
0x41: {  	_ =	shalt  }
0x42: {  	_ =	shalt  }
0x43: {  	_ =	shalt  }
0x44: {  	_ =	shalt  }
0x45: {  	_ =	shalt  }
0x46: {  	_ =	shalt  }
0x47: {  	_ =	shalt  }
0x48: {  	_ =	shalt  }
0x49: {  	_ =	shalt  }
0x4a: {  	_ =	shalt  }
0x4b: {  	_ =	shalt  }
0x4c: {  	_ =	shalt  }
0x4d: {  	_ =	shalt  }
0x4e: {  	_ =	shalt  }
0x4f: {  	_ =	shalt  }
0x50: {  	_ =	shalt  }
0x51: {  	_ =	shalt  }
0x52: {  	_ =	shalt  }
0x53: {  	_ =	shalt  }
0x54: {  	_ =	shalt  }
0x55: {  	_ =	shalt  }
0x56: {  	_ =	shalt  }
0x57: {  	_ =	shalt  }
0x58: {  	_ =	shalt  }
0x59: {  	_ =	shalt  }
0x5a: {  	_ =	shalt  }
0x5b: {  	_ =	shalt  }
0x5c: {  	_ =	shalt  }
0x5d: {  	_ =	shalt  }
0x5e: {  	_ =	shalt  }
0x5f: {  	_ =	shalt  }
0x60: {  	_ =	shalt  }
0x61: {  	_ =	shalt  }
0x62: {  	_ =	shalt  }
0x63: {  	_ =	shalt  }
0x64: {  	_ =	shalt  }
0x65: {  	_ =	shalt  }
0x66: {  	_ =	shalt  }
0x67: {  	_ =	shalt  }
0x68: {  	_ =	shalt  }
0x69: {  	_ =	shalt  }
0x6a: {  	_ =	shalt  }
0x6b: {  	_ =	shalt  }
0x6c: {  	_ =	shalt  }
0x6d: {  	_ =	shalt  }
0x6e: {  	_ =	shalt  }
0x6f: {  	_ =	shalt  }
0x70: {  	_ =	shalt  }
0x71: {  	_ =	shalt  }
0x72: {  	_ =	shalt  }
0x73: {  	_ =	shalt  }
0x74: {  	_ =	shalt  }
0x75: {  	_ =	shalt  }
0x76: {  	_ =	shalt  }
0x77: {  	_ =	shalt  }
0x78: {  	_ =	shalt  }
0x79: {  	_ =	shalt  }
0x7a: {  	_ =	shalt  }
0x7b: {  	_ =	shalt  }
0x7c: {  	_ =	shalt  }
0x7d: {  	_ =	shalt  }
0x7e: {  	_ =	shalt  }
0x7f: {  	_ =	shalt  }
0x80: {  	_ =	shalt  }
0x81: {  	_ =	shalt  }
0x82: {  	_ =	shalt  }
0x83: {  	_ =	shalt  }
0x84: {  	_ =	shalt  }
0x85: {  	_ =	shalt  }
0x86: {  	_ =	shalt  }
0x87: {  	_ =	shalt  }
.Lfunc_end0:
.L_simem_size_0:
called_computation_lowered:
.L_overlay_start_0:
0x88: {  	s2 =	sld [smem:$0x3FD9]  }
0x89: {  	s3 =	sld [smem:$0x3FFE];
	_ =	sdelay $0x1  }
0x8a: {  	s1 =	srdreg.scid  }
0x8b: {  	s0 =	sand.u32 $0x1, s1  }
0x8c: {  	s16 =	sshll.u32 s0, $0xA;
	s2 =	sadd.s32 s3, s2  }
0x8d: {  	s2 =	sadd.s32 s2, s16  }
0x8e: {  	[smem:$0x3FC2] =	sst s2  }
0x8f: {  	_ = 	snop  }
0x90: {  	(tm) =	ssettm $0x1  }
0x91: {  	s17 =	sld [smem:$0x3FFB];
	_ =	sdelay $0x3  }
0x92: {  	_ =	strace s17  }
0x93: {  	s2 =	sld [smem:$0x3FFC];
	_ =	sdelay $0x3  }
0x94: {  	_ =	strace s2  }
0x95: {  	s2 =	sld [smem:$0x3FFD];
	_ =	sdelay $0x3  }
0x96: {  	_ =	strace s2  }
0x97: {  	_ =	strace $0x8FFFFFFF  }
0x98: {  	s18 =	sld [smem:$0x3FDB];
	_ =	sdelay $0x1  }
0x99: {  	s19 =	simm.s32 $_scs_section_size  }
0x9a: {  	s4 =	simm.s32 $_size__tile_overlayer_lowered;
	s5 =	simm.s32 $_tile_overlayer_lowered  }
0x9b: {  	s22 =	simm.s32 $0x1BFF;
	s21 =	sshll.u32 s5, $0x1;
	s2 =	sadd.s32 s19, s18  }
0x9c: {  	s6 =	simm.s32 $0x0;
	s20 =	sshll.u32 s4, $0x1;
	s4 =	sadd.s32 s21, s2  }
0x9d: {  	[timem:s6], [sflag:s22] =	dma.local [hbm:s4], s20  }
0x9e: {  	_ =	swait.ge [sflag:s22], s20  }
0x9f: {  	s3 =	ssub.s32 $0x0, s20;
	[sflag:s22] =	ssyncset.done $0x0  }
0xa0: {  	[sflag:s22] =	ssyncadd.s32 s3;
	_ =	sdelay $0x1  }
0xa1: {  	s23 =	simm.s32 $0x1B8B  }
0xa2: {  	_ =	swait.ge [sflag:s23], $0x1  }
0xa3: {  	[sflag:s23] =	ssyncset.done $0x0  }
0xa4: {  	s25 =	simm.s32 $0x1B8E;
	s24 =	sld [smem:$0x3FFE];
	[sflag:s23] =	ssyncadd.s32 $0xFFFFFFFF  }
0xa5: {  	s26 =	simm.s32 $execute0_lowered;
	[smem:$0x3FD2] =	sst s25  }
0xa6: {  	s4 =	sshll.u32 s26, $0x1;
	_ =	strace $0x80000046;
	[dreg:$0x1] =	wrdreg $0xFFFFFFFF  }
0xa7: {  	s28 =	simm.s32 $_size_execute0_lowered;
	s2 =	sadd.s32 s2, s4;
	[dreg:$0x0] =	wrdreg $0x0  }
0xa8: {  	s4 =	sshll.u32 s28, $0x1;
	[dreg:$0x2] =	wrdreg s2  }
0xa9: {  	[dreg:$0x3] =	wrdreg s4  }
0xaa: {  	[dreg:$0x4] =	wrdreg $0xC0  }
0xab: {  	_ =	task [dreg:s6], $0x5FFFF  }
0xac: {  	[dreg:$0x1] =	wrdreg $0xFFFFFFFF  }
0xad: {  	[dreg:$0x0] =	wrdreg $0x60  }
0xae: {  	[dreg:$0x2] =	wrdreg s24  }
0xaf: {  	[dreg:$0x3] =	wrdreg $0x0  }
0xb0: {  	[dreg:$0x4] =	wrdreg $0x9  }
0xb1: {  	_ =	task.clear_ibuf [dreg:s6], $0x5FFFF;
	_ =	strace $0x90000046  }
0xb2: {  	s29 =	simm.s32 $0x9;
	_ =	strace $0x80000048  }
0xb3: {  	_ =	swait.ge [sflag:s29], $0x1  }
0xb4: {  	[sflag:s29] =	ssyncadd.s32 $0xFFFFFFFF  }
0xb5: {  	_ =	strace $0x90000048  }
0xb6: {  	_ =	sfence  }
0xb7: {  	s30 =	sld [smem:$0x0];
	_ =	sdelay $0x2  }
0xb8: {  	s31 =	sshll.u32 s1, $0xD;
	s1 =	sshrl.u32 s1, $0x2  }
0xb9: {  	s3 =	sand.u32 $0x4000, s31;
	s1 =	sadd.s32 s1, s30  }
0xba: {  	s0 =	sor.u32 s3, s0;
	s1 =	sshll.u32 s1, $0x11  }
0xbb: {  	s0 =	sor.u32 s1, s0  }
0xbc: {  	s0 =	sadd.s32 $0x8F2B, s0  }
0xbd: {  	[sflag:s0] =	ssyncadd.remote.s32 $0x1  }
0xbe: {  	_ =	sfence.sel $0xFFFF  }
0xbf: {  	[dreg:$0x0] =	wrdreg $0xFFFFFFFF;
	(pc) =	sbr.abs _section_cstart, $3  }
0xc0: {  	[dreg:$0x1] =	wrdreg $0xFFFFFFFF  }
0xc1: {  	_ =	task.clear_ibuf [dreg:s6], $0x2FFFF;
	_ =	strace $0x9FFFFFFF  }
0xc2: {  	(tm) =	ssettm $0x7FFFFFFF  }
0xc3: {  	_ =	shalt  }
tec
execute0_lowered:
.L_overlay_start_1:
0x0: {  	(tag) =	ssettag $0x1  }
0x1: {  	s5 =	rddreg [dreg:$0x0]  }
0x2: {  	s0 =	srdreg.scid;
	s2 =	rddreg [dreg:$0x1]  }
0x3: {  	s3 =	simm.s32 $0x0;
	s12 =	simm.s32 $0x80;
	s13 =	simm.s32 $0x2A80  }
0x4: {  	s14 =	simm.s32 $0x20;
	s4 =	sand.u32 $0x1, s0;
	s0 =	stileid.u32  }
0x5: {  	s15 =	simm.s32 $0x10;
	s16 =	simm.s32 $0x0;
	s7 =	smul.u32 $0x500, s0  }
0x6: {  	[smem:$0x7FF] =	sst s3;
	s1 =	sshll.u32 s4, $0x4;
	s8 =	smul.u32 $0x280, s0  }
0x7: {  	s9 =	sshll.u32 s4, $0x7;
	s4 =	ssub.s32 $0x2, s4;
	s31 =	sshll.u32 s0, $0x6  }
0x8: {  	s6 =	sor.u32 s0, s1;
	s1 =	rddreg [dreg:$0x2];
	_ =	strace $0x80000047  }
0x9: {  	s10 =	sshrl.u32 s4, $0x1;
	s6 =	smul.u32 $0x500, s6;
	s7 =	sor.u32 s9, s7  }
0xa: {  	s30 =	sshrl.u32 s8, $0x3;
	s10 =	ssub.s32 s4, s10;
	s11 =	sadd.s32 s8, s2  }
0xb: {  	s8 =	simm.s32 $0x280;
	s7 =	sshrl.u32 s7, $0x3;
	s9 =	sadd.s32 s30, s5  }
0xc: {  	s11 =	sshrl.u32 s11, $0x3;
	s6 =	sadd.s32 s6, s5;
	s7 =	sadd.s32 s7, s5  }
0xd: {  	s5 =	sadd.s32 $0xCC00, s9;
	s9 =	simm.s32 $0x1;
	s4 =	sadd.s32 $0x2800, s6  }
0xe: {  	v0 =	vimm.f32 $1.000000000e+00;
	s6 =	sadd.s32 $0xD200, s7;
	s7 =	smax.u32 s10, $0x1;
	s10 =	sor.u32 $0x1C01, s31  }
.LBB2_1:
0xf: {  	[tilespmem:s8], [sflag:$0x1] =	stream.linear.gather [hbm4b:s4+s3], $0x2800, $0x38;
	[tilespmem:$0x2B00] =	vst v63  }
0x10: {  	_ =	swait.ge [sflag:s9], $0x2800  }
0x11: {  	[sflag:s9] =	ssyncset.done $0x0  }
0x12: {  	[sflag:s9] =	ssyncadd.s32 $0xFFFFD800  }
0x13: {  	[tilespmem:$0x2A80] =	vst v0  }
0x14: {  	[tilespmem:$0x2A90] =	vst v0  }
0x15: {  	[tilespmem:$0x2AA0] =	vst v0  }
0x16: {  	[tilespmem:$0x2AB0] =	vst v0  }
0x17: {  	[tilespmem:$0x2AC0] =	vst v0  }
0x18: {  	[tilespmem:$0x2AD0] =	vst v0  }
0x19: {  	[tilespmem:$0x2AE0] =	vst v0  }
0x1a: {  	[tilespmem:$0x2AF0] =	vst v0  }
0x1b: {  	[spmem:s11], [sflag:s10] =	dma.local [hbm:s5], $0x50  }
0x1c: {  	_ =	swait.ge [sflag:s9], $0x50  }
0x1d: {  	[sflag:s9] =	ssyncset.done $0x0  }
0x1e: {  	[sflag:s9] =	ssyncadd.s32 $0xFFFFFFB0  }
0x1f: {  	s17 =	simm.s32 $0x280;
	[bflag:$0x0] =	sbarrier.arrive $0xFFFF  }
0x20: {  	[spmem:s2] =	stream.indirect.scatter.add.f32 [tilespmem:s13], [sflag:$0x1], $0x1, s17, s12, $0xb8;
	[tilespmem:$0x2B00] =	vst v63  }
0x21: {  	s17 =	simm.s32 $0x200;
	_ =	swait.ge [sflag:s9], $0x80  }
.LBB2_2:
0x22: {  	s18 =	sshra.s32 s17, $0x2;
	[sflag:s9] =	ssyncset.done $0x0;
	p0 =	sne.s32 s17, $0x9E00  }
.Ltmp0:
0x23: {  	s18 =	sadd.s32 $0x280, s18;
	[sflag:s9] =	ssyncadd.s32 $0xFFFFFF80;
	(pc) =	sbr.rel @p0 .LBB2_2-.Ltmp0, $3  }
0x24: {  	[spmem:s2] =	stream.indirect.scatter.add.f32 [tilespmem:s13], [sflag:$0x1], $0x1, s18, s12, $0xb8;
	[tilespmem:$0x2B00] =	vst v63  }
0x25: {  	s17 =	sadd.s32 $0x200, s17;
	_ =	sdelay $0x1  }
0x26: {  	_ =	swait.ge [sflag:s9], $0x80  }
0x27: {  	[sflag:s9] =	ssyncset.done $0x0;
	s16 =	sadd.s32 $0x1, s16  }
0x28: {  	[sflag:s9] =	ssyncadd.s32 $0xFFFFFF80;
	p0 =	sne.s32 s16, s7  }
.Ltmp1:
0x29: {  	[bflag:$0x0] =	sbarrier.arrive $0xFFFF;
	(pc) =	sbr.rel @p0 .LBB2_1-.Ltmp1, $4  }
0x2a: {  	[hbm:s6@s14], [sflag:s10] =	dma.strided [spmem:s11@s15], $0x50, s9, $0x10   }
0x2b: {  	_ =	swait.ge [sflag:s9], $0x50  }
0x2c: {  	[sflag:s9] =	ssyncset.done $0x0  }
0x2d: {  	[sflag:s9] =	ssyncadd.s32 $0xFFFFFFB0  }
0x2e: {  	_ =	sfence.sel $0x180000  }
0x2f: {  	[bflag:$0x0] =	sbarrier.arrive $0xFFFF  }
0x30: {  	p0 =	sne.s32 s0, $0x0;
	_ =	strace $0x90000047  }
0x31: {  	s0 =	sadd.s32 @!p0 $0x100000, s1;
	[bflag:$0x2] =	sbarrier.arrive $0xFFFF  }
0x32: {  	[sflag:s0] =	ssyncadd.tile.s32 @!p0 $0x1;
	_ =	shalt  }
.Lfunc_end2:
_tile_overlayer_lowered:
.L_overlay_start_2:
0x33: {  	(tag) =	ssettag $0x2  }
0x34: {  	s0 =	rddreg [dreg:$0x0];
	s2 =	stileid.u32  }
0x35: {  	s1 =	rddreg [dreg:$0x1];
	p0 =	sne.s32 s2, $0x0  }
0x36: {  	s3 =	rddreg [dreg:$0x2];
	[bflag:$0x3] =	sbarrier.arrive $0xFFFF;
	s2 =	simm.s32 @!p0 $0x1C01  }
0x37: {  	[timem:s3], [sflag:s2] =	dma.local @!p0 [hbm:s0], s1  }
0x38: {  	s0 =	simm.s32 @!p0 $0x1  }
0x39: {  	_ =	swait.ge @!p0 [sflag:s0], s1  }
0x3a: {  	s1 =	ssub.s32 @!p0 $0x0, s1;
	[sflag:s0] =	ssyncset.done @!p0 $0x0  }
0x3b: {  	[sflag:s0] =	ssyncadd.s32 @!p0 s1  }
0x3c: {  	[bflag:$0x3] =	sbarrier.arrive $0xFFFF  }
0x3d: {  	_ =	shalt  }

</sc_bundles>
